<compile_context>
chip_gen: v7x
topology: tpu7x:2x2x1
jax: 0.10.2.dev20260603
libtpu: 0.0.44.dev20260713+nightly
codegen_flags: <defaults>
</compile_context>

<pallas_src>
import jax
import jax.numpy as jnp
from jax import lax
from jax.experimental import pallas as pl
from jax.experimental.pallas import tpu as pltpu
from jax.experimental.pallas import tpu_sc as plsc

N = 10000
NP = 10240
E = 320000
D = 128
K = 8
NC = 2
NS = 16
L = 16
DH = D // NC
FW = DH // L
B = 128
TB = 160
TE = TB * B
EP = NS * TE
RPT = NP // NS
RC = 128
NRC = RPT // RC
NR = 4


def _body(xs, srcr, dstr, wbh, dtr, omr, zro, zrd, out, wnb,
          agg_sh, deg_sh,
          is0, is1, is2, is3, id0, id1, id2, id3,
          wb0, wb1, wb2, wb3, wrow0, wrow1,
          rw0, rw1, rw2, rw3,
          uh, ua, dtv, omv,
          sg0, sg1, sg2, sg3, ss0, ss1, ss2, ss3,
          sw0, sw1, sw2, sw3, si0, si1, si2, si3):
    cid = lax.axis_index("c")
    sid = lax.axis_index("s")
    hbase = cid * NP
    ebase = sid * TE
    sbase = cid * EP + ebase

    idx_s = (is0, is1, is2, is3)
    idx_d = (id0, id1, id2, id3)
    wbr = (wb0, wb1, wb2, wb3)
    wrow = (wrow0, wrow1)
    rows = (rw0, rw1, rw2, rw3)
    sg = (sg0, sg1, sg2, sg3)
    ss = (ss0, ss1, ss2, ss3)
    sw = (sw0, sw1, sw2, sw3)
    si = (si0, si1, si2, si3)

    pltpu.sync_copy(dtr, dtv)
    pltpu.sync_copy(omr, omv)

    for ch in range(NRC):
        r0 = sid * RPT + ch * RC
        pltpu.sync_copy(zro, agg_sh.at[pl.ds(r0, RC)])
        pltpu.sync_copy(zrd, deg_sh.at[pl.ds(r0, RC)])
        pltpu.sync_copy(xs.at[pl.ds(hbase + r0, RC)], uh)
        pltpu.sync_copy(uh, out.at[pl.ds(hbase + r0, RC)])

    plsc.subcore_barrier()

    def _dd_start(b1, r):
        pltpu.async_copy(dstr.at[pl.ds(ebase + b1 * B, B)], idx_d[r], si[r])

    def _dd_wait(b1, r):
        pltpu.make_async_copy(
            dstr.at[pl.ds(ebase + b1 * B, B)], idx_d[r], si[r]).wait()

    def _ds_start(b1, r):
        pltpu.async_copy(srcr.at[pl.ds(sbase + b1 * B, B)], idx_s[r], si[r])

    def _ds_wait(b1, r):
        pltpu.make_async_copy(
            srcr.at[pl.ds(sbase + b1 * B, B)], idx_s[r], si[r]).wait()

    def _w_start(b1, r):
        pltpu.async_copy(wbh.at[pl.ds(ebase + b1 * B, B)], wbr[r], sw[r])

    def _w_wait(b1, r):
        pltpu.make_async_copy(
            wbh.at[pl.ds(ebase + b1 * B, B)], wbr[r], sw[r]).wait()

    def _wn_start(b1, r):
        pltpu.async_copy(wnb.at[pl.ds(ebase + b1 * B, B)], wbr[r], sw[r])

    def _wn_wait(b1, r):
        pltpu.make_async_copy(
            wnb.at[pl.ds(ebase + b1 * B, B)], wbr[r], sw[r]).wait()

    _dd_start(0, 0)
    _w_start(0, 0)

    def _degA(j, c):
        for p in (0, 1):
            i = 2 * j + p
            q = 1 - p

            @pl.when(i + 1 < TB)
            def _():
                @pl.when(i >= 1)
                def _():
                    pltpu.make_async_copy(
                        wbr[q], deg_sh.at[idx_d[q]], ss[q]).wait()
                _dd_start(i + 1, q)
                _w_start(i + 1, q)

            _dd_wait(i, p)
            _w_wait(i, p)
            pltpu.async_copy(wbr[p], deg_sh.at[idx_d[p]], ss[p], add=True)
        return c
    lax.fori_loop(0, TB // 2, _degA, 0)
    pltpu.make_async_copy(wbr[0], deg_sh.at[idx_d[0]], ss[0]).wait()
    pltpu.make_async_copy(wbr[1], deg_sh.at[idx_d[1]], ss[1]).wait()

    plsc.subcore_barrier()

    def _deg_start(p):
        pltpu.async_copy(deg_sh.at[idx_d[p]], wrow[p], sg[p])

    def _deg_wait(p):
        pltpu.make_async_copy(deg_sh.at[idx_d[p]], wrow[p], sg[p]).wait()

    _dd_start(0, 0)
    _dd_wait(0, 0)
    _w_start(0, 0)
    _deg_start(0)

    def _wnB(j, c):
        for p in (0, 1):
            i = 2 * j + p
            q = 1 - p

            @pl.when(i + 1 < TB)
            def _():
                @pl.when(i >= 1)
                def _():
                    pltpu.make_async_copy(
                        wbr[q], wnb.at[pl.ds(ebase + (i - 1) * B, B)],
                        sg[2 + q]).wait()
                _dd_start(i + 1, q)
                _w_start(i + 1, q)
                _dd_wait(i + 1, q)
                _deg_start(q)

            _w_wait(i, p)
            _deg_wait(p)

            def _edge(e2, c2):
                dv = dtv[...]
                for u in range(2):
                    e = e2 * 2 + u
                    wbr[p][e] = dv * wbr[p][e] / (wrow[p][e] + 1e-8)
                return c2
            lax.fori_loop(0, B // 2, _edge, 0)

            pltpu.async_copy(
                wbr[p], wnb.at[pl.ds(ebase + i * B, B)], sg[2 + p])
        return c
    lax.fori_loop(0, TB // 2, _wnB, 0)
    pltpu.make_async_copy(
        wbr[0], wnb.at[pl.ds(ebase + (TB - 2) * B, B)], sg[2]).wait()
    pltpu.make_async_copy(
        wbr[1], wnb.at[pl.ds(ebase + (TB - 1) * B, B)], sg[3]).wait()

    plsc.subcore_barrier()

    def _gather_start(b1, r):
        pltpu.async_copy(out.at[idx_s[r]], rows[r], sg[r])

    def _gather_wait(b1, r):
        pltpu.make_async_copy(out.at[idx_s[r]], rows[r], sg[r]).wait()

    def _scat_start(b1, r):
        pltpu.async_copy(rows[r], agg_sh.at[idx_d[r]], ss[r], add=True)

    def _scat_wait(b1, r):
        pltpu.make_async_copy(rows[r], agg_sh.at[idx_d[r]], ss[r]).wait()

    def _di_start(b1, r):
        _ds_start(b1, r)
        _dd_start(b1, r)

    def _di_wait(b1, r):
        _ds_wait(b1, r)
        _dd_wait(b1, r)

    def _step(k, c):
        _di_start(0, 0)
        _di_wait(0, 0)
        _wn_start(0, 0)
        _gather_start(0, 0)
        _di_start(1, 1)

        def _quad(j, c2):
            for r in range(NR):
                i = NR * j + r
                r1 = (r + 1) % NR
                r2 = (r + 2) % NR

                @pl.when(i + 2 < TB)
                def _():
                    @pl.when(i >= 2)
                    def _():
                        _scat_wait(i - 2, r2)
                    _di_start(i + 2, r2)

                @pl.when(i + 1 < TB)
                def _():
                    _di_wait(i + 1, r1)
                    _wn_start(i + 1, r1)
                    _gather_start(i + 1, r1)

                _gather_wait(i, r)
                _wn_wait(i, r)

                def _edge(e4, c3):
                    for u in range(4):
                        e = e4 * 4 + u
                        wv = wbr[r][e]
                        for f in range(FW):
                            rows[r][e, f] = rows[r][e, f] * wv
                    return c3
                lax.fori_loop(0, B // 4, _edge, 0)

                _scat_start(i, r)
            return c2
        lax.fori_loop(0, TB // NR, _quad, 0)
        _scat_wait(TB - 4, 0)
        _scat_wait(TB - 3, 1)
        _scat_wait(TB - 2, 2)
        _scat_wait(TB - 1, 3)

        plsc.subcore_barrier()

        for ch in range(NRC):
            r0l = sid * RPT + ch * RC
            r0g = hbase + r0l
            pltpu.sync_copy(out.at[pl.ds(r0g, RC)], uh)
            pltpu.sync_copy(agg_sh.at[pl.ds(r0l, RC)], ua)

            def _upd(r2c, c2):
                om = omv[...]
                for u in range(2):
                    rr = r2c * 2 + u
                    for f in range(FW):
                        uh[rr, f] = om * uh[rr, f] + ua[rr, f]
                return c2
            lax.fori_loop(0, RC // 2, _upd, 0)

            pltpu.sync_copy(uh, out.at[pl.ds(r0g, RC)])
            pltpu.sync_copy(zro, agg_sh.at[pl.ds(r0l, RC)])

        plsc.subcore_barrier()
        return c
    lax.fori_loop(0, K, _step, 0)


@jax.jit
def _diffuse(xs, src2, dst, w_b, dtv, omv, zro, zrd):
    mesh = plsc.VectorSubcoreMesh(core_axis_name="c", subcore_axis_name="s",
                                  num_cores=NC, num_subcores=NS)
    f = pl.kernel(
        _body,
        out_type=(
            jax.ShapeDtypeStruct((NC * NP, FW, L), jnp.float32),
            jax.ShapeDtypeStruct((EP, L), jnp.float32),
        ),
        mesh=mesh,
        scratch_types=(
            [pltpu.VMEM_SHARED((NP, FW, L), jnp.float32),
             pltpu.VMEM_SHARED((NP, L), jnp.float32)]
            + [pltpu.VMEM((B,), jnp.int32)] * 8
            + [pltpu.VMEM((B, L), jnp.float32)] * 6
            + [pltpu.VMEM((B, FW, L), jnp.float32)] * 4
            + [pltpu.VMEM((RC, FW, L), jnp.float32)] * 2
            + [pltpu.VMEM((L,), jnp.float32)] * 2
            + [pltpu.SemaphoreType.DMA] * 16
        ),
        compiler_params=pltpu.CompilerParams(use_tc_tiling_on_sc=False),
    )
    return f(xs, src2, dst, w_b, dtv, omv, zro, zrd)


def kernel(x, edge_index, edge_weight, diffusion_time):
    t = lax.stop_gradient(jnp.maximum(diffusion_time, 1e-8))
    dt = (t / K).astype(jnp.float32)

    src = edge_index[0]
    dst = edge_index[1]
    pad = EP - E
    fill = (jnp.arange(pad, dtype=jnp.int32) * 97) % N
    src_p = jnp.concatenate([src, fill])
    dst_p = jnp.concatenate([dst, fill])
    w_p = jnp.concatenate([edge_weight, jnp.zeros((pad,), jnp.float32)])
    w_b = jnp.broadcast_to(w_p[:, None], (EP, L))
    src2 = jnp.concatenate([src_p, src_p + NP])

    xs = x.reshape(N, NC, FW, L).transpose(1, 0, 2, 3)
    xs = jnp.pad(xs, ((0, 0), (0, NP - N), (0, 0), (0, 0)))
    xs = xs.reshape(NC * NP, FW, L)
    dtv = jnp.full((L,), dt, jnp.float32)
    omv = jnp.full((L,), 1.0 - dt, jnp.float32)
    zro = jnp.zeros((RC, FW, L), jnp.float32)
    zrd = jnp.zeros((RC, L), jnp.float32)

    out, _ = _diffuse(xs, src2, dst_p, w_b, dtv, omv, zro, zrd)
    out = out.reshape(NC, NP, FW, L)[:, :N]
    return out.transpose(1, 0, 2, 3).reshape(N, D)

# --- scband reference (transcript-rebuilt; emitter-appended) ---
"""Pipeline reference for scband-diffusion-86165633893151 (READ-ONLY COPY).

The authoritative reference and input builder live on the scoring server;
editing this copy changes nothing except your own understanding.
"""

import jax, jax.numpy as jnp
import numpy as np

N_NODES = 10000
N_EDGES = 320000
D_FEAT = 128
K_STEPS = 8  # explicit-Euler substeps approximating expm(-t*L)


def setup_inputs(seed: int = 0) -> dict:
    key = jax.random.key(seed)
    k1, k2, k3 = jax.random.split(key, 3)
    x = jax.random.normal(k1, (N_NODES, D_FEAT), dtype=jnp.float32)
    # sparse random-walk Laplacian L = I - D^{-1} A, represented by edge list + weights
    edge_index = jax.random.randint(k2, (2, N_EDGES), 0, N_NODES, dtype=jnp.int32)
    edge_weight = jax.random.uniform(k3, (N_EDGES,), dtype=jnp.float32) + 0.1
    # learned diffusion time parameter (ic=0.5), clamped >= 1e-8 and detached in forward
    diffusion_time = jnp.array(0.5, dtype=jnp.float32)
    return {"x": x, "edge_index": edge_index, "edge_weight": edge_weight,
            "diffusion_time": diffusion_time}


def _apply_L(h, edge_index, edge_weight):
    # L h = h - D^{-1} A h  (random-walk normalized graph Laplacian)
    src = edge_index[0]
    dst = edge_index[1]
    deg = jax.ops.segment_sum(edge_weight, dst, num_segments=N_NODES)
    agg = jax.ops.segment_sum(edge_weight[:, None] * h[src], dst, num_segments=N_NODES)
    return h - agg / (deg[:, None] + 1e-8)


def _scalar_diffusion(x_col, t, edge_index, edge_weight):
    # heat diffusion expm(-t L) x approximated by K explicit Euler steps
    dt = t / K_STEPS
    def body(i, h):
        return h - dt * _apply_L(h, edge_index, edge_weight)
    return jax.lax.fori_loop(0, K_STEPS, body, x_col)


def reference(x, edge_index, edge_weight, diffusion_time):
    # clamp(min=1e-8) then detach, as in the torch module
    t = jax.lax.stop_gradient(jnp.maximum(diffusion_time, 1e-8))
    # Lc is None -> per-column scalar diffusion, then concatenate (as in torch forward)
    outs = []
    for j in range(x.shape[1]):
        outs.append(_scalar_diffusion(x[:, j:j + 1], t, edge_index, edge_weight))
    return jnp.concatenate(outs, axis=1)

if __name__ == "__main__":
    import jax
    _d = setup_inputs()
    print(jax.jit(kernel)(*tuple(_d.values())))

</pallas_src>

<mosaic_0001>
#map = affine_map<(d0, d1) -> (0, 0, 0)>
#map1 = affine_map<(d0, d1) -> (0)>
#map2 = affine_map<(d0, d1) -> (0, 0)>
module attributes {stable_mosaic.version = 14 : i64} {
  func.func @_body(%arg0: i32, %arg1: i32, %arg2: memref<20480x4x16xf32, #tpu.memory_space<hbm>>, %arg3: memref<655360xi32, #tpu.memory_space<hbm>>, %arg4: memref<327680xi32, #tpu.memory_space<hbm>>, %arg5: memref<327680x16xf32, #tpu.memory_space<hbm>>, %arg6: memref<16xf32, #tpu.memory_space<hbm>>, %arg7: memref<16xf32, #tpu.memory_space<hbm>>, %arg8: memref<128x4x16xf32, #tpu.memory_space<hbm>>, %arg9: memref<128x16xf32, #tpu.memory_space<hbm>>, %arg10: memref<20480x4x16xf32, #tpu.memory_space<hbm>>, %arg11: memref<327680x16xf32, #tpu.memory_space<hbm>>, %arg12: memref<10240x4x16xf32, #tpu.memory_space<vmem_shared>>, %arg13: memref<10240x16xf32, #tpu.memory_space<vmem_shared>>, %arg14: memref<128xi32, #tpu.memory_space<vmem>>, %arg15: memref<128xi32, #tpu.memory_space<vmem>>, %arg16: memref<128xi32, #tpu.memory_space<vmem>>, %arg17: memref<128xi32, #tpu.memory_space<vmem>>, %arg18: memref<128xi32, #tpu.memory_space<vmem>>, %arg19: memref<128xi32, #tpu.memory_space<vmem>>, %arg20: memref<128xi32, #tpu.memory_space<vmem>>, %arg21: memref<128xi32, #tpu.memory_space<vmem>>, %arg22: memref<128x16xf32, #tpu.memory_space<vmem>>, %arg23: memref<128x16xf32, #tpu.memory_space<vmem>>, %arg24: memref<128x16xf32, #tpu.memory_space<vmem>>, %arg25: memref<128x16xf32, #tpu.memory_space<vmem>>, %arg26: memref<128x16xf32, #tpu.memory_space<vmem>>, %arg27: memref<128x16xf32, #tpu.memory_space<vmem>>, %arg28: memref<128x4x16xf32, #tpu.memory_space<vmem>>, %arg29: memref<128x4x16xf32, #tpu.memory_space<vmem>>, %arg30: memref<128x4x16xf32, #tpu.memory_space<vmem>>, %arg31: memref<128x4x16xf32, #tpu.memory_space<vmem>>, %arg32: memref<128x4x16xf32, #tpu.memory_space<vmem>>, %arg33: memref<128x4x16xf32, #tpu.memory_space<vmem>>, %arg34: memref<16xf32, #tpu.memory_space<vmem>>, %arg35: memref<16xf32, #tpu.memory_space<vmem>>, %arg36: memref<!tpu.dma_semaphore, #tpu.memory_space<semaphore_mem>>, %arg37: memref<!tpu.dma_semaphore, #tpu.memory_space<semaphore_mem>>, %arg38: memref<!tpu.dma_semaphore, #tpu.memory_space<semaphore_mem>>, %arg39: memref<!tpu.dma_semaphore, #tpu.memory_space<semaphore_mem>>, %arg40: memref<!tpu.dma_semaphore, #tpu.memory_space<semaphore_mem>>, %arg41: memref<!tpu.dma_semaphore, #tpu.memory_space<semaphore_mem>>, %arg42: memref<!tpu.dma_semaphore, #tpu.memory_space<semaphore_mem>>, %arg43: memref<!tpu.dma_semaphore, #tpu.memory_space<semaphore_mem>>, %arg44: memref<!tpu.dma_semaphore, #tpu.memory_space<semaphore_mem>>, %arg45: memref<!tpu.dma_semaphore, #tpu.memory_space<semaphore_mem>>, %arg46: memref<!tpu.dma_semaphore, #tpu.memory_space<semaphore_mem>>, %arg47: memref<!tpu.dma_semaphore, #tpu.memory_space<semaphore_mem>>, %arg48: memref<!tpu.dma_semaphore, #tpu.memory_space<semaphore_mem>>, %arg49: memref<!tpu.dma_semaphore, #tpu.memory_space<semaphore_mem>>, %arg50: memref<!tpu.dma_semaphore, #tpu.memory_space<semaphore_mem>>, %arg51: memref<!tpu.dma_semaphore, #tpu.memory_space<semaphore_mem>>) attributes {dimension_semantics = [#tpu.dimension_semantics<core_parallel>, #tpu.dimension_semantics<subcore_parallel>], iteration_bounds = array<i64: 2, 16>, scalar_prefetch = 0 : i64, scratch_operands = 40 : i64, tpu.core_type = #tpu.core_type<sc_vector_subcore>, window_params = [{transform_indices = #map}, {transform_indices = #map1}, {transform_indices = #map1}, {transform_indices = #map2}, {transform_indices = #map1}, {transform_indices = #map1}, {transform_indices = #map}, {transform_indices = #map2}, {transform_indices = #map}, {transform_indices = #map2}]} {
    %mul3A = arith.constant 10240 : i32
    %mul3A_0 = arith.muli %arg0, %mul3A : i32
    %mul3A_1 = arith.constant 20480 : i32
    %mul3A_2 = arith.muli %arg1, %mul3A_1 : i32
    %mul3A_3 = arith.constant 327680 : i32
    %mul3A_4 = arith.muli %arg0, %mul3A_3 : i32
    %add3A = arith.addi %mul3A_4, %mul3A_2 : i32
    "tpu.region"() ({
      %run_scoped3A = tpu.sem_alloc : memref<!tpu.dma_semaphore, #tpu.memory_space<semaphore_mem>>
      tpu.enqueue_dma source(%arg6 : memref<16xf32, #tpu.memory_space<hbm>>) target(%arg34 : memref<16xf32, #tpu.memory_space<vmem>>) target_semaphore(%run_scoped3A : memref<!tpu.dma_semaphore, #tpu.memory_space<semaphore_mem>>)
      tpu.wait_dma2 semaphore(%run_scoped3A : memref<!tpu.dma_semaphore, #tpu.memory_space<semaphore_mem>>) src(%arg6 : memref<16xf32, #tpu.memory_space<hbm>>) dst(%arg34 : memref<16xf32, #tpu.memory_space<vmem>>)
      tpu.yield
    }) : () -> ()
    "tpu.region"() ({
      %run_scoped3A = tpu.sem_alloc : memref<!tpu.dma_semaphore, #tpu.memory_space<semaphore_mem>>
      tpu.enqueue_dma source(%arg7 : memref<16xf32, #tpu.memory_space<hbm>>) target(%arg35 : memref<16xf32, #tpu.memory_space<vmem>>) target_semaphore(%run_scoped3A : memref<!tpu.dma_semaphore, #tpu.memory_space<semaphore_mem>>)
      tpu.wait_dma2 semaphore(%run_scoped3A : memref<!tpu.dma_semaphore, #tpu.memory_space<semaphore_mem>>) src(%arg7 : memref<16xf32, #tpu.memory_space<hbm>>) dst(%arg35 : memref<16xf32, #tpu.memory_space<vmem>>)
      tpu.yield
    }) : () -> ()
    %mul3A_5 = arith.constant 640 : i32
    %mul3A_6 = arith.muli %arg1, %mul3A_5 : i32
    %add3A_7 = arith.constant 0 : i32
    %add3A_8 = arith.addi %mul3A_6, %add3A_7 : i32
    "tpu.region"() ({
      %run_scoped3A = tpu.sem_alloc : memref<!tpu.dma_semaphore, #tpu.memory_space<semaphore_mem>>
      %dma_start3A_97 = arith.constant 0 : i32
      %dma_start3A_98 = arith.constant 0 : i32
      %dma_start3A_99 = tpu.memref_slice %arg12[%add3A_8, %dma_start3A_97, %dma_start3A_98] : memref<10240x4x16xf32, #tpu.memory_space<vmem_shared>> -> memref<128x4x16xf32, #tpu.memory_space<vmem_shared>>
      tpu.enqueue_dma source(%arg8 : memref<128x4x16xf32, #tpu.memory_space<hbm>>) target(%dma_start3A_99 : memref<128x4x16xf32, #tpu.memory_space<vmem_shared>>) target_semaphore(%run_scoped3A : memref<!tpu.dma_semaphore, #tpu.memory_space<semaphore_mem>>)
      %dma_wait3A_100 = arith.constant 0 : i32
      %dma_wait3A_101 = arith.constant 0 : i32
      %dma_wait3A_102 = tpu.memref_slice %arg12[%add3A_8, %dma_wait3A_100, %dma_wait3A_101] : memref<10240x4x16xf32, #tpu.memory_space<vmem_shared>> -> memref<128x4x16xf32, #tpu.memory_space<vmem_shared>>
      tpu.wait_dma2 semaphore(%run_scoped3A : memref<!tpu.dma_semaphore, #tpu.memory_space<semaphore_mem>>) src(%arg8 : memref<128x4x16xf32, #tpu.memory_space<hbm>>) dst(%dma_wait3A_102 : memref<128x4x16xf32, #tpu.memory_space<vmem_shared>>)
      tpu.yield
    }) : () -> ()
    "tpu.region"() ({
      %run_scoped3A = tpu.sem_alloc : memref<!tpu.dma_semaphore, #tpu.memory_space<semaphore_mem>>
      %dma_start3A_97 = arith.constant 0 : i32
      %dma_start3A_98 = tpu.memref_slice %arg13[%add3A_8, %dma_start3A_97] : memref<10240x16xf32, #tpu.memory_space<vmem_shared>> -> memref<128x16xf32, #tpu.memory_space<vmem_shared>>
      tpu.enqueue_dma source(%arg9 : memref<128x16xf32, #tpu.memory_space<hbm>>) target(%dma_start3A_98 : memref<128x16xf32, #tpu.memory_space<vmem_shared>>) target_semaphore(%run_scoped3A : memref<!tpu.dma_semaphore, #tpu.memory_space<semaphore_mem>>)
      %dma_wait3A_99 = arith.constant 0 : i32
      %dma_wait3A_100 = tpu.memref_slice %arg13[%add3A_8, %dma_wait3A_99] : memref<10240x16xf32, #tpu.memory_space<vmem_shared>> -> memref<128x16xf32, #tpu.memory_space<vmem_shared>>
      tpu.wait_dma2 semaphore(%run_scoped3A : memref<!tpu.dma_semaphore, #tpu.memory_space<semaphore_mem>>) src(%arg9 : memref<128x16xf32, #tpu.memory_space<hbm>>) dst(%dma_wait3A_100 : memref<128x16xf32, #tpu.memory_space<vmem_shared>>)
      tpu.yield
    }) : () -> ()
    %add3A_9 = arith.addi %mul3A_0, %add3A_8 : i32
    "tpu.region"() ({
      %run_scoped3A = tpu.sem_alloc : memref<!tpu.dma_semaphore, #tpu.memory_space<semaphore_mem>>
      %dma_start3A_97 = arith.constant 0 : i32
      %dma_start3A_98 = arith.constant 0 : i32
      %dma_start3A_99 = tpu.memref_slice %arg2[%add3A_9, %dma_start3A_97, %dma_start3A_98] : memref<20480x4x16xf32, #tpu.memory_space<hbm>> -> memref<128x4x16xf32, #tpu.memory_space<hbm>>
      %dma_start3A_100 = arith.constant 0 : i32
      %dma_start3A_101 = arith.constant 0 : i32
      %dma_start3A_102 = tpu.memref_slice %arg2[%add3A_9, %dma_start3A_100, %dma_start3A_101] : memref<20480x4x16xf32, #tpu.memory_space<hbm>> -> memref<128x4x16xf32, #tpu.memory_space<hbm>>
      tpu.enqueue_dma source(%dma_start3A_102 : memref<128x4x16xf32, #tpu.memory_space<hbm>>) target(%arg32 : memref<128x4x16xf32, #tpu.memory_space<vmem>>) target_semaphore(%run_scoped3A : memref<!tpu.dma_semaphore, #tpu.memory_space<semaphore_mem>>)
      %dma_wait3A_103 = arith.constant 0 : i32
      %dma_wait3A_104 = arith.constant 0 : i32
      %dma_wait3A_105 = tpu.memref_slice %arg2[%add3A_9, %dma_wait3A_103, %dma_wait3A_104] : memref<20480x4x16xf32, #tpu.memory_space<hbm>> -> memref<128x4x16xf32, #tpu.memory_space<hbm>>
      %dma_wait3A_106 = arith.constant 0 : i32
      %dma_wait3A_107 = arith.constant 0 : i32
      %dma_wait3A_108 = tpu.memref_slice %arg2[%add3A_9, %dma_wait3A_106, %dma_wait3A_107] : memref<20480x4x16xf32, #tpu.memory_space<hbm>> -> memref<128x4x16xf32, #tpu.memory_space<hbm>>
      tpu.wait_dma2 semaphore(%run_scoped3A : memref<!tpu.dma_semaphore, #tpu.memory_space<semaphore_mem>>) src(%dma_wait3A_108 : memref<128x4x16xf32, #tpu.memory_space<hbm>>) dst(%arg32 : memref<128x4x16xf32, #tpu.memory_space<vmem>>)
      tpu.yield
    }) : () -> ()
    %add3A_10 = arith.addi %mul3A_0, %add3A_8 : i32
    "tpu.region"() ({
      %run_scoped3A = tpu.sem_alloc : memref<!tpu.dma_semaphore, #tpu.memory_space<semaphore_mem>>
      %dma_start3A_97 = arith.constant 0 : i32
      %dma_start3A_98 = arith.constant 0 : i32
      %dma_start3A_99 = tpu.memref_slice %arg10[%add3A_10, %dma_start3A_97, %dma_start3A_98] : memref<20480x4x16xf32, #tpu.memory_space<hbm>> -> memref<128x4x16xf32, #tpu.memory_space<hbm>>
      %dma_start3A_100 = arith.constant 0 : i32
      %dma_start3A_101 = arith.constant 0 : i32
      %dma_start3A_102 = tpu.memref_slice %arg10[%add3A_10, %dma_start3A_100, %dma_start3A_101] : memref<20480x4x16xf32, #tpu.memory_space<hbm>> -> memref<128x4x16xf32, #tpu.memory_space<hbm>>
      tpu.enqueue_dma source(%arg32 : memref<128x4x16xf32, #tpu.memory_space<vmem>>) target(%dma_start3A_102 : memref<128x4x16xf32, #tpu.memory_space<hbm>>) target_semaphore(%run_scoped3A : memref<!tpu.dma_semaphore, #tpu.memory_space<semaphore_mem>>)
      %dma_wait3A_103 = arith.constant 0 : i32
      %dma_wait3A_104 = arith.constant 0 : i32
      %dma_wait3A_105 = tpu.memref_slice %arg10[%add3A_10, %dma_wait3A_103, %dma_wait3A_104] : memref<20480x4x16xf32, #tpu.memory_space<hbm>> -> memref<128x4x16xf32, #tpu.memory_space<hbm>>
      %dma_wait3A_106 = arith.constant 0 : i32
      %dma_wait3A_107 = arith.constant 0 : i32
      %dma_wait3A_108 = tpu.memref_slice %arg10[%add3A_10, %dma_wait3A_106, %dma_wait3A_107] : memref<20480x4x16xf32, #tpu.memory_space<hbm>> -> memref<128x4x16xf32, #tpu.memory_space<hbm>>
      tpu.wait_dma2 semaphore(%run_scoped3A : memref<!tpu.dma_semaphore, #tpu.memory_space<semaphore_mem>>) src(%arg32 : memref<128x4x16xf32, #tpu.memory_space<vmem>>) dst(%dma_wait3A_108 : memref<128x4x16xf32, #tpu.memory_space<hbm>>)
      tpu.yield
    }) : () -> ()
    %mul3A_11 = arith.constant 640 : i32
    %mul3A_12 = arith.muli %arg1, %mul3A_11 : i32
    %add3A_13 = arith.constant 128 : i32
    %add3A_14 = arith.addi %mul3A_12, %add3A_13 : i32
    "tpu.region"() ({
      %run_scoped3A = tpu.sem_alloc : memref<!tpu.dma_semaphore, #tpu.memory_space<semaphore_mem>>
      %dma_start3A_97 = arith.constant 0 : i32
      %dma_start3A_98 = arith.constant 0 : i32
      %dma_start3A_99 = tpu.memref_slice %arg12[%add3A_14, %dma_start3A_97, %dma_start3A_98] : memref<10240x4x16xf32, #tpu.memory_space<vmem_shared>> -> memref<128x4x16xf32, #tpu.memory_space<vmem_shared>>
      tpu.enqueue_dma source(%arg8 : memref<128x4x16xf32, #tpu.memory_space<hbm>>) target(%dma_start3A_99 : memref<128x4x16xf32, #tpu.memory_space<vmem_shared>>) target_semaphore(%run_scoped3A : memref<!tpu.dma_semaphore, #tpu.memory_space<semaphore_mem>>)
      %dma_wait3A_100 = arith.constant 0 : i32
      %dma_wait3A_101 = arith.constant 0 : i32
      %dma_wait3A_102 = tpu.memref_slice %arg12[%add3A_14, %dma_wait3A_100, %dma_wait3A_101] : memref<10240x4x16xf32, #tpu.memory_space<vmem_shared>> -> memref<128x4x16xf32, #tpu.memory_space<vmem_shared>>
      tpu.wait_dma2 semaphore(%run_scoped3A : memref<!tpu.dma_semaphore, #tpu.memory_space<semaphore_mem>>) src(%arg8 : memref<128x4x16xf32, #tpu.memory_space<hbm>>) dst(%dma_wait3A_102 : memref<128x4x16xf32, #tpu.memory_space<vmem_shared>>)
      tpu.yield
    }) : () -> ()
    "tpu.region"() ({
      %run_scoped3A = tpu.sem_alloc : memref<!tpu.dma_semaphore, #tpu.memory_space<semaphore_mem>>
      %dma_start3A_97 = arith.constant 0 : i32
      %dma_start3A_98 = tpu.memref_slice %arg13[%add3A_14, %dma_start3A_97] : memref<10240x16xf32, #tpu.memory_space<vmem_shared>> -> memref<128x16xf32, #tpu.memory_space<vmem_shared>>
      tpu.enqueue_dma source(%arg9 : memref<128x16xf32, #tpu.memory_space<hbm>>) target(%dma_start3A_98 : memref<128x16xf32, #tpu.memory_space<vmem_shared>>) target_semaphore(%run_scoped3A : memref<!tpu.dma_semaphore, #tpu.memory_space<semaphore_mem>>)
      %dma_wait3A_99 = arith.constant 0 : i32
      %dma_wait3A_100 = tpu.memref_slice %arg13[%add3A_14, %dma_wait3A_99] : memref<10240x16xf32, #tpu.memory_space<vmem_shared>> -> memref<128x16xf32, #tpu.memory_space<vmem_shared>>
      tpu.wait_dma2 semaphore(%run_scoped3A : memref<!tpu.dma_semaphore, #tpu.memory_space<semaphore_mem>>) src(%arg9 : memref<128x16xf32, #tpu.memory_space<hbm>>) dst(%dma_wait3A_100 : memref<128x16xf32, #tpu.memory_space<vmem_shared>>)
      tpu.yield
    }) : () -> ()
    %add3A_15 = arith.addi %mul3A_0, %add3A_14 : i32
    "tpu.region"() ({
      %run_scoped3A = tpu.sem_alloc : memref<!tpu.dma_semaphore, #tpu.memory_space<semaphore_mem>>
      %dma_start3A_97 = arith.constant 0 : i32
      %dma_start3A_98 = arith.constant 0 : i32
      %dma_start3A_99 = tpu.memref_slice %arg2[%add3A_15, %dma_start3A_97, %dma_start3A_98] : memref<20480x4x16xf32, #tpu.memory_space<hbm>> -> memref<128x4x16xf32, #tpu.memory_space<hbm>>
      %dma_start3A_100 = arith.constant 0 : i32
      %dma_start3A_101 = arith.constant 0 : i32
      %dma_start3A_102 = tpu.memref_slice %arg2[%add3A_15, %dma_start3A_100, %dma_start3A_101] : memref<20480x4x16xf32, #tpu.memory_space<hbm>> -> memref<128x4x16xf32, #tpu.memory_space<hbm>>
      tpu.enqueue_dma source(%dma_start3A_102 : memref<128x4x16xf32, #tpu.memory_space<hbm>>) target(%arg32 : memref<128x4x16xf32, #tpu.memory_space<vmem>>) target_semaphore(%run_scoped3A : memref<!tpu.dma_semaphore, #tpu.memory_space<semaphore_mem>>)
      %dma_wait3A_103 = arith.constant 0 : i32
      %dma_wait3A_104 = arith.constant 0 : i32
      %dma_wait3A_105 = tpu.memref_slice %arg2[%add3A_15, %dma_wait3A_103, %dma_wait3A_104] : memref<20480x4x16xf32, #tpu.memory_space<hbm>> -> memref<128x4x16xf32, #tpu.memory_space<hbm>>
      %dma_wait3A_106 = arith.constant 0 : i32
      %dma_wait3A_107 = arith.constant 0 : i32
      %dma_wait3A_108 = tpu.memref_slice %arg2[%add3A_15, %dma_wait3A_106, %dma_wait3A_107] : memref<20480x4x16xf32, #tpu.memory_space<hbm>> -> memref<128x4x16xf32, #tpu.memory_space<hbm>>
      tpu.wait_dma2 semaphore(%run_scoped3A : memref<!tpu.dma_semaphore, #tpu.memory_space<semaphore_mem>>) src(%dma_wait3A_108 : memref<128x4x16xf32, #tpu.memory_space<hbm>>) dst(%arg32 : memref<128x4x16xf32, #tpu.memory_space<vmem>>)
      tpu.yield
    }) : () -> ()
    %add3A_16 = arith.addi %mul3A_0, %add3A_14 : i32
    "tpu.region"() ({
      %run_scoped3A = tpu.sem_alloc : memref<!tpu.dma_semaphore, #tpu.memory_space<semaphore_mem>>
      %dma_start3A_97 = arith.constant 0 : i32
      %dma_start3A_98 = arith.constant 0 : i32
      %dma_start3A_99 = tpu.memref_slice %arg10[%add3A_16, %dma_start3A_97, %dma_start3A_98] : memref<20480x4x16xf32, #tpu.memory_space<hbm>> -> memref<128x4x16xf32, #tpu.memory_space<hbm>>
      %dma_start3A_100 = arith.constant 0 : i32
      %dma_start3A_101 = arith.constant 0 : i32
      %dma_start3A_102 = tpu.memref_slice %arg10[%add3A_16, %dma_start3A_100, %dma_start3A_101] : memref<20480x4x16xf32, #tpu.memory_space<hbm>> -> memref<128x4x16xf32, #tpu.memory_space<hbm>>
      tpu.enqueue_dma source(%arg32 : memref<128x4x16xf32, #tpu.memory_space<vmem>>) target(%dma_start3A_102 : memref<128x4x16xf32, #tpu.memory_space<hbm>>) target_semaphore(%run_scoped3A : memref<!tpu.dma_semaphore, #tpu.memory_space<semaphore_mem>>)
      %dma_wait3A_103 = arith.constant 0 : i32
      %dma_wait3A_104 = arith.constant 0 : i32
      %dma_wait3A_105 = tpu.memref_slice %arg10[%add3A_16, %dma_wait3A_103, %dma_wait3A_104] : memref<20480x4x16xf32, #tpu.memory_space<hbm>> -> memref<128x4x16xf32, #tpu.memory_space<hbm>>
      %dma_wait3A_106 = arith.constant 0 : i32
      %dma_wait3A_107 = arith.constant 0 : i32
      %dma_wait3A_108 = tpu.memref_slice %arg10[%add3A_16, %dma_wait3A_106, %dma_wait3A_107] : memref<20480x4x16xf32, #tpu.memory_space<hbm>> -> memref<128x4x16xf32, #tpu.memory_space<hbm>>
      tpu.wait_dma2 semaphore(%run_scoped3A : memref<!tpu.dma_semaphore, #tpu.memory_space<semaphore_mem>>) src(%arg32 : memref<128x4x16xf32, #tpu.memory_space<vmem>>) dst(%dma_wait3A_108 : memref<128x4x16xf32, #tpu.memory_space<hbm>>)
      tpu.yield
    }) : () -> ()
    %mul3A_17 = arith.constant 640 : i32
    %mul3A_18 = arith.muli %arg1, %mul3A_17 : i32
    %add3A_19 = arith.constant 256 : i32
    %add3A_20 = arith.addi %mul3A_18, %add3A_19 : i32
    "tpu.region"() ({
      %run_scoped3A = tpu.sem_alloc : memref<!tpu.dma_semaphore, #tpu.memory_space<semaphore_mem>>
      %dma_start3A_97 = arith.constant 0 : i32
      %dma_start3A_98 = arith.constant 0 : i32
      %dma_start3A_99 = tpu.memref_slice %arg12[%add3A_20, %dma_start3A_97, %dma_start3A_98] : memref<10240x4x16xf32, #tpu.memory_space<vmem_shared>> -> memref<128x4x16xf32, #tpu.memory_space<vmem_shared>>
      tpu.enqueue_dma source(%arg8 : memref<128x4x16xf32, #tpu.memory_space<hbm>>) target(%dma_start3A_99 : memref<128x4x16xf32, #tpu.memory_space<vmem_shared>>) target_semaphore(%run_scoped3A : memref<!tpu.dma_semaphore, #tpu.memory_space<semaphore_mem>>)
      %dma_wait3A_100 = arith.constant 0 : i32
      %dma_wait3A_101 = arith.constant 0 : i32
      %dma_wait3A_102 = tpu.memref_slice %arg12[%add3A_20, %dma_wait3A_100, %dma_wait3A_101] : memref<10240x4x16xf32, #tpu.memory_space<vmem_shared>> -> memref<128x4x16xf32, #tpu.memory_space<vmem_shared>>
      tpu.wait_dma2 semaphore(%run_scoped3A : memref<!tpu.dma_semaphore, #tpu.memory_space<semaphore_mem>>) src(%arg8 : memref<128x4x16xf32, #tpu.memory_space<hbm>>) dst(%dma_wait3A_102 : memref<128x4x16xf32, #tpu.memory_space<vmem_shared>>)
      tpu.yield
    }) : () -> ()
    "tpu.region"() ({
      %run_scoped3A = tpu.sem_alloc : memref<!tpu.dma_semaphore, #tpu.memory_space<semaphore_mem>>
      %dma_start3A_97 = arith.constant 0 : i32
      %dma_start3A_98 = tpu.memref_slice %arg13[%add3A_20, %dma_start3A_97] : memref<10240x16xf32, #tpu.memory_space<vmem_shared>> -> memref<128x16xf32, #tpu.memory_space<vmem_shared>>
      tpu.enqueue_dma source(%arg9 : memref<128x16xf32, #tpu.memory_space<hbm>>) target(%dma_start3A_98 : memref<128x16xf32, #tpu.memory_space<vmem_shared>>) target_semaphore(%run_scoped3A : memref<!tpu.dma_semaphore, #tpu.memory_space<semaphore_mem>>)
      %dma_wait3A_99 = arith.constant 0 : i32
      %dma_wait3A_100 = tpu.memref_slice %arg13[%add3A_20, %dma_wait3A_99] : memref<10240x16xf32, #tpu.memory_space<vmem_shared>> -> memref<128x16xf32, #tpu.memory_space<vmem_shared>>
      tpu.wait_dma2 semaphore(%run_scoped3A : memref<!tpu.dma_semaphore, #tpu.memory_space<semaphore_mem>>) src(%arg9 : memref<128x16xf32, #tpu.memory_space<hbm>>) dst(%dma_wait3A_100 : memref<128x16xf32, #tpu.memory_space<vmem_shared>>)
      tpu.yield
    }) : () -> ()
    %add3A_21 = arith.addi %mul3A_0, %add3A_20 : i32
    "tpu.region"() ({
      %run_scoped3A = tpu.sem_alloc : memref<!tpu.dma_semaphore, #tpu.memory_space<semaphore_mem>>
      %dma_start3A_97 = arith.constant 0 : i32
      %dma_start3A_98 = arith.constant 0 : i32
      %dma_start3A_99 = tpu.memref_slice %arg2[%add3A_21, %dma_start3A_97, %dma_start3A_98] : memref<20480x4x16xf32, #tpu.memory_space<hbm>> -> memref<128x4x16xf32, #tpu.memory_space<hbm>>
      %dma_start3A_100 = arith.constant 0 : i32
      %dma_start3A_101 = arith.constant 0 : i32
      %dma_start3A_102 = tpu.memref_slice %arg2[%add3A_21, %dma_start3A_100, %dma_start3A_101] : memref<20480x4x16xf32, #tpu.memory_space<hbm>> -> memref<128x4x16xf32, #tpu.memory_space<hbm>>
      tpu.enqueue_dma source(%dma_start3A_102 : memref<128x4x16xf32, #tpu.memory_space<hbm>>) target(%arg32 : memref<128x4x16xf32, #tpu.memory_space<vmem>>) target_semaphore(%run_scoped3A : memref<!tpu.dma_semaphore, #tpu.memory_space<semaphore_mem>>)
      %dma_wait3A_103 = arith.constant 0 : i32
      %dma_wait3A_104 = arith.constant 0 : i32
      %dma_wait3A_105 = tpu.memref_slice %arg2[%add3A_21, %dma_wait3A_103, %dma_wait3A_104] : memref<20480x4x16xf32, #tpu.memory_space<hbm>> -> memref<128x4x16xf32, #tpu.memory_space<hbm>>
      %dma_wait3A_106 = arith.constant 0 : i32
      %dma_wait3A_107 = arith.constant 0 : i32
      %dma_wait3A_108 = tpu.memref_slice %arg2[%add3A_21, %dma_wait3A_106, %dma_wait3A_107] : memref<20480x4x16xf32, #tpu.memory_space<hbm>> -> memref<128x4x16xf32, #tpu.memory_space<hbm>>
      tpu.wait_dma2 semaphore(%run_scoped3A : memref<!tpu.dma_semaphore, #tpu.memory_space<semaphore_mem>>) src(%dma_wait3A_108 : memref<128x4x16xf32, #tpu.memory_space<hbm>>) dst(%arg32 : memref<128x4x16xf32, #tpu.memory_space<vmem>>)
      tpu.yield
    }) : () -> ()
    %add3A_22 = arith.addi %mul3A_0, %add3A_20 : i32
    "tpu.region"() ({
      %run_scoped3A = tpu.sem_alloc : memref<!tpu.dma_semaphore, #tpu.memory_space<semaphore_mem>>
      %dma_start3A_97 = arith.constant 0 : i32
      %dma_start3A_98 = arith.constant 0 : i32
      %dma_start3A_99 = tpu.memref_slice %arg10[%add3A_22, %dma_start3A_97, %dma_start3A_98] : memref<20480x4x16xf32, #tpu.memory_space<hbm>> -> memref<128x4x16xf32, #tpu.memory_space<hbm>>
      %dma_start3A_100 = arith.constant 0 : i32
      %dma_start3A_101 = arith.constant 0 : i32
      %dma_start3A_102 = tpu.memref_slice %arg10[%add3A_22, %dma_start3A_100, %dma_start3A_101] : memref<20480x4x16xf32, #tpu.memory_space<hbm>> -> memref<128x4x16xf32, #tpu.memory_space<hbm>>
      tpu.enqueue_dma source(%arg32 : memref<128x4x16xf32, #tpu.memory_space<vmem>>) target(%dma_start3A_102 : memref<128x4x16xf32, #tpu.memory_space<hbm>>) target_semaphore(%run_scoped3A : memref<!tpu.dma_semaphore, #tpu.memory_space<semaphore_mem>>)
      %dma_wait3A_103 = arith.constant 0 : i32
      %dma_wait3A_104 = arith.constant 0 : i32
      %dma_wait3A_105 = tpu.memref_slice %arg10[%add3A_22, %dma_wait3A_103, %dma_wait3A_104] : memref<20480x4x16xf32, #tpu.memory_space<hbm>> -> memref<128x4x16xf32, #tpu.memory_space<hbm>>
      %dma_wait3A_106 = arith.constant 0 : i32
      %dma_wait3A_107 = arith.constant 0 : i32
      %dma_wait3A_108 = tpu.memref_slice %arg10[%add3A_22, %dma_wait3A_106, %dma_wait3A_107] : memref<20480x4x16xf32, #tpu.memory_space<hbm>> -> memref<128x4x16xf32, #tpu.memory_space<hbm>>
      tpu.wait_dma2 semaphore(%run_scoped3A : memref<!tpu.dma_semaphore, #tpu.memory_space<semaphore_mem>>) src(%arg32 : memref<128x4x16xf32, #tpu.memory_space<vmem>>) dst(%dma_wait3A_108 : memref<128x4x16xf32, #tpu.memory_space<hbm>>)
      tpu.yield
    }) : () -> ()
    %mul3A_23 = arith.constant 640 : i32
    %mul3A_24 = arith.muli %arg1, %mul3A_23 : i32
    %add3A_25 = arith.constant 384 : i32
    %add3A_26 = arith.addi %mul3A_24, %add3A_25 : i32
    "tpu.region"() ({
      %run_scoped3A = tpu.sem_alloc : memref<!tpu.dma_semaphore, #tpu.memory_space<semaphore_mem>>
      %dma_start3A_97 = arith.constant 0 : i32
      %dma_start3A_98 = arith.constant 0 : i32
      %dma_start3A_99 = tpu.memref_slice %arg12[%add3A_26, %dma_start3A_97, %dma_start3A_98] : memref<10240x4x16xf32, #tpu.memory_space<vmem_shared>> -> memref<128x4x16xf32, #tpu.memory_space<vmem_shared>>
      tpu.enqueue_dma source(%arg8 : memref<128x4x16xf32, #tpu.memory_space<hbm>>) target(%dma_start3A_99 : memref<128x4x16xf32, #tpu.memory_space<vmem_shared>>) target_semaphore(%run_scoped3A : memref<!tpu.dma_semaphore, #tpu.memory_space<semaphore_mem>>)
      %dma_wait3A_100 = arith.constant 0 : i32
      %dma_wait3A_101 = arith.constant 0 : i32
      %dma_wait3A_102 = tpu.memref_slice %arg12[%add3A_26, %dma_wait3A_100, %dma_wait3A_101] : memref<10240x4x16xf32, #tpu.memory_space<vmem_shared>> -> memref<128x4x16xf32, #tpu.memory_space<vmem_shared>>
      tpu.wait_dma2 semaphore(%run_scoped3A : memref<!tpu.dma_semaphore, #tpu.memory_space<semaphore_mem>>) src(%arg8 : memref<128x4x16xf32, #tpu.memory_space<hbm>>) dst(%dma_wait3A_102 : memref<128x4x16xf32, #tpu.memory_space<vmem_shared>>)
      tpu.yield
    }) : () -> ()
    "tpu.region"() ({
      %run_scoped3A = tpu.sem_alloc : memref<!tpu.dma_semaphore, #tpu.memory_space<semaphore_mem>>
      %dma_start3A_97 = arith.constant 0 : i32
      %dma_start3A_98 = tpu.memref_slice %arg13[%add3A_26, %dma_start3A_97] : memref<10240x16xf32, #tpu.memory_space<vmem_shared>> -> memref<128x16xf32, #tpu.memory_space<vmem_shared>>
      tpu.enqueue_dma source(%arg9 : memref<128x16xf32, #tpu.memory_space<hbm>>) target(%dma_start3A_98 : memref<128x16xf32, #tpu.memory_space<vmem_shared>>) target_semaphore(%run_scoped3A : memref<!tpu.dma_semaphore, #tpu.memory_space<semaphore_mem>>)
      %dma_wait3A_99 = arith.constant 0 : i32
      %dma_wait3A_100 = tpu.memref_slice %arg13[%add3A_26, %dma_wait3A_99] : memref<10240x16xf32, #tpu.memory_space<vmem_shared>> -> memref<128x16xf32, #tpu.memory_space<vmem_shared>>
      tpu.wait_dma2 semaphore(%run_scoped3A : memref<!tpu.dma_semaphore, #tpu.memory_space<semaphore_mem>>) src(%arg9 : memref<128x16xf32, #tpu.memory_space<hbm>>) dst(%dma_wait3A_100 : memref<128x16xf32, #tpu.memory_space<vmem_shared>>)
      tpu.yield
    }) : () -> ()
    %add3A_27 = arith.addi %mul3A_0, %add3A_26 : i32
    "tpu.region"() ({
      %run_scoped3A = tpu.sem_alloc : memref<!tpu.dma_semaphore, #tpu.memory_space<semaphore_mem>>
      %dma_start3A_97 = arith.constant 0 : i32
      %dma_start3A_98 = arith.constant 0 : i32
      %dma_start3A_99 = tpu.memref_slice %arg2[%add3A_27, %dma_start3A_97, %dma_start3A_98] : memref<20480x4x16xf32, #tpu.memory_space<hbm>> -> memref<128x4x16xf32, #tpu.memory_space<hbm>>
      %dma_start3A_100 = arith.constant 0 : i32
      %dma_start3A_101 = arith.constant 0 : i32
      %dma_start3A_102 = tpu.memref_slice %arg2[%add3A_27, %dma_start3A_100, %dma_start3A_101] : memref<20480x4x16xf32, #tpu.memory_space<hbm>> -> memref<128x4x16xf32, #tpu.memory_space<hbm>>
      tpu.enqueue_dma source(%dma_start3A_102 : memref<128x4x16xf32, #tpu.memory_space<hbm>>) target(%arg32 : memref<128x4x16xf32, #tpu.memory_space<vmem>>) target_semaphore(%run_scoped3A : memref<!tpu.dma_semaphore, #tpu.memory_space<semaphore_mem>>)
      %dma_wait3A_103 = arith.constant 0 : i32
      %dma_wait3A_104 = arith.constant 0 : i32
      %dma_wait3A_105 = tpu.memref_slice %arg2[%add3A_27, %dma_wait3A_103, %dma_wait3A_104] : memref<20480x4x16xf32, #tpu.memory_space<hbm>> -> memref<128x4x16xf32, #tpu.memory_space<hbm>>
      %dma_wait3A_106 = arith.constant 0 : i32
      %dma_wait3A_107 = arith.constant 0 : i32
      %dma_wait3A_108 = tpu.memref_slice %arg2[%add3A_27, %dma_wait3A_106, %dma_wait3A_107] : memref<20480x4x16xf32, #tpu.memory_space<hbm>> -> memref<128x4x16xf32, #tpu.memory_space<hbm>>
      tpu.wait_dma2 semaphore(%run_scoped3A : memref<!tpu.dma_semaphore, #tpu.memory_space<semaphore_mem>>) src(%dma_wait3A_108 : memref<128x4x16xf32, #tpu.memory_space<hbm>>) dst(%arg32 : memref<128x4x16xf32, #tpu.memory_space<vmem>>)
      tpu.yield
    }) : () -> ()
    %add3A_28 = arith.addi %mul3A_0, %add3A_26 : i32
    "tpu.region"() ({
      %run_scoped3A = tpu.sem_alloc : memref<!tpu.dma_semaphore, #tpu.memory_space<semaphore_mem>>
      %dma_start3A_97 = arith.constant 0 : i32
      %dma_start3A_98 = arith.constant 0 : i32
      %dma_start3A_99 = tpu.memref_slice %arg10[%add3A_28, %dma_start3A_97, %dma_start3A_98] : memref<20480x4x16xf32, #tpu.memory_space<hbm>> -> memref<128x4x16xf32, #tpu.memory_space<hbm>>
      %dma_start3A_100 = arith.constant 0 : i32
      %dma_start3A_101 = arith.constant 0 : i32
      %dma_start3A_102 = tpu.memref_slice %arg10[%add3A_28, %dma_start3A_100, %dma_start3A_101] : memref<20480x4x16xf32, #tpu.memory_space<hbm>> -> memref<128x4x16xf32, #tpu.memory_space<hbm>>
      tpu.enqueue_dma source(%arg32 : memref<128x4x16xf32, #tpu.memory_space<vmem>>) target(%dma_start3A_102 : memref<128x4x16xf32, #tpu.memory_space<hbm>>) target_semaphore(%run_scoped3A : memref<!tpu.dma_semaphore, #tpu.memory_space<semaphore_mem>>)
      %dma_wait3A_103 = arith.constant 0 : i32
      %dma_wait3A_104 = arith.constant 0 : i32
      %dma_wait3A_105 = tpu.memref_slice %arg10[%add3A_28, %dma_wait3A_103, %dma_wait3A_104] : memref<20480x4x16xf32, #tpu.memory_space<hbm>> -> memref<128x4x16xf32, #tpu.memory_space<hbm>>
      %dma_wait3A_106 = arith.constant 0 : i32
      %dma_wait3A_107 = arith.constant 0 : i32
      %dma_wait3A_108 = tpu.memref_slice %arg10[%add3A_28, %dma_wait3A_106, %dma_wait3A_107] : memref<20480x4x16xf32, #tpu.memory_space<hbm>> -> memref<128x4x16xf32, #tpu.memory_space<hbm>>
      tpu.wait_dma2 semaphore(%run_scoped3A : memref<!tpu.dma_semaphore, #tpu.memory_space<semaphore_mem>>) src(%arg32 : memref<128x4x16xf32, #tpu.memory_space<vmem>>) dst(%dma_wait3A_108 : memref<128x4x16xf32, #tpu.memory_space<hbm>>)
      tpu.yield
    }) : () -> ()
    %mul3A_29 = arith.constant 640 : i32
    %mul3A_30 = arith.muli %arg1, %mul3A_29 : i32
    %add3A_31 = arith.constant 512 : i32
    %add3A_32 = arith.addi %mul3A_30, %add3A_31 : i32
    "tpu.region"() ({
      %run_scoped3A = tpu.sem_alloc : memref<!tpu.dma_semaphore, #tpu.memory_space<semaphore_mem>>
      %dma_start3A_97 = arith.constant 0 : i32
      %dma_start3A_98 = arith.constant 0 : i32
      %dma_start3A_99 = tpu.memref_slice %arg12[%add3A_32, %dma_start3A_97, %dma_start3A_98] : memref<10240x4x16xf32, #tpu.memory_space<vmem_shared>> -> memref<128x4x16xf32, #tpu.memory_space<vmem_shared>>
      tpu.enqueue_dma source(%arg8 : memref<128x4x16xf32, #tpu.memory_space<hbm>>) target(%dma_start3A_99 : memref<128x4x16xf32, #tpu.memory_space<vmem_shared>>) target_semaphore(%run_scoped3A : memref<!tpu.dma_semaphore, #tpu.memory_space<semaphore_mem>>)
      %dma_wait3A_100 = arith.constant 0 : i32
      %dma_wait3A_101 = arith.constant 0 : i32
      %dma_wait3A_102 = tpu.memref_slice %arg12[%add3A_32, %dma_wait3A_100, %dma_wait3A_101] : memref<10240x4x16xf32, #tpu.memory_space<vmem_shared>> -> memref<128x4x16xf32, #tpu.memory_space<vmem_shared>>
      tpu.wait_dma2 semaphore(%run_scoped3A : memref<!tpu.dma_semaphore, #tpu.memory_space<semaphore_mem>>) src(%arg8 : memref<128x4x16xf32, #tpu.memory_space<hbm>>) dst(%dma_wait3A_102 : memref<128x4x16xf32, #tpu.memory_space<vmem_shared>>)
      tpu.yield
    }) : () -> ()
    "tpu.region"() ({
      %run_scoped3A = tpu.sem_alloc : memref<!tpu.dma_semaphore, #tpu.memory_space<semaphore_mem>>
      %dma_start3A_97 = arith.constant 0 : i32
      %dma_start3A_98 = tpu.memref_slice %arg13[%add3A_32, %dma_start3A_97] : memref<10240x16xf32, #tpu.memory_space<vmem_shared>> -> memref<128x16xf32, #tpu.memory_space<vmem_shared>>
      tpu.enqueue_dma source(%arg9 : memref<128x16xf32, #tpu.memory_space<hbm>>) target(%dma_start3A_98 : memref<128x16xf32, #tpu.memory_space<vmem_shared>>) target_semaphore(%run_scoped3A : memref<!tpu.dma_semaphore, #tpu.memory_space<semaphore_mem>>)
      %dma_wait3A_99 = arith.constant 0 : i32
      %dma_wait3A_100 = tpu.memref_slice %arg13[%add3A_32, %dma_wait3A_99] : memref<10240x16xf32, #tpu.memory_space<vmem_shared>> -> memref<128x16xf32, #tpu.memory_space<vmem_shared>>
      tpu.wait_dma2 semaphore(%run_scoped3A : memref<!tpu.dma_semaphore, #tpu.memory_space<semaphore_mem>>) src(%arg9 : memref<128x16xf32, #tpu.memory_space<hbm>>) dst(%dma_wait3A_100 : memref<128x16xf32, #tpu.memory_space<vmem_shared>>)
      tpu.yield
    }) : () -> ()
    %add3A_33 = arith.addi %mul3A_0, %add3A_32 : i32
    "tpu.region"() ({
      %run_scoped3A = tpu.sem_alloc : memref<!tpu.dma_semaphore, #tpu.memory_space<semaphore_mem>>
      %dma_start3A_97 = arith.constant 0 : i32
      %dma_start3A_98 = arith.constant 0 : i32
      %dma_start3A_99 = tpu.memref_slice %arg2[%add3A_33, %dma_start3A_97, %dma_start3A_98] : memref<20480x4x16xf32, #tpu.memory_space<hbm>> -> memref<128x4x16xf32, #tpu.memory_space<hbm>>
      %dma_start3A_100 = arith.constant 0 : i32
      %dma_start3A_101 = arith.constant 0 : i32
      %dma_start3A_102 = tpu.memref_slice %arg2[%add3A_33, %dma_start3A_100, %dma_start3A_101] : memref<20480x4x16xf32, #tpu.memory_space<hbm>> -> memref<128x4x16xf32, #tpu.memory_space<hbm>>
      tpu.enqueue_dma source(%dma_start3A_102 : memref<128x4x16xf32, #tpu.memory_space<hbm>>) target(%arg32 : memref<128x4x16xf32, #tpu.memory_space<vmem>>) target_semaphore(%run_scoped3A : memref<!tpu.dma_semaphore, #tpu.memory_space<semaphore_mem>>)
      %dma_wait3A_103 = arith.constant 0 : i32
      %dma_wait3A_104 = arith.constant 0 : i32
      %dma_wait3A_105 = tpu.memref_slice %arg2[%add3A_33, %dma_wait3A_103, %dma_wait3A_104] : memref<20480x4x16xf32, #tpu.memory_space<hbm>> -> memref<128x4x16xf32, #tpu.memory_space<hbm>>
      %dma_wait3A_106 = arith.constant 0 : i32
      %dma_wait3A_107 = arith.constant 0 : i32
      %dma_wait3A_108 = tpu.memref_slice %arg2[%add3A_33, %dma_wait3A_106, %dma_wait3A_107] : memref<20480x4x16xf32, #tpu.memory_space<hbm>> -> memref<128x4x16xf32, #tpu.memory_space<hbm>>
      tpu.wait_dma2 semaphore(%run_scoped3A : memref<!tpu.dma_semaphore, #tpu.memory_space<semaphore_mem>>) src(%dma_wait3A_108 : memref<128x4x16xf32, #tpu.memory_space<hbm>>) dst(%arg32 : memref<128x4x16xf32, #tpu.memory_space<vmem>>)
      tpu.yield
    }) : () -> ()
    %add3A_34 = arith.addi %mul3A_0, %add3A_32 : i32
    "tpu.region"() ({
      %run_scoped3A = tpu.sem_alloc : memref<!tpu.dma_semaphore, #tpu.memory_space<semaphore_mem>>
      %dma_start3A_97 = arith.constant 0 : i32
      %dma_start3A_98 = arith.constant 0 : i32
      %dma_start3A_99 = tpu.memref_slice %arg10[%add3A_34, %dma_start3A_97, %dma_start3A_98] : memref<20480x4x16xf32, #tpu.memory_space<hbm>> -> memref<128x4x16xf32, #tpu.memory_space<hbm>>
      %dma_start3A_100 = arith.constant 0 : i32
      %dma_start3A_101 = arith.constant 0 : i32
      %dma_start3A_102 = tpu.memref_slice %arg10[%add3A_34, %dma_start3A_100, %dma_start3A_101] : memref<20480x4x16xf32, #tpu.memory_space<hbm>> -> memref<128x4x16xf32, #tpu.memory_space<hbm>>
      tpu.enqueue_dma source(%arg32 : memref<128x4x16xf32, #tpu.memory_space<vmem>>) target(%dma_start3A_102 : memref<128x4x16xf32, #tpu.memory_space<hbm>>) target_semaphore(%run_scoped3A : memref<!tpu.dma_semaphore, #tpu.memory_space<semaphore_mem>>)
      %dma_wait3A_103 = arith.constant 0 : i32
      %dma_wait3A_104 = arith.constant 0 : i32
      %dma_wait3A_105 = tpu.memref_slice %arg10[%add3A_34, %dma_wait3A_103, %dma_wait3A_104] : memref<20480x4x16xf32, #tpu.memory_space<hbm>> -> memref<128x4x16xf32, #tpu.memory_space<hbm>>
      %dma_wait3A_106 = arith.constant 0 : i32
      %dma_wait3A_107 = arith.constant 0 : i32
      %dma_wait3A_108 = tpu.memref_slice %arg10[%add3A_34, %dma_wait3A_106, %dma_wait3A_107] : memref<20480x4x16xf32, #tpu.memory_space<hbm>> -> memref<128x4x16xf32, #tpu.memory_space<hbm>>
      tpu.wait_dma2 semaphore(%run_scoped3A : memref<!tpu.dma_semaphore, #tpu.memory_space<semaphore_mem>>) src(%arg32 : memref<128x4x16xf32, #tpu.memory_space<vmem>>) dst(%dma_wait3A_108 : memref<128x4x16xf32, #tpu.memory_space<hbm>>)
      tpu.yield
    }) : () -> ()
    %barrier3A = arith.constant 0 : index
    tpu.barrier barrier_id(%barrier3A)
    %add3A_35 = arith.constant 0 : i32
    %add3A_36 = arith.addi %mul3A_2, %add3A_35 : i32
    %dma_start3A = tpu.memref_slice %arg4[%add3A_36] : memref<327680xi32, #tpu.memory_space<hbm>> -> memref<128xi32, #tpu.memory_space<hbm>>
    %dma_start3A_37 = tpu.memref_slice %arg4[%add3A_36] : memref<327680xi32, #tpu.memory_space<hbm>> -> memref<128xi32, #tpu.memory_space<hbm>>
    tpu.enqueue_dma source(%dma_start3A_37 : memref<128xi32, #tpu.memory_space<hbm>>) target(%arg18 : memref<128xi32, #tpu.memory_space<vmem>>) target_semaphore(%arg48 : memref<!tpu.dma_semaphore, #tpu.memory_space<semaphore_mem>>)
    %add3A_38 = arith.constant 0 : i32
    %add3A_39 = arith.addi %mul3A_2, %add3A_38 : i32
    %dma_start3A_40 = arith.constant 0 : i32
    %dma_start3A_41 = tpu.memref_slice %arg5[%add3A_39, %dma_start3A_40] : memref<327680x16xf32, #tpu.memory_space<hbm>> -> memref<128x16xf32, #tpu.memory_space<hbm>>
    %dma_start3A_42 = arith.constant 0 : i32
    %dma_start3A_43 = tpu.memref_slice %arg5[%add3A_39, %dma_start3A_42] : memref<327680x16xf32, #tpu.memory_space<hbm>> -> memref<128x16xf32, #tpu.memory_space<hbm>>
    tpu.enqueue_dma source(%dma_start3A_43 : memref<128x16xf32, #tpu.memory_space<hbm>>) target(%arg22 : memref<128x16xf32, #tpu.memory_space<vmem>>) target_semaphore(%arg44 : memref<!tpu.dma_semaphore, #tpu.memory_space<semaphore_mem>>)
    %scan3A = arith.constant 0 : i32
    %scan3A_44 = arith.constant 0 : i32
    %scan3A_45 = arith.constant 80 : i32
    %scan3A_46 = arith.addi %scan3A_44, %scan3A_45 : i32
    %scan3A_47 = arith.constant 1 : i32
    scf.for %scan3A_97 = %scan3A_44 to %scan3A_46 step %scan3A_47  : i32 {
      %mul3A_98 = arith.constant 2 : i32
      %mul3A_99 = arith.muli %mul3A_98, %scan3A_97 : i32
      %add3A_100 = arith.constant 0 : i32
      %add3A_101 = arith.addi %mul3A_99, %add3A_100 : i32
      %add3A_102 = arith.constant 1 : i32
      %add3A_103 = arith.addi %add3A_101, %add3A_102 : i32
      %lt3A = arith.constant 160 : i32
      %lt3A_104 = arith.cmpi slt, %add3A_103, %lt3A : i32
      %convert_element_type3A = arith.extui %lt3A_104 : i1 to i32
      %cond3A = arith.constant 0 : i32
      %cond3A_105 = arith.cmpi ne, %convert_element_type3A, %cond3A : i32
      scf.if %cond3A_105 {
        %ge3A = arith.constant 1 : i32
        %ge3A_147 = arith.cmpi sge, %add3A_101, %ge3A : i32
        %convert_element_type3A_148 = arith.extui %ge3A_147 : i1 to i32
        %cond3A_149 = arith.constant 0 : i32
        %cond3A_150 = arith.cmpi ne, %convert_element_type3A_148, %cond3A_149 : i32
        scf.if %cond3A_150 {
          %dma_wait3A_167 = arith.constant 0 : i32
          %dma_wait3A_168 = arith.constant 0 : i32
          %dma_wait3A_169 = tpu.memref_slice %arg13[%dma_wait3A_167, %dma_wait3A_168] : memref<10240x16xf32, #tpu.memory_space<vmem_shared>> -> memref<10240x16xf32, #tpu.memory_space<vmem_shared>>
          tpu.wait_indirect_dma semaphore(%arg41 : memref<!tpu.dma_semaphore, #tpu.memory_space<semaphore_mem>>) src(%arg23 : memref<128x16xf32, #tpu.memory_space<vmem>>) dst(%dma_wait3A_169 : memref<10240x16xf32, #tpu.memory_space<vmem_shared>>)
        } else {
        }
        %add3A_151 = arith.constant 1 : i32
        %add3A_152 = arith.addi %add3A_101, %add3A_151 : i32
        %mul3A_153 = arith.constant 128 : i32
        %mul3A_154 = arith.muli %add3A_152, %mul3A_153 : i32
        %add3A_155 = arith.addi %mul3A_2, %mul3A_154 : i32
        %dma_start3A_156 = tpu.memref_slice %arg4[%add3A_155] : memref<327680xi32, #tpu.memory_space<hbm>> -> memref<128xi32, #tpu.memory_space<hbm>>
        %dma_start3A_157 = tpu.memref_slice %arg4[%add3A_155] : memref<327680xi32, #tpu.memory_space<hbm>> -> memref<128xi32, #tpu.memory_space<hbm>>
        tpu.enqueue_dma source(%dma_start3A_157 : memref<128xi32, #tpu.memory_space<hbm>>) target(%arg19 : memref<128xi32, #tpu.memory_space<vmem>>) target_semaphore(%arg49 : memref<!tpu.dma_semaphore, #tpu.memory_space<semaphore_mem>>)
        %add3A_158 = arith.constant 1 : i32
        %add3A_159 = arith.addi %add3A_101, %add3A_158 : i32
        %mul3A_160 = arith.constant 128 : i32
        %mul3A_161 = arith.muli %add3A_159, %mul3A_160 : i32
        %add3A_162 = arith.addi %mul3A_2, %mul3A_161 : i32
        %dma_start3A_163 = arith.constant 0 : i32
        %dma_start3A_164 = tpu.memref_slice %arg5[%add3A_162, %dma_start3A_163] : memref<327680x16xf32, #tpu.memory_space<hbm>> -> memref<128x16xf32, #tpu.memory_space<hbm>>
        %dma_start3A_165 = arith.constant 0 : i32
        %dma_start3A_166 = tpu.memref_slice %arg5[%add3A_162, %dma_start3A_165] : memref<327680x16xf32, #tpu.memory_space<hbm>> -> memref<128x16xf32, #tpu.memory_space<hbm>>
        tpu.enqueue_dma source(%dma_start3A_166 : memref<128x16xf32, #tpu.memory_space<hbm>>) target(%arg23 : memref<128x16xf32, #tpu.memory_space<vmem>>) target_semaphore(%arg45 : memref<!tpu.dma_semaphore, #tpu.memory_space<semaphore_mem>>)
      } else {
      }
      %mul3A_106 = arith.constant 128 : i32
      %mul3A_107 = arith.muli %add3A_101, %mul3A_106 : i32
      %add3A_108 = arith.addi %mul3A_2, %mul3A_107 : i32
      %dma_wait3A_109 = tpu.memref_slice %arg4[%add3A_108] : memref<327680xi32, #tpu.memory_space<hbm>> -> memref<128xi32, #tpu.memory_space<hbm>>
      %dma_wait3A_110 = tpu.memref_slice %arg4[%add3A_108] : memref<327680xi32, #tpu.memory_space<hbm>> -> memref<128xi32, #tpu.memory_space<hbm>>
      tpu.wait_dma2 semaphore(%arg48 : memref<!tpu.dma_semaphore, #tpu.memory_space<semaphore_mem>>) src(%dma_wait3A_110 : memref<128xi32, #tpu.memory_space<hbm>>) dst(%arg18 : memref<128xi32, #tpu.memory_space<vmem>>)
      %mul3A_111 = arith.constant 128 : i32
      %mul3A_112 = arith.muli %add3A_101, %mul3A_111 : i32
      %add3A_113 = arith.addi %mul3A_2, %mul3A_112 : i32
      %dma_wait3A_114 = arith.constant 0 : i32
      %dma_wait3A_115 = tpu.memref_slice %arg5[%add3A_113, %dma_wait3A_114] : memref<327680x16xf32, #tpu.memory_space<hbm>> -> memref<128x16xf32, #tpu.memory_space<hbm>>
      %dma_wait3A_116 = arith.constant 0 : i32
      %dma_wait3A_117 = tpu.memref_slice %arg5[%add3A_113, %dma_wait3A_116] : memref<327680x16xf32, #tpu.memory_space<hbm>> -> memref<128x16xf32, #tpu.memory_space<hbm>>
      tpu.wait_dma2 semaphore(%arg44 : memref<!tpu.dma_semaphore, #tpu.memory_space<semaphore_mem>>) src(%dma_wait3A_117 : memref<128x16xf32, #tpu.memory_space<hbm>>) dst(%arg22 : memref<128x16xf32, #tpu.memory_space<vmem>>)
      %dma_start3A_118 = arith.constant 0 : i32
      %dma_start3A_119 = arith.constant 0 : i32
      %dma_start3A_120 = tpu.memref_slice %arg13[%dma_start3A_118, %dma_start3A_119] : memref<10240x16xf32, #tpu.memory_space<vmem_shared>> -> memref<10240x16xf32, #tpu.memory_space<vmem_shared>>
      tpu.enqueue_indirect_dma source(%arg22 : memref<128x16xf32, #tpu.memory_space<vmem>>) target(%dma_start3A_120 : memref<10240x16xf32, #tpu.memory_space<vmem_shared>>) offsets(%arg18 : memref<128xi32, #tpu.memory_space<vmem>>) semaphore(%arg40 : memref<!tpu.dma_semaphore, #tpu.memory_space<semaphore_mem>>) {add = true}
      %mul3A_121 = arith.constant 2 : i32
      %mul3A_122 = arith.muli %mul3A_121, %scan3A_97 : i32
      %add3A_123 = arith.constant 1 : i32
      %add3A_124 = arith.addi %mul3A_122, %add3A_123 : i32
      %add3A_125 = arith.constant 1 : i32
      %add3A_126 = arith.addi %add3A_124, %add3A_125 : i32
      %lt3A_127 = arith.constant 160 : i32
      %lt3A_128 = arith.cmpi slt, %add3A_126, %lt3A_127 : i32
      %convert_element_type3A_129 = arith.extui %lt3A_128 : i1 to i32
      %cond3A_130 = arith.constant 0 : i32
      %cond3A_131 = arith.cmpi ne, %convert_element_type3A_129, %cond3A_130 : i32
      scf.if %cond3A_131 {
        %ge3A = arith.constant 1 : i32
        %ge3A_147 = arith.cmpi sge, %add3A_124, %ge3A : i32
        %convert_element_type3A_148 = arith.extui %ge3A_147 : i1 to i32
        %cond3A_149 = arith.constant 0 : i32
        %cond3A_150 = arith.cmpi ne, %convert_element_type3A_148, %cond3A_149 : i32
        scf.if %cond3A_150 {
          %dma_wait3A_167 = arith.constant 0 : i32
          %dma_wait3A_168 = arith.constant 0 : i32
          %dma_wait3A_169 = tpu.memref_slice %arg13[%dma_wait3A_167, %dma_wait3A_168] : memref<10240x16xf32, #tpu.memory_space<vmem_shared>> -> memref<10240x16xf32, #tpu.memory_space<vmem_shared>>
          tpu.wait_indirect_dma semaphore(%arg40 : memref<!tpu.dma_semaphore, #tpu.memory_space<semaphore_mem>>) src(%arg22 : memref<128x16xf32, #tpu.memory_space<vmem>>) dst(%dma_wait3A_169 : memref<10240x16xf32, #tpu.memory_space<vmem_shared>>)
        } else {
        }
        %add3A_151 = arith.constant 1 : i32
        %add3A_152 = arith.addi %add3A_124, %add3A_151 : i32
        %mul3A_153 = arith.constant 128 : i32
        %mul3A_154 = arith.muli %add3A_152, %mul3A_153 : i32
        %add3A_155 = arith.addi %mul3A_2, %mul3A_154 : i32
        %dma_start3A_156 = tpu.memref_slice %arg4[%add3A_155] : memref<327680xi32, #tpu.memory_space<hbm>> -> memref<128xi32, #tpu.memory_space<hbm>>
        %dma_start3A_157 = tpu.memref_slice %arg4[%add3A_155] : memref<327680xi32, #tpu.memory_space<hbm>> -> memref<128xi32, #tpu.memory_space<hbm>>
        tpu.enqueue_dma source(%dma_start3A_157 : memref<128xi32, #tpu.memory_space<hbm>>) target(%arg18 : memref<128xi32, #tpu.memory_space<vmem>>) target_semaphore(%arg48 : memref<!tpu.dma_semaphore, #tpu.memory_space<semaphore_mem>>)
        %add3A_158 = arith.constant 1 : i32
        %add3A_159 = arith.addi %add3A_124, %add3A_158 : i32
        %mul3A_160 = arith.constant 128 : i32
        %mul3A_161 = arith.muli %add3A_159, %mul3A_160 : i32
        %add3A_162 = arith.addi %mul3A_2, %mul3A_161 : i32
        %dma_start3A_163 = arith.constant 0 : i32
        %dma_start3A_164 = tpu.memref_slice %arg5[%add3A_162, %dma_start3A_163] : memref<327680x16xf32, #tpu.memory_space<hbm>> -> memref<128x16xf32, #tpu.memory_space<hbm>>
        %dma_start3A_165 = arith.constant 0 : i32
        %dma_start3A_166 = tpu.memref_slice %arg5[%add3A_162, %dma_start3A_165] : memref<327680x16xf32, #tpu.memory_space<hbm>> -> memref<128x16xf32, #tpu.memory_space<hbm>>
        tpu.enqueue_dma source(%dma_start3A_166 : memref<128x16xf32, #tpu.memory_space<hbm>>) target(%arg22 : memref<128x16xf32, #tpu.memory_space<vmem>>) target_semaphore(%arg44 : memref<!tpu.dma_semaphore, #tpu.memory_space<semaphore_mem>>)
      } else {
      }
      %mul3A_132 = arith.constant 128 : i32
      %mul3A_133 = arith.muli %add3A_124, %mul3A_132 : i32
      %add3A_134 = arith.addi %mul3A_2, %mul3A_133 : i32
      %dma_wait3A_135 = tpu.memref_slice %arg4[%add3A_134] : memref<327680xi32, #tpu.memory_space<hbm>> -> memref<128xi32, #tpu.memory_space<hbm>>
      %dma_wait3A_136 = tpu.memref_slice %arg4[%add3A_134] : memref<327680xi32, #tpu.memory_space<hbm>> -> memref<128xi32, #tpu.memory_space<hbm>>
      tpu.wait_dma2 semaphore(%arg49 : memref<!tpu.dma_semaphore, #tpu.memory_space<semaphore_mem>>) src(%dma_wait3A_136 : memref<128xi32, #tpu.memory_space<hbm>>) dst(%arg19 : memref<128xi32, #tpu.memory_space<vmem>>)
      %mul3A_137 = arith.constant 128 : i32
      %mul3A_138 = arith.muli %add3A_124, %mul3A_137 : i32
      %add3A_139 = arith.addi %mul3A_2, %mul3A_138 : i32
      %dma_wait3A_140 = arith.constant 0 : i32
      %dma_wait3A_141 = tpu.memref_slice %arg5[%add3A_139, %dma_wait3A_140] : memref<327680x16xf32, #tpu.memory_space<hbm>> -> memref<128x16xf32, #tpu.memory_space<hbm>>
      %dma_wait3A_142 = arith.constant 0 : i32
      %dma_wait3A_143 = tpu.memref_slice %arg5[%add3A_139, %dma_wait3A_142] : memref<327680x16xf32, #tpu.memory_space<hbm>> -> memref<128x16xf32, #tpu.memory_space<hbm>>
      tpu.wait_dma2 semaphore(%arg45 : memref<!tpu.dma_semaphore, #tpu.memory_space<semaphore_mem>>) src(%dma_wait3A_143 : memref<128x16xf32, #tpu.memory_space<hbm>>) dst(%arg23 : memref<128x16xf32, #tpu.memory_space<vmem>>)
      %dma_start3A_144 = arith.constant 0 : i32
      %dma_start3A_145 = arith.constant 0 : i32
      %dma_start3A_146 = tpu.memref_slice %arg13[%dma_start3A_144, %dma_start3A_145] : memref<10240x16xf32, #tpu.memory_space<vmem_shared>> -> memref<10240x16xf32, #tpu.memory_space<vmem_shared>>
      tpu.enqueue_indirect_dma source(%arg23 : memref<128x16xf32, #tpu.memory_space<vmem>>) target(%dma_start3A_146 : memref<10240x16xf32, #tpu.memory_space<vmem_shared>>) offsets(%arg19 : memref<128xi32, #tpu.memory_space<vmem>>) semaphore(%arg41 : memref<!tpu.dma_semaphore, #tpu.memory_space<semaphore_mem>>) {add = true}
    }
    %scan3A_48 = arith.constant 80 : i32
    %dma_wait3A = arith.constant 0 : i32
    %dma_wait3A_49 = arith.constant 0 : i32
    %dma_wait3A_50 = tpu.memref_slice %arg13[%dma_wait3A, %dma_wait3A_49] : memref<10240x16xf32, #tpu.memory_space<vmem_shared>> -> memref<10240x16xf32, #tpu.memory_space<vmem_shared>>
    tpu.wait_indirect_dma semaphore(%arg40 : memref<!tpu.dma_semaphore, #tpu.memory_space<semaphore_mem>>) src(%arg22 : memref<128x16xf32, #tpu.memory_space<vmem>>) dst(%dma_wait3A_50 : memref<10240x16xf32, #tpu.memory_space<vmem_shared>>)
    %dma_wait3A_51 = arith.constant 0 : i32
    %dma_wait3A_52 = arith.constant 0 : i32
    %dma_wait3A_53 = tpu.memref_slice %arg13[%dma_wait3A_51, %dma_wait3A_52] : memref<10240x16xf32, #tpu.memory_space<vmem_shared>> -> memref<10240x16xf32, #tpu.memory_space<vmem_shared>>
    tpu.wait_indirect_dma semaphore(%arg41 : memref<!tpu.dma_semaphore, #tpu.memory_space<semaphore_mem>>) src(%arg23 : memref<128x16xf32, #tpu.memory_space<vmem>>) dst(%dma_wait3A_53 : memref<10240x16xf32, #tpu.memory_space<vmem_shared>>)
    %barrier3A_54 = arith.constant 0 : index
    tpu.barrier barrier_id(%barrier3A_54)
    %add3A_55 = arith.constant 0 : i32
    %add3A_56 = arith.addi %mul3A_2, %add3A_55 : i32
    %dma_start3A_57 = tpu.memref_slice %arg4[%add3A_56] : memref<327680xi32, #tpu.memory_space<hbm>> -> memref<128xi32, #tpu.memory_space<hbm>>
    %dma_start3A_58 = tpu.memref_slice %arg4[%add3A_56] : memref<327680xi32, #tpu.memory_space<hbm>> -> memref<128xi32, #tpu.memory_space<hbm>>
    tpu.enqueue_dma source(%dma_start3A_58 : memref<128xi32, #tpu.memory_space<hbm>>) target(%arg18 : memref<128xi32, #tpu.memory_space<vmem>>) target_semaphore(%arg48 : memref<!tpu.dma_semaphore, #tpu.memory_space<semaphore_mem>>)
    %add3A_59 = arith.constant 0 : i32
    %add3A_60 = arith.addi %mul3A_2, %add3A_59 : i32
    %dma_wait3A_61 = tpu.memref_slice %arg4[%add3A_60] : memref<327680xi32, #tpu.memory_space<hbm>> -> memref<128xi32, #tpu.memory_space<hbm>>
    %dma_wait3A_62 = tpu.memref_slice %arg4[%add3A_60] : memref<327680xi32, #tpu.memory_space<hbm>> -> memref<128xi32, #tpu.memory_space<hbm>>
    tpu.wait_dma2 semaphore(%arg48 : memref<!tpu.dma_semaphore, #tpu.memory_space<semaphore_mem>>) src(%dma_wait3A_62 : memref<128xi32, #tpu.memory_space<hbm>>) dst(%arg18 : memref<128xi32, #tpu.memory_space<vmem>>)
    %add3A_63 = arith.constant 0 : i32
    %add3A_64 = arith.addi %mul3A_2, %add3A_63 : i32
    %dma_start3A_65 = arith.constant 0 : i32
    %dma_start3A_66 = tpu.memref_slice %arg5[%add3A_64, %dma_start3A_65] : memref<327680x16xf32, #tpu.memory_space<hbm>> -> memref<128x16xf32, #tpu.memory_space<hbm>>
    %dma_start3A_67 = arith.constant 0 : i32
    %dma_start3A_68 = tpu.memref_slice %arg5[%add3A_64, %dma_start3A_67] : memref<327680x16xf32, #tpu.memory_space<hbm>> -> memref<128x16xf32, #tpu.memory_space<hbm>>
    tpu.enqueue_dma source(%dma_start3A_68 : memref<128x16xf32, #tpu.memory_space<hbm>>) target(%arg22 : memref<128x16xf32, #tpu.memory_space<vmem>>) target_semaphore(%arg44 : memref<!tpu.dma_semaphore, #tpu.memory_space<semaphore_mem>>)
    %dma_start3A_69 = arith.constant 0 : i32
    %dma_start3A_70 = arith.constant 0 : i32
    %dma_start3A_71 = tpu.memref_slice %arg13[%dma_start3A_69, %dma_start3A_70] : memref<10240x16xf32, #tpu.memory_space<vmem_shared>> -> memref<10240x16xf32, #tpu.memory_space<vmem_shared>>
    tpu.enqueue_indirect_dma source(%dma_start3A_71 : memref<10240x16xf32, #tpu.memory_space<vmem_shared>>) target(%arg26 : memref<128x16xf32, #tpu.memory_space<vmem>>) offsets(%arg18 : memref<128xi32, #tpu.memory_space<vmem>>) semaphore(%arg36 : memref<!tpu.dma_semaphore, #tpu.memory_space<semaphore_mem>>)
    %scan3A_72 = arith.constant 0 : i32
    %scan3A_73 = arith.constant 0 : i32
    %scan3A_74 = arith.constant 80 : i32
    %scan3A_75 = arith.addi %scan3A_73, %scan3A_74 : i32
    %scan3A_76 = arith.constant 1 : i32
    scf.for %scan3A_97 = %scan3A_73 to %scan3A_75 step %scan3A_76  : i32 {
      %mul3A_98 = arith.constant 2 : i32
      %mul3A_99 = arith.muli %mul3A_98, %scan3A_97 : i32
      %add3A_100 = arith.constant 0 : i32
      %add3A_101 = arith.addi %mul3A_99, %add3A_100 : i32
      %add3A_102 = arith.constant 1 : i32
      %add3A_103 = arith.addi %add3A_101, %add3A_102 : i32
      %lt3A = arith.constant 160 : i32
      %lt3A_104 = arith.cmpi slt, %add3A_103, %lt3A : i32
      %convert_element_type3A = arith.extui %lt3A_104 : i1 to i32
      %cond3A = arith.constant 0 : i32
      %cond3A_105 = arith.cmpi ne, %convert_element_type3A, %cond3A : i32
      scf.if %cond3A_105 {
        %ge3A = arith.constant 1 : i32
        %ge3A_163 = arith.cmpi sge, %add3A_101, %ge3A : i32
        %convert_element_type3A_164 = arith.extui %ge3A_163 : i1 to i32
        %cond3A_165 = arith.constant 0 : i32
        %cond3A_166 = arith.cmpi ne, %convert_element_type3A_164, %cond3A_165 : i32
        scf.if %cond3A_166 {
          %sub3A = arith.constant 1 : i32
          %sub3A_193 = arith.subi %add3A_101, %sub3A : i32
          %mul3A_194 = arith.constant 128 : i32
          %mul3A_195 = arith.muli %sub3A_193, %mul3A_194 : i32
          %add3A_196 = arith.addi %mul3A_2, %mul3A_195 : i32
          %dma_wait3A_197 = arith.constant 0 : i32
          %dma_wait3A_198 = tpu.memref_slice %arg11[%add3A_196, %dma_wait3A_197] : memref<327680x16xf32, #tpu.memory_space<hbm>> -> memref<128x16xf32, #tpu.memory_space<hbm>>
          %dma_wait3A_199 = arith.constant 0 : i32
          %dma_wait3A_200 = tpu.memref_slice %arg11[%add3A_196, %dma_wait3A_199] : memref<327680x16xf32, #tpu.memory_space<hbm>> -> memref<128x16xf32, #tpu.memory_space<hbm>>
          tpu.wait_dma2 semaphore(%arg39 : memref<!tpu.dma_semaphore, #tpu.memory_space<semaphore_mem>>) src(%arg23 : memref<128x16xf32, #tpu.memory_space<vmem>>) dst(%dma_wait3A_200 : memref<128x16xf32, #tpu.memory_space<hbm>>)
        } else {
        }
        %add3A_167 = arith.constant 1 : i32
        %add3A_168 = arith.addi %add3A_101, %add3A_167 : i32
        %mul3A_169 = arith.constant 128 : i32
        %mul3A_170 = arith.muli %add3A_168, %mul3A_169 : i32
        %add3A_171 = arith.addi %mul3A_2, %mul3A_170 : i32
        %dma_start3A_172 = tpu.memref_slice %arg4[%add3A_171] : memref<327680xi32, #tpu.memory_space<hbm>> -> memref<128xi32, #tpu.memory_space<hbm>>
        %dma_start3A_173 = tpu.memref_slice %arg4[%add3A_171] : memref<327680xi32, #tpu.memory_space<hbm>> -> memref<128xi32, #tpu.memory_space<hbm>>
        tpu.enqueue_dma source(%dma_start3A_173 : memref<128xi32, #tpu.memory_space<hbm>>) target(%arg19 : memref<128xi32, #tpu.memory_space<vmem>>) target_semaphore(%arg49 : memref<!tpu.dma_semaphore, #tpu.memory_space<semaphore_mem>>)
        %add3A_174 = arith.constant 1 : i32
        %add3A_175 = arith.addi %add3A_101, %add3A_174 : i32
        %mul3A_176 = arith.constant 128 : i32
        %mul3A_177 = arith.muli %add3A_175, %mul3A_176 : i32
        %add3A_178 = arith.addi %mul3A_2, %mul3A_177 : i32
        %dma_start3A_179 = arith.constant 0 : i32
        %dma_start3A_180 = tpu.memref_slice %arg5[%add3A_178, %dma_start3A_179] : memref<327680x16xf32, #tpu.memory_space<hbm>> -> memref<128x16xf32, #tpu.memory_space<hbm>>
        %dma_start3A_181 = arith.constant 0 : i32
        %dma_start3A_182 = tpu.memref_slice %arg5[%add3A_178, %dma_start3A_181] : memref<327680x16xf32, #tpu.memory_space<hbm>> -> memref<128x16xf32, #tpu.memory_space<hbm>>
        tpu.enqueue_dma source(%dma_start3A_182 : memref<128x16xf32, #tpu.memory_space<hbm>>) target(%arg23 : memref<128x16xf32, #tpu.memory_space<vmem>>) target_semaphore(%arg45 : memref<!tpu.dma_semaphore, #tpu.memory_space<semaphore_mem>>)
        %add3A_183 = arith.constant 1 : i32
        %add3A_184 = arith.addi %add3A_101, %add3A_183 : i32
        %mul3A_185 = arith.constant 128 : i32
        %mul3A_186 = arith.muli %add3A_184, %mul3A_185 : i32
        %add3A_187 = arith.addi %mul3A_2, %mul3A_186 : i32
        %dma_wait3A_188 = tpu.memref_slice %arg4[%add3A_187] : memref<327680xi32, #tpu.memory_space<hbm>> -> memref<128xi32, #tpu.memory_space<hbm>>
        %dma_wait3A_189 = tpu.memref_slice %arg4[%add3A_187] : memref<327680xi32, #tpu.memory_space<hbm>> -> memref<128xi32, #tpu.memory_space<hbm>>
        tpu.wait_dma2 semaphore(%arg49 : memref<!tpu.dma_semaphore, #tpu.memory_space<semaphore_mem>>) src(%dma_wait3A_189 : memref<128xi32, #tpu.memory_space<hbm>>) dst(%arg19 : memref<128xi32, #tpu.memory_space<vmem>>)
        %dma_start3A_190 = arith.constant 0 : i32
        %dma_start3A_191 = arith.constant 0 : i32
        %dma_start3A_192 = tpu.memref_slice %arg13[%dma_start3A_190, %dma_start3A_191] : memref<10240x16xf32, #tpu.memory_space<vmem_shared>> -> memref<10240x16xf32, #tpu.memory_space<vmem_shared>>
        tpu.enqueue_indirect_dma source(%dma_start3A_192 : memref<10240x16xf32, #tpu.memory_space<vmem_shared>>) target(%arg27 : memref<128x16xf32, #tpu.memory_space<vmem>>) offsets(%arg19 : memref<128xi32, #tpu.memory_space<vmem>>) semaphore(%arg37 : memref<!tpu.dma_semaphore, #tpu.memory_space<semaphore_mem>>)
      } else {
      }
      %mul3A_106 = arith.constant 128 : i32
      %mul3A_107 = arith.muli %add3A_101, %mul3A_106 : i32
      %add3A_108 = arith.addi %mul3A_2, %mul3A_107 : i32
      %dma_wait3A_109 = arith.constant 0 : i32
      %dma_wait3A_110 = tpu.memref_slice %arg5[%add3A_108, %dma_wait3A_109] : memref<327680x16xf32, #tpu.memory_space<hbm>> -> memref<128x16xf32, #tpu.memory_space<hbm>>
      %dma_wait3A_111 = arith.constant 0 : i32
      %dma_wait3A_112 = tpu.memref_slice %arg5[%add3A_108, %dma_wait3A_111] : memref<327680x16xf32, #tpu.memory_space<hbm>> -> memref<128x16xf32, #tpu.memory_space<hbm>>
      tpu.wait_dma2 semaphore(%arg44 : memref<!tpu.dma_semaphore, #tpu.memory_space<semaphore_mem>>) src(%dma_wait3A_112 : memref<128x16xf32, #tpu.memory_space<hbm>>) dst(%arg22 : memref<128x16xf32, #tpu.memory_space<vmem>>)
      %dma_wait3A_113 = arith.constant 0 : i32
      %dma_wait3A_114 = arith.constant 0 : i32
      %dma_wait3A_115 = tpu.memref_slice %arg13[%dma_wait3A_113, %dma_wait3A_114] : memref<10240x16xf32, #tpu.memory_space<vmem_shared>> -> memref<10240x16xf32, #tpu.memory_space<vmem_shared>>
      tpu.wait_indirect_dma semaphore(%arg36 : memref<!tpu.dma_semaphore, #tpu.memory_space<semaphore_mem>>) src(%dma_wait3A_115 : memref<10240x16xf32, #tpu.memory_space<vmem_shared>>) dst(%arg26 : memref<128x16xf32, #tpu.memory_space<vmem>>)
      %scan3A_116 = arith.constant 0 : i32
      %scan3A_117 = arith.constant 0 : i32
      %scan3A_118 = arith.constant 64 : i32
      %scan3A_119 = arith.addi %scan3A_117, %scan3A_118 : i32
      %scan3A_120 = arith.constant 1 : i32
      scf.for %scan3A_163 = %scan3A_117 to %scan3A_119 step %scan3A_120  : i32 {
        %get3A = arith.constant 0 : index
        %get3A_164 = tpu.vector_load %arg34[%get3A] {strides = array<i32>} : memref<16xf32, #tpu.memory_space<vmem>>, vector<16xf32>,
        %get3A_165 = vector.shape_cast %get3A_164 : vector<16xf32> to vector<16xf32>
        %mul3A_166 = arith.constant 2 : i32
        %mul3A_167 = arith.muli %scan3A_163, %mul3A_166 : i32
        %add3A_168 = arith.constant 0 : i32
        %add3A_169 = arith.addi %mul3A_167, %add3A_168 : i32
        %get3A_170 = arith.index_cast %add3A_169 : i32 to index
        %get3A_171 = arith.constant 0 : index
        %get3A_172 = tpu.vector_load %arg22[%get3A_170, %get3A_171] {strides = array<i32>} : memref<128x16xf32, #tpu.memory_space<vmem>>, vector<1x16xf32>,
        %get3A_173 = vector.shape_cast %get3A_172 : vector<1x16xf32> to vector<16xf32>
        %mul3A_174 = arith.mulf %get3A_165, %get3A_173 : vector<16xf32>
        %get3A_175 = arith.index_cast %add3A_169 : i32 to index
        %get3A_176 = arith.constant 0 : index
        %get3A_177 = tpu.vector_load %arg26[%get3A_175, %get3A_176] {strides = array<i32>} : memref<128x16xf32, #tpu.memory_space<vmem>>, vector<1x16xf32>,
        %get3A_178 = vector.shape_cast %get3A_177 : vector<1x16xf32> to vector<16xf32>
        %add3A_179 = arith.constant 9.99999993E-9 : f32
        %add3A_180 = vector.broadcast %add3A_179 : f32 to vector<16xf32>
        %add3A_181 = arith.addf %get3A_178, %add3A_180 : vector<16xf32>
        %div3A = arith.divf %mul3A_174, %add3A_181 : vector<16xf32>
        %swap3A = arith.index_cast %add3A_169 : i32 to index
        %swap3A_182 = arith.constant 0 : index
        %swap3A_183 = tpu.vector_load %arg22[%swap3A, %swap3A_182] {strides = array<i32>} : memref<128x16xf32, #tpu.memory_space<vmem>>, vector<1x16xf32>,
        %swap3A_184 = vector.shape_cast %swap3A_183 : vector<1x16xf32> to vector<16xf32>
        %swap3A_185 = vector.shape_cast %div3A : vector<16xf32> to vector<1x16xf32>
        tpu.vector_store %arg22[%swap3A, %swap3A_182], %swap3A_185 {strides = array<i32>} : memref<128x16xf32, #tpu.memory_space<vmem>>, vector<1x16xf32>,
        %mul3A_186 = arith.constant 2 : i32
        %mul3A_187 = arith.muli %scan3A_163, %mul3A_186 : i32
        %add3A_188 = arith.constant 1 : i32
        %add3A_189 = arith.addi %mul3A_187, %add3A_188 : i32
        %get3A_190 = arith.index_cast %add3A_189 : i32 to index
        %get3A_191 = arith.constant 0 : index
        %get3A_192 = tpu.vector_load %arg22[%get3A_190, %get3A_191] {strides = array<i32>} : memref<128x16xf32, #tpu.memory_space<vmem>>, vector<1x16xf32>,
        %get3A_193 = vector.shape_cast %get3A_192 : vector<1x16xf32> to vector<16xf32>
        %mul3A_194 = arith.mulf %get3A_165, %get3A_193 : vector<16xf32>
        %get3A_195 = arith.index_cast %add3A_189 : i32 to index
        %get3A_196 = arith.constant 0 : index
        %get3A_197 = tpu.vector_load %arg26[%get3A_195, %get3A_196] {strides = array<i32>} : memref<128x16xf32, #tpu.memory_space<vmem>>, vector<1x16xf32>,
        %get3A_198 = vector.shape_cast %get3A_197 : vector<1x16xf32> to vector<16xf32>
        %add3A_199 = arith.constant 9.99999993E-9 : f32
        %add3A_200 = vector.broadcast %add3A_199 : f32 to vector<16xf32>
        %add3A_201 = arith.addf %get3A_198, %add3A_200 : vector<16xf32>
        %div3A_202 = arith.divf %mul3A_194, %add3A_201 : vector<16xf32>
        %swap3A_203 = arith.index_cast %add3A_189 : i32 to index
        %swap3A_204 = arith.constant 0 : index
        %swap3A_205 = tpu.vector_load %arg22[%swap3A_203, %swap3A_204] {strides = array<i32>} : memref<128x16xf32, #tpu.memory_space<vmem>>, vector<1x16xf32>,
        %swap3A_206 = vector.shape_cast %swap3A_205 : vector<1x16xf32> to vector<16xf32>
        %swap3A_207 = vector.shape_cast %div3A_202 : vector<16xf32> to vector<1x16xf32>
        tpu.vector_store %arg22[%swap3A_203, %swap3A_204], %swap3A_207 {strides = array<i32>} : memref<128x16xf32, #tpu.memory_space<vmem>>, vector<1x16xf32>,
      }
      %scan3A_121 = arith.constant 64 : i32
      %mul3A_122 = arith.constant 128 : i32
      %mul3A_123 = arith.muli %add3A_101, %mul3A_122 : i32
      %add3A_124 = arith.addi %mul3A_2, %mul3A_123 : i32
      %dma_start3A_125 = arith.constant 0 : i32
      %dma_start3A_126 = tpu.memref_slice %arg11[%add3A_124, %dma_start3A_125] : memref<327680x16xf32, #tpu.memory_space<hbm>> -> memref<128x16xf32, #tpu.memory_space<hbm>>
      %dma_start3A_127 = arith.constant 0 : i32
      %dma_start3A_128 = tpu.memref_slice %arg11[%add3A_124, %dma_start3A_127] : memref<327680x16xf32, #tpu.memory_space<hbm>> -> memref<128x16xf32, #tpu.memory_space<hbm>>
      tpu.enqueue_dma source(%arg22 : memref<128x16xf32, #tpu.memory_space<vmem>>) target(%dma_start3A_128 : memref<128x16xf32, #tpu.memory_space<hbm>>) target_semaphore(%arg38 : memref<!tpu.dma_semaphore, #tpu.memory_space<semaphore_mem>>)
      %mul3A_129 = arith.constant 2 : i32
      %mul3A_130 = arith.muli %mul3A_129, %scan3A_97 : i32
      %add3A_131 = arith.constant 1 : i32
      %add3A_132 = arith.addi %mul3A_130, %add3A_131 : i32
      %add3A_133 = arith.constant 1 : i32
      %add3A_134 = arith.addi %add3A_132, %add3A_133 : i32
      %lt3A_135 = arith.constant 160 : i32
      %lt3A_136 = arith.cmpi slt, %add3A_134, %lt3A_135 : i32
      %convert_element_type3A_137 = arith.extui %lt3A_136 : i1 to i32
      %cond3A_138 = arith.constant 0 : i32
      %cond3A_139 = arith.cmpi ne, %convert_element_type3A_137, %cond3A_138 : i32
      scf.if %cond3A_139 {
        %ge3A = arith.constant 1 : i32
        %ge3A_163 = arith.cmpi sge, %add3A_132, %ge3A : i32
        %convert_element_type3A_164 = arith.extui %ge3A_163 : i1 to i32
        %cond3A_165 = arith.constant 0 : i32
        %cond3A_166 = arith.cmpi ne, %convert_element_type3A_164, %cond3A_165 : i32
        scf.if %cond3A_166 {
          %sub3A = arith.constant 1 : i32
          %sub3A_193 = arith.subi %add3A_132, %sub3A : i32
          %mul3A_194 = arith.constant 128 : i32
          %mul3A_195 = arith.muli %sub3A_193, %mul3A_194 : i32
          %add3A_196 = arith.addi %mul3A_2, %mul3A_195 : i32
          %dma_wait3A_197 = arith.constant 0 : i32
          %dma_wait3A_198 = tpu.memref_slice %arg11[%add3A_196, %dma_wait3A_197] : memref<327680x16xf32, #tpu.memory_space<hbm>> -> memref<128x16xf32, #tpu.memory_space<hbm>>
          %dma_wait3A_199 = arith.constant 0 : i32
          %dma_wait3A_200 = tpu.memref_slice %arg11[%add3A_196, %dma_wait3A_199] : memref<327680x16xf32, #tpu.memory_space<hbm>> -> memref<128x16xf32, #tpu.memory_space<hbm>>
          tpu.wait_dma2 semaphore(%arg38 : memref<!tpu.dma_semaphore, #tpu.memory_space<semaphore_mem>>) src(%arg22 : memref<128x16xf32, #tpu.memory_space<vmem>>) dst(%dma_wait3A_200 : memref<128x16xf32, #tpu.memory_space<hbm>>)
        } else {
        }
        %add3A_167 = arith.constant 1 : i32
        %add3A_168 = arith.addi %add3A_132, %add3A_167 : i32
        %mul3A_169 = arith.constant 128 : i32
        %mul3A_170 = arith.muli %add3A_168, %mul3A_169 : i32
        %add3A_171 = arith.addi %mul3A_2, %mul3A_170 : i32
        %dma_start3A_172 = tpu.memref_slice %arg4[%add3A_171] : memref<327680xi32, #tpu.memory_space<hbm>> -> memref<128xi32, #tpu.memory_space<hbm>>
        %dma_start3A_173 = tpu.memref_slice %arg4[%add3A_171] : memref<327680xi32, #tpu.memory_space<hbm>> -> memref<128xi32, #tpu.memory_space<hbm>>
        tpu.enqueue_dma source(%dma_start3A_173 : memref<128xi32, #tpu.memory_space<hbm>>) target(%arg18 : memref<128xi32, #tpu.memory_space<vmem>>) target_semaphore(%arg48 : memref<!tpu.dma_semaphore, #tpu.memory_space<semaphore_mem>>)
        %add3A_174 = arith.constant 1 : i32
        %add3A_175 = arith.addi %add3A_132, %add3A_174 : i32
        %mul3A_176 = arith.constant 128 : i32
        %mul3A_177 = arith.muli %add3A_175, %mul3A_176 : i32
        %add3A_178 = arith.addi %mul3A_2, %mul3A_177 : i32
        %dma_start3A_179 = arith.constant 0 : i32
        %dma_start3A_180 = tpu.memref_slice %arg5[%add3A_178, %dma_start3A_179] : memref<327680x16xf32, #tpu.memory_space<hbm>> -> memref<128x16xf32, #tpu.memory_space<hbm>>
        %dma_start3A_181 = arith.constant 0 : i32
        %dma_start3A_182 = tpu.memref_slice %arg5[%add3A_178, %dma_start3A_181] : memref<327680x16xf32, #tpu.memory_space<hbm>> -> memref<128x16xf32, #tpu.memory_space<hbm>>
        tpu.enqueue_dma source(%dma_start3A_182 : memref<128x16xf32, #tpu.memory_space<hbm>>) target(%arg22 : memref<128x16xf32, #tpu.memory_space<vmem>>) target_semaphore(%arg44 : memref<!tpu.dma_semaphore, #tpu.memory_space<semaphore_mem>>)
        %add3A_183 = arith.constant 1 : i32
        %add3A_184 = arith.addi %add3A_132, %add3A_183 : i32
        %mul3A_185 = arith.constant 128 : i32
        %mul3A_186 = arith.muli %add3A_184, %mul3A_185 : i32
        %add3A_187 = arith.addi %mul3A_2, %mul3A_186 : i32
        %dma_wait3A_188 = tpu.memref_slice %arg4[%add3A_187] : memref<327680xi32, #tpu.memory_space<hbm>> -> memref<128xi32, #tpu.memory_space<hbm>>
        %dma_wait3A_189 = tpu.memref_slice %arg4[%add3A_187] : memref<327680xi32, #tpu.memory_space<hbm>> -> memref<128xi32, #tpu.memory_space<hbm>>
        tpu.wait_dma2 semaphore(%arg48 : memref<!tpu.dma_semaphore, #tpu.memory_space<semaphore_mem>>) src(%dma_wait3A_189 : memref<128xi32, #tpu.memory_space<hbm>>) dst(%arg18 : memref<128xi32, #tpu.memory_space<vmem>>)
        %dma_start3A_190 = arith.constant 0 : i32
        %dma_start3A_191 = arith.constant 0 : i32
        %dma_start3A_192 = tpu.memref_slice %arg13[%dma_start3A_190, %dma_start3A_191] : memref<10240x16xf32, #tpu.memory_space<vmem_shared>> -> memref<10240x16xf32, #tpu.memory_space<vmem_shared>>
        tpu.enqueue_indirect_dma source(%dma_start3A_192 : memref<10240x16xf32, #tpu.memory_space<vmem_shared>>) target(%arg26 : memref<128x16xf32, #tpu.memory_space<vmem>>) offsets(%arg18 : memref<128xi32, #tpu.memory_space<vmem>>) semaphore(%arg36 : memref<!tpu.dma_semaphore, #tpu.memory_space<semaphore_mem>>)
      } else {
      }
      %mul3A_140 = arith.constant 128 : i32
      %mul3A_141 = arith.muli %add3A_132, %mul3A_140 : i32
      %add3A_142 = arith.addi %mul3A_2, %mul3A_141 : i32
      %dma_wait3A_143 = arith.constant 0 : i32
      %dma_wait3A_144 = tpu.memref_slice %arg5[%add3A_142, %dma_wait3A_143] : memref<327680x16xf32, #tpu.memory_space<hbm>> -> memref<128x16xf32, #tpu.memory_space<hbm>>
      %dma_wait3A_145 = arith.constant 0 : i32
      %dma_wait3A_146 = tpu.memref_slice %arg5[%add3A_142, %dma_wait3A_145] : memref<327680x16xf32, #tpu.memory_space<hbm>> -> memref<128x16xf32, #tpu.memory_space<hbm>>
      tpu.wait_dma2 semaphore(%arg45 : memref<!tpu.dma_semaphore, #tpu.memory_space<semaphore_mem>>) src(%dma_wait3A_146 : memref<128x16xf32, #tpu.memory_space<hbm>>) dst(%arg23 : memref<128x16xf32, #tpu.memory_space<vmem>>)
      %dma_wait3A_147 = arith.constant 0 : i32
      %dma_wait3A_148 = arith.constant 0 : i32
      %dma_wait3A_149 = tpu.memref_slice %arg13[%dma_wait3A_147, %dma_wait3A_148] : memref<10240x16xf32, #tpu.memory_space<vmem_shared>> -> memref<10240x16xf32, #tpu.memory_space<vmem_shared>>
      tpu.wait_indirect_dma semaphore(%arg37 : memref<!tpu.dma_semaphore, #tpu.memory_space<semaphore_mem>>) src(%dma_wait3A_149 : memref<10240x16xf32, #tpu.memory_space<vmem_shared>>) dst(%arg27 : memref<128x16xf32, #tpu.memory_space<vmem>>)
      %scan3A_150 = arith.constant 0 : i32
      %scan3A_151 = arith.constant 0 : i32
      %scan3A_152 = arith.constant 64 : i32
      %scan3A_153 = arith.addi %scan3A_151, %scan3A_152 : i32
      %scan3A_154 = arith.constant 1 : i32
      scf.for %scan3A_163 = %scan3A_151 to %scan3A_153 step %scan3A_154  : i32 {
        %get3A = arith.constant 0 : index
        %get3A_164 = tpu.vector_load %arg34[%get3A] {strides = array<i32>} : memref<16xf32, #tpu.memory_space<vmem>>, vector<16xf32>,
        %get3A_165 = vector.shape_cast %get3A_164 : vector<16xf32> to vector<16xf32>
        %mul3A_166 = arith.constant 2 : i32
        %mul3A_167 = arith.muli %scan3A_163, %mul3A_166 : i32
        %add3A_168 = arith.constant 0 : i32
        %add3A_169 = arith.addi %mul3A_167, %add3A_168 : i32
        %get3A_170 = arith.index_cast %add3A_169 : i32 to index
        %get3A_171 = arith.constant 0 : index
        %get3A_172 = tpu.vector_load %arg23[%get3A_170, %get3A_171] {strides = array<i32>} : memref<128x16xf32, #tpu.memory_space<vmem>>, vector<1x16xf32>,
        %get3A_173 = vector.shape_cast %get3A_172 : vector<1x16xf32> to vector<16xf32>
        %mul3A_174 = arith.mulf %get3A_165, %get3A_173 : vector<16xf32>
        %get3A_175 = arith.index_cast %add3A_169 : i32 to index
        %get3A_176 = arith.constant 0 : index
        %get3A_177 = tpu.vector_load %arg27[%get3A_175, %get3A_176] {strides = array<i32>} : memref<128x16xf32, #tpu.memory_space<vmem>>, vector<1x16xf32>,
        %get3A_178 = vector.shape_cast %get3A_177 : vector<1x16xf32> to vector<16xf32>
        %add3A_179 = arith.constant 9.99999993E-9 : f32
        %add3A_180 = vector.broadcast %add3A_179 : f32 to vector<16xf32>
        %add3A_181 = arith.addf %get3A_178, %add3A_180 : vector<16xf32>
        %div3A = arith.divf %mul3A_174, %add3A_181 : vector<16xf32>
        %swap3A = arith.index_cast %add3A_169 : i32 to index
        %swap3A_182 = arith.constant 0 : index
        %swap3A_183 = tpu.vector_load %arg23[%swap3A, %swap3A_182] {strides = array<i32>} : memref<128x16xf32, #tpu.memory_space<vmem>>, vector<1x16xf32>,
        %swap3A_184 = vector.shape_cast %swap3A_183 : vector<1x16xf32> to vector<16xf32>
        %swap3A_185 = vector.shape_cast %div3A : vector<16xf32> to vector<1x16xf32>
        tpu.vector_store %arg23[%swap3A, %swap3A_182], %swap3A_185 {strides = array<i32>} : memref<128x16xf32, #tpu.memory_space<vmem>>, vector<1x16xf32>,
        %mul3A_186 = arith.constant 2 : i32
        %mul3A_187 = arith.muli %scan3A_163, %mul3A_186 : i32
        %add3A_188 = arith.constant 1 : i32
        %add3A_189 = arith.addi %mul3A_187, %add3A_188 : i32
        %get3A_190 = arith.index_cast %add3A_189 : i32 to index
        %get3A_191 = arith.constant 0 : index
        %get3A_192 = tpu.vector_load %arg23[%get3A_190, %get3A_191] {strides = array<i32>} : memref<128x16xf32, #tpu.memory_space<vmem>>, vector<1x16xf32>,
        %get3A_193 = vector.shape_cast %get3A_192 : vector<1x16xf32> to vector<16xf32>
        %mul3A_194 = arith.mulf %get3A_165, %get3A_193 : vector<16xf32>
        %get3A_195 = arith.index_cast %add3A_189 : i32 to index
        %get3A_196 = arith.constant 0 : index
        %get3A_197 = tpu.vector_load %arg27[%get3A_195, %get3A_196] {strides = array<i32>} : memref<128x16xf32, #tpu.memory_space<vmem>>, vector<1x16xf32>,
        %get3A_198 = vector.shape_cast %get3A_197 : vector<1x16xf32> to vector<16xf32>
        %add3A_199 = arith.constant 9.99999993E-9 : f32
        %add3A_200 = vector.broadcast %add3A_199 : f32 to vector<16xf32>
        %add3A_201 = arith.addf %get3A_198, %add3A_200 : vector<16xf32>
        %div3A_202 = arith.divf %mul3A_194, %add3A_201 : vector<16xf32>
        %swap3A_203 = arith.index_cast %add3A_189 : i32 to index
        %swap3A_204 = arith.constant 0 : index
        %swap3A_205 = tpu.vector_load %arg23[%swap3A_203, %swap3A_204] {strides = array<i32>} : memref<128x16xf32, #tpu.memory_space<vmem>>, vector<1x16xf32>,
        %swap3A_206 = vector.shape_cast %swap3A_205 : vector<1x16xf32> to vector<16xf32>
        %swap3A_207 = vector.shape_cast %div3A_202 : vector<16xf32> to vector<1x16xf32>
        tpu.vector_store %arg23[%swap3A_203, %swap3A_204], %swap3A_207 {strides = array<i32>} : memref<128x16xf32, #tpu.memory_space<vmem>>, vector<1x16xf32>,
      }
      %scan3A_155 = arith.constant 64 : i32
      %mul3A_156 = arith.constant 128 : i32
      %mul3A_157 = arith.muli %add3A_132, %mul3A_156 : i32
      %add3A_158 = arith.addi %mul3A_2, %mul3A_157 : i32
      %dma_start3A_159 = arith.constant 0 : i32
      %dma_start3A_160 = tpu.memref_slice %arg11[%add3A_158, %dma_start3A_159] : memref<327680x16xf32, #tpu.memory_space<hbm>> -> memref<128x16xf32, #tpu.memory_space<hbm>>
      %dma_start3A_161 = arith.constant 0 : i32
      %dma_start3A_162 = tpu.memref_slice %arg11[%add3A_158, %dma_start3A_161] : memref<327680x16xf32, #tpu.memory_space<hbm>> -> memref<128x16xf32, #tpu.memory_space<hbm>>
      tpu.enqueue_dma source(%arg23 : memref<128x16xf32, #tpu.memory_space<vmem>>) target(%dma_start3A_162 : memref<128x16xf32, #tpu.memory_space<hbm>>) target_semaphore(%arg39 : memref<!tpu.dma_semaphore, #tpu.memory_space<semaphore_mem>>)
    }
    %scan3A_77 = arith.constant 80 : i32
    %add3A_78 = arith.constant 20224 : i32
    %add3A_79 = arith.addi %mul3A_2, %add3A_78 : i32
    %dma_wait3A_80 = arith.constant 0 : i32
    %dma_wait3A_81 = tpu.memref_slice %arg11[%add3A_79, %dma_wait3A_80] : memref<327680x16xf32, #tpu.memory_space<hbm>> -> memref<128x16xf32, #tpu.memory_space<hbm>>
    %dma_wait3A_82 = arith.constant 0 : i32
    %dma_wait3A_83 = tpu.memref_slice %arg11[%add3A_79, %dma_wait3A_82] : memref<327680x16xf32, #tpu.memory_space<hbm>> -> memref<128x16xf32, #tpu.memory_space<hbm>>
    tpu.wait_dma2 semaphore(%arg38 : memref<!tpu.dma_semaphore, #tpu.memory_space<semaphore_mem>>) src(%arg22 : memref<128x16xf32, #tpu.memory_space<vmem>>) dst(%dma_wait3A_83 : memref<128x16xf32, #tpu.memory_space<hbm>>)
    %add3A_84 = arith.constant 20352 : i32
    %add3A_85 = arith.addi %mul3A_2, %add3A_84 : i32
    %dma_wait3A_86 = arith.constant 0 : i32
    %dma_wait3A_87 = tpu.memref_slice %arg11[%add3A_85, %dma_wait3A_86] : memref<327680x16xf32, #tpu.memory_space<hbm>> -> memref<128x16xf32, #tpu.memory_space<hbm>>
    %dma_wait3A_88 = arith.constant 0 : i32
    %dma_wait3A_89 = tpu.memref_slice %arg11[%add3A_85, %dma_wait3A_88] : memref<327680x16xf32, #tpu.memory_space<hbm>> -> memref<128x16xf32, #tpu.memory_space<hbm>>
    tpu.wait_dma2 semaphore(%arg39 : memref<!tpu.dma_semaphore, #tpu.memory_space<semaphore_mem>>) src(%arg23 : memref<128x16xf32, #tpu.memory_space<vmem>>) dst(%dma_wait3A_89 : memref<128x16xf32, #tpu.memory_space<hbm>>)
    %barrier3A_90 = arith.constant 0 : index
    tpu.barrier barrier_id(%barrier3A_90)
    %scan3A_91 = arith.constant 0 : i32
    %scan3A_92 = arith.constant 0 : i32
    %scan3A_93 = arith.constant 8 : i32
    %scan3A_94 = arith.addi %scan3A_92, %scan3A_93 : i32
    %scan3A_95 = arith.constant 1 : i32
    scf.for %scan3A_97 = %scan3A_92 to %scan3A_94 step %scan3A_95  : i32 {
      %add3A_98 = arith.constant 0 : i32
      %add3A_99 = arith.addi %add3A, %add3A_98 : i32
      %dma_start3A_100 = tpu.memref_slice %arg3[%add3A_99] : memref<655360xi32, #tpu.memory_space<hbm>> -> memref<128xi32, #tpu.memory_space<hbm>>
      %dma_start3A_101 = tpu.memref_slice %arg3[%add3A_99] : memref<655360xi32, #tpu.memory_space<hbm>> -> memref<128xi32, #tpu.memory_space<hbm>>
      tpu.enqueue_dma source(%dma_start3A_101 : memref<128xi32, #tpu.memory_space<hbm>>) target(%arg14 : memref<128xi32, #tpu.memory_space<vmem>>) target_semaphore(%arg48 : memref<!tpu.dma_semaphore, #tpu.memory_space<semaphore_mem>>)
      %add3A_102 = arith.constant 0 : i32
      %add3A_103 = arith.addi %mul3A_2, %add3A_102 : i32
      %dma_start3A_104 = tpu.memref_slice %arg4[%add3A_103] : memref<327680xi32, #tpu.memory_space<hbm>> -> memref<128xi32, #tpu.memory_space<hbm>>
      %dma_start3A_105 = tpu.memref_slice %arg4[%add3A_103] : memref<327680xi32, #tpu.memory_space<hbm>> -> memref<128xi32, #tpu.memory_space<hbm>>
      tpu.enqueue_dma source(%dma_start3A_105 : memref<128xi32, #tpu.memory_space<hbm>>) target(%arg18 : memref<128xi32, #tpu.memory_space<vmem>>) target_semaphore(%arg48 : memref<!tpu.dma_semaphore, #tpu.memory_space<semaphore_mem>>)
      %add3A_106 = arith.constant 0 : i32
      %add3A_107 = arith.addi %add3A, %add3A_106 : i32
      %dma_wait3A_108 = tpu.memref_slice %arg3[%add3A_107] : memref<655360xi32, #tpu.memory_space<hbm>> -> memref<128xi32, #tpu.memory_space<hbm>>
      %dma_wait3A_109 = tpu.memref_slice %arg3[%add3A_107] : memref<655360xi32, #tpu.memory_space<hbm>> -> memref<128xi32, #tpu.memory_space<hbm>>
      tpu.wait_dma2 semaphore(%arg48 : memref<!tpu.dma_semaphore, #tpu.memory_space<semaphore_mem>>) src(%dma_wait3A_109 : memref<128xi32, #tpu.memory_space<hbm>>) dst(%arg14 : memref<128xi32, #tpu.memory_space<vmem>>)
      %add3A_110 = arith.constant 0 : i32
      %add3A_111 = arith.addi %mul3A_2, %add3A_110 : i32
      %dma_wait3A_112 = tpu.memref_slice %arg4[%add3A_111] : memref<327680xi32, #tpu.memory_space<hbm>> -> memref<128xi32, #tpu.memory_space<hbm>>
      %dma_wait3A_113 = tpu.memref_slice %arg4[%add3A_111] : memref<327680xi32, #tpu.memory_space<hbm>> -> memref<128xi32, #tpu.memory_space<hbm>>
      tpu.wait_dma2 semaphore(%arg48 : memref<!tpu.dma_semaphore, #tpu.memory_space<semaphore_mem>>) src(%dma_wait3A_113 : memref<128xi32, #tpu.memory_space<hbm>>) dst(%arg18 : memref<128xi32, #tpu.memory_space<vmem>>)
      %add3A_114 = arith.constant 0 : i32
      %add3A_115 = arith.addi %mul3A_2, %add3A_114 : i32
      %dma_start3A_116 = arith.constant 0 : i32
      %dma_start3A_117 = tpu.memref_slice %arg11[%add3A_115, %dma_start3A_116] : memref<327680x16xf32, #tpu.memory_space<hbm>> -> memref<128x16xf32, #tpu.memory_space<hbm>>
      %dma_start3A_118 = arith.constant 0 : i32
      %dma_start3A_119 = tpu.memref_slice %arg11[%add3A_115, %dma_start3A_118] : memref<327680x16xf32, #tpu.memory_space<hbm>> -> memref<128x16xf32, #tpu.memory_space<hbm>>
      tpu.enqueue_dma source(%dma_start3A_119 : memref<128x16xf32, #tpu.memory_space<hbm>>) target(%arg22 : memref<128x16xf32, #tpu.memory_space<vmem>>) target_semaphore(%arg44 : memref<!tpu.dma_semaphore, #tpu.memory_space<semaphore_mem>>)
      %dma_start3A_120 = arith.constant 0 : i32
      %dma_start3A_121 = arith.constant 0 : i32
      %dma_start3A_122 = arith.constant 0 : i32
      %dma_start3A_123 = tpu.memref_slice %arg10[%dma_start3A_120, %dma_start3A_121, %dma_start3A_122] : memref<20480x4x16xf32, #tpu.memory_space<hbm>> -> memref<20480x4x16xf32, #tpu.memory_space<hbm>>
      tpu.enqueue_indirect_dma source(%dma_start3A_123 : memref<20480x4x16xf32, #tpu.memory_space<hbm>>) target(%arg28 : memref<128x4x16xf32, #tpu.memory_space<vmem>>) offsets(%arg14 : memref<128xi32, #tpu.memory_space<vmem>>) semaphore(%arg36 : memref<!tpu.dma_semaphore, #tpu.memory_space<semaphore_mem>>)
      %add3A_124 = arith.constant 128 : i32
      %add3A_125 = arith.addi %add3A, %add3A_124 : i32
      %dma_start3A_126 = tpu.memref_slice %arg3[%add3A_125] : memref<655360xi32, #tpu.memory_space<hbm>> -> memref<128xi32, #tpu.memory_space<hbm>>
      %dma_start3A_127 = tpu.memref_slice %arg3[%add3A_125] : memref<655360xi32, #tpu.memory_space<hbm>> -> memref<128xi32, #tpu.memory_space<hbm>>
      tpu.enqueue_dma source(%dma_start3A_127 : memref<128xi32, #tpu.memory_space<hbm>>) target(%arg15 : memref<128xi32, #tpu.memory_space<vmem>>) target_semaphore(%arg49 : memref<!tpu.dma_semaphore, #tpu.memory_space<semaphore_mem>>)
      %add3A_128 = arith.constant 128 : i32
      %add3A_129 = arith.addi %mul3A_2, %add3A_128 : i32
      %dma_start3A_130 = tpu.memref_slice %arg4[%add3A_129] : memref<327680xi32, #tpu.memory_space<hbm>> -> memref<128xi32, #tpu.memory_space<hbm>>
      %dma_start3A_131 = tpu.memref_slice %arg4[%add3A_129] : memref<327680xi32, #tpu.memory_space<hbm>> -> memref<128xi32, #tpu.memory_space<hbm>>
      tpu.enqueue_dma source(%dma_start3A_131 : memref<128xi32, #tpu.memory_space<hbm>>) target(%arg19 : memref<128xi32, #tpu.memory_space<vmem>>) target_semaphore(%arg49 : memref<!tpu.dma_semaphore, #tpu.memory_space<semaphore_mem>>)
      %scan3A_132 = arith.constant 0 : i32
      %scan3A_133 = arith.constant 0 : i32
      %scan3A_134 = arith.constant 40 : i32
      %scan3A_135 = arith.addi %scan3A_133, %scan3A_134 : i32
      %scan3A_136 = arith.constant 1 : i32
      scf.for %scan3A_211 = %scan3A_133 to %scan3A_135 step %scan3A_136  : i32 {
        %mul3A_212 = arith.constant 4 : i32
        %mul3A_213 = arith.muli %mul3A_212, %scan3A_211 : i32
        %add3A_214 = arith.constant 0 : i32
        %add3A_215 = arith.addi %mul3A_213, %add3A_214 : i32
        %add3A_216 = arith.constant 2 : i32
        %add3A_217 = arith.addi %add3A_215, %add3A_216 : i32
        %lt3A = arith.constant 160 : i32
        %lt3A_218 = arith.cmpi slt, %add3A_217, %lt3A : i32
        %convert_element_type3A = arith.extui %lt3A_218 : i1 to i32
        %cond3A = arith.constant 0 : i32
        %cond3A_219 = arith.cmpi ne, %convert_element_type3A, %cond3A : i32
        scf.if %cond3A_219 {
          %ge3A = arith.constant 2 : i32
          %ge3A_365 = arith.cmpi sge, %add3A_215, %ge3A : i32
          %convert_element_type3A_366 = arith.extui %ge3A_365 : i1 to i32
          %cond3A_367 = arith.constant 0 : i32
          %cond3A_368 = arith.cmpi ne, %convert_element_type3A_366, %cond3A_367 : i32
          scf.if %cond3A_368 {
            %sub3A = arith.constant 2 : i32
            %sub3A_381 = arith.subi %add3A_215, %sub3A : i32
            %dma_wait3A_382 = arith.constant 0 : i32
            %dma_wait3A_383 = arith.constant 0 : i32
            %dma_wait3A_384 = arith.constant 0 : i32
            %dma_wait3A_385 = tpu.memref_slice %arg12[%dma_wait3A_382, %dma_wait3A_383, %dma_wait3A_384] : memref<10240x4x16xf32, #tpu.memory_space<vmem_shared>> -> memref<10240x4x16xf32, #tpu.memory_space<vmem_shared>>
            tpu.wait_indirect_dma semaphore(%arg42 : memref<!tpu.dma_semaphore, #tpu.memory_space<semaphore_mem>>) src(%arg30 : memref<128x4x16xf32, #tpu.memory_space<vmem>>) dst(%dma_wait3A_385 : memref<10240x4x16xf32, #tpu.memory_space<vmem_shared>>)
          } else {
          }
          %add3A_369 = arith.constant 2 : i32
          %add3A_370 = arith.addi %add3A_215, %add3A_369 : i32
          %mul3A_371 = arith.constant 128 : i32
          %mul3A_372 = arith.muli %add3A_370, %mul3A_371 : i32
          %add3A_373 = arith.addi %add3A, %mul3A_372 : i32
          %dma_start3A_374 = tpu.memref_slice %arg3[%add3A_373] : memref<655360xi32, #tpu.memory_space<hbm>> -> memref<128xi32, #tpu.memory_space<hbm>>
          %dma_start3A_375 = tpu.memref_slice %arg3[%add3A_373] : memref<655360xi32, #tpu.memory_space<hbm>> -> memref<128xi32, #tpu.memory_space<hbm>>
          tpu.enqueue_dma source(%dma_start3A_375 : memref<128xi32, #tpu.memory_space<hbm>>) target(%arg16 : memref<128xi32, #tpu.memory_space<vmem>>) target_semaphore(%arg50 : memref<!tpu.dma_semaphore, #tpu.memory_space<semaphore_mem>>)
          %mul3A_376 = arith.constant 128 : i32
          %mul3A_377 = arith.muli %add3A_370, %mul3A_376 : i32
          %add3A_378 = arith.addi %mul3A_2, %mul3A_377 : i32
          %dma_start3A_379 = tpu.memref_slice %arg4[%add3A_378] : memref<327680xi32, #tpu.memory_space<hbm>> -> memref<128xi32, #tpu.memory_space<hbm>>
          %dma_start3A_380 = tpu.memref_slice %arg4[%add3A_378] : memref<327680xi32, #tpu.memory_space<hbm>> -> memref<128xi32, #tpu.memory_space<hbm>>
          tpu.enqueue_dma source(%dma_start3A_380 : memref<128xi32, #tpu.memory_space<hbm>>) target(%arg20 : memref<128xi32, #tpu.memory_space<vmem>>) target_semaphore(%arg50 : memref<!tpu.dma_semaphore, #tpu.memory_space<semaphore_mem>>)
        } else {
        }
        %add3A_220 = arith.constant 1 : i32
        %add3A_221 = arith.addi %add3A_215, %add3A_220 : i32
        %lt3A_222 = arith.constant 160 : i32
        %lt3A_223 = arith.cmpi slt, %add3A_221, %lt3A_222 : i32
        %convert_element_type3A_224 = arith.extui %lt3A_223 : i1 to i32
        %cond3A_225 = arith.constant 0 : i32
        %cond3A_226 = arith.cmpi ne, %convert_element_type3A_224, %cond3A_225 : i32
        scf.if %cond3A_226 {
          %add3A_365 = arith.constant 1 : i32
          %add3A_366 = arith.addi %add3A_215, %add3A_365 : i32
          %mul3A_367 = arith.constant 128 : i32
          %mul3A_368 = arith.muli %add3A_366, %mul3A_367 : i32
          %add3A_369 = arith.addi %add3A, %mul3A_368 : i32
          %dma_wait3A_370 = tpu.memref_slice %arg3[%add3A_369] : memref<655360xi32, #tpu.memory_space<hbm>> -> memref<128xi32, #tpu.memory_space<hbm>>
          %dma_wait3A_371 = tpu.memref_slice %arg3[%add3A_369] : memref<655360xi32, #tpu.memory_space<hbm>> -> memref<128xi32, #tpu.memory_space<hbm>>
          tpu.wait_dma2 semaphore(%arg49 : memref<!tpu.dma_semaphore, #tpu.memory_space<semaphore_mem>>) src(%dma_wait3A_371 : memref<128xi32, #tpu.memory_space<hbm>>) dst(%arg15 : memref<128xi32, #tpu.memory_space<vmem>>)
          %mul3A_372 = arith.constant 128 : i32
          %mul3A_373 = arith.muli %add3A_366, %mul3A_372 : i32
          %add3A_374 = arith.addi %mul3A_2, %mul3A_373 : i32
          %dma_wait3A_375 = tpu.memref_slice %arg4[%add3A_374] : memref<327680xi32, #tpu.memory_space<hbm>> -> memref<128xi32, #tpu.memory_space<hbm>>
          %dma_wait3A_376 = tpu.memref_slice %arg4[%add3A_374] : memref<327680xi32, #tpu.memory_space<hbm>> -> memref<128xi32, #tpu.memory_space<hbm>>
          tpu.wait_dma2 semaphore(%arg49 : memref<!tpu.dma_semaphore, #tpu.memory_space<semaphore_mem>>) src(%dma_wait3A_376 : memref<128xi32, #tpu.memory_space<hbm>>) dst(%arg19 : memref<128xi32, #tpu.memory_space<vmem>>)
          %add3A_377 = arith.constant 1 : i32
          %add3A_378 = arith.addi %add3A_215, %add3A_377 : i32
          %mul3A_379 = arith.constant 128 : i32
          %mul3A_380 = arith.muli %add3A_378, %mul3A_379 : i32
          %add3A_381 = arith.addi %mul3A_2, %mul3A_380 : i32
          %dma_start3A_382 = arith.constant 0 : i32
          %dma_start3A_383 = tpu.memref_slice %arg11[%add3A_381, %dma_start3A_382] : memref<327680x16xf32, #tpu.memory_space<hbm>> -> memref<128x16xf32, #tpu.memory_space<hbm>>
          %dma_start3A_384 = arith.constant 0 : i32
          %dma_start3A_385 = tpu.memref_slice %arg11[%add3A_381, %dma_start3A_384] : memref<327680x16xf32, #tpu.memory_space<hbm>> -> memref<128x16xf32, #tpu.memory_space<hbm>>
          tpu.enqueue_dma source(%dma_start3A_385 : memref<128x16xf32, #tpu.memory_space<hbm>>) target(%arg23 : memref<128x16xf32, #tpu.memory_space<vmem>>) target_semaphore(%arg45 : memref<!tpu.dma_semaphore, #tpu.memory_space<semaphore_mem>>)
          %add3A_386 = arith.constant 1 : i32
          %add3A_387 = arith.addi %add3A_215, %add3A_386 : i32
          %dma_start3A_388 = arith.constant 0 : i32
          %dma_start3A_389 = arith.constant 0 : i32
          %dma_start3A_390 = arith.constant 0 : i32
          %dma_start3A_391 = tpu.memref_slice %arg10[%dma_start3A_388, %dma_start3A_389, %dma_start3A_390] : memref<20480x4x16xf32, #tpu.memory_space<hbm>> -> memref<20480x4x16xf32, #tpu.memory_space<hbm>>
          tpu.enqueue_indirect_dma source(%dma_start3A_391 : memref<20480x4x16xf32, #tpu.memory_space<hbm>>) target(%arg29 : memref<128x4x16xf32, #tpu.memory_space<vmem>>) offsets(%arg15 : memref<128xi32, #tpu.memory_space<vmem>>) semaphore(%arg37 : memref<!tpu.dma_semaphore, #tpu.memory_space<semaphore_mem>>)
        } else {
        }
        %dma_wait3A_227 = arith.constant 0 : i32
        %dma_wait3A_228 = arith.constant 0 : i32
        %dma_wait3A_229 = arith.constant 0 : i32
        %dma_wait3A_230 = tpu.memref_slice %arg10[%dma_wait3A_227, %dma_wait3A_228, %dma_wait3A_229] : memref<20480x4x16xf32, #tpu.memory_space<hbm>> -> memref<20480x4x16xf32, #tpu.memory_space<hbm>>
        tpu.wait_indirect_dma semaphore(%arg36 : memref<!tpu.dma_semaphore, #tpu.memory_space<semaphore_mem>>) src(%dma_wait3A_230 : memref<20480x4x16xf32, #tpu.memory_space<hbm>>) dst(%arg28 : memref<128x4x16xf32, #tpu.memory_space<vmem>>)
        %mul3A_231 = arith.constant 128 : i32
        %mul3A_232 = arith.muli %add3A_215, %mul3A_231 : i32
        %add3A_233 = arith.addi %mul3A_2, %mul3A_232 : i32
        %dma_wait3A_234 = arith.constant 0 : i32
        %dma_wait3A_235 = tpu.memref_slice %arg11[%add3A_233, %dma_wait3A_234] : memref<327680x16xf32, #tpu.memory_space<hbm>> -> memref<128x16xf32, #tpu.memory_space<hbm>>
        %dma_wait3A_236 = arith.constant 0 : i32
        %dma_wait3A_237 = tpu.memref_slice %arg11[%add3A_233, %dma_wait3A_236] : memref<327680x16xf32, #tpu.memory_space<hbm>> -> memref<128x16xf32, #tpu.memory_space<hbm>>
        tpu.wait_dma2 semaphore(%arg44 : memref<!tpu.dma_semaphore, #tpu.memory_space<semaphore_mem>>) src(%dma_wait3A_237 : memref<128x16xf32, #tpu.memory_space<hbm>>) dst(%arg22 : memref<128x16xf32, #tpu.memory_space<vmem>>)
        %scan3A_238 = arith.constant 0 : i32
        %scan3A_239 = arith.constant 0 : i32
        %scan3A_240 = arith.constant 32 : i32
        %scan3A_241 = arith.addi %scan3A_239, %scan3A_240 : i32
        %scan3A_242 = arith.constant 1 : i32
        scf.for %scan3A_365 = %scan3A_239 to %scan3A_241 step %scan3A_242  : i32 {
          %mul3A_366 = arith.constant 4 : i32
          %mul3A_367 = arith.muli %scan3A_365, %mul3A_366 : i32
          %add3A_368 = arith.constant 0 : i32
          %add3A_369 = arith.addi %mul3A_367, %add3A_368 : i32
          %get3A = arith.index_cast %add3A_369 : i32 to index
          %get3A_370 = arith.constant 0 : index
          %get3A_371 = tpu.vector_load %arg22[%get3A, %get3A_370] {strides = array<i32>} : memref<128x16xf32, #tpu.memory_space<vmem>>, vector<1x16xf32>,
          %get3A_372 = vector.shape_cast %get3A_371 : vector<1x16xf32> to vector<16xf32>
          %get3A_373 = arith.constant 0 : i32
          %get3A_374 = arith.index_cast %add3A_369 : i32 to index
          %get3A_375 = arith.index_cast %get3A_373 : i32 to index
          %get3A_376 = arith.constant 0 : index
          %get3A_377 = tpu.vector_load %arg28[%get3A_374, %get3A_375, %get3A_376] {strides = array<i32>} : memref<128x4x16xf32, #tpu.memory_space<vmem>>, vector<1x1x16xf32>,
          %get3A_378 = vector.shape_cast %get3A_377 : vector<1x1x16xf32> to vector<16xf32>
          %mul3A_379 = arith.mulf %get3A_378, %get3A_372 : vector<16xf32>
          %swap3A = arith.constant 0 : i32
          %swap3A_380 = arith.index_cast %add3A_369 : i32 to index
          %swap3A_381 = arith.index_cast %swap3A : i32 to index
          %swap3A_382 = arith.constant 0 : index
          %swap3A_383 = tpu.vector_load %arg28[%swap3A_380, %swap3A_381, %swap3A_382] {strides = array<i32>} : memref<128x4x16xf32, #tpu.memory_space<vmem>>, vector<1x1x16xf32>,
          %swap3A_384 = vector.shape_cast %swap3A_383 : vector<1x1x16xf32> to vector<16xf32>
          %swap3A_385 = vector.shape_cast %mul3A_379 : vector<16xf32> to vector<1x1x16xf32>
          tpu.vector_store %arg28[%swap3A_380, %swap3A_381, %swap3A_382], %swap3A_385 {strides = array<i32>} : memref<128x4x16xf32, #tpu.memory_space<vmem>>, vector<1x1x16xf32>,
          %get3A_386 = arith.constant 1 : i32
          %get3A_387 = arith.index_cast %add3A_369 : i32 to index
          %get3A_388 = arith.index_cast %get3A_386 : i32 to index
          %get3A_389 = arith.constant 0 : index
          %get3A_390 = tpu.vector_load %arg28[%get3A_387, %get3A_388, %get3A_389] {strides = array<i32>} : memref<128x4x16xf32, #tpu.memory_space<vmem>>, vector<1x1x16xf32>,
          %get3A_391 = vector.shape_cast %get3A_390 : vector<1x1x16xf32> to vector<16xf32>
          %mul3A_392 = arith.mulf %get3A_391, %get3A_372 : vector<16xf32>
          %swap3A_393 = arith.constant 1 : i32
          %swap3A_394 = arith.index_cast %add3A_369 : i32 to index
          %swap3A_395 = arith.index_cast %swap3A_393 : i32 to index
          %swap3A_396 = arith.constant 0 : index
          %swap3A_397 = tpu.vector_load %arg28[%swap3A_394, %swap3A_395, %swap3A_396] {strides = array<i32>} : memref<128x4x16xf32, #tpu.memory_space<vmem>>, vector<1x1x16xf32>,
          %swap3A_398 = vector.shape_cast %swap3A_397 : vector<1x1x16xf32> to vector<16xf32>
          %swap3A_399 = vector.shape_cast %mul3A_392 : vector<16xf32> to vector<1x1x16xf32>
          tpu.vector_store %arg28[%swap3A_394, %swap3A_395, %swap3A_396], %swap3A_399 {strides = array<i32>} : memref<128x4x16xf32, #tpu.memory_space<vmem>>, vector<1x1x16xf32>,
          %get3A_400 = arith.constant 2 : i32
          %get3A_401 = arith.index_cast %add3A_369 : i32 to index
          %get3A_402 = arith.index_cast %get3A_400 : i32 to index
          %get3A_403 = arith.constant 0 : index
          %get3A_404 = tpu.vector_load %arg28[%get3A_401, %get3A_402, %get3A_403] {strides = array<i32>} : memref<128x4x16xf32, #tpu.memory_space<vmem>>, vector<1x1x16xf32>,
          %get3A_405 = vector.shape_cast %get3A_404 : vector<1x1x16xf32> to vector<16xf32>
          %mul3A_406 = arith.mulf %get3A_405, %get3A_372 : vector<16xf32>
          %swap3A_407 = arith.constant 2 : i32
          %swap3A_408 = arith.index_cast %add3A_369 : i32 to index
          %swap3A_409 = arith.index_cast %swap3A_407 : i32 to index
          %swap3A_410 = arith.constant 0 : index
          %swap3A_411 = tpu.vector_load %arg28[%swap3A_408, %swap3A_409, %swap3A_410] {strides = array<i32>} : memref<128x4x16xf32, #tpu.memory_space<vmem>>, vector<1x1x16xf32>,
          %swap3A_412 = vector.shape_cast %swap3A_411 : vector<1x1x16xf32> to vector<16xf32>
          %swap3A_413 = vector.shape_cast %mul3A_406 : vector<16xf32> to vector<1x1x16xf32>
          tpu.vector_store %arg28[%swap3A_408, %swap3A_409, %swap3A_410], %swap3A_413 {strides = array<i32>} : memref<128x4x16xf32, #tpu.memory_space<vmem>>, vector<1x1x16xf32>,
          %get3A_414 = arith.constant 3 : i32
          %get3A_415 = arith.index_cast %add3A_369 : i32 to index
          %get3A_416 = arith.index_cast %get3A_414 : i32 to index
          %get3A_417 = arith.constant 0 : index
          %get3A_418 = tpu.vector_load %arg28[%get3A_415, %get3A_416, %get3A_417] {strides = array<i32>} : memref<128x4x16xf32, #tpu.memory_space<vmem>>, vector<1x1x16xf32>,
          %get3A_419 = vector.shape_cast %get3A_418 : vector<1x1x16xf32> to vector<16xf32>
          %mul3A_420 = arith.mulf %get3A_419, %get3A_372 : vector<16xf32>
          %swap3A_421 = arith.constant 3 : i32
          %swap3A_422 = arith.index_cast %add3A_369 : i32 to index
          %swap3A_423 = arith.index_cast %swap3A_421 : i32 to index
          %swap3A_424 = arith.constant 0 : index
          %swap3A_425 = tpu.vector_load %arg28[%swap3A_422, %swap3A_423, %swap3A_424] {strides = array<i32>} : memref<128x4x16xf32, #tpu.memory_space<vmem>>, vector<1x1x16xf32>,
          %swap3A_426 = vector.shape_cast %swap3A_425 : vector<1x1x16xf32> to vector<16xf32>
          %swap3A_427 = vector.shape_cast %mul3A_420 : vector<16xf32> to vector<1x1x16xf32>
          tpu.vector_store %arg28[%swap3A_422, %swap3A_423, %swap3A_424], %swap3A_427 {strides = array<i32>} : memref<128x4x16xf32, #tpu.memory_space<vmem>>, vector<1x1x16xf32>,
          %mul3A_428 = arith.constant 4 : i32
          %mul3A_429 = arith.muli %scan3A_365, %mul3A_428 : i32
          %add3A_430 = arith.constant 1 : i32
          %add3A_431 = arith.addi %mul3A_429, %add3A_430 : i32
          %get3A_432 = arith.index_cast %add3A_431 : i32 to index
          %get3A_433 = arith.constant 0 : index
          %get3A_434 = tpu.vector_load %arg22[%get3A_432, %get3A_433] {strides = array<i32>} : memref<128x16xf32, #tpu.memory_space<vmem>>, vector<1x16xf32>,
          %get3A_435 = vector.shape_cast %get3A_434 : vector<1x16xf32> to vector<16xf32>
          %get3A_436 = arith.constant 0 : i32
          %get3A_437 = arith.index_cast %add3A_431 : i32 to index
          %get3A_438 = arith.index_cast %get3A_436 : i32 to index
          %get3A_439 = arith.constant 0 : index
          %get3A_440 = tpu.vector_load %arg28[%get3A_437, %get3A_438, %get3A_439] {strides = array<i32>} : memref<128x4x16xf32, #tpu.memory_space<vmem>>, vector<1x1x16xf32>,
          %get3A_441 = vector.shape_cast %get3A_440 : vector<1x1x16xf32> to vector<16xf32>
          %mul3A_442 = arith.mulf %get3A_441, %get3A_435 : vector<16xf32>
          %swap3A_443 = arith.constant 0 : i32
          %swap3A_444 = arith.index_cast %add3A_431 : i32 to index
          %swap3A_445 = arith.index_cast %swap3A_443 : i32 to index
          %swap3A_446 = arith.constant 0 : index
          %swap3A_447 = tpu.vector_load %arg28[%swap3A_444, %swap3A_445, %swap3A_446] {strides = array<i32>} : memref<128x4x16xf32, #tpu.memory_space<vmem>>, vector<1x1x16xf32>,
          %swap3A_448 = vector.shape_cast %swap3A_447 : vector<1x1x16xf32> to vector<16xf32>
          %swap3A_449 = vector.shape_cast %mul3A_442 : vector<16xf32> to vector<1x1x16xf32>
          tpu.vector_store %arg28[%swap3A_444, %swap3A_445, %swap3A_446], %swap3A_449 {strides = array<i32>} : memref<128x4x16xf32, #tpu.memory_space<vmem>>, vector<1x1x16xf32>,
          %get3A_450 = arith.constant 1 : i32
          %get3A_451 = arith.index_cast %add3A_431 : i32 to index
          %get3A_452 = arith.index_cast %get3A_450 : i32 to index
          %get3A_453 = arith.constant 0 : index
          %get3A_454 = tpu.vector_load %arg28[%get3A_451, %get3A_452, %get3A_453] {strides = array<i32>} : memref<128x4x16xf32, #tpu.memory_space<vmem>>, vector<1x1x16xf32>,
          %get3A_455 = vector.shape_cast %get3A_454 : vector<1x1x16xf32> to vector<16xf32>
          %mul3A_456 = arith.mulf %get3A_455, %get3A_435 : vector<16xf32>
          %swap3A_457 = arith.constant 1 : i32
          %swap3A_458 = arith.index_cast %add3A_431 : i32 to index
          %swap3A_459 = arith.index_cast %swap3A_457 : i32 to index
          %swap3A_460 = arith.constant 0 : index
          %swap3A_461 = tpu.vector_load %arg28[%swap3A_458, %swap3A_459, %swap3A_460] {strides = array<i32>} : memref<128x4x16xf32, #tpu.memory_space<vmem>>, vector<1x1x16xf32>,
          %swap3A_462 = vector.shape_cast %swap3A_461 : vector<1x1x16xf32> to vector<16xf32>
          %swap3A_463 = vector.shape_cast %mul3A_456 : vector<16xf32> to vector<1x1x16xf32>
          tpu.vector_store %arg28[%swap3A_458, %swap3A_459, %swap3A_460], %swap3A_463 {strides = array<i32>} : memref<128x4x16xf32, #tpu.memory_space<vmem>>, vector<1x1x16xf32>,
          %get3A_464 = arith.constant 2 : i32
          %get3A_465 = arith.index_cast %add3A_431 : i32 to index
          %get3A_466 = arith.index_cast %get3A_464 : i32 to index
          %get3A_467 = arith.constant 0 : index
          %get3A_468 = tpu.vector_load %arg28[%get3A_465, %get3A_466, %get3A_467] {strides = array<i32>} : memref<128x4x16xf32, #tpu.memory_space<vmem>>, vector<1x1x16xf32>,
          %get3A_469 = vector.shape_cast %get3A_468 : vector<1x1x16xf32> to vector<16xf32>
          %mul3A_470 = arith.mulf %get3A_469, %get3A_435 : vector<16xf32>
          %swap3A_471 = arith.constant 2 : i32
          %swap3A_472 = arith.index_cast %add3A_431 : i32 to index
          %swap3A_473 = arith.index_cast %swap3A_471 : i32 to index
          %swap3A_474 = arith.constant 0 : index
          %swap3A_475 = tpu.vector_load %arg28[%swap3A_472, %swap3A_473, %swap3A_474] {strides = array<i32>} : memref<128x4x16xf32, #tpu.memory_space<vmem>>, vector<1x1x16xf32>,
          %swap3A_476 = vector.shape_cast %swap3A_475 : vector<1x1x16xf32> to vector<16xf32>
          %swap3A_477 = vector.shape_cast %mul3A_470 : vector<16xf32> to vector<1x1x16xf32>
          tpu.vector_store %arg28[%swap3A_472, %swap3A_473, %swap3A_474], %swap3A_477 {strides = array<i32>} : memref<128x4x16xf32, #tpu.memory_space<vmem>>, vector<1x1x16xf32>,
          %get3A_478 = arith.constant 3 : i32
          %get3A_479 = arith.index_cast %add3A_431 : i32 to index
          %get3A_480 = arith.index_cast %get3A_478 : i32 to index
          %get3A_481 = arith.constant 0 : index
          %get3A_482 = tpu.vector_load %arg28[%get3A_479, %get3A_480, %get3A_481] {strides = array<i32>} : memref<128x4x16xf32, #tpu.memory_space<vmem>>, vector<1x1x16xf32>,
          %get3A_483 = vector.shape_cast %get3A_482 : vector<1x1x16xf32> to vector<16xf32>
          %mul3A_484 = arith.mulf %get3A_483, %get3A_435 : vector<16xf32>
          %swap3A_485 = arith.constant 3 : i32
          %swap3A_486 = arith.index_cast %add3A_431 : i32 to index
          %swap3A_487 = arith.index_cast %swap3A_485 : i32 to index
          %swap3A_488 = arith.constant 0 : index
          %swap3A_489 = tpu.vector_load %arg28[%swap3A_486, %swap3A_487, %swap3A_488] {strides = array<i32>} : memref<128x4x16xf32, #tpu.memory_space<vmem>>, vector<1x1x16xf32>,
          %swap3A_490 = vector.shape_cast %swap3A_489 : vector<1x1x16xf32> to vector<16xf32>
          %swap3A_491 = vector.shape_cast %mul3A_484 : vector<16xf32> to vector<1x1x16xf32>
          tpu.vector_store %arg28[%swap3A_486, %swap3A_487, %swap3A_488], %swap3A_491 {strides = array<i32>} : memref<128x4x16xf32, #tpu.memory_space<vmem>>, vector<1x1x16xf32>,
          %mul3A_492 = arith.constant 4 : i32
          %mul3A_493 = arith.muli %scan3A_365, %mul3A_492 : i32
          %add3A_494 = arith.constant 2 : i32
          %add3A_495 = arith.addi %mul3A_493, %add3A_494 : i32
          %get3A_496 = arith.index_cast %add3A_495 : i32 to index
          %get3A_497 = arith.constant 0 : index
          %get3A_498 = tpu.vector_load %arg22[%get3A_496, %get3A_497] {strides = array<i32>} : memref<128x16xf32, #tpu.memory_space<vmem>>, vector<1x16xf32>,
          %get3A_499 = vector.shape_cast %get3A_498 : vector<1x16xf32> to vector<16xf32>
          %get3A_500 = arith.constant 0 : i32
          %get3A_501 = arith.index_cast %add3A_495 : i32 to index
          %get3A_502 = arith.index_cast %get3A_500 : i32 to index
          %get3A_503 = arith.constant 0 : index
          %get3A_504 = tpu.vector_load %arg28[%get3A_501, %get3A_502, %get3A_503] {strides = array<i32>} : memref<128x4x16xf32, #tpu.memory_space<vmem>>, vector<1x1x16xf32>,
          %get3A_505 = vector.shape_cast %get3A_504 : vector<1x1x16xf32> to vector<16xf32>
          %mul3A_506 = arith.mulf %get3A_505, %get3A_499 : vector<16xf32>
          %swap3A_507 = arith.constant 0 : i32
          %swap3A_508 = arith.index_cast %add3A_495 : i32 to index
          %swap3A_509 = arith.index_cast %swap3A_507 : i32 to index
          %swap3A_510 = arith.constant 0 : index
          %swap3A_511 = tpu.vector_load %arg28[%swap3A_508, %swap3A_509, %swap3A_510] {strides = array<i32>} : memref<128x4x16xf32, #tpu.memory_space<vmem>>, vector<1x1x16xf32>,
          %swap3A_512 = vector.shape_cast %swap3A_511 : vector<1x1x16xf32> to vector<16xf32>
          %swap3A_513 = vector.shape_cast %mul3A_506 : vector<16xf32> to vector<1x1x16xf32>
          tpu.vector_store %arg28[%swap3A_508, %swap3A_509, %swap3A_510], %swap3A_513 {strides = array<i32>} : memref<128x4x16xf32, #tpu.memory_space<vmem>>, vector<1x1x16xf32>,
          %get3A_514 = arith.constant 1 : i32
          %get3A_515 = arith.index_cast %add3A_495 : i32 to index
          %get3A_516 = arith.index_cast %get3A_514 : i32 to index
          %get3A_517 = arith.constant 0 : index
          %get3A_518 = tpu.vector_load %arg28[%get3A_515, %get3A_516, %get3A_517] {strides = array<i32>} : memref<128x4x16xf32, #tpu.memory_space<vmem>>, vector<1x1x16xf32>,
          %get3A_519 = vector.shape_cast %get3A_518 : vector<1x1x16xf32> to vector<16xf32>
          %mul3A_520 = arith.mulf %get3A_519, %get3A_499 : vector<16xf32>
          %swap3A_521 = arith.constant 1 : i32
          %swap3A_522 = arith.index_cast %add3A_495 : i32 to index
          %swap3A_523 = arith.index_cast %swap3A_521 : i32 to index
          %swap3A_524 = arith.constant 0 : index
          %swap3A_525 = tpu.vector_load %arg28[%swap3A_522, %swap3A_523, %swap3A_524] {strides = array<i32>} : memref<128x4x16xf32, #tpu.memory_space<vmem>>, vector<1x1x16xf32>,
          %swap3A_526 = vector.shape_cast %swap3A_525 : vector<1x1x16xf32> to vector<16xf32>
          %swap3A_527 = vector.shape_cast %mul3A_520 : vector<16xf32> to vector<1x1x16xf32>
          tpu.vector_store %arg28[%swap3A_522, %swap3A_523, %swap3A_524], %swap3A_527 {strides = array<i32>} : memref<128x4x16xf32, #tpu.memory_space<vmem>>, vector<1x1x16xf32>,
          %get3A_528 = arith.constant 2 : i32
          %get3A_529 = arith.index_cast %add3A_495 : i32 to index
          %get3A_530 = arith.index_cast %get3A_528 : i32 to index
          %get3A_531 = arith.constant 0 : index
          %get3A_532 = tpu.vector_load %arg28[%get3A_529, %get3A_530, %get3A_531] {strides = array<i32>} : memref<128x4x16xf32, #tpu.memory_space<vmem>>, vector<1x1x16xf32>,
          %get3A_533 = vector.shape_cast %get3A_532 : vector<1x1x16xf32> to vector<16xf32>
          %mul3A_534 = arith.mulf %get3A_533, %get3A_499 : vector<16xf32>
          %swap3A_535 = arith.constant 2 : i32
          %swap3A_536 = arith.index_cast %add3A_495 : i32 to index
          %swap3A_537 = arith.index_cast %swap3A_535 : i32 to index
          %swap3A_538 = arith.constant 0 : index
          %swap3A_539 = tpu.vector_load %arg28[%swap3A_536, %swap3A_537, %swap3A_538] {strides = array<i32>} : memref<128x4x16xf32, #tpu.memory_space<vmem>>, vector<1x1x16xf32>,
          %swap3A_540 = vector.shape_cast %swap3A_539 : vector<1x1x16xf32> to vector<16xf32>
          %swap3A_541 = vector.shape_cast %mul3A_534 : vector<16xf32> to vector<1x1x16xf32>
          tpu.vector_store %arg28[%swap3A_536, %swap3A_537, %swap3A_538], %swap3A_541 {strides = array<i32>} : memref<128x4x16xf32, #tpu.memory_space<vmem>>, vector<1x1x16xf32>,
          %get3A_542 = arith.constant 3 : i32
          %get3A_543 = arith.index_cast %add3A_495 : i32 to index
          %get3A_544 = arith.index_cast %get3A_542 : i32 to index
          %get3A_545 = arith.constant 0 : index
          %get3A_546 = tpu.vector_load %arg28[%get3A_543, %get3A_544, %get3A_545] {strides = array<i32>} : memref<128x4x16xf32, #tpu.memory_space<vmem>>, vector<1x1x16xf32>,
          %get3A_547 = vector.shape_cast %get3A_546 : vector<1x1x16xf32> to vector<16xf32>
          %mul3A_548 = arith.mulf %get3A_547, %get3A_499 : vector<16xf32>
          %swap3A_549 = arith.constant 3 : i32
          %swap3A_550 = arith.index_cast %add3A_495 : i32 to index
          %swap3A_551 = arith.index_cast %swap3A_549 : i32 to index
          %swap3A_552 = arith.constant 0 : index
          %swap3A_553 = tpu.vector_load %arg28[%swap3A_550, %swap3A_551, %swap3A_552] {strides = array<i32>} : memref<128x4x16xf32, #tpu.memory_space<vmem>>, vector<1x1x16xf32>,
          %swap3A_554 = vector.shape_cast %swap3A_553 : vector<1x1x16xf32> to vector<16xf32>
          %swap3A_555 = vector.shape_cast %mul3A_548 : vector<16xf32> to vector<1x1x16xf32>
          tpu.vector_store %arg28[%swap3A_550, %swap3A_551, %swap3A_552], %swap3A_555 {strides = array<i32>} : memref<128x4x16xf32, #tpu.memory_space<vmem>>, vector<1x1x16xf32>,
          %mul3A_556 = arith.constant 4 : i32
          %mul3A_557 = arith.muli %scan3A_365, %mul3A_556 : i32
          %add3A_558 = arith.constant 3 : i32
          %add3A_559 = arith.addi %mul3A_557, %add3A_558 : i32
          %get3A_560 = arith.index_cast %add3A_559 : i32 to index
          %get3A_561 = arith.constant 0 : index
          %get3A_562 = tpu.vector_load %arg22[%get3A_560, %get3A_561] {strides = array<i32>} : memref<128x16xf32, #tpu.memory_space<vmem>>, vector<1x16xf32>,
          %get3A_563 = vector.shape_cast %get3A_562 : vector<1x16xf32> to vector<16xf32>
          %get3A_564 = arith.constant 0 : i32
          %get3A_565 = arith.index_cast %add3A_559 : i32 to index
          %get3A_566 = arith.index_cast %get3A_564 : i32 to index
          %get3A_567 = arith.constant 0 : index
          %get3A_568 = tpu.vector_load %arg28[%get3A_565, %get3A_566, %get3A_567] {strides = array<i32>} : memref<128x4x16xf32, #tpu.memory_space<vmem>>, vector<1x1x16xf32>,
          %get3A_569 = vector.shape_cast %get3A_568 : vector<1x1x16xf32> to vector<16xf32>
          %mul3A_570 = arith.mulf %get3A_569, %get3A_563 : vector<16xf32>
          %swap3A_571 = arith.constant 0 : i32
          %swap3A_572 = arith.index_cast %add3A_559 : i32 to index
          %swap3A_573 = arith.index_cast %swap3A_571 : i32 to index
          %swap3A_574 = arith.constant 0 : index
          %swap3A_575 = tpu.vector_load %arg28[%swap3A_572, %swap3A_573, %swap3A_574] {strides = array<i32>} : memref<128x4x16xf32, #tpu.memory_space<vmem>>, vector<1x1x16xf32>,
          %swap3A_576 = vector.shape_cast %swap3A_575 : vector<1x1x16xf32> to vector<16xf32>
          %swap3A_577 = vector.shape_cast %mul3A_570 : vector<16xf32> to vector<1x1x16xf32>
          tpu.vector_store %arg28[%swap3A_572, %swap3A_573, %swap3A_574], %swap3A_577 {strides = array<i32>} : memref<128x4x16xf32, #tpu.memory_space<vmem>>, vector<1x1x16xf32>,
          %get3A_578 = arith.constant 1 : i32
          %get3A_579 = arith.index_cast %add3A_559 : i32 to index
          %get3A_580 = arith.index_cast %get3A_578 : i32 to index
          %get3A_581 = arith.constant 0 : index
          %get3A_582 = tpu.vector_load %arg28[%get3A_579, %get3A_580, %get3A_581] {strides = array<i32>} : memref<128x4x16xf32, #tpu.memory_space<vmem>>, vector<1x1x16xf32>,
          %get3A_583 = vector.shape_cast %get3A_582 : vector<1x1x16xf32> to vector<16xf32>
          %mul3A_584 = arith.mulf %get3A_583, %get3A_563 : vector<16xf32>
          %swap3A_585 = arith.constant 1 : i32
          %swap3A_586 = arith.index_cast %add3A_559 : i32 to index
          %swap3A_587 = arith.index_cast %swap3A_585 : i32 to index
          %swap3A_588 = arith.constant 0 : index
          %swap3A_589 = tpu.vector_load %arg28[%swap3A_586, %swap3A_587, %swap3A_588] {strides = array<i32>} : memref<128x4x16xf32, #tpu.memory_space<vmem>>, vector<1x1x16xf32>,
          %swap3A_590 = vector.shape_cast %swap3A_589 : vector<1x1x16xf32> to vector<16xf32>
          %swap3A_591 = vector.shape_cast %mul3A_584 : vector<16xf32> to vector<1x1x16xf32>
          tpu.vector_store %arg28[%swap3A_586, %swap3A_587, %swap3A_588], %swap3A_591 {strides = array<i32>} : memref<128x4x16xf32, #tpu.memory_space<vmem>>, vector<1x1x16xf32>,
          %get3A_592 = arith.constant 2 : i32
          %get3A_593 = arith.index_cast %add3A_559 : i32 to index
          %get3A_594 = arith.index_cast %get3A_592 : i32 to index
          %get3A_595 = arith.constant 0 : index
          %get3A_596 = tpu.vector_load %arg28[%get3A_593, %get3A_594, %get3A_595] {strides = array<i32>} : memref<128x4x16xf32, #tpu.memory_space<vmem>>, vector<1x1x16xf32>,
          %get3A_597 = vector.shape_cast %get3A_596 : vector<1x1x16xf32> to vector<16xf32>
          %mul3A_598 = arith.mulf %get3A_597, %get3A_563 : vector<16xf32>
          %swap3A_599 = arith.constant 2 : i32
          %swap3A_600 = arith.index_cast %add3A_559 : i32 to index
          %swap3A_601 = arith.index_cast %swap3A_599 : i32 to index
          %swap3A_602 = arith.constant 0 : index
          %swap3A_603 = tpu.vector_load %arg28[%swap3A_600, %swap3A_601, %swap3A_602] {strides = array<i32>} : memref<128x4x16xf32, #tpu.memory_space<vmem>>, vector<1x1x16xf32>,
          %swap3A_604 = vector.shape_cast %swap3A_603 : vector<1x1x16xf32> to vector<16xf32>
          %swap3A_605 = vector.shape_cast %mul3A_598 : vector<16xf32> to vector<1x1x16xf32>
          tpu.vector_store %arg28[%swap3A_600, %swap3A_601, %swap3A_602], %swap3A_605 {strides = array<i32>} : memref<128x4x16xf32, #tpu.memory_space<vmem>>, vector<1x1x16xf32>,
          %get3A_606 = arith.constant 3 : i32
          %get3A_607 = arith.index_cast %add3A_559 : i32 to index
          %get3A_608 = arith.index_cast %get3A_606 : i32 to index
          %get3A_609 = arith.constant 0 : index
          %get3A_610 = tpu.vector_load %arg28[%get3A_607, %get3A_608, %get3A_609] {strides = array<i32>} : memref<128x4x16xf32, #tpu.memory_space<vmem>>, vector<1x1x16xf32>,
          %get3A_611 = vector.shape_cast %get3A_610 : vector<1x1x16xf32> to vector<16xf32>
          %mul3A_612 = arith.mulf %get3A_611, %get3A_563 : vector<16xf32>
          %swap3A_613 = arith.constant 3 : i32
          %swap3A_614 = arith.index_cast %add3A_559 : i32 to index
          %swap3A_615 = arith.index_cast %swap3A_613 : i32 to index
          %swap3A_616 = arith.constant 0 : index
          %swap3A_617 = tpu.vector_load %arg28[%swap3A_614, %swap3A_615, %swap3A_616] {strides = array<i32>} : memref<128x4x16xf32, #tpu.memory_space<vmem>>, vector<1x1x16xf32>,
          %swap3A_618 = vector.shape_cast %swap3A_617 : vector<1x1x16xf32> to vector<16xf32>
          %swap3A_619 = vector.shape_cast %mul3A_612 : vector<16xf32> to vector<1x1x16xf32>
          tpu.vector_store %arg28[%swap3A_614, %swap3A_615, %swap3A_616], %swap3A_619 {strides = array<i32>} : memref<128x4x16xf32, #tpu.memory_space<vmem>>, vector<1x1x16xf32>,
        }
        %scan3A_243 = arith.constant 32 : i32
        %dma_start3A_244 = arith.constant 0 : i32
        %dma_start3A_245 = arith.constant 0 : i32
        %dma_start3A_246 = arith.constant 0 : i32
        %dma_start3A_247 = tpu.memref_slice %arg12[%dma_start3A_244, %dma_start3A_245, %dma_start3A_246] : memref<10240x4x16xf32, #tpu.memory_space<vmem_shared>> -> memref<10240x4x16xf32, #tpu.memory_space<vmem_shared>>
        tpu.enqueue_indirect_dma source(%arg28 : memref<128x4x16xf32, #tpu.memory_space<vmem>>) target(%dma_start3A_247 : memref<10240x4x16xf32, #tpu.memory_space<vmem_shared>>) offsets(%arg18 : memref<128xi32, #tpu.memory_space<vmem>>) semaphore(%arg40 : memref<!tpu.dma_semaphore, #tpu.memory_space<semaphore_mem>>) {add = true}
        %mul3A_248 = arith.constant 4 : i32
        %mul3A_249 = arith.muli %mul3A_248, %scan3A_211 : i32
        %add3A_250 = arith.constant 1 : i32
        %add3A_251 = arith.addi %mul3A_249, %add3A_250 : i32
        %add3A_252 = arith.constant 2 : i32
        %add3A_253 = arith.addi %add3A_251, %add3A_252 : i32
        %lt3A_254 = arith.constant 160 : i32
        %lt3A_255 = arith.cmpi slt, %add3A_253, %lt3A_254 : i32
        %convert_element_type3A_256 = arith.extui %lt3A_255 : i1 to i32
        %cond3A_257 = arith.constant 0 : i32
        %cond3A_258 = arith.cmpi ne, %convert_element_type3A_256, %cond3A_257 : i32
        scf.if %cond3A_258 {
          %ge3A = arith.constant 2 : i32
          %ge3A_365 = arith.cmpi sge, %add3A_251, %ge3A : i32
          %convert_element_type3A_366 = arith.extui %ge3A_365 : i1 to i32
          %cond3A_367 = arith.constant 0 : i32
          %cond3A_368 = arith.cmpi ne, %convert_element_type3A_366, %cond3A_367 : i32
          scf.if %cond3A_368 {
            %sub3A = arith.constant 2 : i32
            %sub3A_381 = arith.subi %add3A_251, %sub3A : i32
            %dma_wait3A_382 = arith.constant 0 : i32
            %dma_wait3A_383 = arith.constant 0 : i32
            %dma_wait3A_384 = arith.constant 0 : i32
            %dma_wait3A_385 = tpu.memref_slice %arg12[%dma_wait3A_382, %dma_wait3A_383, %dma_wait3A_384] : memref<10240x4x16xf32, #tpu.memory_space<vmem_shared>> -> memref<10240x4x16xf32, #tpu.memory_space<vmem_shared>>
            tpu.wait_indirect_dma semaphore(%arg43 : memref<!tpu.dma_semaphore, #tpu.memory_space<semaphore_mem>>) src(%arg31 : memref<128x4x16xf32, #tpu.memory_space<vmem>>) dst(%dma_wait3A_385 : memref<10240x4x16xf32, #tpu.memory_space<vmem_shared>>)
          } else {
          }
          %add3A_369 = arith.constant 2 : i32
          %add3A_370 = arith.addi %add3A_251, %add3A_369 : i32
          %mul3A_371 = arith.constant 128 : i32
          %mul3A_372 = arith.muli %add3A_370, %mul3A_371 : i32
          %add3A_373 = arith.addi %add3A, %mul3A_372 : i32
          %dma_start3A_374 = tpu.memref_slice %arg3[%add3A_373] : memref<655360xi32, #tpu.memory_space<hbm>> -> memref<128xi32, #tpu.memory_space<hbm>>
          %dma_start3A_375 = tpu.memref_slice %arg3[%add3A_373] : memref<655360xi32, #tpu.memory_space<hbm>> -> memref<128xi32, #tpu.memory_space<hbm>>
          tpu.enqueue_dma source(%dma_start3A_375 : memref<128xi32, #tpu.memory_space<hbm>>) target(%arg17 : memref<128xi32, #tpu.memory_space<vmem>>) target_semaphore(%arg51 : memref<!tpu.dma_semaphore, #tpu.memory_space<semaphore_mem>>)
          %mul3A_376 = arith.constant 128 : i32
          %mul3A_377 = arith.muli %add3A_370, %mul3A_376 : i32
          %add3A_378 = arith.addi %mul3A_2, %mul3A_377 : i32
          %dma_start3A_379 = tpu.memref_slice %arg4[%add3A_378] : memref<327680xi32, #tpu.memory_space<hbm>> -> memref<128xi32, #tpu.memory_space<hbm>>
          %dma_start3A_380 = tpu.memref_slice %arg4[%add3A_378] : memref<327680xi32, #tpu.memory_space<hbm>> -> memref<128xi32, #tpu.memory_space<hbm>>
          tpu.enqueue_dma source(%dma_start3A_380 : memref<128xi32, #tpu.memory_space<hbm>>) target(%arg21 : memref<128xi32, #tpu.memory_space<vmem>>) target_semaphore(%arg51 : memref<!tpu.dma_semaphore, #tpu.memory_space<semaphore_mem>>)
        } else {
        }
        %add3A_259 = arith.constant 1 : i32
        %add3A_260 = arith.addi %add3A_251, %add3A_259 : i32
        %lt3A_261 = arith.constant 160 : i32
        %lt3A_262 = arith.cmpi slt, %add3A_260, %lt3A_261 : i32
        %convert_element_type3A_263 = arith.extui %lt3A_262 : i1 to i32
        %cond3A_264 = arith.constant 0 : i32
        %cond3A_265 = arith.cmpi ne, %convert_element_type3A_263, %cond3A_264 : i32
        scf.if %cond3A_265 {
          %add3A_365 = arith.constant 1 : i32
          %add3A_366 = arith.addi %add3A_251, %add3A_365 : i32
          %mul3A_367 = arith.constant 128 : i32
          %mul3A_368 = arith.muli %add3A_366, %mul3A_367 : i32
          %add3A_369 = arith.addi %add3A, %mul3A_368 : i32
          %dma_wait3A_370 = tpu.memref_slice %arg3[%add3A_369] : memref<655360xi32, #tpu.memory_space<hbm>> -> memref<128xi32, #tpu.memory_space<hbm>>
          %dma_wait3A_371 = tpu.memref_slice %arg3[%add3A_369] : memref<655360xi32, #tpu.memory_space<hbm>> -> memref<128xi32, #tpu.memory_space<hbm>>
          tpu.wait_dma2 semaphore(%arg50 : memref<!tpu.dma_semaphore, #tpu.memory_space<semaphore_mem>>) src(%dma_wait3A_371 : memref<128xi32, #tpu.memory_space<hbm>>) dst(%arg16 : memref<128xi32, #tpu.memory_space<vmem>>)
          %mul3A_372 = arith.constant 128 : i32
          %mul3A_373 = arith.muli %add3A_366, %mul3A_372 : i32
          %add3A_374 = arith.addi %mul3A_2, %mul3A_373 : i32
          %dma_wait3A_375 = tpu.memref_slice %arg4[%add3A_374] : memref<327680xi32, #tpu.memory_space<hbm>> -> memref<128xi32, #tpu.memory_space<hbm>>
          %dma_wait3A_376 = tpu.memref_slice %arg4[%add3A_374] : memref<327680xi32, #tpu.memory_space<hbm>> -> memref<128xi32, #tpu.memory_space<hbm>>
          tpu.wait_dma2 semaphore(%arg50 : memref<!tpu.dma_semaphore, #tpu.memory_space<semaphore_mem>>) src(%dma_wait3A_376 : memref<128xi32, #tpu.memory_space<hbm>>) dst(%arg20 : memref<128xi32, #tpu.memory_space<vmem>>)
          %add3A_377 = arith.constant 1 : i32
          %add3A_378 = arith.addi %add3A_251, %add3A_377 : i32
          %mul3A_379 = arith.constant 128 : i32
          %mul3A_380 = arith.muli %add3A_378, %mul3A_379 : i32
          %add3A_381 = arith.addi %mul3A_2, %mul3A_380 : i32
          %dma_start3A_382 = arith.constant 0 : i32
          %dma_start3A_383 = tpu.memref_slice %arg11[%add3A_381, %dma_start3A_382] : memref<327680x16xf32, #tpu.memory_space<hbm>> -> memref<128x16xf32, #tpu.memory_space<hbm>>
          %dma_start3A_384 = arith.constant 0 : i32
          %dma_start3A_385 = tpu.memref_slice %arg11[%add3A_381, %dma_start3A_384] : memref<327680x16xf32, #tpu.memory_space<hbm>> -> memref<128x16xf32, #tpu.memory_space<hbm>>
          tpu.enqueue_dma source(%dma_start3A_385 : memref<128x16xf32, #tpu.memory_space<hbm>>) target(%arg24 : memref<128x16xf32, #tpu.memory_space<vmem>>) target_semaphore(%arg46 : memref<!tpu.dma_semaphore, #tpu.memory_space<semaphore_mem>>)
          %add3A_386 = arith.constant 1 : i32
          %add3A_387 = arith.addi %add3A_251, %add3A_386 : i32
          %dma_start3A_388 = arith.constant 0 : i32
          %dma_start3A_389 = arith.constant 0 : i32
          %dma_start3A_390 = arith.constant 0 : i32
          %dma_start3A_391 = tpu.memref_slice %arg10[%dma_start3A_388, %dma_start3A_389, %dma_start3A_390] : memref<20480x4x16xf32, #tpu.memory_space<hbm>> -> memref<20480x4x16xf32, #tpu.memory_space<hbm>>
          tpu.enqueue_indirect_dma source(%dma_start3A_391 : memref<20480x4x16xf32, #tpu.memory_space<hbm>>) target(%arg30 : memref<128x4x16xf32, #tpu.memory_space<vmem>>) offsets(%arg16 : memref<128xi32, #tpu.memory_space<vmem>>) semaphore(%arg38 : memref<!tpu.dma_semaphore, #tpu.memory_space<semaphore_mem>>)
        } else {
        }
        %dma_wait3A_266 = arith.constant 0 : i32
        %dma_wait3A_267 = arith.constant 0 : i32
        %dma_wait3A_268 = arith.constant 0 : i32
        %dma_wait3A_269 = tpu.memref_slice %arg10[%dma_wait3A_266, %dma_wait3A_267, %dma_wait3A_268] : memref<20480x4x16xf32, #tpu.memory_space<hbm>> -> memref<20480x4x16xf32, #tpu.memory_space<hbm>>
        tpu.wait_indirect_dma semaphore(%arg37 : memref<!tpu.dma_semaphore, #tpu.memory_space<semaphore_mem>>) src(%dma_wait3A_269 : memref<20480x4x16xf32, #tpu.memory_space<hbm>>) dst(%arg29 : memref<128x4x16xf32, #tpu.memory_space<vmem>>)
        %mul3A_270 = arith.constant 128 : i32
        %mul3A_271 = arith.muli %add3A_251, %mul3A_270 : i32
        %add3A_272 = arith.addi %mul3A_2, %mul3A_271 : i32
        %dma_wait3A_273 = arith.constant 0 : i32
        %dma_wait3A_274 = tpu.memref_slice %arg11[%add3A_272, %dma_wait3A_273] : memref<327680x16xf32, #tpu.memory_space<hbm>> -> memref<128x16xf32, #tpu.memory_space<hbm>>
        %dma_wait3A_275 = arith.constant 0 : i32
        %dma_wait3A_276 = tpu.memref_slice %arg11[%add3A_272, %dma_wait3A_275] : memref<327680x16xf32, #tpu.memory_space<hbm>> -> memref<128x16xf32, #tpu.memory_space<hbm>>
        tpu.wait_dma2 semaphore(%arg45 : memref<!tpu.dma_semaphore, #tpu.memory_space<semaphore_mem>>) src(%dma_wait3A_276 : memref<128x16xf32, #tpu.memory_space<hbm>>) dst(%arg23 : memref<128x16xf32, #tpu.memory_space<vmem>>)
        %scan3A_277 = arith.constant 0 : i32
        %scan3A_278 = arith.constant 0 : i32
        %scan3A_279 = arith.constant 32 : i32
        %scan3A_280 = arith.addi %scan3A_278, %scan3A_279 : i32
        %scan3A_281 = arith.constant 1 : i32
        scf.for %scan3A_365 = %scan3A_278 to %scan3A_280 step %scan3A_281  : i32 {
          %mul3A_366 = arith.constant 4 : i32
          %mul3A_367 = arith.muli %scan3A_365, %mul3A_366 : i32
          %add3A_368 = arith.constant 0 : i32
          %add3A_369 = arith.addi %mul3A_367, %add3A_368 : i32
          %get3A = arith.index_cast %add3A_369 : i32 to index
          %get3A_370 = arith.constant 0 : index
          %get3A_371 = tpu.vector_load %arg23[%get3A, %get3A_370] {strides = array<i32>} : memref<128x16xf32, #tpu.memory_space<vmem>>, vector<1x16xf32>,
          %get3A_372 = vector.shape_cast %get3A_371 : vector<1x16xf32> to vector<16xf32>
          %get3A_373 = arith.constant 0 : i32
          %get3A_374 = arith.index_cast %add3A_369 : i32 to index
          %get3A_375 = arith.index_cast %get3A_373 : i32 to index
          %get3A_376 = arith.constant 0 : index
          %get3A_377 = tpu.vector_load %arg29[%get3A_374, %get3A_375, %get3A_376] {strides = array<i32>} : memref<128x4x16xf32, #tpu.memory_space<vmem>>, vector<1x1x16xf32>,
          %get3A_378 = vector.shape_cast %get3A_377 : vector<1x1x16xf32> to vector<16xf32>
          %mul3A_379 = arith.mulf %get3A_378, %get3A_372 : vector<16xf32>
          %swap3A = arith.constant 0 : i32
          %swap3A_380 = arith.index_cast %add3A_369 : i32 to index
          %swap3A_381 = arith.index_cast %swap3A : i32 to index
          %swap3A_382 = arith.constant 0 : index
          %swap3A_383 = tpu.vector_load %arg29[%swap3A_380, %swap3A_381, %swap3A_382] {strides = array<i32>} : memref<128x4x16xf32, #tpu.memory_space<vmem>>, vector<1x1x16xf32>,
          %swap3A_384 = vector.shape_cast %swap3A_383 : vector<1x1x16xf32> to vector<16xf32>
          %swap3A_385 = vector.shape_cast %mul3A_379 : vector<16xf32> to vector<1x1x16xf32>
          tpu.vector_store %arg29[%swap3A_380, %swap3A_381, %swap3A_382], %swap3A_385 {strides = array<i32>} : memref<128x4x16xf32, #tpu.memory_space<vmem>>, vector<1x1x16xf32>,
          %get3A_386 = arith.constant 1 : i32
          %get3A_387 = arith.index_cast %add3A_369 : i32 to index
          %get3A_388 = arith.index_cast %get3A_386 : i32 to index
          %get3A_389 = arith.constant 0 : index
          %get3A_390 = tpu.vector_load %arg29[%get3A_387, %get3A_388, %get3A_389] {strides = array<i32>} : memref<128x4x16xf32, #tpu.memory_space<vmem>>, vector<1x1x16xf32>,
          %get3A_391 = vector.shape_cast %get3A_390 : vector<1x1x16xf32> to vector<16xf32>
          %mul3A_392 = arith.mulf %get3A_391, %get3A_372 : vector<16xf32>
          %swap3A_393 = arith.constant 1 : i32
          %swap3A_394 = arith.index_cast %add3A_369 : i32 to index
          %swap3A_395 = arith.index_cast %swap3A_393 : i32 to index
          %swap3A_396 = arith.constant 0 : index
          %swap3A_397 = tpu.vector_load %arg29[%swap3A_394, %swap3A_395, %swap3A_396] {strides = array<i32>} : memref<128x4x16xf32, #tpu.memory_space<vmem>>, vector<1x1x16xf32>,
          %swap3A_398 = vector.shape_cast %swap3A_397 : vector<1x1x16xf32> to vector<16xf32>
          %swap3A_399 = vector.shape_cast %mul3A_392 : vector<16xf32> to vector<1x1x16xf32>
          tpu.vector_store %arg29[%swap3A_394, %swap3A_395, %swap3A_396], %swap3A_399 {strides = array<i32>} : memref<128x4x16xf32, #tpu.memory_space<vmem>>, vector<1x1x16xf32>,
          %get3A_400 = arith.constant 2 : i32
          %get3A_401 = arith.index_cast %add3A_369 : i32 to index
          %get3A_402 = arith.index_cast %get3A_400 : i32 to index
          %get3A_403 = arith.constant 0 : index
          %get3A_404 = tpu.vector_load %arg29[%get3A_401, %get3A_402, %get3A_403] {strides = array<i32>} : memref<128x4x16xf32, #tpu.memory_space<vmem>>, vector<1x1x16xf32>,
          %get3A_405 = vector.shape_cast %get3A_404 : vector<1x1x16xf32> to vector<16xf32>
          %mul3A_406 = arith.mulf %get3A_405, %get3A_372 : vector<16xf32>
          %swap3A_407 = arith.constant 2 : i32
          %swap3A_408 = arith.index_cast %add3A_369 : i32 to index
          %swap3A_409 = arith.index_cast %swap3A_407 : i32 to index
          %swap3A_410 = arith.constant 0 : index
          %swap3A_411 = tpu.vector_load %arg29[%swap3A_408, %swap3A_409, %swap3A_410] {strides = array<i32>} : memref<128x4x16xf32, #tpu.memory_space<vmem>>, vector<1x1x16xf32>,
          %swap3A_412 = vector.shape_cast %swap3A_411 : vector<1x1x16xf32> to vector<16xf32>
          %swap3A_413 = vector.shape_cast %mul3A_406 : vector<16xf32> to vector<1x1x16xf32>
          tpu.vector_store %arg29[%swap3A_408, %swap3A_409, %swap3A_410], %swap3A_413 {strides = array<i32>} : memref<128x4x16xf32, #tpu.memory_space<vmem>>, vector<1x1x16xf32>,
          %get3A_414 = arith.constant 3 : i32
          %get3A_415 = arith.index_cast %add3A_369 : i32 to index
          %get3A_416 = arith.index_cast %get3A_414 : i32 to index
          %get3A_417 = arith.constant 0 : index
          %get3A_418 = tpu.vector_load %arg29[%get3A_415, %get3A_416, %get3A_417] {strides = array<i32>} : memref<128x4x16xf32, #tpu.memory_space<vmem>>, vector<1x1x16xf32>,
          %get3A_419 = vector.shape_cast %get3A_418 : vector<1x1x16xf32> to vector<16xf32>
          %mul3A_420 = arith.mulf %get3A_419, %get3A_372 : vector<16xf32>
          %swap3A_421 = arith.constant 3 : i32
          %swap3A_422 = arith.index_cast %add3A_369 : i32 to index
          %swap3A_423 = arith.index_cast %swap3A_421 : i32 to index
          %swap3A_424 = arith.constant 0 : index
          %swap3A_425 = tpu.vector_load %arg29[%swap3A_422, %swap3A_423, %swap3A_424] {strides = array<i32>} : memref<128x4x16xf32, #tpu.memory_space<vmem>>, vector<1x1x16xf32>,
          %swap3A_426 = vector.shape_cast %swap3A_425 : vector<1x1x16xf32> to vector<16xf32>
          %swap3A_427 = vector.shape_cast %mul3A_420 : vector<16xf32> to vector<1x1x16xf32>
          tpu.vector_store %arg29[%swap3A_422, %swap3A_423, %swap3A_424], %swap3A_427 {strides = array<i32>} : memref<128x4x16xf32, #tpu.memory_space<vmem>>, vector<1x1x16xf32>,
          %mul3A_428 = arith.constant 4 : i32
          %mul3A_429 = arith.muli %scan3A_365, %mul3A_428 : i32
          %add3A_430 = arith.constant 1 : i32
          %add3A_431 = arith.addi %mul3A_429, %add3A_430 : i32
          %get3A_432 = arith.index_cast %add3A_431 : i32 to index
          %get3A_433 = arith.constant 0 : index
          %get3A_434 = tpu.vector_load %arg23[%get3A_432, %get3A_433] {strides = array<i32>} : memref<128x16xf32, #tpu.memory_space<vmem>>, vector<1x16xf32>,
          %get3A_435 = vector.shape_cast %get3A_434 : vector<1x16xf32> to vector<16xf32>
          %get3A_436 = arith.constant 0 : i32
          %get3A_437 = arith.index_cast %add3A_431 : i32 to index
          %get3A_438 = arith.index_cast %get3A_436 : i32 to index
          %get3A_439 = arith.constant 0 : index
          %get3A_440 = tpu.vector_load %arg29[%get3A_437, %get3A_438, %get3A_439] {strides = array<i32>} : memref<128x4x16xf32, #tpu.memory_space<vmem>>, vector<1x1x16xf32>,
          %get3A_441 = vector.shape_cast %get3A_440 : vector<1x1x16xf32> to vector<16xf32>
          %mul3A_442 = arith.mulf %get3A_441, %get3A_435 : vector<16xf32>
          %swap3A_443 = arith.constant 0 : i32
          %swap3A_444 = arith.index_cast %add3A_431 : i32 to index
          %swap3A_445 = arith.index_cast %swap3A_443 : i32 to index
          %swap3A_446 = arith.constant 0 : index
          %swap3A_447 = tpu.vector_load %arg29[%swap3A_444, %swap3A_445, %swap3A_446] {strides = array<i32>} : memref<128x4x16xf32, #tpu.memory_space<vmem>>, vector<1x1x16xf32>,
          %swap3A_448 = vector.shape_cast %swap3A_447 : vector<1x1x16xf32> to vector<16xf32>
          %swap3A_449 = vector.shape_cast %mul3A_442 : vector<16xf32> to vector<1x1x16xf32>
          tpu.vector_store %arg29[%swap3A_444, %swap3A_445, %swap3A_446], %swap3A_449 {strides = array<i32>} : memref<128x4x16xf32, #tpu.memory_space<vmem>>, vector<1x1x16xf32>,
          %get3A_450 = arith.constant 1 : i32
          %get3A_451 = arith.index_cast %add3A_431 : i32 to index
          %get3A_452 = arith.index_cast %get3A_450 : i32 to index
          %get3A_453 = arith.constant 0 : index
          %get3A_454 = tpu.vector_load %arg29[%get3A_451, %get3A_452, %get3A_453] {strides = array<i32>} : memref<128x4x16xf32, #tpu.memory_space<vmem>>, vector<1x1x16xf32>,
          %get3A_455 = vector.shape_cast %get3A_454 : vector<1x1x16xf32> to vector<16xf32>
          %mul3A_456 = arith.mulf %get3A_455, %get3A_435 : vector<16xf32>
          %swap3A_457 = arith.constant 1 : i32
          %swap3A_458 = arith.index_cast %add3A_431 : i32 to index
          %swap3A_459 = arith.index_cast %swap3A_457 : i32 to index
          %swap3A_460 = arith.constant 0 : index
          %swap3A_461 = tpu.vector_load %arg29[%swap3A_458, %swap3A_459, %swap3A_460] {strides = array<i32>} : memref<128x4x16xf32, #tpu.memory_space<vmem>>, vector<1x1x16xf32>,
          %swap3A_462 = vector.shape_cast %swap3A_461 : vector<1x1x16xf32> to vector<16xf32>
          %swap3A_463 = vector.shape_cast %mul3A_456 : vector<16xf32> to vector<1x1x16xf32>
          tpu.vector_store %arg29[%swap3A_458, %swap3A_459, %swap3A_460], %swap3A_463 {strides = array<i32>} : memref<128x4x16xf32, #tpu.memory_space<vmem>>, vector<1x1x16xf32>,
          %get3A_464 = arith.constant 2 : i32
          %get3A_465 = arith.index_cast %add3A_431 : i32 to index
          %get3A_466 = arith.index_cast %get3A_464 : i32 to index
          %get3A_467 = arith.constant 0 : index
          %get3A_468 = tpu.vector_load %arg29[%get3A_465, %get3A_466, %get3A_467] {strides = array<i32>} : memref<128x4x16xf32, #tpu.memory_space<vmem>>, vector<1x1x16xf32>,
          %get3A_469 = vector.shape_cast %get3A_468 : vector<1x1x16xf32> to vector<16xf32>
          %mul3A_470 = arith.mulf %get3A_469, %get3A_435 : vector<16xf32>
          %swap3A_471 = arith.constant 2 : i32
          %swap3A_472 = arith.index_cast %add3A_431 : i32 to index
          %swap3A_473 = arith.index_cast %swap3A_471 : i32 to index
          %swap3A_474 = arith.constant 0 : index
          %swap3A_475 = tpu.vector_load %arg29[%swap3A_472, %swap3A_473, %swap3A_474] {strides = array<i32>} : memref<128x4x16xf32, #tpu.memory_space<vmem>>, vector<1x1x16xf32>,
          %swap3A_476 = vector.shape_cast %swap3A_475 : vector<1x1x16xf32> to vector<16xf32>
          %swap3A_477 = vector.shape_cast %mul3A_470 : vector<16xf32> to vector<1x1x16xf32>
          tpu.vector_store %arg29[%swap3A_472, %swap3A_473, %swap3A_474], %swap3A_477 {strides = array<i32>} : memref<128x4x16xf32, #tpu.memory_space<vmem>>, vector<1x1x16xf32>,
          %get3A_478 = arith.constant 3 : i32
          %get3A_479 = arith.index_cast %add3A_431 : i32 to index
          %get3A_480 = arith.index_cast %get3A_478 : i32 to index
          %get3A_481 = arith.constant 0 : index
          %get3A_482 = tpu.vector_load %arg29[%get3A_479, %get3A_480, %get3A_481] {strides = array<i32>} : memref<128x4x16xf32, #tpu.memory_space<vmem>>, vector<1x1x16xf32>,
          %get3A_483 = vector.shape_cast %get3A_482 : vector<1x1x16xf32> to vector<16xf32>
          %mul3A_484 = arith.mulf %get3A_483, %get3A_435 : vector<16xf32>
          %swap3A_485 = arith.constant 3 : i32
          %swap3A_486 = arith.index_cast %add3A_431 : i32 to index
          %swap3A_487 = arith.index_cast %swap3A_485 : i32 to index
          %swap3A_488 = arith.constant 0 : index
          %swap3A_489 = tpu.vector_load %arg29[%swap3A_486, %swap3A_487, %swap3A_488] {strides = array<i32>} : memref<128x4x16xf32, #tpu.memory_space<vmem>>, vector<1x1x16xf32>,
          %swap3A_490 = vector.shape_cast %swap3A_489 : vector<1x1x16xf32> to vector<16xf32>
          %swap3A_491 = vector.shape_cast %mul3A_484 : vector<16xf32> to vector<1x1x16xf32>
          tpu.vector_store %arg29[%swap3A_486, %swap3A_487, %swap3A_488], %swap3A_491 {strides = array<i32>} : memref<128x4x16xf32, #tpu.memory_space<vmem>>, vector<1x1x16xf32>,
          %mul3A_492 = arith.constant 4 : i32
          %mul3A_493 = arith.muli %scan3A_365, %mul3A_492 : i32
          %add3A_494 = arith.constant 2 : i32
          %add3A_495 = arith.addi %mul3A_493, %add3A_494 : i32
          %get3A_496 = arith.index_cast %add3A_495 : i32 to index
          %get3A_497 = arith.constant 0 : index
          %get3A_498 = tpu.vector_load %arg23[%get3A_496, %get3A_497] {strides = array<i32>} : memref<128x16xf32, #tpu.memory_space<vmem>>, vector<1x16xf32>,
          %get3A_499 = vector.shape_cast %get3A_498 : vector<1x16xf32> to vector<16xf32>
          %get3A_500 = arith.constant 0 : i32
          %get3A_501 = arith.index_cast %add3A_495 : i32 to index
          %get3A_502 = arith.index_cast %get3A_500 : i32 to index
          %get3A_503 = arith.constant 0 : index
          %get3A_504 = tpu.vector_load %arg29[%get3A_501, %get3A_502, %get3A_503] {strides = array<i32>} : memref<128x4x16xf32, #tpu.memory_space<vmem>>, vector<1x1x16xf32>,
          %get3A_505 = vector.shape_cast %get3A_504 : vector<1x1x16xf32> to vector<16xf32>
          %mul3A_506 = arith.mulf %get3A_505, %get3A_499 : vector<16xf32>
          %swap3A_507 = arith.constant 0 : i32
          %swap3A_508 = arith.index_cast %add3A_495 : i32 to index
          %swap3A_509 = arith.index_cast %swap3A_507 : i32 to index
          %swap3A_510 = arith.constant 0 : index
          %swap3A_511 = tpu.vector_load %arg29[%swap3A_508, %swap3A_509, %swap3A_510] {strides = array<i32>} : memref<128x4x16xf32, #tpu.memory_space<vmem>>, vector<1x1x16xf32>,
          %swap3A_512 = vector.shape_cast %swap3A_511 : vector<1x1x16xf32> to vector<16xf32>
          %swap3A_513 = vector.shape_cast %mul3A_506 : vector<16xf32> to vector<1x1x16xf32>
          tpu.vector_store %arg29[%swap3A_508, %swap3A_509, %swap3A_510], %swap3A_513 {strides = array<i32>} : memref<128x4x16xf32, #tpu.memory_space<vmem>>, vector<1x1x16xf32>,
          %get3A_514 = arith.constant 1 : i32
          %get3A_515 = arith.index_cast %add3A_495 : i32 to index
          %get3A_516 = arith.index_cast %get3A_514 : i32 to index
          %get3A_517 = arith.constant 0 : index
          %get3A_518 = tpu.vector_load %arg29[%get3A_515, %get3A_516, %get3A_517] {strides = array<i32>} : memref<128x4x16xf32, #tpu.memory_space<vmem>>, vector<1x1x16xf32>,
          %get3A_519 = vector.shape_cast %get3A_518 : vector<1x1x16xf32> to vector<16xf32>
          %mul3A_520 = arith.mulf %get3A_519, %get3A_499 : vector<16xf32>
          %swap3A_521 = arith.constant 1 : i32
          %swap3A_522 = arith.index_cast %add3A_495 : i32 to index
          %swap3A_523 = arith.index_cast %swap3A_521 : i32 to index
          %swap3A_524 = arith.constant 0 : index
          %swap3A_525 = tpu.vector_load %arg29[%swap3A_522, %swap3A_523, %swap3A_524] {strides = array<i32>} : memref<128x4x16xf32, #tpu.memory_space<vmem>>, vector<1x1x16xf32>,
          %swap3A_526 = vector.shape_cast %swap3A_525 : vector<1x1x16xf32> to vector<16xf32>
          %swap3A_527 = vector.shape_cast %mul3A_520 : vector<16xf32> to vector<1x1x16xf32>
          tpu.vector_store %arg29[%swap3A_522, %swap3A_523, %swap3A_524], %swap3A_527 {strides = array<i32>} : memref<128x4x16xf32, #tpu.memory_space<vmem>>, vector<1x1x16xf32>,
          %get3A_528 = arith.constant 2 : i32
          %get3A_529 = arith.index_cast %add3A_495 : i32 to index
          %get3A_530 = arith.index_cast %get3A_528 : i32 to index
          %get3A_531 = arith.constant 0 : index
          %get3A_532 = tpu.vector_load %arg29[%get3A_529, %get3A_530, %get3A_531] {strides = array<i32>} : memref<128x4x16xf32, #tpu.memory_space<vmem>>, vector<1x1x16xf32>,
          %get3A_533 = vector.shape_cast %get3A_532 : vector<1x1x16xf32> to vector<16xf32>
          %mul3A_534 = arith.mulf %get3A_533, %get3A_499 : vector<16xf32>
          %swap3A_535 = arith.constant 2 : i32
          %swap3A_536 = arith.index_cast %add3A_495 : i32 to index
          %swap3A_537 = arith.index_cast %swap3A_535 : i32 to index
          %swap3A_538 = arith.constant 0 : index
          %swap3A_539 = tpu.vector_load %arg29[%swap3A_536, %swap3A_537, %swap3A_538] {strides = array<i32>} : memref<128x4x16xf32, #tpu.memory_space<vmem>>, vector<1x1x16xf32>,
          %swap3A_540 = vector.shape_cast %swap3A_539 : vector<1x1x16xf32> to vector<16xf32>
          %swap3A_541 = vector.shape_cast %mul3A_534 : vector<16xf32> to vector<1x1x16xf32>
          tpu.vector_store %arg29[%swap3A_536, %swap3A_537, %swap3A_538], %swap3A_541 {strides = array<i32>} : memref<128x4x16xf32, #tpu.memory_space<vmem>>, vector<1x1x16xf32>,
          %get3A_542 = arith.constant 3 : i32
          %get3A_543 = arith.index_cast %add3A_495 : i32 to index
          %get3A_544 = arith.index_cast %get3A_542 : i32 to index
          %get3A_545 = arith.constant 0 : index
          %get3A_546 = tpu.vector_load %arg29[%get3A_543, %get3A_544, %get3A_545] {strides = array<i32>} : memref<128x4x16xf32, #tpu.memory_space<vmem>>, vector<1x1x16xf32>,
          %get3A_547 = vector.shape_cast %get3A_546 : vector<1x1x16xf32> to vector<16xf32>
          %mul3A_548 = arith.mulf %get3A_547, %get3A_499 : vector<16xf32>
          %swap3A_549 = arith.constant 3 : i32
          %swap3A_550 = arith.index_cast %add3A_495 : i32 to index
          %swap3A_551 = arith.index_cast %swap3A_549 : i32 to index
          %swap3A_552 = arith.constant 0 : index
          %swap3A_553 = tpu.vector_load %arg29[%swap3A_550, %swap3A_551, %swap3A_552] {strides = array<i32>} : memref<128x4x16xf32, #tpu.memory_space<vmem>>, vector<1x1x16xf32>,
          %swap3A_554 = vector.shape_cast %swap3A_553 : vector<1x1x16xf32> to vector<16xf32>
          %swap3A_555 = vector.shape_cast %mul3A_548 : vector<16xf32> to vector<1x1x16xf32>
          tpu.vector_store %arg29[%swap3A_550, %swap3A_551, %swap3A_552], %swap3A_555 {strides = array<i32>} : memref<128x4x16xf32, #tpu.memory_space<vmem>>, vector<1x1x16xf32>,
          %mul3A_556 = arith.constant 4 : i32
          %mul3A_557 = arith.muli %scan3A_365, %mul3A_556 : i32
          %add3A_558 = arith.constant 3 : i32
          %add3A_559 = arith.addi %mul3A_557, %add3A_558 : i32
          %get3A_560 = arith.index_cast %add3A_559 : i32 to index
          %get3A_561 = arith.constant 0 : index
          %get3A_562 = tpu.vector_load %arg23[%get3A_560, %get3A_561] {strides = array<i32>} : memref<128x16xf32, #tpu.memory_space<vmem>>, vector<1x16xf32>,
          %get3A_563 = vector.shape_cast %get3A_562 : vector<1x16xf32> to vector<16xf32>
          %get3A_564 = arith.constant 0 : i32
          %get3A_565 = arith.index_cast %add3A_559 : i32 to index
          %get3A_566 = arith.index_cast %get3A_564 : i32 to index
          %get3A_567 = arith.constant 0 : index
          %get3A_568 = tpu.vector_load %arg29[%get3A_565, %get3A_566, %get3A_567] {strides = array<i32>} : memref<128x4x16xf32, #tpu.memory_space<vmem>>, vector<1x1x16xf32>,
          %get3A_569 = vector.shape_cast %get3A_568 : vector<1x1x16xf32> to vector<16xf32>
          %mul3A_570 = arith.mulf %get3A_569, %get3A_563 : vector<16xf32>
          %swap3A_571 = arith.constant 0 : i32
          %swap3A_572 = arith.index_cast %add3A_559 : i32 to index
          %swap3A_573 = arith.index_cast %swap3A_571 : i32 to index
          %swap3A_574 = arith.constant 0 : index
          %swap3A_575 = tpu.vector_load %arg29[%swap3A_572, %swap3A_573, %swap3A_574] {strides = array<i32>} : memref<128x4x16xf32, #tpu.memory_space<vmem>>, vector<1x1x16xf32>,
          %swap3A_576 = vector.shape_cast %swap3A_575 : vector<1x1x16xf32> to vector<16xf32>
          %swap3A_577 = vector.shape_cast %mul3A_570 : vector<16xf32> to vector<1x1x16xf32>
          tpu.vector_store %arg29[%swap3A_572, %swap3A_573, %swap3A_574], %swap3A_577 {strides = array<i32>} : memref<128x4x16xf32, #tpu.memory_space<vmem>>, vector<1x1x16xf32>,
          %get3A_578 = arith.constant 1 : i32
          %get3A_579 = arith.index_cast %add3A_559 : i32 to index
          %get3A_580 = arith.index_cast %get3A_578 : i32 to index
          %get3A_581 = arith.constant 0 : index
          %get3A_582 = tpu.vector_load %arg29[%get3A_579, %get3A_580, %get3A_581] {strides = array<i32>} : memref<128x4x16xf32, #tpu.memory_space<vmem>>, vector<1x1x16xf32>,
          %get3A_583 = vector.shape_cast %get3A_582 : vector<1x1x16xf32> to vector<16xf32>
          %mul3A_584 = arith.mulf %get3A_583, %get3A_563 : vector<16xf32>
          %swap3A_585 = arith.constant 1 : i32
          %swap3A_586 = arith.index_cast %add3A_559 : i32 to index
          %swap3A_587 = arith.index_cast %swap3A_585 : i32 to index
          %swap3A_588 = arith.constant 0 : index
          %swap3A_589 = tpu.vector_load %arg29[%swap3A_586, %swap3A_587, %swap3A_588] {strides = array<i32>} : memref<128x4x16xf32, #tpu.memory_space<vmem>>, vector<1x1x16xf32>,
          %swap3A_590 = vector.shape_cast %swap3A_589 : vector<1x1x16xf32> to vector<16xf32>
          %swap3A_591 = vector.shape_cast %mul3A_584 : vector<16xf32> to vector<1x1x16xf32>
          tpu.vector_store %arg29[%swap3A_586, %swap3A_587, %swap3A_588], %swap3A_591 {strides = array<i32>} : memref<128x4x16xf32, #tpu.memory_space<vmem>>, vector<1x1x16xf32>,
          %get3A_592 = arith.constant 2 : i32
          %get3A_593 = arith.index_cast %add3A_559 : i32 to index
          %get3A_594 = arith.index_cast %get3A_592 : i32 to index
          %get3A_595 = arith.constant 0 : index
          %get3A_596 = tpu.vector_load %arg29[%get3A_593, %get3A_594, %get3A_595] {strides = array<i32>} : memref<128x4x16xf32, #tpu.memory_space<vmem>>, vector<1x1x16xf32>,
          %get3A_597 = vector.shape_cast %get3A_596 : vector<1x1x16xf32> to vector<16xf32>
          %mul3A_598 = arith.mulf %get3A_597, %get3A_563 : vector<16xf32>
          %swap3A_599 = arith.constant 2 : i32
          %swap3A_600 = arith.index_cast %add3A_559 : i32 to index
          %swap3A_601 = arith.index_cast %swap3A_599 : i32 to index
          %swap3A_602 = arith.constant 0 : index
          %swap3A_603 = tpu.vector_load %arg29[%swap3A_600, %swap3A_601, %swap3A_602] {strides = array<i32>} : memref<128x4x16xf32, #tpu.memory_space<vmem>>, vector<1x1x16xf32>,
          %swap3A_604 = vector.shape_cast %swap3A_603 : vector<1x1x16xf32> to vector<16xf32>
          %swap3A_605 = vector.shape_cast %mul3A_598 : vector<16xf32> to vector<1x1x16xf32>
          tpu.vector_store %arg29[%swap3A_600, %swap3A_601, %swap3A_602], %swap3A_605 {strides = array<i32>} : memref<128x4x16xf32, #tpu.memory_space<vmem>>, vector<1x1x16xf32>,
          %get3A_606 = arith.constant 3 : i32
          %get3A_607 = arith.index_cast %add3A_559 : i32 to index
          %get3A_608 = arith.index_cast %get3A_606 : i32 to index
          %get3A_609 = arith.constant 0 : index
          %get3A_610 = tpu.vector_load %arg29[%get3A_607, %get3A_608, %get3A_609] {strides = array<i32>} : memref<128x4x16xf32, #tpu.memory_space<vmem>>, vector<1x1x16xf32>,
          %get3A_611 = vector.shape_cast %get3A_610 : vector<1x1x16xf32> to vector<16xf32>
          %mul3A_612 = arith.mulf %get3A_611, %get3A_563 : vector<16xf32>
          %swap3A_613 = arith.constant 3 : i32
          %swap3A_614 = arith.index_cast %add3A_559 : i32 to index
          %swap3A_615 = arith.index_cast %swap3A_613 : i32 to index
          %swap3A_616 = arith.constant 0 : index
          %swap3A_617 = tpu.vector_load %arg29[%swap3A_614, %swap3A_615, %swap3A_616] {strides = array<i32>} : memref<128x4x16xf32, #tpu.memory_space<vmem>>, vector<1x1x16xf32>,
          %swap3A_618 = vector.shape_cast %swap3A_617 : vector<1x1x16xf32> to vector<16xf32>
          %swap3A_619 = vector.shape_cast %mul3A_612 : vector<16xf32> to vector<1x1x16xf32>
          tpu.vector_store %arg29[%swap3A_614, %swap3A_615, %swap3A_616], %swap3A_619 {strides = array<i32>} : memref<128x4x16xf32, #tpu.memory_space<vmem>>, vector<1x1x16xf32>,
        }
        %scan3A_282 = arith.constant 32 : i32
        %dma_start3A_283 = arith.constant 0 : i32
        %dma_start3A_284 = arith.constant 0 : i32
        %dma_start3A_285 = arith.constant 0 : i32
        %dma_start3A_286 = tpu.memref_slice %arg12[%dma_start3A_283, %dma_start3A_284, %dma_start3A_285] : memref<10240x4x16xf32, #tpu.memory_space<vmem_shared>> -> memref<10240x4x16xf32, #tpu.memory_space<vmem_shared>>
        tpu.enqueue_indirect_dma source(%arg29 : memref<128x4x16xf32, #tpu.memory_space<vmem>>) target(%dma_start3A_286 : memref<10240x4x16xf32, #tpu.memory_space<vmem_shared>>) offsets(%arg19 : memref<128xi32, #tpu.memory_space<vmem>>) semaphore(%arg41 : memref<!tpu.dma_semaphore, #tpu.memory_space<semaphore_mem>>) {add = true}
        %mul3A_287 = arith.constant 4 : i32
        %mul3A_288 = arith.muli %mul3A_287, %scan3A_211 : i32
        %add3A_289 = arith.constant 2 : i32
        %add3A_290 = arith.addi %mul3A_288, %add3A_289 : i32
        %add3A_291 = arith.constant 2 : i32
        %add3A_292 = arith.addi %add3A_290, %add3A_291 : i32
        %lt3A_293 = arith.constant 160 : i32
        %lt3A_294 = arith.cmpi slt, %add3A_292, %lt3A_293 : i32
        %convert_element_type3A_295 = arith.extui %lt3A_294 : i1 to i32
        %cond3A_296 = arith.constant 0 : i32
        %cond3A_297 = arith.cmpi ne, %convert_element_type3A_295, %cond3A_296 : i32
        scf.if %cond3A_297 {
          %ge3A = arith.constant 2 : i32
          %ge3A_365 = arith.cmpi sge, %add3A_290, %ge3A : i32
          %convert_element_type3A_366 = arith.extui %ge3A_365 : i1 to i32
          %cond3A_367 = arith.constant 0 : i32
          %cond3A_368 = arith.cmpi ne, %convert_element_type3A_366, %cond3A_367 : i32
          scf.if %cond3A_368 {
            %sub3A = arith.constant 2 : i32
            %sub3A_381 = arith.subi %add3A_290, %sub3A : i32
            %dma_wait3A_382 = arith.constant 0 : i32
            %dma_wait3A_383 = arith.constant 0 : i32
            %dma_wait3A_384 = arith.constant 0 : i32
            %dma_wait3A_385 = tpu.memref_slice %arg12[%dma_wait3A_382, %dma_wait3A_383, %dma_wait3A_384] : memref<10240x4x16xf32, #tpu.memory_space<vmem_shared>> -> memref<10240x4x16xf32, #tpu.memory_space<vmem_shared>>
            tpu.wait_indirect_dma semaphore(%arg40 : memref<!tpu.dma_semaphore, #tpu.memory_space<semaphore_mem>>) src(%arg28 : memref<128x4x16xf32, #tpu.memory_space<vmem>>) dst(%dma_wait3A_385 : memref<10240x4x16xf32, #tpu.memory_space<vmem_shared>>)
          } else {
          }
          %add3A_369 = arith.constant 2 : i32
          %add3A_370 = arith.addi %add3A_290, %add3A_369 : i32
          %mul3A_371 = arith.constant 128 : i32
          %mul3A_372 = arith.muli %add3A_370, %mul3A_371 : i32
          %add3A_373 = arith.addi %add3A, %mul3A_372 : i32
          %dma_start3A_374 = tpu.memref_slice %arg3[%add3A_373] : memref<655360xi32, #tpu.memory_space<hbm>> -> memref<128xi32, #tpu.memory_space<hbm>>
          %dma_start3A_375 = tpu.memref_slice %arg3[%add3A_373] : memref<655360xi32, #tpu.memory_space<hbm>> -> memref<128xi32, #tpu.memory_space<hbm>>
          tpu.enqueue_dma source(%dma_start3A_375 : memref<128xi32, #tpu.memory_space<hbm>>) target(%arg14 : memref<128xi32, #tpu.memory_space<vmem>>) target_semaphore(%arg48 : memref<!tpu.dma_semaphore, #tpu.memory_space<semaphore_mem>>)
          %mul3A_376 = arith.constant 128 : i32
          %mul3A_377 = arith.muli %add3A_370, %mul3A_376 : i32
          %add3A_378 = arith.addi %mul3A_2, %mul3A_377 : i32
          %dma_start3A_379 = tpu.memref_slice %arg4[%add3A_378] : memref<327680xi32, #tpu.memory_space<hbm>> -> memref<128xi32, #tpu.memory_space<hbm>>
          %dma_start3A_380 = tpu.memref_slice %arg4[%add3A_378] : memref<327680xi32, #tpu.memory_space<hbm>> -> memref<128xi32, #tpu.memory_space<hbm>>
          tpu.enqueue_dma source(%dma_start3A_380 : memref<128xi32, #tpu.memory_space<hbm>>) target(%arg18 : memref<128xi32, #tpu.memory_space<vmem>>) target_semaphore(%arg48 : memref<!tpu.dma_semaphore, #tpu.memory_space<semaphore_mem>>)
        } else {
        }
        %add3A_298 = arith.constant 1 : i32
        %add3A_299 = arith.addi %add3A_290, %add3A_298 : i32
        %lt3A_300 = arith.constant 160 : i32
        %lt3A_301 = arith.cmpi slt, %add3A_299, %lt3A_300 : i32
        %convert_element_type3A_302 = arith.extui %lt3A_301 : i1 to i32
        %cond3A_303 = arith.constant 0 : i32
        %cond3A_304 = arith.cmpi ne, %convert_element_type3A_302, %cond3A_303 : i32
        scf.if %cond3A_304 {
          %add3A_365 = arith.constant 1 : i32
          %add3A_366 = arith.addi %add3A_290, %add3A_365 : i32
          %mul3A_367 = arith.constant 128 : i32
          %mul3A_368 = arith.muli %add3A_366, %mul3A_367 : i32
          %add3A_369 = arith.addi %add3A, %mul3A_368 : i32
          %dma_wait3A_370 = tpu.memref_slice %arg3[%add3A_369] : memref<655360xi32, #tpu.memory_space<hbm>> -> memref<128xi32, #tpu.memory_space<hbm>>
          %dma_wait3A_371 = tpu.memref_slice %arg3[%add3A_369] : memref<655360xi32, #tpu.memory_space<hbm>> -> memref<128xi32, #tpu.memory_space<hbm>>
          tpu.wait_dma2 semaphore(%arg51 : memref<!tpu.dma_semaphore, #tpu.memory_space<semaphore_mem>>) src(%dma_wait3A_371 : memref<128xi32, #tpu.memory_space<hbm>>) dst(%arg17 : memref<128xi32, #tpu.memory_space<vmem>>)
          %mul3A_372 = arith.constant 128 : i32
          %mul3A_373 = arith.muli %add3A_366, %mul3A_372 : i32
          %add3A_374 = arith.addi %mul3A_2, %mul3A_373 : i32
          %dma_wait3A_375 = tpu.memref_slice %arg4[%add3A_374] : memref<327680xi32, #tpu.memory_space<hbm>> -> memref<128xi32, #tpu.memory_space<hbm>>
          %dma_wait3A_376 = tpu.memref_slice %arg4[%add3A_374] : memref<327680xi32, #tpu.memory_space<hbm>> -> memref<128xi32, #tpu.memory_space<hbm>>
          tpu.wait_dma2 semaphore(%arg51 : memref<!tpu.dma_semaphore, #tpu.memory_space<semaphore_mem>>) src(%dma_wait3A_376 : memref<128xi32, #tpu.memory_space<hbm>>) dst(%arg21 : memref<128xi32, #tpu.memory_space<vmem>>)
          %add3A_377 = arith.constant 1 : i32
          %add3A_378 = arith.addi %add3A_290, %add3A_377 : i32
          %mul3A_379 = arith.constant 128 : i32
          %mul3A_380 = arith.muli %add3A_378, %mul3A_379 : i32
          %add3A_381 = arith.addi %mul3A_2, %mul3A_380 : i32
          %dma_start3A_382 = arith.constant 0 : i32
          %dma_start3A_383 = tpu.memref_slice %arg11[%add3A_381, %dma_start3A_382] : memref<327680x16xf32, #tpu.memory_space<hbm>> -> memref<128x16xf32, #tpu.memory_space<hbm>>
          %dma_start3A_384 = arith.constant 0 : i32
          %dma_start3A_385 = tpu.memref_slice %arg11[%add3A_381, %dma_start3A_384] : memref<327680x16xf32, #tpu.memory_space<hbm>> -> memref<128x16xf32, #tpu.memory_space<hbm>>
          tpu.enqueue_dma source(%dma_start3A_385 : memref<128x16xf32, #tpu.memory_space<hbm>>) target(%arg25 : memref<128x16xf32, #tpu.memory_space<vmem>>) target_semaphore(%arg47 : memref<!tpu.dma_semaphore, #tpu.memory_space<semaphore_mem>>)
          %add3A_386 = arith.constant 1 : i32
          %add3A_387 = arith.addi %add3A_290, %add3A_386 : i32
          %dma_start3A_388 = arith.constant 0 : i32
          %dma_start3A_389 = arith.constant 0 : i32
          %dma_start3A_390 = arith.constant 0 : i32
          %dma_start3A_391 = tpu.memref_slice %arg10[%dma_start3A_388, %dma_start3A_389, %dma_start3A_390] : memref<20480x4x16xf32, #tpu.memory_space<hbm>> -> memref<20480x4x16xf32, #tpu.memory_space<hbm>>
          tpu.enqueue_indirect_dma source(%dma_start3A_391 : memref<20480x4x16xf32, #tpu.memory_space<hbm>>) target(%arg31 : memref<128x4x16xf32, #tpu.memory_space<vmem>>) offsets(%arg17 : memref<128xi32, #tpu.memory_space<vmem>>) semaphore(%arg39 : memref<!tpu.dma_semaphore, #tpu.memory_space<semaphore_mem>>)
        } else {
        }
        %dma_wait3A_305 = arith.constant 0 : i32
        %dma_wait3A_306 = arith.constant 0 : i32
        %dma_wait3A_307 = arith.constant 0 : i32
        %dma_wait3A_308 = tpu.memref_slice %arg10[%dma_wait3A_305, %dma_wait3A_306, %dma_wait3A_307] : memref<20480x4x16xf32, #tpu.memory_space<hbm>> -> memref<20480x4x16xf32, #tpu.memory_space<hbm>>
        tpu.wait_indirect_dma semaphore(%arg38 : memref<!tpu.dma_semaphore, #tpu.memory_space<semaphore_mem>>) src(%dma_wait3A_308 : memref<20480x4x16xf32, #tpu.memory_space<hbm>>) dst(%arg30 : memref<128x4x16xf32, #tpu.memory_space<vmem>>)
        %mul3A_309 = arith.constant 128 : i32
        %mul3A_310 = arith.muli %add3A_290, %mul3A_309 : i32
        %add3A_311 = arith.addi %mul3A_2, %mul3A_310 : i32
        %dma_wait3A_312 = arith.constant 0 : i32
        %dma_wait3A_313 = tpu.memref_slice %arg11[%add3A_311, %dma_wait3A_312] : memref<327680x16xf32, #tpu.memory_space<hbm>> -> memref<128x16xf32, #tpu.memory_space<hbm>>
        %dma_wait3A_314 = arith.constant 0 : i32
        %dma_wait3A_315 = tpu.memref_slice %arg11[%add3A_311, %dma_wait3A_314] : memref<327680x16xf32, #tpu.memory_space<hbm>> -> memref<128x16xf32, #tpu.memory_space<hbm>>
        tpu.wait_dma2 semaphore(%arg46 : memref<!tpu.dma_semaphore, #tpu.memory_space<semaphore_mem>>) src(%dma_wait3A_315 : memref<128x16xf32, #tpu.memory_space<hbm>>) dst(%arg24 : memref<128x16xf32, #tpu.memory_space<vmem>>)
        %scan3A_316 = arith.constant 0 : i32
        %scan3A_317 = arith.constant 0 : i32
        %scan3A_318 = arith.constant 32 : i32
        %scan3A_319 = arith.addi %scan3A_317, %scan3A_318 : i32
        %scan3A_320 = arith.constant 1 : i32
        scf.for %scan3A_365 = %scan3A_317 to %scan3A_319 step %scan3A_320  : i32 {
          %mul3A_366 = arith.constant 4 : i32
          %mul3A_367 = arith.muli %scan3A_365, %mul3A_366 : i32
          %add3A_368 = arith.constant 0 : i32
          %add3A_369 = arith.addi %mul3A_367, %add3A_368 : i32
          %get3A = arith.index_cast %add3A_369 : i32 to index
          %get3A_370 = arith.constant 0 : index
          %get3A_371 = tpu.vector_load %arg24[%get3A, %get3A_370] {strides = array<i32>} : memref<128x16xf32, #tpu.memory_space<vmem>>, vector<1x16xf32>,
          %get3A_372 = vector.shape_cast %get3A_371 : vector<1x16xf32> to vector<16xf32>
          %get3A_373 = arith.constant 0 : i32
          %get3A_374 = arith.index_cast %add3A_369 : i32 to index
          %get3A_375 = arith.index_cast %get3A_373 : i32 to index
          %get3A_376 = arith.constant 0 : index
          %get3A_377 = tpu.vector_load %arg30[%get3A_374, %get3A_375, %get3A_376] {strides = array<i32>} : memref<128x4x16xf32, #tpu.memory_space<vmem>>, vector<1x1x16xf32>,
          %get3A_378 = vector.shape_cast %get3A_377 : vector<1x1x16xf32> to vector<16xf32>
          %mul3A_379 = arith.mulf %get3A_378, %get3A_372 : vector<16xf32>
          %swap3A = arith.constant 0 : i32
          %swap3A_380 = arith.index_cast %add3A_369 : i32 to index
          %swap3A_381 = arith.index_cast %swap3A : i32 to index
          %swap3A_382 = arith.constant 0 : index
          %swap3A_383 = tpu.vector_load %arg30[%swap3A_380, %swap3A_381, %swap3A_382] {strides = array<i32>} : memref<128x4x16xf32, #tpu.memory_space<vmem>>, vector<1x1x16xf32>,
          %swap3A_384 = vector.shape_cast %swap3A_383 : vector<1x1x16xf32> to vector<16xf32>
          %swap3A_385 = vector.shape_cast %mul3A_379 : vector<16xf32> to vector<1x1x16xf32>
          tpu.vector_store %arg30[%swap3A_380, %swap3A_381, %swap3A_382], %swap3A_385 {strides = array<i32>} : memref<128x4x16xf32, #tpu.memory_space<vmem>>, vector<1x1x16xf32>,
          %get3A_386 = arith.constant 1 : i32
          %get3A_387 = arith.index_cast %add3A_369 : i32 to index
          %get3A_388 = arith.index_cast %get3A_386 : i32 to index
          %get3A_389 = arith.constant 0 : index
          %get3A_390 = tpu.vector_load %arg30[%get3A_387, %get3A_388, %get3A_389] {strides = array<i32>} : memref<128x4x16xf32, #tpu.memory_space<vmem>>, vector<1x1x16xf32>,
          %get3A_391 = vector.shape_cast %get3A_390 : vector<1x1x16xf32> to vector<16xf32>
          %mul3A_392 = arith.mulf %get3A_391, %get3A_372 : vector<16xf32>
          %swap3A_393 = arith.constant 1 : i32
          %swap3A_394 = arith.index_cast %add3A_369 : i32 to index
          %swap3A_395 = arith.index_cast %swap3A_393 : i32 to index
          %swap3A_396 = arith.constant 0 : index
          %swap3A_397 = tpu.vector_load %arg30[%swap3A_394, %swap3A_395, %swap3A_396] {strides = array<i32>} : memref<128x4x16xf32, #tpu.memory_space<vmem>>, vector<1x1x16xf32>,
          %swap3A_398 = vector.shape_cast %swap3A_397 : vector<1x1x16xf32> to vector<16xf32>
          %swap3A_399 = vector.shape_cast %mul3A_392 : vector<16xf32> to vector<1x1x16xf32>
          tpu.vector_store %arg30[%swap3A_394, %swap3A_395, %swap3A_396], %swap3A_399 {strides = array<i32>} : memref<128x4x16xf32, #tpu.memory_space<vmem>>, vector<1x1x16xf32>,
          %get3A_400 = arith.constant 2 : i32
          %get3A_401 = arith.index_cast %add3A_369 : i32 to index
          %get3A_402 = arith.index_cast %get3A_400 : i32 to index
          %get3A_403 = arith.constant 0 : index
          %get3A_404 = tpu.vector_load %arg30[%get3A_401, %get3A_402, %get3A_403] {strides = array<i32>} : memref<128x4x16xf32, #tpu.memory_space<vmem>>, vector<1x1x16xf32>,
          %get3A_405 = vector.shape_cast %get3A_404 : vector<1x1x16xf32> to vector<16xf32>
          %mul3A_406 = arith.mulf %get3A_405, %get3A_372 : vector<16xf32>
          %swap3A_407 = arith.constant 2 : i32
          %swap3A_408 = arith.index_cast %add3A_369 : i32 to index
          %swap3A_409 = arith.index_cast %swap3A_407 : i32 to index
          %swap3A_410 = arith.constant 0 : index
          %swap3A_411 = tpu.vector_load %arg30[%swap3A_408, %swap3A_409, %swap3A_410] {strides = array<i32>} : memref<128x4x16xf32, #tpu.memory_space<vmem>>, vector<1x1x16xf32>,
          %swap3A_412 = vector.shape_cast %swap3A_411 : vector<1x1x16xf32> to vector<16xf32>
          %swap3A_413 = vector.shape_cast %mul3A_406 : vector<16xf32> to vector<1x1x16xf32>
          tpu.vector_store %arg30[%swap3A_408, %swap3A_409, %swap3A_410], %swap3A_413 {strides = array<i32>} : memref<128x4x16xf32, #tpu.memory_space<vmem>>, vector<1x1x16xf32>,
          %get3A_414 = arith.constant 3 : i32
          %get3A_415 = arith.index_cast %add3A_369 : i32 to index
          %get3A_416 = arith.index_cast %get3A_414 : i32 to index
          %get3A_417 = arith.constant 0 : index
          %get3A_418 = tpu.vector_load %arg30[%get3A_415, %get3A_416, %get3A_417] {strides = array<i32>} : memref<128x4x16xf32, #tpu.memory_space<vmem>>, vector<1x1x16xf32>,
          %get3A_419 = vector.shape_cast %get3A_418 : vector<1x1x16xf32> to vector<16xf32>
          %mul3A_420 = arith.mulf %get3A_419, %get3A_372 : vector<16xf32>
          %swap3A_421 = arith.constant 3 : i32
          %swap3A_422 = arith.index_cast %add3A_369 : i32 to index
          %swap3A_423 = arith.index_cast %swap3A_421 : i32 to index
          %swap3A_424 = arith.constant 0 : index
          %swap3A_425 = tpu.vector_load %arg30[%swap3A_422, %swap3A_423, %swap3A_424] {strides = array<i32>} : memref<128x4x16xf32, #tpu.memory_space<vmem>>, vector<1x1x16xf32>,
          %swap3A_426 = vector.shape_cast %swap3A_425 : vector<1x1x16xf32> to vector<16xf32>
          %swap3A_427 = vector.shape_cast %mul3A_420 : vector<16xf32> to vector<1x1x16xf32>
          tpu.vector_store %arg30[%swap3A_422, %swap3A_423, %swap3A_424], %swap3A_427 {strides = array<i32>} : memref<128x4x16xf32, #tpu.memory_space<vmem>>, vector<1x1x16xf32>,
          %mul3A_428 = arith.constant 4 : i32
          %mul3A_429 = arith.muli %scan3A_365, %mul3A_428 : i32
          %add3A_430 = arith.constant 1 : i32
          %add3A_431 = arith.addi %mul3A_429, %add3A_430 : i32
          %get3A_432 = arith.index_cast %add3A_431 : i32 to index
          %get3A_433 = arith.constant 0 : index
          %get3A_434 = tpu.vector_load %arg24[%get3A_432, %get3A_433] {strides = array<i32>} : memref<128x16xf32, #tpu.memory_space<vmem>>, vector<1x16xf32>,
          %get3A_435 = vector.shape_cast %get3A_434 : vector<1x16xf32> to vector<16xf32>
          %get3A_436 = arith.constant 0 : i32
          %get3A_437 = arith.index_cast %add3A_431 : i32 to index
          %get3A_438 = arith.index_cast %get3A_436 : i32 to index
          %get3A_439 = arith.constant 0 : index
          %get3A_440 = tpu.vector_load %arg30[%get3A_437, %get3A_438, %get3A_439] {strides = array<i32>} : memref<128x4x16xf32, #tpu.memory_space<vmem>>, vector<1x1x16xf32>,
          %get3A_441 = vector.shape_cast %get3A_440 : vector<1x1x16xf32> to vector<16xf32>
          %mul3A_442 = arith.mulf %get3A_441, %get3A_435 : vector<16xf32>
          %swap3A_443 = arith.constant 0 : i32
          %swap3A_444 = arith.index_cast %add3A_431 : i32 to index
          %swap3A_445 = arith.index_cast %swap3A_443 : i32 to index
          %swap3A_446 = arith.constant 0 : index
          %swap3A_447 = tpu.vector_load %arg30[%swap3A_444, %swap3A_445, %swap3A_446] {strides = array<i32>} : memref<128x4x16xf32, #tpu.memory_space<vmem>>, vector<1x1x16xf32>,
          %swap3A_448 = vector.shape_cast %swap3A_447 : vector<1x1x16xf32> to vector<16xf32>
          %swap3A_449 = vector.shape_cast %mul3A_442 : vector<16xf32> to vector<1x1x16xf32>
          tpu.vector_store %arg30[%swap3A_444, %swap3A_445, %swap3A_446], %swap3A_449 {strides = array<i32>} : memref<128x4x16xf32, #tpu.memory_space<vmem>>, vector<1x1x16xf32>,
          %get3A_450 = arith.constant 1 : i32
          %get3A_451 = arith.index_cast %add3A_431 : i32 to index
          %get3A_452 = arith.index_cast %get3A_450 : i32 to index
          %get3A_453 = arith.constant 0 : index
          %get3A_454 = tpu.vector_load %arg30[%get3A_451, %get3A_452, %get3A_453] {strides = array<i32>} : memref<128x4x16xf32, #tpu.memory_space<vmem>>, vector<1x1x16xf32>,
          %get3A_455 = vector.shape_cast %get3A_454 : vector<1x1x16xf32> to vector<16xf32>
          %mul3A_456 = arith.mulf %get3A_455, %get3A_435 : vector<16xf32>
          %swap3A_457 = arith.constant 1 : i32
          %swap3A_458 = arith.index_cast %add3A_431 : i32 to index
          %swap3A_459 = arith.index_cast %swap3A_457 : i32 to index
          %swap3A_460 = arith.constant 0 : index
          %swap3A_461 = tpu.vector_load %arg30[%swap3A_458, %swap3A_459, %swap3A_460] {strides = array<i32>} : memref<128x4x16xf32, #tpu.memory_space<vmem>>, vector<1x1x16xf32>,
          %swap3A_462 = vector.shape_cast %swap3A_461 : vector<1x1x16xf32> to vector<16xf32>
          %swap3A_463 = vector.shape_cast %mul3A_456 : vector<16xf32> to vector<1x1x16xf32>
          tpu.vector_store %arg30[%swap3A_458, %swap3A_459, %swap3A_460], %swap3A_463 {strides = array<i32>} : memref<128x4x16xf32, #tpu.memory_space<vmem>>, vector<1x1x16xf32>,
          %get3A_464 = arith.constant 2 : i32
          %get3A_465 = arith.index_cast %add3A_431 : i32 to index
          %get3A_466 = arith.index_cast %get3A_464 : i32 to index
          %get3A_467 = arith.constant 0 : index
          %get3A_468 = tpu.vector_load %arg30[%get3A_465, %get3A_466, %get3A_467] {strides = array<i32>} : memref<128x4x16xf32, #tpu.memory_space<vmem>>, vector<1x1x16xf32>,
          %get3A_469 = vector.shape_cast %get3A_468 : vector<1x1x16xf32> to vector<16xf32>
          %mul3A_470 = arith.mulf %get3A_469, %get3A_435 : vector<16xf32>
          %swap3A_471 = arith.constant 2 : i32
          %swap3A_472 = arith.index_cast %add3A_431 : i32 to index
          %swap3A_473 = arith.index_cast %swap3A_471 : i32 to index
          %swap3A_474 = arith.constant 0 : index
          %swap3A_475 = tpu.vector_load %arg30[%swap3A_472, %swap3A_473, %swap3A_474] {strides = array<i32>} : memref<128x4x16xf32, #tpu.memory_space<vmem>>, vector<1x1x16xf32>,
          %swap3A_476 = vector.shape_cast %swap3A_475 : vector<1x1x16xf32> to vector<16xf32>
          %swap3A_477 = vector.shape_cast %mul3A_470 : vector<16xf32> to vector<1x1x16xf32>
          tpu.vector_store %arg30[%swap3A_472, %swap3A_473, %swap3A_474], %swap3A_477 {strides = array<i32>} : memref<128x4x16xf32, #tpu.memory_space<vmem>>, vector<1x1x16xf32>,
          %get3A_478 = arith.constant 3 : i32
          %get3A_479 = arith.index_cast %add3A_431 : i32 to index
          %get3A_480 = arith.index_cast %get3A_478 : i32 to index
          %get3A_481 = arith.constant 0 : index
          %get3A_482 = tpu.vector_load %arg30[%get3A_479, %get3A_480, %get3A_481] {strides = array<i32>} : memref<128x4x16xf32, #tpu.memory_space<vmem>>, vector<1x1x16xf32>,
          %get3A_483 = vector.shape_cast %get3A_482 : vector<1x1x16xf32> to vector<16xf32>
          %mul3A_484 = arith.mulf %get3A_483, %get3A_435 : vector<16xf32>
          %swap3A_485 = arith.constant 3 : i32
          %swap3A_486 = arith.index_cast %add3A_431 : i32 to index
          %swap3A_487 = arith.index_cast %swap3A_485 : i32 to index
          %swap3A_488 = arith.constant 0 : index
          %swap3A_489 = tpu.vector_load %arg30[%swap3A_486, %swap3A_487, %swap3A_488] {strides = array<i32>} : memref<128x4x16xf32, #tpu.memory_space<vmem>>, vector<1x1x16xf32>,
          %swap3A_490 = vector.shape_cast %swap3A_489 : vector<1x1x16xf32> to vector<16xf32>
          %swap3A_491 = vector.shape_cast %mul3A_484 : vector<16xf32> to vector<1x1x16xf32>
          tpu.vector_store %arg30[%swap3A_486, %swap3A_487, %swap3A_488], %swap3A_491 {strides = array<i32>} : memref<128x4x16xf32, #tpu.memory_space<vmem>>, vector<1x1x16xf32>,
          %mul3A_492 = arith.constant 4 : i32
          %mul3A_493 = arith.muli %scan3A_365, %mul3A_492 : i32
          %add3A_494 = arith.constant 2 : i32
          %add3A_495 = arith.addi %mul3A_493, %add3A_494 : i32
          %get3A_496 = arith.index_cast %add3A_495 : i32 to index
          %get3A_497 = arith.constant 0 : index
          %get3A_498 = tpu.vector_load %arg24[%get3A_496, %get3A_497] {strides = array<i32>} : memref<128x16xf32, #tpu.memory_space<vmem>>, vector<1x16xf32>,
          %get3A_499 = vector.shape_cast %get3A_498 : vector<1x16xf32> to vector<16xf32>
          %get3A_500 = arith.constant 0 : i32
          %get3A_501 = arith.index_cast %add3A_495 : i32 to index
          %get3A_502 = arith.index_cast %get3A_500 : i32 to index
          %get3A_503 = arith.constant 0 : index
          %get3A_504 = tpu.vector_load %arg30[%get3A_501, %get3A_502, %get3A_503] {strides = array<i32>} : memref<128x4x16xf32, #tpu.memory_space<vmem>>, vector<1x1x16xf32>,
          %get3A_505 = vector.shape_cast %get3A_504 : vector<1x1x16xf32> to vector<16xf32>
          %mul3A_506 = arith.mulf %get3A_505, %get3A_499 : vector<16xf32>
          %swap3A_507 = arith.constant 0 : i32
          %swap3A_508 = arith.index_cast %add3A_495 : i32 to index
          %swap3A_509 = arith.index_cast %swap3A_507 : i32 to index
          %swap3A_510 = arith.constant 0 : index
          %swap3A_511 = tpu.vector_load %arg30[%swap3A_508, %swap3A_509, %swap3A_510] {strides = array<i32>} : memref<128x4x16xf32, #tpu.memory_space<vmem>>, vector<1x1x16xf32>,
          %swap3A_512 = vector.shape_cast %swap3A_511 : vector<1x1x16xf32> to vector<16xf32>
          %swap3A_513 = vector.shape_cast %mul3A_506 : vector<16xf32> to vector<1x1x16xf32>
          tpu.vector_store %arg30[%swap3A_508, %swap3A_509, %swap3A_510], %swap3A_513 {strides = array<i32>} : memref<128x4x16xf32, #tpu.memory_space<vmem>>, vector<1x1x16xf32>,
          %get3A_514 = arith.constant 1 : i32
          %get3A_515 = arith.index_cast %add3A_495 : i32 to index
          %get3A_516 = arith.index_cast %get3A_514 : i32 to index
          %get3A_517 = arith.constant 0 : index
          %get3A_518 = tpu.vector_load %arg30[%get3A_515, %get3A_516, %get3A_517] {strides = array<i32>} : memref<128x4x16xf32, #tpu.memory_space<vmem>>, vector<1x1x16xf32>,
          %get3A_519 = vector.shape_cast %get3A_518 : vector<1x1x16xf32> to vector<16xf32>
          %mul3A_520 = arith.mulf %get3A_519, %get3A_499 : vector<16xf32>
          %swap3A_521 = arith.constant 1 : i32
          %swap3A_522 = arith.index_cast %add3A_495 : i32 to index
          %swap3A_523 = arith.index_cast %swap3A_521 : i32 to index
          %swap3A_524 = arith.constant 0 : index
          %swap3A_525 = tpu.vector_load %arg30[%swap3A_522, %swap3A_523, %swap3A_524] {strides = array<i32>} : memref<128x4x16xf32, #tpu.memory_space<vmem>>, vector<1x1x16xf32>,
          %swap3A_526 = vector.shape_cast %swap3A_525 : vector<1x1x16xf32> to vector<16xf32>
          %swap3A_527 = vector.shape_cast %mul3A_520 : vector<16xf32> to vector<1x1x16xf32>
          tpu.vector_store %arg30[%swap3A_522, %swap3A_523, %swap3A_524], %swap3A_527 {strides = array<i32>} : memref<128x4x16xf32, #tpu.memory_space<vmem>>, vector<1x1x16xf32>,
          %get3A_528 = arith.constant 2 : i32
          %get3A_529 = arith.index_cast %add3A_495 : i32 to index
          %get3A_530 = arith.index_cast %get3A_528 : i32 to index
          %get3A_531 = arith.constant 0 : index
          %get3A_532 = tpu.vector_load %arg30[%get3A_529, %get3A_530, %get3A_531] {strides = array<i32>} : memref<128x4x16xf32, #tpu.memory_space<vmem>>, vector<1x1x16xf32>,
          %get3A_533 = vector.shape_cast %get3A_532 : vector<1x1x16xf32> to vector<16xf32>
          %mul3A_534 = arith.mulf %get3A_533, %get3A_499 : vector<16xf32>
          %swap3A_535 = arith.constant 2 : i32
          %swap3A_536 = arith.index_cast %add3A_495 : i32 to index
          %swap3A_537 = arith.index_cast %swap3A_535 : i32 to index
          %swap3A_538 = arith.constant 0 : index
          %swap3A_539 = tpu.vector_load %arg30[%swap3A_536, %swap3A_537, %swap3A_538] {strides = array<i32>} : memref<128x4x16xf32, #tpu.memory_space<vmem>>, vector<1x1x16xf32>,
          %swap3A_540 = vector.shape_cast %swap3A_539 : vector<1x1x16xf32> to vector<16xf32>
          %swap3A_541 = vector.shape_cast %mul3A_534 : vector<16xf32> to vector<1x1x16xf32>
          tpu.vector_store %arg30[%swap3A_536, %swap3A_537, %swap3A_538], %swap3A_541 {strides = array<i32>} : memref<128x4x16xf32, #tpu.memory_space<vmem>>, vector<1x1x16xf32>,
          %get3A_542 = arith.constant 3 : i32
          %get3A_543 = arith.index_cast %add3A_495 : i32 to index
          %get3A_544 = arith.index_cast %get3A_542 : i32 to index
          %get3A_545 = arith.constant 0 : index
          %get3A_546 = tpu.vector_load %arg30[%get3A_543, %get3A_544, %get3A_545] {strides = array<i32>} : memref<128x4x16xf32, #tpu.memory_space<vmem>>, vector<1x1x16xf32>,
          %get3A_547 = vector.shape_cast %get3A_546 : vector<1x1x16xf32> to vector<16xf32>
          %mul3A_548 = arith.mulf %get3A_547, %get3A_499 : vector<16xf32>
          %swap3A_549 = arith.constant 3 : i32
          %swap3A_550 = arith.index_cast %add3A_495 : i32 to index
          %swap3A_551 = arith.index_cast %swap3A_549 : i32 to index
          %swap3A_552 = arith.constant 0 : index
          %swap3A_553 = tpu.vector_load %arg30[%swap3A_550, %swap3A_551, %swap3A_552] {strides = array<i32>} : memref<128x4x16xf32, #tpu.memory_space<vmem>>, vector<1x1x16xf32>,
          %swap3A_554 = vector.shape_cast %swap3A_553 : vector<1x1x16xf32> to vector<16xf32>
          %swap3A_555 = vector.shape_cast %mul3A_548 : vector<16xf32> to vector<1x1x16xf32>
          tpu.vector_store %arg30[%swap3A_550, %swap3A_551, %swap3A_552], %swap3A_555 {strides = array<i32>} : memref<128x4x16xf32, #tpu.memory_space<vmem>>, vector<1x1x16xf32>,
          %mul3A_556 = arith.constant 4 : i32
          %mul3A_557 = arith.muli %scan3A_365, %mul3A_556 : i32
          %add3A_558 = arith.constant 3 : i32
          %add3A_559 = arith.addi %mul3A_557, %add3A_558 : i32
          %get3A_560 = arith.index_cast %add3A_559 : i32 to index
          %get3A_561 = arith.constant 0 : index
          %get3A_562 = tpu.vector_load %arg24[%get3A_560, %get3A_561] {strides = array<i32>} : memref<128x16xf32, #tpu.memory_space<vmem>>, vector<1x16xf32>,
          %get3A_563 = vector.shape_cast %get3A_562 : vector<1x16xf32> to vector<16xf32>
          %get3A_564 = arith.constant 0 : i32
          %get3A_565 = arith.index_cast %add3A_559 : i32 to index
          %get3A_566 = arith.index_cast %get3A_564 : i32 to index
          %get3A_567 = arith.constant 0 : index
          %get3A_568 = tpu.vector_load %arg30[%get3A_565, %get3A_566, %get3A_567] {strides = array<i32>} : memref<128x4x16xf32, #tpu.memory_space<vmem>>, vector<1x1x16xf32>,
          %get3A_569 = vector.shape_cast %get3A_568 : vector<1x1x16xf32> to vector<16xf32>
          %mul3A_570 = arith.mulf %get3A_569, %get3A_563 : vector<16xf32>
          %swap3A_571 = arith.constant 0 : i32
          %swap3A_572 = arith.index_cast %add3A_559 : i32 to index
          %swap3A_573 = arith.index_cast %swap3A_571 : i32 to index
          %swap3A_574 = arith.constant 0 : index
          %swap3A_575 = tpu.vector_load %arg30[%swap3A_572, %swap3A_573, %swap3A_574] {strides = array<i32>} : memref<128x4x16xf32, #tpu.memory_space<vmem>>, vector<1x1x16xf32>,
          %swap3A_576 = vector.shape_cast %swap3A_575 : vector<1x1x16xf32> to vector<16xf32>
          %swap3A_577 = vector.shape_cast %mul3A_570 : vector<16xf32> to vector<1x1x16xf32>
          tpu.vector_store %arg30[%swap3A_572, %swap3A_573, %swap3A_574], %swap3A_577 {strides = array<i32>} : memref<128x4x16xf32, #tpu.memory_space<vmem>>, vector<1x1x16xf32>,
          %get3A_578 = arith.constant 1 : i32
          %get3A_579 = arith.index_cast %add3A_559 : i32 to index
          %get3A_580 = arith.index_cast %get3A_578 : i32 to index
          %get3A_581 = arith.constant 0 : index
          %get3A_582 = tpu.vector_load %arg30[%get3A_579, %get3A_580, %get3A_581] {strides = array<i32>} : memref<128x4x16xf32, #tpu.memory_space<vmem>>, vector<1x1x16xf32>,
          %get3A_583 = vector.shape_cast %get3A_582 : vector<1x1x16xf32> to vector<16xf32>
          %mul3A_584 = arith.mulf %get3A_583, %get3A_563 : vector<16xf32>
          %swap3A_585 = arith.constant 1 : i32
          %swap3A_586 = arith.index_cast %add3A_559 : i32 to index
          %swap3A_587 = arith.index_cast %swap3A_585 : i32 to index
          %swap3A_588 = arith.constant 0 : index
          %swap3A_589 = tpu.vector_load %arg30[%swap3A_586, %swap3A_587, %swap3A_588] {strides = array<i32>} : memref<128x4x16xf32, #tpu.memory_space<vmem>>, vector<1x1x16xf32>,
          %swap3A_590 = vector.shape_cast %swap3A_589 : vector<1x1x16xf32> to vector<16xf32>
          %swap3A_591 = vector.shape_cast %mul3A_584 : vector<16xf32> to vector<1x1x16xf32>
          tpu.vector_store %arg30[%swap3A_586, %swap3A_587, %swap3A_588], %swap3A_591 {strides = array<i32>} : memref<128x4x16xf32, #tpu.memory_space<vmem>>, vector<1x1x16xf32>,
          %get3A_592 = arith.constant 2 : i32
          %get3A_593 = arith.index_cast %add3A_559 : i32 to index
          %get3A_594 = arith.index_cast %get3A_592 : i32 to index
          %get3A_595 = arith.constant 0 : index
          %get3A_596 = tpu.vector_load %arg30[%get3A_593, %get3A_594, %get3A_595] {strides = array<i32>} : memref<128x4x16xf32, #tpu.memory_space<vmem>>, vector<1x1x16xf32>,
          %get3A_597 = vector.shape_cast %get3A_596 : vector<1x1x16xf32> to vector<16xf32>
          %mul3A_598 = arith.mulf %get3A_597, %get3A_563 : vector<16xf32>
          %swap3A_599 = arith.constant 2 : i32
          %swap3A_600 = arith.index_cast %add3A_559 : i32 to index
          %swap3A_601 = arith.index_cast %swap3A_599 : i32 to index
          %swap3A_602 = arith.constant 0 : index
          %swap3A_603 = tpu.vector_load %arg30[%swap3A_600, %swap3A_601, %swap3A_602] {strides = array<i32>} : memref<128x4x16xf32, #tpu.memory_space<vmem>>, vector<1x1x16xf32>,
          %swap3A_604 = vector.shape_cast %swap3A_603 : vector<1x1x16xf32> to vector<16xf32>
          %swap3A_605 = vector.shape_cast %mul3A_598 : vector<16xf32> to vector<1x1x16xf32>
          tpu.vector_store %arg30[%swap3A_600, %swap3A_601, %swap3A_602], %swap3A_605 {strides = array<i32>} : memref<128x4x16xf32, #tpu.memory_space<vmem>>, vector<1x1x16xf32>,
          %get3A_606 = arith.constant 3 : i32
          %get3A_607 = arith.index_cast %add3A_559 : i32 to index
          %get3A_608 = arith.index_cast %get3A_606 : i32 to index
          %get3A_609 = arith.constant 0 : index
          %get3A_610 = tpu.vector_load %arg30[%get3A_607, %get3A_608, %get3A_609] {strides = array<i32>} : memref<128x4x16xf32, #tpu.memory_space<vmem>>, vector<1x1x16xf32>,
          %get3A_611 = vector.shape_cast %get3A_610 : vector<1x1x16xf32> to vector<16xf32>
          %mul3A_612 = arith.mulf %get3A_611, %get3A_563 : vector<16xf32>
          %swap3A_613 = arith.constant 3 : i32
          %swap3A_614 = arith.index_cast %add3A_559 : i32 to index
          %swap3A_615 = arith.index_cast %swap3A_613 : i32 to index
          %swap3A_616 = arith.constant 0 : index
          %swap3A_617 = tpu.vector_load %arg30[%swap3A_614, %swap3A_615, %swap3A_616] {strides = array<i32>} : memref<128x4x16xf32, #tpu.memory_space<vmem>>, vector<1x1x16xf32>,
          %swap3A_618 = vector.shape_cast %swap3A_617 : vector<1x1x16xf32> to vector<16xf32>
          %swap3A_619 = vector.shape_cast %mul3A_612 : vector<16xf32> to vector<1x1x16xf32>
          tpu.vector_store %arg30[%swap3A_614, %swap3A_615, %swap3A_616], %swap3A_619 {strides = array<i32>} : memref<128x4x16xf32, #tpu.memory_space<vmem>>, vector<1x1x16xf32>,
        }
        %scan3A_321 = arith.constant 32 : i32
        %dma_start3A_322 = arith.constant 0 : i32
        %dma_start3A_323 = arith.constant 0 : i32
        %dma_start3A_324 = arith.constant 0 : i32
        %dma_start3A_325 = tpu.memref_slice %arg12[%dma_start3A_322, %dma_start3A_323, %dma_start3A_324] : memref<10240x4x16xf32, #tpu.memory_space<vmem_shared>> -> memref<10240x4x16xf32, #tpu.memory_space<vmem_shared>>
        tpu.enqueue_indirect_dma source(%arg30 : memref<128x4x16xf32, #tpu.memory_space<vmem>>) target(%dma_start3A_325 : memref<10240x4x16xf32, #tpu.memory_space<vmem_shared>>) offsets(%arg20 : memref<128xi32, #tpu.memory_space<vmem>>) semaphore(%arg42 : memref<!tpu.dma_semaphore, #tpu.memory_space<semaphore_mem>>) {add = true}
        %mul3A_326 = arith.constant 4 : i32
        %mul3A_327 = arith.muli %mul3A_326, %scan3A_211 : i32
        %add3A_328 = arith.constant 3 : i32
        %add3A_329 = arith.addi %mul3A_327, %add3A_328 : i32
        %add3A_330 = arith.constant 2 : i32
        %add3A_331 = arith.addi %add3A_329, %add3A_330 : i32
        %lt3A_332 = arith.constant 160 : i32
        %lt3A_333 = arith.cmpi slt, %add3A_331, %lt3A_332 : i32
        %convert_element_type3A_334 = arith.extui %lt3A_333 : i1 to i32
        %cond3A_335 = arith.constant 0 : i32
        %cond3A_336 = arith.cmpi ne, %convert_element_type3A_334, %cond3A_335 : i32
        scf.if %cond3A_336 {
          %ge3A = arith.constant 2 : i32
          %ge3A_365 = arith.cmpi sge, %add3A_329, %ge3A : i32
          %convert_element_type3A_366 = arith.extui %ge3A_365 : i1 to i32
          %cond3A_367 = arith.constant 0 : i32
          %cond3A_368 = arith.cmpi ne, %convert_element_type3A_366, %cond3A_367 : i32
          scf.if %cond3A_368 {
            %sub3A = arith.constant 2 : i32
            %sub3A_381 = arith.subi %add3A_329, %sub3A : i32
            %dma_wait3A_382 = arith.constant 0 : i32
            %dma_wait3A_383 = arith.constant 0 : i32
            %dma_wait3A_384 = arith.constant 0 : i32
            %dma_wait3A_385 = tpu.memref_slice %arg12[%dma_wait3A_382, %dma_wait3A_383, %dma_wait3A_384] : memref<10240x4x16xf32, #tpu.memory_space<vmem_shared>> -> memref<10240x4x16xf32, #tpu.memory_space<vmem_shared>>
            tpu.wait_indirect_dma semaphore(%arg41 : memref<!tpu.dma_semaphore, #tpu.memory_space<semaphore_mem>>) src(%arg29 : memref<128x4x16xf32, #tpu.memory_space<vmem>>) dst(%dma_wait3A_385 : memref<10240x4x16xf32, #tpu.memory_space<vmem_shared>>)
          } else {
          }
          %add3A_369 = arith.constant 2 : i32
          %add3A_370 = arith.addi %add3A_329, %add3A_369 : i32
          %mul3A_371 = arith.constant 128 : i32
          %mul3A_372 = arith.muli %add3A_370, %mul3A_371 : i32
          %add3A_373 = arith.addi %add3A, %mul3A_372 : i32
          %dma_start3A_374 = tpu.memref_slice %arg3[%add3A_373] : memref<655360xi32, #tpu.memory_space<hbm>> -> memref<128xi32, #tpu.memory_space<hbm>>
          %dma_start3A_375 = tpu.memref_slice %arg3[%add3A_373] : memref<655360xi32, #tpu.memory_space<hbm>> -> memref<128xi32, #tpu.memory_space<hbm>>
          tpu.enqueue_dma source(%dma_start3A_375 : memref<128xi32, #tpu.memory_space<hbm>>) target(%arg15 : memref<128xi32, #tpu.memory_space<vmem>>) target_semaphore(%arg49 : memref<!tpu.dma_semaphore, #tpu.memory_space<semaphore_mem>>)
          %mul3A_376 = arith.constant 128 : i32
          %mul3A_377 = arith.muli %add3A_370, %mul3A_376 : i32
          %add3A_378 = arith.addi %mul3A_2, %mul3A_377 : i32
          %dma_start3A_379 = tpu.memref_slice %arg4[%add3A_378] : memref<327680xi32, #tpu.memory_space<hbm>> -> memref<128xi32, #tpu.memory_space<hbm>>
          %dma_start3A_380 = tpu.memref_slice %arg4[%add3A_378] : memref<327680xi32, #tpu.memory_space<hbm>> -> memref<128xi32, #tpu.memory_space<hbm>>
          tpu.enqueue_dma source(%dma_start3A_380 : memref<128xi32, #tpu.memory_space<hbm>>) target(%arg19 : memref<128xi32, #tpu.memory_space<vmem>>) target_semaphore(%arg49 : memref<!tpu.dma_semaphore, #tpu.memory_space<semaphore_mem>>)
        } else {
        }
        %add3A_337 = arith.constant 1 : i32
        %add3A_338 = arith.addi %add3A_329, %add3A_337 : i32
        %lt3A_339 = arith.constant 160 : i32
        %lt3A_340 = arith.cmpi slt, %add3A_338, %lt3A_339 : i32
        %convert_element_type3A_341 = arith.extui %lt3A_340 : i1 to i32
        %cond3A_342 = arith.constant 0 : i32
        %cond3A_343 = arith.cmpi ne, %convert_element_type3A_341, %cond3A_342 : i32
        scf.if %cond3A_343 {
          %add3A_365 = arith.constant 1 : i32
          %add3A_366 = arith.addi %add3A_329, %add3A_365 : i32
          %mul3A_367 = arith.constant 128 : i32
          %mul3A_368 = arith.muli %add3A_366, %mul3A_367 : i32
          %add3A_369 = arith.addi %add3A, %mul3A_368 : i32
          %dma_wait3A_370 = tpu.memref_slice %arg3[%add3A_369] : memref<655360xi32, #tpu.memory_space<hbm>> -> memref<128xi32, #tpu.memory_space<hbm>>
          %dma_wait3A_371 = tpu.memref_slice %arg3[%add3A_369] : memref<655360xi32, #tpu.memory_space<hbm>> -> memref<128xi32, #tpu.memory_space<hbm>>
          tpu.wait_dma2 semaphore(%arg48 : memref<!tpu.dma_semaphore, #tpu.memory_space<semaphore_mem>>) src(%dma_wait3A_371 : memref<128xi32, #tpu.memory_space<hbm>>) dst(%arg14 : memref<128xi32, #tpu.memory_space<vmem>>)
          %mul3A_372 = arith.constant 128 : i32
          %mul3A_373 = arith.muli %add3A_366, %mul3A_372 : i32
          %add3A_374 = arith.addi %mul3A_2, %mul3A_373 : i32
          %dma_wait3A_375 = tpu.memref_slice %arg4[%add3A_374] : memref<327680xi32, #tpu.memory_space<hbm>> -> memref<128xi32, #tpu.memory_space<hbm>>
          %dma_wait3A_376 = tpu.memref_slice %arg4[%add3A_374] : memref<327680xi32, #tpu.memory_space<hbm>> -> memref<128xi32, #tpu.memory_space<hbm>>
          tpu.wait_dma2 semaphore(%arg48 : memref<!tpu.dma_semaphore, #tpu.memory_space<semaphore_mem>>) src(%dma_wait3A_376 : memref<128xi32, #tpu.memory_space<hbm>>) dst(%arg18 : memref<128xi32, #tpu.memory_space<vmem>>)
          %add3A_377 = arith.constant 1 : i32
          %add3A_378 = arith.addi %add3A_329, %add3A_377 : i32
          %mul3A_379 = arith.constant 128 : i32
          %mul3A_380 = arith.muli %add3A_378, %mul3A_379 : i32
          %add3A_381 = arith.addi %mul3A_2, %mul3A_380 : i32
          %dma_start3A_382 = arith.constant 0 : i32
          %dma_start3A_383 = tpu.memref_slice %arg11[%add3A_381, %dma_start3A_382] : memref<327680x16xf32, #tpu.memory_space<hbm>> -> memref<128x16xf32, #tpu.memory_space<hbm>>
          %dma_start3A_384 = arith.constant 0 : i32
          %dma_start3A_385 = tpu.memref_slice %arg11[%add3A_381, %dma_start3A_384] : memref<327680x16xf32, #tpu.memory_space<hbm>> -> memref<128x16xf32, #tpu.memory_space<hbm>>
          tpu.enqueue_dma source(%dma_start3A_385 : memref<128x16xf32, #tpu.memory_space<hbm>>) target(%arg22 : memref<128x16xf32, #tpu.memory_space<vmem>>) target_semaphore(%arg44 : memref<!tpu.dma_semaphore, #tpu.memory_space<semaphore_mem>>)
          %add3A_386 = arith.constant 1 : i32
          %add3A_387 = arith.addi %add3A_329, %add3A_386 : i32
          %dma_start3A_388 = arith.constant 0 : i32
          %dma_start3A_389 = arith.constant 0 : i32
          %dma_start3A_390 = arith.constant 0 : i32
          %dma_start3A_391 = tpu.memref_slice %arg10[%dma_start3A_388, %dma_start3A_389, %dma_start3A_390] : memref<20480x4x16xf32, #tpu.memory_space<hbm>> -> memref<20480x4x16xf32, #tpu.memory_space<hbm>>
          tpu.enqueue_indirect_dma source(%dma_start3A_391 : memref<20480x4x16xf32, #tpu.memory_space<hbm>>) target(%arg28 : memref<128x4x16xf32, #tpu.memory_space<vmem>>) offsets(%arg14 : memref<128xi32, #tpu.memory_space<vmem>>) semaphore(%arg36 : memref<!tpu.dma_semaphore, #tpu.memory_space<semaphore_mem>>)
        } else {
        }
        %dma_wait3A_344 = arith.constant 0 : i32
        %dma_wait3A_345 = arith.constant 0 : i32
        %dma_wait3A_346 = arith.constant 0 : i32
        %dma_wait3A_347 = tpu.memref_slice %arg10[%dma_wait3A_344, %dma_wait3A_345, %dma_wait3A_346] : memref<20480x4x16xf32, #tpu.memory_space<hbm>> -> memref<20480x4x16xf32, #tpu.memory_space<hbm>>
        tpu.wait_indirect_dma semaphore(%arg39 : memref<!tpu.dma_semaphore, #tpu.memory_space<semaphore_mem>>) src(%dma_wait3A_347 : memref<20480x4x16xf32, #tpu.memory_space<hbm>>) dst(%arg31 : memref<128x4x16xf32, #tpu.memory_space<vmem>>)
        %mul3A_348 = arith.constant 128 : i32
        %mul3A_349 = arith.muli %add3A_329, %mul3A_348 : i32
        %add3A_350 = arith.addi %mul3A_2, %mul3A_349 : i32
        %dma_wait3A_351 = arith.constant 0 : i32
        %dma_wait3A_352 = tpu.memref_slice %arg11[%add3A_350, %dma_wait3A_351] : memref<327680x16xf32, #tpu.memory_space<hbm>> -> memref<128x16xf32, #tpu.memory_space<hbm>>
        %dma_wait3A_353 = arith.constant 0 : i32
        %dma_wait3A_354 = tpu.memref_slice %arg11[%add3A_350, %dma_wait3A_353] : memref<327680x16xf32, #tpu.memory_space<hbm>> -> memref<128x16xf32, #tpu.memory_space<hbm>>
        tpu.wait_dma2 semaphore(%arg47 : memref<!tpu.dma_semaphore, #tpu.memory_space<semaphore_mem>>) src(%dma_wait3A_354 : memref<128x16xf32, #tpu.memory_space<hbm>>) dst(%arg25 : memref<128x16xf32, #tpu.memory_space<vmem>>)
        %scan3A_355 = arith.constant 0 : i32
        %scan3A_356 = arith.constant 0 : i32
        %scan3A_357 = arith.constant 32 : i32
        %scan3A_358 = arith.addi %scan3A_356, %scan3A_357 : i32
        %scan3A_359 = arith.constant 1 : i32
        scf.for %scan3A_365 = %scan3A_356 to %scan3A_358 step %scan3A_359  : i32 {
          %mul3A_366 = arith.constant 4 : i32
          %mul3A_367 = arith.muli %scan3A_365, %mul3A_366 : i32
          %add3A_368 = arith.constant 0 : i32
          %add3A_369 = arith.addi %mul3A_367, %add3A_368 : i32
          %get3A = arith.index_cast %add3A_369 : i32 to index
          %get3A_370 = arith.constant 0 : index
          %get3A_371 = tpu.vector_load %arg25[%get3A, %get3A_370] {strides = array<i32>} : memref<128x16xf32, #tpu.memory_space<vmem>>, vector<1x16xf32>,
          %get3A_372 = vector.shape_cast %get3A_371 : vector<1x16xf32> to vector<16xf32>
          %get3A_373 = arith.constant 0 : i32
          %get3A_374 = arith.index_cast %add3A_369 : i32 to index
          %get3A_375 = arith.index_cast %get3A_373 : i32 to index
          %get3A_376 = arith.constant 0 : index
          %get3A_377 = tpu.vector_load %arg31[%get3A_374, %get3A_375, %get3A_376] {strides = array<i32>} : memref<128x4x16xf32, #tpu.memory_space<vmem>>, vector<1x1x16xf32>,
          %get3A_378 = vector.shape_cast %get3A_377 : vector<1x1x16xf32> to vector<16xf32>
          %mul3A_379 = arith.mulf %get3A_378, %get3A_372 : vector<16xf32>
          %swap3A = arith.constant 0 : i32
          %swap3A_380 = arith.index_cast %add3A_369 : i32 to index
          %swap3A_381 = arith.index_cast %swap3A : i32 to index
          %swap3A_382 = arith.constant 0 : index
          %swap3A_383 = tpu.vector_load %arg31[%swap3A_380, %swap3A_381, %swap3A_382] {strides = array<i32>} : memref<128x4x16xf32, #tpu.memory_space<vmem>>, vector<1x1x16xf32>,
          %swap3A_384 = vector.shape_cast %swap3A_383 : vector<1x1x16xf32> to vector<16xf32>
          %swap3A_385 = vector.shape_cast %mul3A_379 : vector<16xf32> to vector<1x1x16xf32>
          tpu.vector_store %arg31[%swap3A_380, %swap3A_381, %swap3A_382], %swap3A_385 {strides = array<i32>} : memref<128x4x16xf32, #tpu.memory_space<vmem>>, vector<1x1x16xf32>,
          %get3A_386 = arith.constant 1 : i32
          %get3A_387 = arith.index_cast %add3A_369 : i32 to index
          %get3A_388 = arith.index_cast %get3A_386 : i32 to index
          %get3A_389 = arith.constant 0 : index
          %get3A_390 = tpu.vector_load %arg31[%get3A_387, %get3A_388, %get3A_389] {strides = array<i32>} : memref<128x4x16xf32, #tpu.memory_space<vmem>>, vector<1x1x16xf32>,
          %get3A_391 = vector.shape_cast %get3A_390 : vector<1x1x16xf32> to vector<16xf32>
          %mul3A_392 = arith.mulf %get3A_391, %get3A_372 : vector<16xf32>
          %swap3A_393 = arith.constant 1 : i32
          %swap3A_394 = arith.index_cast %add3A_369 : i32 to index
          %swap3A_395 = arith.index_cast %swap3A_393 : i32 to index
          %swap3A_396 = arith.constant 0 : index
          %swap3A_397 = tpu.vector_load %arg31[%swap3A_394, %swap3A_395, %swap3A_396] {strides = array<i32>} : memref<128x4x16xf32, #tpu.memory_space<vmem>>, vector<1x1x16xf32>,
          %swap3A_398 = vector.shape_cast %swap3A_397 : vector<1x1x16xf32> to vector<16xf32>
          %swap3A_399 = vector.shape_cast %mul3A_392 : vector<16xf32> to vector<1x1x16xf32>
          tpu.vector_store %arg31[%swap3A_394, %swap3A_395, %swap3A_396], %swap3A_399 {strides = array<i32>} : memref<128x4x16xf32, #tpu.memory_space<vmem>>, vector<1x1x16xf32>,
          %get3A_400 = arith.constant 2 : i32
          %get3A_401 = arith.index_cast %add3A_369 : i32 to index
          %get3A_402 = arith.index_cast %get3A_400 : i32 to index
          %get3A_403 = arith.constant 0 : index
          %get3A_404 = tpu.vector_load %arg31[%get3A_401, %get3A_402, %get3A_403] {strides = array<i32>} : memref<128x4x16xf32, #tpu.memory_space<vmem>>, vector<1x1x16xf32>,
          %get3A_405 = vector.shape_cast %get3A_404 : vector<1x1x16xf32> to vector<16xf32>
          %mul3A_406 = arith.mulf %get3A_405, %get3A_372 : vector<16xf32>
          %swap3A_407 = arith.constant 2 : i32
          %swap3A_408 = arith.index_cast %add3A_369 : i32 to index
          %swap3A_409 = arith.index_cast %swap3A_407 : i32 to index
          %swap3A_410 = arith.constant 0 : index
          %swap3A_411 = tpu.vector_load %arg31[%swap3A_408, %swap3A_409, %swap3A_410] {strides = array<i32>} : memref<128x4x16xf32, #tpu.memory_space<vmem>>, vector<1x1x16xf32>,
          %swap3A_412 = vector.shape_cast %swap3A_411 : vector<1x1x16xf32> to vector<16xf32>
          %swap3A_413 = vector.shape_cast %mul3A_406 : vector<16xf32> to vector<1x1x16xf32>
          tpu.vector_store %arg31[%swap3A_408, %swap3A_409, %swap3A_410], %swap3A_413 {strides = array<i32>} : memref<128x4x16xf32, #tpu.memory_space<vmem>>, vector<1x1x16xf32>,
          %get3A_414 = arith.constant 3 : i32
          %get3A_415 = arith.index_cast %add3A_369 : i32 to index
          %get3A_416 = arith.index_cast %get3A_414 : i32 to index
          %get3A_417 = arith.constant 0 : index
          %get3A_418 = tpu.vector_load %arg31[%get3A_415, %get3A_416, %get3A_417] {strides = array<i32>} : memref<128x4x16xf32, #tpu.memory_space<vmem>>, vector<1x1x16xf32>,
          %get3A_419 = vector.shape_cast %get3A_418 : vector<1x1x16xf32> to vector<16xf32>
          %mul3A_420 = arith.mulf %get3A_419, %get3A_372 : vector<16xf32>
          %swap3A_421 = arith.constant 3 : i32
          %swap3A_422 = arith.index_cast %add3A_369 : i32 to index
          %swap3A_423 = arith.index_cast %swap3A_421 : i32 to index
          %swap3A_424 = arith.constant 0 : index
          %swap3A_425 = tpu.vector_load %arg31[%swap3A_422, %swap3A_423, %swap3A_424] {strides = array<i32>} : memref<128x4x16xf32, #tpu.memory_space<vmem>>, vector<1x1x16xf32>,
          %swap3A_426 = vector.shape_cast %swap3A_425 : vector<1x1x16xf32> to vector<16xf32>
          %swap3A_427 = vector.shape_cast %mul3A_420 : vector<16xf32> to vector<1x1x16xf32>
          tpu.vector_store %arg31[%swap3A_422, %swap3A_423, %swap3A_424], %swap3A_427 {strides = array<i32>} : memref<128x4x16xf32, #tpu.memory_space<vmem>>, vector<1x1x16xf32>,
          %mul3A_428 = arith.constant 4 : i32
          %mul3A_429 = arith.muli %scan3A_365, %mul3A_428 : i32
          %add3A_430 = arith.constant 1 : i32
          %add3A_431 = arith.addi %mul3A_429, %add3A_430 : i32
          %get3A_432 = arith.index_cast %add3A_431 : i32 to index
          %get3A_433 = arith.constant 0 : index
          %get3A_434 = tpu.vector_load %arg25[%get3A_432, %get3A_433] {strides = array<i32>} : memref<128x16xf32, #tpu.memory_space<vmem>>, vector<1x16xf32>,
          %get3A_435 = vector.shape_cast %get3A_434 : vector<1x16xf32> to vector<16xf32>
          %get3A_436 = arith.constant 0 : i32
          %get3A_437 = arith.index_cast %add3A_431 : i32 to index
          %get3A_438 = arith.index_cast %get3A_436 : i32 to index
          %get3A_439 = arith.constant 0 : index
          %get3A_440 = tpu.vector_load %arg31[%get3A_437, %get3A_438, %get3A_439] {strides = array<i32>} : memref<128x4x16xf32, #tpu.memory_space<vmem>>, vector<1x1x16xf32>,
          %get3A_441 = vector.shape_cast %get3A_440 : vector<1x1x16xf32> to vector<16xf32>
          %mul3A_442 = arith.mulf %get3A_441, %get3A_435 : vector<16xf32>
          %swap3A_443 = arith.constant 0 : i32
          %swap3A_444 = arith.index_cast %add3A_431 : i32 to index
          %swap3A_445 = arith.index_cast %swap3A_443 : i32 to index
          %swap3A_446 = arith.constant 0 : index
          %swap3A_447 = tpu.vector_load %arg31[%swap3A_444, %swap3A_445, %swap3A_446] {strides = array<i32>} : memref<128x4x16xf32, #tpu.memory_space<vmem>>, vector<1x1x16xf32>,
          %swap3A_448 = vector.shape_cast %swap3A_447 : vector<1x1x16xf32> to vector<16xf32>
          %swap3A_449 = vector.shape_cast %mul3A_442 : vector<16xf32> to vector<1x1x16xf32>
          tpu.vector_store %arg31[%swap3A_444, %swap3A_445, %swap3A_446], %swap3A_449 {strides = array<i32>} : memref<128x4x16xf32, #tpu.memory_space<vmem>>, vector<1x1x16xf32>,
          %get3A_450 = arith.constant 1 : i32
          %get3A_451 = arith.index_cast %add3A_431 : i32 to index
          %get3A_452 = arith.index_cast %get3A_450 : i32 to index
          %get3A_453 = arith.constant 0 : index
          %get3A_454 = tpu.vector_load %arg31[%get3A_451, %get3A_452, %get3A_453] {strides = array<i32>} : memref<128x4x16xf32, #tpu.memory_space<vmem>>, vector<1x1x16xf32>,
          %get3A_455 = vector.shape_cast %get3A_454 : vector<1x1x16xf32> to vector<16xf32>
          %mul3A_456 = arith.mulf %get3A_455, %get3A_435 : vector<16xf32>
          %swap3A_457 = arith.constant 1 : i32
          %swap3A_458 = arith.index_cast %add3A_431 : i32 to index
          %swap3A_459 = arith.index_cast %swap3A_457 : i32 to index
          %swap3A_460 = arith.constant 0 : index
          %swap3A_461 = tpu.vector_load %arg31[%swap3A_458, %swap3A_459, %swap3A_460] {strides = array<i32>} : memref<128x4x16xf32, #tpu.memory_space<vmem>>, vector<1x1x16xf32>,
          %swap3A_462 = vector.shape_cast %swap3A_461 : vector<1x1x16xf32> to vector<16xf32>
          %swap3A_463 = vector.shape_cast %mul3A_456 : vector<16xf32> to vector<1x1x16xf32>
          tpu.vector_store %arg31[%swap3A_458, %swap3A_459, %swap3A_460], %swap3A_463 {strides = array<i32>} : memref<128x4x16xf32, #tpu.memory_space<vmem>>, vector<1x1x16xf32>,
          %get3A_464 = arith.constant 2 : i32
          %get3A_465 = arith.index_cast %add3A_431 : i32 to index
          %get3A_466 = arith.index_cast %get3A_464 : i32 to index
          %get3A_467 = arith.constant 0 : index
          %get3A_468 = tpu.vector_load %arg31[%get3A_465, %get3A_466, %get3A_467] {strides = array<i32>} : memref<128x4x16xf32, #tpu.memory_space<vmem>>, vector<1x1x16xf32>,
          %get3A_469 = vector.shape_cast %get3A_468 : vector<1x1x16xf32> to vector<16xf32>
          %mul3A_470 = arith.mulf %get3A_469, %get3A_435 : vector<16xf32>
          %swap3A_471 = arith.constant 2 : i32
          %swap3A_472 = arith.index_cast %add3A_431 : i32 to index
          %swap3A_473 = arith.index_cast %swap3A_471 : i32 to index
          %swap3A_474 = arith.constant 0 : index
          %swap3A_475 = tpu.vector_load %arg31[%swap3A_472, %swap3A_473, %swap3A_474] {strides = array<i32>} : memref<128x4x16xf32, #tpu.memory_space<vmem>>, vector<1x1x16xf32>,
          %swap3A_476 = vector.shape_cast %swap3A_475 : vector<1x1x16xf32> to vector<16xf32>
          %swap3A_477 = vector.shape_cast %mul3A_470 : vector<16xf32> to vector<1x1x16xf32>
          tpu.vector_store %arg31[%swap3A_472, %swap3A_473, %swap3A_474], %swap3A_477 {strides = array<i32>} : memref<128x4x16xf32, #tpu.memory_space<vmem>>, vector<1x1x16xf32>,
          %get3A_478 = arith.constant 3 : i32
          %get3A_479 = arith.index_cast %add3A_431 : i32 to index
          %get3A_480 = arith.index_cast %get3A_478 : i32 to index
          %get3A_481 = arith.constant 0 : index
          %get3A_482 = tpu.vector_load %arg31[%get3A_479, %get3A_480, %get3A_481] {strides = array<i32>} : memref<128x4x16xf32, #tpu.memory_space<vmem>>, vector<1x1x16xf32>,
          %get3A_483 = vector.shape_cast %get3A_482 : vector<1x1x16xf32> to vector<16xf32>
          %mul3A_484 = arith.mulf %get3A_483, %get3A_435 : vector<16xf32>
          %swap3A_485 = arith.constant 3 : i32
          %swap3A_486 = arith.index_cast %add3A_431 : i32 to index
          %swap3A_487 = arith.index_cast %swap3A_485 : i32 to index
          %swap3A_488 = arith.constant 0 : index
          %swap3A_489 = tpu.vector_load %arg31[%swap3A_486, %swap3A_487, %swap3A_488] {strides = array<i32>} : memref<128x4x16xf32, #tpu.memory_space<vmem>>, vector<1x1x16xf32>,
          %swap3A_490 = vector.shape_cast %swap3A_489 : vector<1x1x16xf32> to vector<16xf32>
          %swap3A_491 = vector.shape_cast %mul3A_484 : vector<16xf32> to vector<1x1x16xf32>
          tpu.vector_store %arg31[%swap3A_486, %swap3A_487, %swap3A_488], %swap3A_491 {strides = array<i32>} : memref<128x4x16xf32, #tpu.memory_space<vmem>>, vector<1x1x16xf32>,
          %mul3A_492 = arith.constant 4 : i32
          %mul3A_493 = arith.muli %scan3A_365, %mul3A_492 : i32
          %add3A_494 = arith.constant 2 : i32
          %add3A_495 = arith.addi %mul3A_493, %add3A_494 : i32
          %get3A_496 = arith.index_cast %add3A_495 : i32 to index
          %get3A_497 = arith.constant 0 : index
          %get3A_498 = tpu.vector_load %arg25[%get3A_496, %get3A_497] {strides = array<i32>} : memref<128x16xf32, #tpu.memory_space<vmem>>, vector<1x16xf32>,
          %get3A_499 = vector.shape_cast %get3A_498 : vector<1x16xf32> to vector<16xf32>
          %get3A_500 = arith.constant 0 : i32
          %get3A_501 = arith.index_cast %add3A_495 : i32 to index
          %get3A_502 = arith.index_cast %get3A_500 : i32 to index
          %get3A_503 = arith.constant 0 : index
          %get3A_504 = tpu.vector_load %arg31[%get3A_501, %get3A_502, %get3A_503] {strides = array<i32>} : memref<128x4x16xf32, #tpu.memory_space<vmem>>, vector<1x1x16xf32>,
          %get3A_505 = vector.shape_cast %get3A_504 : vector<1x1x16xf32> to vector<16xf32>
          %mul3A_506 = arith.mulf %get3A_505, %get3A_499 : vector<16xf32>
          %swap3A_507 = arith.constant 0 : i32
          %swap3A_508 = arith.index_cast %add3A_495 : i32 to index
          %swap3A_509 = arith.index_cast %swap3A_507 : i32 to index
          %swap3A_510 = arith.constant 0 : index
          %swap3A_511 = tpu.vector_load %arg31[%swap3A_508, %swap3A_509, %swap3A_510] {strides = array<i32>} : memref<128x4x16xf32, #tpu.memory_space<vmem>>, vector<1x1x16xf32>,
          %swap3A_512 = vector.shape_cast %swap3A_511 : vector<1x1x16xf32> to vector<16xf32>
          %swap3A_513 = vector.shape_cast %mul3A_506 : vector<16xf32> to vector<1x1x16xf32>
          tpu.vector_store %arg31[%swap3A_508, %swap3A_509, %swap3A_510], %swap3A_513 {strides = array<i32>} : memref<128x4x16xf32, #tpu.memory_space<vmem>>, vector<1x1x16xf32>,
          %get3A_514 = arith.constant 1 : i32
          %get3A_515 = arith.index_cast %add3A_495 : i32 to index
          %get3A_516 = arith.index_cast %get3A_514 : i32 to index
          %get3A_517 = arith.constant 0 : index
          %get3A_518 = tpu.vector_load %arg31[%get3A_515, %get3A_516, %get3A_517] {strides = array<i32>} : memref<128x4x16xf32, #tpu.memory_space<vmem>>, vector<1x1x16xf32>,
          %get3A_519 = vector.shape_cast %get3A_518 : vector<1x1x16xf32> to vector<16xf32>
          %mul3A_520 = arith.mulf %get3A_519, %get3A_499 : vector<16xf32>
          %swap3A_521 = arith.constant 1 : i32
          %swap3A_522 = arith.index_cast %add3A_495 : i32 to index
          %swap3A_523 = arith.index_cast %swap3A_521 : i32 to index
          %swap3A_524 = arith.constant 0 : index
          %swap3A_525 = tpu.vector_load %arg31[%swap3A_522, %swap3A_523, %swap3A_524] {strides = array<i32>} : memref<128x4x16xf32, #tpu.memory_space<vmem>>, vector<1x1x16xf32>,
          %swap3A_526 = vector.shape_cast %swap3A_525 : vector<1x1x16xf32> to vector<16xf32>
          %swap3A_527 = vector.shape_cast %mul3A_520 : vector<16xf32> to vector<1x1x16xf32>
          tpu.vector_store %arg31[%swap3A_522, %swap3A_523, %swap3A_524], %swap3A_527 {strides = array<i32>} : memref<128x4x16xf32, #tpu.memory_space<vmem>>, vector<1x1x16xf32>,
          %get3A_528 = arith.constant 2 : i32
          %get3A_529 = arith.index_cast %add3A_495 : i32 to index
          %get3A_530 = arith.index_cast %get3A_528 : i32 to index
          %get3A_531 = arith.constant 0 : index
          %get3A_532 = tpu.vector_load %arg31[%get3A_529, %get3A_530, %get3A_531] {strides = array<i32>} : memref<128x4x16xf32, #tpu.memory_space<vmem>>, vector<1x1x16xf32>,
          %get3A_533 = vector.shape_cast %get3A_532 : vector<1x1x16xf32> to vector<16xf32>
          %mul3A_534 = arith.mulf %get3A_533, %get3A_499 : vector<16xf32>
          %swap3A_535 = arith.constant 2 : i32
          %swap3A_536 = arith.index_cast %add3A_495 : i32 to index
          %swap3A_537 = arith.index_cast %swap3A_535 : i32 to index
          %swap3A_538 = arith.constant 0 : index
          %swap3A_539 = tpu.vector_load %arg31[%swap3A_536, %swap3A_537, %swap3A_538] {strides = array<i32>} : memref<128x4x16xf32, #tpu.memory_space<vmem>>, vector<1x1x16xf32>,
          %swap3A_540 = vector.shape_cast %swap3A_539 : vector<1x1x16xf32> to vector<16xf32>
          %swap3A_541 = vector.shape_cast %mul3A_534 : vector<16xf32> to vector<1x1x16xf32>
          tpu.vector_store %arg31[%swap3A_536, %swap3A_537, %swap3A_538], %swap3A_541 {strides = array<i32>} : memref<128x4x16xf32, #tpu.memory_space<vmem>>, vector<1x1x16xf32>,
          %get3A_542 = arith.constant 3 : i32
          %get3A_543 = arith.index_cast %add3A_495 : i32 to index
          %get3A_544 = arith.index_cast %get3A_542 : i32 to index
          %get3A_545 = arith.constant 0 : index
          %get3A_546 = tpu.vector_load %arg31[%get3A_543, %get3A_544, %get3A_545] {strides = array<i32>} : memref<128x4x16xf32, #tpu.memory_space<vmem>>, vector<1x1x16xf32>,
          %get3A_547 = vector.shape_cast %get3A_546 : vector<1x1x16xf32> to vector<16xf32>
          %mul3A_548 = arith.mulf %get3A_547, %get3A_499 : vector<16xf32>
          %swap3A_549 = arith.constant 3 : i32
          %swap3A_550 = arith.index_cast %add3A_495 : i32 to index
          %swap3A_551 = arith.index_cast %swap3A_549 : i32 to index
          %swap3A_552 = arith.constant 0 : index
          %swap3A_553 = tpu.vector_load %arg31[%swap3A_550, %swap3A_551, %swap3A_552] {strides = array<i32>} : memref<128x4x16xf32, #tpu.memory_space<vmem>>, vector<1x1x16xf32>,
          %swap3A_554 = vector.shape_cast %swap3A_553 : vector<1x1x16xf32> to vector<16xf32>
          %swap3A_555 = vector.shape_cast %mul3A_548 : vector<16xf32> to vector<1x1x16xf32>
          tpu.vector_store %arg31[%swap3A_550, %swap3A_551, %swap3A_552], %swap3A_555 {strides = array<i32>} : memref<128x4x16xf32, #tpu.memory_space<vmem>>, vector<1x1x16xf32>,
          %mul3A_556 = arith.constant 4 : i32
          %mul3A_557 = arith.muli %scan3A_365, %mul3A_556 : i32
          %add3A_558 = arith.constant 3 : i32
          %add3A_559 = arith.addi %mul3A_557, %add3A_558 : i32
          %get3A_560 = arith.index_cast %add3A_559 : i32 to index
          %get3A_561 = arith.constant 0 : index
          %get3A_562 = tpu.vector_load %arg25[%get3A_560, %get3A_561] {strides = array<i32>} : memref<128x16xf32, #tpu.memory_space<vmem>>, vector<1x16xf32>,
          %get3A_563 = vector.shape_cast %get3A_562 : vector<1x16xf32> to vector<16xf32>
          %get3A_564 = arith.constant 0 : i32
          %get3A_565 = arith.index_cast %add3A_559 : i32 to index
          %get3A_566 = arith.index_cast %get3A_564 : i32 to index
          %get3A_567 = arith.constant 0 : index
          %get3A_568 = tpu.vector_load %arg31[%get3A_565, %get3A_566, %get3A_567] {strides = array<i32>} : memref<128x4x16xf32, #tpu.memory_space<vmem>>, vector<1x1x16xf32>,
          %get3A_569 = vector.shape_cast %get3A_568 : vector<1x1x16xf32> to vector<16xf32>
          %mul3A_570 = arith.mulf %get3A_569, %get3A_563 : vector<16xf32>
          %swap3A_571 = arith.constant 0 : i32
          %swap3A_572 = arith.index_cast %add3A_559 : i32 to index
          %swap3A_573 = arith.index_cast %swap3A_571 : i32 to index
          %swap3A_574 = arith.constant 0 : index
          %swap3A_575 = tpu.vector_load %arg31[%swap3A_572, %swap3A_573, %swap3A_574] {strides = array<i32>} : memref<128x4x16xf32, #tpu.memory_space<vmem>>, vector<1x1x16xf32>,
          %swap3A_576 = vector.shape_cast %swap3A_575 : vector<1x1x16xf32> to vector<16xf32>
          %swap3A_577 = vector.shape_cast %mul3A_570 : vector<16xf32> to vector<1x1x16xf32>
          tpu.vector_store %arg31[%swap3A_572, %swap3A_573, %swap3A_574], %swap3A_577 {strides = array<i32>} : memref<128x4x16xf32, #tpu.memory_space<vmem>>, vector<1x1x16xf32>,
          %get3A_578 = arith.constant 1 : i32
          %get3A_579 = arith.index_cast %add3A_559 : i32 to index
          %get3A_580 = arith.index_cast %get3A_578 : i32 to index
          %get3A_581 = arith.constant 0 : index
          %get3A_582 = tpu.vector_load %arg31[%get3A_579, %get3A_580, %get3A_581] {strides = array<i32>} : memref<128x4x16xf32, #tpu.memory_space<vmem>>, vector<1x1x16xf32>,
          %get3A_583 = vector.shape_cast %get3A_582 : vector<1x1x16xf32> to vector<16xf32>
          %mul3A_584 = arith.mulf %get3A_583, %get3A_563 : vector<16xf32>
          %swap3A_585 = arith.constant 1 : i32
          %swap3A_586 = arith.index_cast %add3A_559 : i32 to index
          %swap3A_587 = arith.index_cast %swap3A_585 : i32 to index
          %swap3A_588 = arith.constant 0 : index
          %swap3A_589 = tpu.vector_load %arg31[%swap3A_586, %swap3A_587, %swap3A_588] {strides = array<i32>} : memref<128x4x16xf32, #tpu.memory_space<vmem>>, vector<1x1x16xf32>,
          %swap3A_590 = vector.shape_cast %swap3A_589 : vector<1x1x16xf32> to vector<16xf32>
          %swap3A_591 = vector.shape_cast %mul3A_584 : vector<16xf32> to vector<1x1x16xf32>
          tpu.vector_store %arg31[%swap3A_586, %swap3A_587, %swap3A_588], %swap3A_591 {strides = array<i32>} : memref<128x4x16xf32, #tpu.memory_space<vmem>>, vector<1x1x16xf32>,
          %get3A_592 = arith.constant 2 : i32
          %get3A_593 = arith.index_cast %add3A_559 : i32 to index
          %get3A_594 = arith.index_cast %get3A_592 : i32 to index
          %get3A_595 = arith.constant 0 : index
          %get3A_596 = tpu.vector_load %arg31[%get3A_593, %get3A_594, %get3A_595] {strides = array<i32>} : memref<128x4x16xf32, #tpu.memory_space<vmem>>, vector<1x1x16xf32>,
          %get3A_597 = vector.shape_cast %get3A_596 : vector<1x1x16xf32> to vector<16xf32>
          %mul3A_598 = arith.mulf %get3A_597, %get3A_563 : vector<16xf32>
          %swap3A_599 = arith.constant 2 : i32
          %swap3A_600 = arith.index_cast %add3A_559 : i32 to index
          %swap3A_601 = arith.index_cast %swap3A_599 : i32 to index
          %swap3A_602 = arith.constant 0 : index
          %swap3A_603 = tpu.vector_load %arg31[%swap3A_600, %swap3A_601, %swap3A_602] {strides = array<i32>} : memref<128x4x16xf32, #tpu.memory_space<vmem>>, vector<1x1x16xf32>,
          %swap3A_604 = vector.shape_cast %swap3A_603 : vector<1x1x16xf32> to vector<16xf32>
          %swap3A_605 = vector.shape_cast %mul3A_598 : vector<16xf32> to vector<1x1x16xf32>
          tpu.vector_store %arg31[%swap3A_600, %swap3A_601, %swap3A_602], %swap3A_605 {strides = array<i32>} : memref<128x4x16xf32, #tpu.memory_space<vmem>>, vector<1x1x16xf32>,
          %get3A_606 = arith.constant 3 : i32
          %get3A_607 = arith.index_cast %add3A_559 : i32 to index
          %get3A_608 = arith.index_cast %get3A_606 : i32 to index
          %get3A_609 = arith.constant 0 : index
          %get3A_610 = tpu.vector_load %arg31[%get3A_607, %get3A_608, %get3A_609] {strides = array<i32>} : memref<128x4x16xf32, #tpu.memory_space<vmem>>, vector<1x1x16xf32>,
          %get3A_611 = vector.shape_cast %get3A_610 : vector<1x1x16xf32> to vector<16xf32>
          %mul3A_612 = arith.mulf %get3A_611, %get3A_563 : vector<16xf32>
          %swap3A_613 = arith.constant 3 : i32
          %swap3A_614 = arith.index_cast %add3A_559 : i32 to index
          %swap3A_615 = arith.index_cast %swap3A_613 : i32 to index
          %swap3A_616 = arith.constant 0 : index
          %swap3A_617 = tpu.vector_load %arg31[%swap3A_614, %swap3A_615, %swap3A_616] {strides = array<i32>} : memref<128x4x16xf32, #tpu.memory_space<vmem>>, vector<1x1x16xf32>,
          %swap3A_618 = vector.shape_cast %swap3A_617 : vector<1x1x16xf32> to vector<16xf32>
          %swap3A_619 = vector.shape_cast %mul3A_612 : vector<16xf32> to vector<1x1x16xf32>
          tpu.vector_store %arg31[%swap3A_614, %swap3A_615, %swap3A_616], %swap3A_619 {strides = array<i32>} : memref<128x4x16xf32, #tpu.memory_space<vmem>>, vector<1x1x16xf32>,
        }
        %scan3A_360 = arith.constant 32 : i32
        %dma_start3A_361 = arith.constant 0 : i32
        %dma_start3A_362 = arith.constant 0 : i32
        %dma_start3A_363 = arith.constant 0 : i32
        %dma_start3A_364 = tpu.memref_slice %arg12[%dma_start3A_361, %dma_start3A_362, %dma_start3A_363] : memref<10240x4x16xf32, #tpu.memory_space<vmem_shared>> -> memref<10240x4x16xf32, #tpu.memory_space<vmem_shared>>
        tpu.enqueue_indirect_dma source(%arg31 : memref<128x4x16xf32, #tpu.memory_space<vmem>>) target(%dma_start3A_364 : memref<10240x4x16xf32, #tpu.memory_space<vmem_shared>>) offsets(%arg21 : memref<128xi32, #tpu.memory_space<vmem>>) semaphore(%arg43 : memref<!tpu.dma_semaphore, #tpu.memory_space<semaphore_mem>>) {add = true}
      }
      %scan3A_137 = arith.constant 40 : i32
      %dma_wait3A_138 = arith.constant 0 : i32
      %dma_wait3A_139 = arith.constant 0 : i32
      %dma_wait3A_140 = arith.constant 0 : i32
      %dma_wait3A_141 = tpu.memref_slice %arg12[%dma_wait3A_138, %dma_wait3A_139, %dma_wait3A_140] : memref<10240x4x16xf32, #tpu.memory_space<vmem_shared>> -> memref<10240x4x16xf32, #tpu.memory_space<vmem_shared>>
      tpu.wait_indirect_dma semaphore(%arg40 : memref<!tpu.dma_semaphore, #tpu.memory_space<semaphore_mem>>) src(%arg28 : memref<128x4x16xf32, #tpu.memory_space<vmem>>) dst(%dma_wait3A_141 : memref<10240x4x16xf32, #tpu.memory_space<vmem_shared>>)
      %dma_wait3A_142 = arith.constant 0 : i32
      %dma_wait3A_143 = arith.constant 0 : i32
      %dma_wait3A_144 = arith.constant 0 : i32
      %dma_wait3A_145 = tpu.memref_slice %arg12[%dma_wait3A_142, %dma_wait3A_143, %dma_wait3A_144] : memref<10240x4x16xf32, #tpu.memory_space<vmem_shared>> -> memref<10240x4x16xf32, #tpu.memory_space<vmem_shared>>
      tpu.wait_indirect_dma semaphore(%arg41 : memref<!tpu.dma_semaphore, #tpu.memory_space<semaphore_mem>>) src(%arg29 : memref<128x4x16xf32, #tpu.memory_space<vmem>>) dst(%dma_wait3A_145 : memref<10240x4x16xf32, #tpu.memory_space<vmem_shared>>)
      %dma_wait3A_146 = arith.constant 0 : i32
      %dma_wait3A_147 = arith.constant 0 : i32
      %dma_wait3A_148 = arith.constant 0 : i32
      %dma_wait3A_149 = tpu.memref_slice %arg12[%dma_wait3A_146, %dma_wait3A_147, %dma_wait3A_148] : memref<10240x4x16xf32, #tpu.memory_space<vmem_shared>> -> memref<10240x4x16xf32, #tpu.memory_space<vmem_shared>>
      tpu.wait_indirect_dma semaphore(%arg42 : memref<!tpu.dma_semaphore, #tpu.memory_space<semaphore_mem>>) src(%arg30 : memref<128x4x16xf32, #tpu.memory_space<vmem>>) dst(%dma_wait3A_149 : memref<10240x4x16xf32, #tpu.memory_space<vmem_shared>>)
      %dma_wait3A_150 = arith.constant 0 : i32
      %dma_wait3A_151 = arith.constant 0 : i32
      %dma_wait3A_152 = arith.constant 0 : i32
      %dma_wait3A_153 = tpu.memref_slice %arg12[%dma_wait3A_150, %dma_wait3A_151, %dma_wait3A_152] : memref<10240x4x16xf32, #tpu.memory_space<vmem_shared>> -> memref<10240x4x16xf32, #tpu.memory_space<vmem_shared>>
      tpu.wait_indirect_dma semaphore(%arg43 : memref<!tpu.dma_semaphore, #tpu.memory_space<semaphore_mem>>) src(%arg31 : memref<128x4x16xf32, #tpu.memory_space<vmem>>) dst(%dma_wait3A_153 : memref<10240x4x16xf32, #tpu.memory_space<vmem_shared>>)
      %barrier3A_154 = arith.constant 0 : index
      tpu.barrier barrier_id(%barrier3A_154)
      %mul3A_155 = arith.constant 640 : i32
      %mul3A_156 = arith.muli %arg1, %mul3A_155 : i32
      %add3A_157 = arith.constant 0 : i32
      %add3A_158 = arith.addi %mul3A_156, %add3A_157 : i32
      %add3A_159 = arith.addi %mul3A_0, %add3A_158 : i32
      "tpu.region"() ({
        %run_scoped3A = tpu.sem_alloc : memref<!tpu.dma_semaphore, #tpu.memory_space<semaphore_mem>>
        %dma_start3A_211 = arith.constant 0 : i32
        %dma_start3A_212 = arith.constant 0 : i32
        %dma_start3A_213 = tpu.memref_slice %arg10[%add3A_159, %dma_start3A_211, %dma_start3A_212] : memref<20480x4x16xf32, #tpu.memory_space<hbm>> -> memref<128x4x16xf32, #tpu.memory_space<hbm>>
        %dma_start3A_214 = arith.constant 0 : i32
        %dma_start3A_215 = arith.constant 0 : i32
        %dma_start3A_216 = tpu.memref_slice %arg10[%add3A_159, %dma_start3A_214, %dma_start3A_215] : memref<20480x4x16xf32, #tpu.memory_space<hbm>> -> memref<128x4x16xf32, #tpu.memory_space<hbm>>
        tpu.enqueue_dma source(%dma_start3A_216 : memref<128x4x16xf32, #tpu.memory_space<hbm>>) target(%arg32 : memref<128x4x16xf32, #tpu.memory_space<vmem>>) target_semaphore(%run_scoped3A : memref<!tpu.dma_semaphore, #tpu.memory_space<semaphore_mem>>)
        %dma_wait3A_217 = arith.constant 0 : i32
        %dma_wait3A_218 = arith.constant 0 : i32
        %dma_wait3A_219 = tpu.memref_slice %arg10[%add3A_159, %dma_wait3A_217, %dma_wait3A_218] : memref<20480x4x16xf32, #tpu.memory_space<hbm>> -> memref<128x4x16xf32, #tpu.memory_space<hbm>>
        %dma_wait3A_220 = arith.constant 0 : i32
        %dma_wait3A_221 = arith.constant 0 : i32
        %dma_wait3A_222 = tpu.memref_slice %arg10[%add3A_159, %dma_wait3A_220, %dma_wait3A_221] : memref<20480x4x16xf32, #tpu.memory_space<hbm>> -> memref<128x4x16xf32, #tpu.memory_space<hbm>>
        tpu.wait_dma2 semaphore(%run_scoped3A : memref<!tpu.dma_semaphore, #tpu.memory_space<semaphore_mem>>) src(%dma_wait3A_222 : memref<128x4x16xf32, #tpu.memory_space<hbm>>) dst(%arg32 : memref<128x4x16xf32, #tpu.memory_space<vmem>>)
        tpu.yield
      }) : () -> ()
      "tpu.region"() ({
        %run_scoped3A = tpu.sem_alloc : memref<!tpu.dma_semaphore, #tpu.memory_space<semaphore_mem>>
        %dma_start3A_211 = arith.constant 0 : i32
        %dma_start3A_212 = arith.constant 0 : i32
        %dma_start3A_213 = tpu.memref_slice %arg12[%add3A_158, %dma_start3A_211, %dma_start3A_212] : memref<10240x4x16xf32, #tpu.memory_space<vmem_shared>> -> memref<128x4x16xf32, #tpu.memory_space<vmem_shared>>
        %dma_start3A_214 = arith.constant 0 : i32
        %dma_start3A_215 = arith.constant 0 : i32
        %dma_start3A_216 = tpu.memref_slice %arg12[%add3A_158, %dma_start3A_214, %dma_start3A_215] : memref<10240x4x16xf32, #tpu.memory_space<vmem_shared>> -> memref<128x4x16xf32, #tpu.memory_space<vmem_shared>>
        tpu.enqueue_dma source(%dma_start3A_216 : memref<128x4x16xf32, #tpu.memory_space<vmem_shared>>) target(%arg33 : memref<128x4x16xf32, #tpu.memory_space<vmem>>) target_semaphore(%run_scoped3A : memref<!tpu.dma_semaphore, #tpu.memory_space<semaphore_mem>>)
        %dma_wait3A_217 = arith.constant 0 : i32
        %dma_wait3A_218 = arith.constant 0 : i32
        %dma_wait3A_219 = tpu.memref_slice %arg12[%add3A_158, %dma_wait3A_217, %dma_wait3A_218] : memref<10240x4x16xf32, #tpu.memory_space<vmem_shared>> -> memref<128x4x16xf32, #tpu.memory_space<vmem_shared>>
        %dma_wait3A_220 = arith.constant 0 : i32
        %dma_wait3A_221 = arith.constant 0 : i32
        %dma_wait3A_222 = tpu.memref_slice %arg12[%add3A_158, %dma_wait3A_220, %dma_wait3A_221] : memref<10240x4x16xf32, #tpu.memory_space<vmem_shared>> -> memref<128x4x16xf32, #tpu.memory_space<vmem_shared>>
        tpu.wait_dma2 semaphore(%run_scoped3A : memref<!tpu.dma_semaphore, #tpu.memory_space<semaphore_mem>>) src(%dma_wait3A_222 : memref<128x4x16xf32, #tpu.memory_space<vmem_shared>>) dst(%arg33 : memref<128x4x16xf32, #tpu.memory_space<vmem>>)
        tpu.yield
      }) : () -> ()
      %scan3A_160 = arith.constant 0 : i32
      %scan3A_161 = arith.constant 0 : i32
      %scan3A_162 = arith.constant 64 : i32
      %scan3A_163 = arith.addi %scan3A_161, %scan3A_162 : i32
      %scan3A_164 = arith.constant 1 : i32
      scf.for %scan3A_211 = %scan3A_161 to %scan3A_163 step %scan3A_164  : i32 {
        %get3A = arith.constant 0 : index
        %get3A_212 = tpu.vector_load %arg35[%get3A] {strides = array<i32>} : memref<16xf32, #tpu.memory_space<vmem>>, vector<16xf32>,
        %get3A_213 = vector.shape_cast %get3A_212 : vector<16xf32> to vector<16xf32>
        %mul3A_214 = arith.constant 2 : i32
        %mul3A_215 = arith.muli %scan3A_211, %mul3A_214 : i32
        %add3A_216 = arith.constant 0 : i32
        %add3A_217 = arith.addi %mul3A_215, %add3A_216 : i32
        %get3A_218 = arith.constant 0 : i32
        %get3A_219 = arith.index_cast %add3A_217 : i32 to index
        %get3A_220 = arith.index_cast %get3A_218 : i32 to index
        %get3A_221 = arith.constant 0 : index
        %get3A_222 = tpu.vector_load %arg32[%get3A_219, %get3A_220, %get3A_221] {strides = array<i32>} : memref<128x4x16xf32, #tpu.memory_space<vmem>>, vector<1x1x16xf32>,
        %get3A_223 = vector.shape_cast %get3A_222 : vector<1x1x16xf32> to vector<16xf32>
        %mul3A_224 = arith.mulf %get3A_213, %get3A_223 : vector<16xf32>
        %get3A_225 = arith.constant 0 : i32
        %get3A_226 = arith.index_cast %add3A_217 : i32 to index
        %get3A_227 = arith.index_cast %get3A_225 : i32 to index
        %get3A_228 = arith.constant 0 : index
        %get3A_229 = tpu.vector_load %arg33[%get3A_226, %get3A_227, %get3A_228] {strides = array<i32>} : memref<128x4x16xf32, #tpu.memory_space<vmem>>, vector<1x1x16xf32>,
        %get3A_230 = vector.shape_cast %get3A_229 : vector<1x1x16xf32> to vector<16xf32>
        %add3A_231 = arith.addf %mul3A_224, %get3A_230 : vector<16xf32>
        %swap3A = arith.constant 0 : i32
        %swap3A_232 = arith.index_cast %add3A_217 : i32 to index
        %swap3A_233 = arith.index_cast %swap3A : i32 to index
        %swap3A_234 = arith.constant 0 : index
        %swap3A_235 = tpu.vector_load %arg32[%swap3A_232, %swap3A_233, %swap3A_234] {strides = array<i32>} : memref<128x4x16xf32, #tpu.memory_space<vmem>>, vector<1x1x16xf32>,
        %swap3A_236 = vector.shape_cast %swap3A_235 : vector<1x1x16xf32> to vector<16xf32>
        %swap3A_237 = vector.shape_cast %add3A_231 : vector<16xf32> to vector<1x1x16xf32>
        tpu.vector_store %arg32[%swap3A_232, %swap3A_233, %swap3A_234], %swap3A_237 {strides = array<i32>} : memref<128x4x16xf32, #tpu.memory_space<vmem>>, vector<1x1x16xf32>,
        %get3A_238 = arith.constant 1 : i32
        %get3A_239 = arith.index_cast %add3A_217 : i32 to index
        %get3A_240 = arith.index_cast %get3A_238 : i32 to index
        %get3A_241 = arith.constant 0 : index
        %get3A_242 = tpu.vector_load %arg32[%get3A_239, %get3A_240, %get3A_241] {strides = array<i32>} : memref<128x4x16xf32, #tpu.memory_space<vmem>>, vector<1x1x16xf32>,
        %get3A_243 = vector.shape_cast %get3A_242 : vector<1x1x16xf32> to vector<16xf32>
        %mul3A_244 = arith.mulf %get3A_213, %get3A_243 : vector<16xf32>
        %get3A_245 = arith.constant 1 : i32
        %get3A_246 = arith.index_cast %add3A_217 : i32 to index
        %get3A_247 = arith.index_cast %get3A_245 : i32 to index
        %get3A_248 = arith.constant 0 : index
        %get3A_249 = tpu.vector_load %arg33[%get3A_246, %get3A_247, %get3A_248] {strides = array<i32>} : memref<128x4x16xf32, #tpu.memory_space<vmem>>, vector<1x1x16xf32>,
        %get3A_250 = vector.shape_cast %get3A_249 : vector<1x1x16xf32> to vector<16xf32>
        %add3A_251 = arith.addf %mul3A_244, %get3A_250 : vector<16xf32>
        %swap3A_252 = arith.constant 1 : i32
        %swap3A_253 = arith.index_cast %add3A_217 : i32 to index
        %swap3A_254 = arith.index_cast %swap3A_252 : i32 to index
        %swap3A_255 = arith.constant 0 : index
        %swap3A_256 = tpu.vector_load %arg32[%swap3A_253, %swap3A_254, %swap3A_255] {strides = array<i32>} : memref<128x4x16xf32, #tpu.memory_space<vmem>>, vector<1x1x16xf32>,
        %swap3A_257 = vector.shape_cast %swap3A_256 : vector<1x1x16xf32> to vector<16xf32>
        %swap3A_258 = vector.shape_cast %add3A_251 : vector<16xf32> to vector<1x1x16xf32>
        tpu.vector_store %arg32[%swap3A_253, %swap3A_254, %swap3A_255], %swap3A_258 {strides = array<i32>} : memref<128x4x16xf32, #tpu.memory_space<vmem>>, vector<1x1x16xf32>,
        %get3A_259 = arith.constant 2 : i32
        %get3A_260 = arith.index_cast %add3A_217 : i32 to index
        %get3A_261 = arith.index_cast %get3A_259 : i32 to index
        %get3A_262 = arith.constant 0 : index
        %get3A_263 = tpu.vector_load %arg32[%get3A_260, %get3A_261, %get3A_262] {strides = array<i32>} : memref<128x4x16xf32, #tpu.memory_space<vmem>>, vector<1x1x16xf32>,
        %get3A_264 = vector.shape_cast %get3A_263 : vector<1x1x16xf32> to vector<16xf32>
        %mul3A_265 = arith.mulf %get3A_213, %get3A_264 : vector<16xf32>
        %get3A_266 = arith.constant 2 : i32
        %get3A_267 = arith.index_cast %add3A_217 : i32 to index
        %get3A_268 = arith.index_cast %get3A_266 : i32 to index
        %get3A_269 = arith.constant 0 : index
        %get3A_270 = tpu.vector_load %arg33[%get3A_267, %get3A_268, %get3A_269] {strides = array<i32>} : memref<128x4x16xf32, #tpu.memory_space<vmem>>, vector<1x1x16xf32>,
        %get3A_271 = vector.shape_cast %get3A_270 : vector<1x1x16xf32> to vector<16xf32>
        %add3A_272 = arith.addf %mul3A_265, %get3A_271 : vector<16xf32>
        %swap3A_273 = arith.constant 2 : i32
        %swap3A_274 = arith.index_cast %add3A_217 : i32 to index
        %swap3A_275 = arith.index_cast %swap3A_273 : i32 to index
        %swap3A_276 = arith.constant 0 : index
        %swap3A_277 = tpu.vector_load %arg32[%swap3A_274, %swap3A_275, %swap3A_276] {strides = array<i32>} : memref<128x4x16xf32, #tpu.memory_space<vmem>>, vector<1x1x16xf32>,
        %swap3A_278 = vector.shape_cast %swap3A_277 : vector<1x1x16xf32> to vector<16xf32>
        %swap3A_279 = vector.shape_cast %add3A_272 : vector<16xf32> to vector<1x1x16xf32>
        tpu.vector_store %arg32[%swap3A_274, %swap3A_275, %swap3A_276], %swap3A_279 {strides = array<i32>} : memref<128x4x16xf32, #tpu.memory_space<vmem>>, vector<1x1x16xf32>,
        %get3A_280 = arith.constant 3 : i32
        %get3A_281 = arith.index_cast %add3A_217 : i32 to index
        %get3A_282 = arith.index_cast %get3A_280 : i32 to index
        %get3A_283 = arith.constant 0 : index
        %get3A_284 = tpu.vector_load %arg32[%get3A_281, %get3A_282, %get3A_283] {strides = array<i32>} : memref<128x4x16xf32, #tpu.memory_space<vmem>>, vector<1x1x16xf32>,
        %get3A_285 = vector.shape_cast %get3A_284 : vector<1x1x16xf32> to vector<16xf32>
        %mul3A_286 = arith.mulf %get3A_213, %get3A_285 : vector<16xf32>
        %get3A_287 = arith.constant 3 : i32
        %get3A_288 = arith.index_cast %add3A_217 : i32 to index
        %get3A_289 = arith.index_cast %get3A_287 : i32 to index
        %get3A_290 = arith.constant 0 : index
        %get3A_291 = tpu.vector_load %arg33[%get3A_288, %get3A_289, %get3A_290] {strides = array<i32>} : memref<128x4x16xf32, #tpu.memory_space<vmem>>, vector<1x1x16xf32>,
        %get3A_292 = vector.shape_cast %get3A_291 : vector<1x1x16xf32> to vector<16xf32>
        %add3A_293 = arith.addf %mul3A_286, %get3A_292 : vector<16xf32>
        %swap3A_294 = arith.constant 3 : i32
        %swap3A_295 = arith.index_cast %add3A_217 : i32 to index
        %swap3A_296 = arith.index_cast %swap3A_294 : i32 to index
        %swap3A_297 = arith.constant 0 : index
        %swap3A_298 = tpu.vector_load %arg32[%swap3A_295, %swap3A_296, %swap3A_297] {strides = array<i32>} : memref<128x4x16xf32, #tpu.memory_space<vmem>>, vector<1x1x16xf32>,
        %swap3A_299 = vector.shape_cast %swap3A_298 : vector<1x1x16xf32> to vector<16xf32>
        %swap3A_300 = vector.shape_cast %add3A_293 : vector<16xf32> to vector<1x1x16xf32>
        tpu.vector_store %arg32[%swap3A_295, %swap3A_296, %swap3A_297], %swap3A_300 {strides = array<i32>} : memref<128x4x16xf32, #tpu.memory_space<vmem>>, vector<1x1x16xf32>,
        %mul3A_301 = arith.constant 2 : i32
        %mul3A_302 = arith.muli %scan3A_211, %mul3A_301 : i32
        %add3A_303 = arith.constant 1 : i32
        %add3A_304 = arith.addi %mul3A_302, %add3A_303 : i32
        %get3A_305 = arith.constant 0 : i32
        %get3A_306 = arith.index_cast %add3A_304 : i32 to index
        %get3A_307 = arith.index_cast %get3A_305 : i32 to index
        %get3A_308 = arith.constant 0 : index
        %get3A_309 = tpu.vector_load %arg32[%get3A_306, %get3A_307, %get3A_308] {strides = array<i32>} : memref<128x4x16xf32, #tpu.memory_space<vmem>>, vector<1x1x16xf32>,
        %get3A_310 = vector.shape_cast %get3A_309 : vector<1x1x16xf32> to vector<16xf32>
        %mul3A_311 = arith.mulf %get3A_213, %get3A_310 : vector<16xf32>
        %get3A_312 = arith.constant 0 : i32
        %get3A_313 = arith.index_cast %add3A_304 : i32 to index
        %get3A_314 = arith.index_cast %get3A_312 : i32 to index
        %get3A_315 = arith.constant 0 : index
        %get3A_316 = tpu.vector_load %arg33[%get3A_313, %get3A_314, %get3A_315] {strides = array<i32>} : memref<128x4x16xf32, #tpu.memory_space<vmem>>, vector<1x1x16xf32>,
        %get3A_317 = vector.shape_cast %get3A_316 : vector<1x1x16xf32> to vector<16xf32>
        %add3A_318 = arith.addf %mul3A_311, %get3A_317 : vector<16xf32>
        %swap3A_319 = arith.constant 0 : i32
        %swap3A_320 = arith.index_cast %add3A_304 : i32 to index
        %swap3A_321 = arith.index_cast %swap3A_319 : i32 to index
        %swap3A_322 = arith.constant 0 : index
        %swap3A_323 = tpu.vector_load %arg32[%swap3A_320, %swap3A_321, %swap3A_322] {strides = array<i32>} : memref<128x4x16xf32, #tpu.memory_space<vmem>>, vector<1x1x16xf32>,
        %swap3A_324 = vector.shape_cast %swap3A_323 : vector<1x1x16xf32> to vector<16xf32>
        %swap3A_325 = vector.shape_cast %add3A_318 : vector<16xf32> to vector<1x1x16xf32>
        tpu.vector_store %arg32[%swap3A_320, %swap3A_321, %swap3A_322], %swap3A_325 {strides = array<i32>} : memref<128x4x16xf32, #tpu.memory_space<vmem>>, vector<1x1x16xf32>,
        %get3A_326 = arith.constant 1 : i32
        %get3A_327 = arith.index_cast %add3A_304 : i32 to index
        %get3A_328 = arith.index_cast %get3A_326 : i32 to index
        %get3A_329 = arith.constant 0 : index
        %get3A_330 = tpu.vector_load %arg32[%get3A_327, %get3A_328, %get3A_329] {strides = array<i32>} : memref<128x4x16xf32, #tpu.memory_space<vmem>>, vector<1x1x16xf32>,
        %get3A_331 = vector.shape_cast %get3A_330 : vector<1x1x16xf32> to vector<16xf32>
        %mul3A_332 = arith.mulf %get3A_213, %get3A_331 : vector<16xf32>
        %get3A_333 = arith.constant 1 : i32
        %get3A_334 = arith.index_cast %add3A_304 : i32 to index
        %get3A_335 = arith.index_cast %get3A_333 : i32 to index
        %get3A_336 = arith.constant 0 : index
        %get3A_337 = tpu.vector_load %arg33[%get3A_334, %get3A_335, %get3A_336] {strides = array<i32>} : memref<128x4x16xf32, #tpu.memory_space<vmem>>, vector<1x1x16xf32>,
        %get3A_338 = vector.shape_cast %get3A_337 : vector<1x1x16xf32> to vector<16xf32>
        %add3A_339 = arith.addf %mul3A_332, %get3A_338 : vector<16xf32>
        %swap3A_340 = arith.constant 1 : i32
        %swap3A_341 = arith.index_cast %add3A_304 : i32 to index
        %swap3A_342 = arith.index_cast %swap3A_340 : i32 to index
        %swap3A_343 = arith.constant 0 : index
        %swap3A_344 = tpu.vector_load %arg32[%swap3A_341, %swap3A_342, %swap3A_343] {strides = array<i32>} : memref<128x4x16xf32, #tpu.memory_space<vmem>>, vector<1x1x16xf32>,
        %swap3A_345 = vector.shape_cast %swap3A_344 : vector<1x1x16xf32> to vector<16xf32>
        %swap3A_346 = vector.shape_cast %add3A_339 : vector<16xf32> to vector<1x1x16xf32>
        tpu.vector_store %arg32[%swap3A_341, %swap3A_342, %swap3A_343], %swap3A_346 {strides = array<i32>} : memref<128x4x16xf32, #tpu.memory_space<vmem>>, vector<1x1x16xf32>,
        %get3A_347 = arith.constant 2 : i32
        %get3A_348 = arith.index_cast %add3A_304 : i32 to index
        %get3A_349 = arith.index_cast %get3A_347 : i32 to index
        %get3A_350 = arith.constant 0 : index
        %get3A_351 = tpu.vector_load %arg32[%get3A_348, %get3A_349, %get3A_350] {strides = array<i32>} : memref<128x4x16xf32, #tpu.memory_space<vmem>>, vector<1x1x16xf32>,
        %get3A_352 = vector.shape_cast %get3A_351 : vector<1x1x16xf32> to vector<16xf32>
        %mul3A_353 = arith.mulf %get3A_213, %get3A_352 : vector<16xf32>
        %get3A_354 = arith.constant 2 : i32
        %get3A_355 = arith.index_cast %add3A_304 : i32 to index
        %get3A_356 = arith.index_cast %get3A_354 : i32 to index
        %get3A_357 = arith.constant 0 : index
        %get3A_358 = tpu.vector_load %arg33[%get3A_355, %get3A_356, %get3A_357] {strides = array<i32>} : memref<128x4x16xf32, #tpu.memory_space<vmem>>, vector<1x1x16xf32>,
        %get3A_359 = vector.shape_cast %get3A_358 : vector<1x1x16xf32> to vector<16xf32>
        %add3A_360 = arith.addf %mul3A_353, %get3A_359 : vector<16xf32>
        %swap3A_361 = arith.constant 2 : i32
        %swap3A_362 = arith.index_cast %add3A_304 : i32 to index
        %swap3A_363 = arith.index_cast %swap3A_361 : i32 to index
        %swap3A_364 = arith.constant 0 : index
        %swap3A_365 = tpu.vector_load %arg32[%swap3A_362, %swap3A_363, %swap3A_364] {strides = array<i32>} : memref<128x4x16xf32, #tpu.memory_space<vmem>>, vector<1x1x16xf32>,
        %swap3A_366 = vector.shape_cast %swap3A_365 : vector<1x1x16xf32> to vector<16xf32>
        %swap3A_367 = vector.shape_cast %add3A_360 : vector<16xf32> to vector<1x1x16xf32>
        tpu.vector_store %arg32[%swap3A_362, %swap3A_363, %swap3A_364], %swap3A_367 {strides = array<i32>} : memref<128x4x16xf32, #tpu.memory_space<vmem>>, vector<1x1x16xf32>,
        %get3A_368 = arith.constant 3 : i32
        %get3A_369 = arith.index_cast %add3A_304 : i32 to index
        %get3A_370 = arith.index_cast %get3A_368 : i32 to index
        %get3A_371 = arith.constant 0 : index
        %get3A_372 = tpu.vector_load %arg32[%get3A_369, %get3A_370, %get3A_371] {strides = array<i32>} : memref<128x4x16xf32, #tpu.memory_space<vmem>>, vector<1x1x16xf32>,
        %get3A_373 = vector.shape_cast %get3A_372 : vector<1x1x16xf32> to vector<16xf32>
        %mul3A_374 = arith.mulf %get3A_213, %get3A_373 : vector<16xf32>
        %get3A_375 = arith.constant 3 : i32
        %get3A_376 = arith.index_cast %add3A_304 : i32 to index
        %get3A_377 = arith.index_cast %get3A_375 : i32 to index
        %get3A_378 = arith.constant 0 : index
        %get3A_379 = tpu.vector_load %arg33[%get3A_376, %get3A_377, %get3A_378] {strides = array<i32>} : memref<128x4x16xf32, #tpu.memory_space<vmem>>, vector<1x1x16xf32>,
        %get3A_380 = vector.shape_cast %get3A_379 : vector<1x1x16xf32> to vector<16xf32>
        %add3A_381 = arith.addf %mul3A_374, %get3A_380 : vector<16xf32>
        %swap3A_382 = arith.constant 3 : i32
        %swap3A_383 = arith.index_cast %add3A_304 : i32 to index
        %swap3A_384 = arith.index_cast %swap3A_382 : i32 to index
        %swap3A_385 = arith.constant 0 : index
        %swap3A_386 = tpu.vector_load %arg32[%swap3A_383, %swap3A_384, %swap3A_385] {strides = array<i32>} : memref<128x4x16xf32, #tpu.memory_space<vmem>>, vector<1x1x16xf32>,
        %swap3A_387 = vector.shape_cast %swap3A_386 : vector<1x1x16xf32> to vector<16xf32>
        %swap3A_388 = vector.shape_cast %add3A_381 : vector<16xf32> to vector<1x1x16xf32>
        tpu.vector_store %arg32[%swap3A_383, %swap3A_384, %swap3A_385], %swap3A_388 {strides = array<i32>} : memref<128x4x16xf32, #tpu.memory_space<vmem>>, vector<1x1x16xf32>,
      }
      %scan3A_165 = arith.constant 64 : i32
      "tpu.region"() ({
        %run_scoped3A = tpu.sem_alloc : memref<!tpu.dma_semaphore, #tpu.memory_space<semaphore_mem>>
        %dma_start3A_211 = arith.constant 0 : i32
        %dma_start3A_212 = arith.constant 0 : i32
        %dma_start3A_213 = tpu.memref_slice %arg10[%add3A_159, %dma_start3A_211, %dma_start3A_212] : memref<20480x4x16xf32, #tpu.memory_space<hbm>> -> memref<128x4x16xf32, #tpu.memory_space<hbm>>
        %dma_start3A_214 = arith.constant 0 : i32
        %dma_start3A_215 = arith.constant 0 : i32
        %dma_start3A_216 = tpu.memref_slice %arg10[%add3A_159, %dma_start3A_214, %dma_start3A_215] : memref<20480x4x16xf32, #tpu.memory_space<hbm>> -> memref<128x4x16xf32, #tpu.memory_space<hbm>>
        tpu.enqueue_dma source(%arg32 : memref<128x4x16xf32, #tpu.memory_space<vmem>>) target(%dma_start3A_216 : memref<128x4x16xf32, #tpu.memory_space<hbm>>) target_semaphore(%run_scoped3A : memref<!tpu.dma_semaphore, #tpu.memory_space<semaphore_mem>>)
        %dma_wait3A_217 = arith.constant 0 : i32
        %dma_wait3A_218 = arith.constant 0 : i32
        %dma_wait3A_219 = tpu.memref_slice %arg10[%add3A_159, %dma_wait3A_217, %dma_wait3A_218] : memref<20480x4x16xf32, #tpu.memory_space<hbm>> -> memref<128x4x16xf32, #tpu.memory_space<hbm>>
        %dma_wait3A_220 = arith.constant 0 : i32
        %dma_wait3A_221 = arith.constant 0 : i32
        %dma_wait3A_222 = tpu.memref_slice %arg10[%add3A_159, %dma_wait3A_220, %dma_wait3A_221] : memref<20480x4x16xf32, #tpu.memory_space<hbm>> -> memref<128x4x16xf32, #tpu.memory_space<hbm>>
        tpu.wait_dma2 semaphore(%run_scoped3A : memref<!tpu.dma_semaphore, #tpu.memory_space<semaphore_mem>>) src(%arg32 : memref<128x4x16xf32, #tpu.memory_space<vmem>>) dst(%dma_wait3A_222 : memref<128x4x16xf32, #tpu.memory_space<hbm>>)
        tpu.yield
      }) : () -> ()
      "tpu.region"() ({
        %run_scoped3A = tpu.sem_alloc : memref<!tpu.dma_semaphore, #tpu.memory_space<semaphore_mem>>
        %dma_start3A_211 = arith.constant 0 : i32
        %dma_start3A_212 = arith.constant 0 : i32
        %dma_start3A_213 = tpu.memref_slice %arg12[%add3A_158, %dma_start3A_211, %dma_start3A_212] : memref<10240x4x16xf32, #tpu.memory_space<vmem_shared>> -> memref<128x4x16xf32, #tpu.memory_space<vmem_shared>>
        tpu.enqueue_dma source(%arg8 : memref<128x4x16xf32, #tpu.memory_space<hbm>>) target(%dma_start3A_213 : memref<128x4x16xf32, #tpu.memory_space<vmem_shared>>) target_semaphore(%run_scoped3A : memref<!tpu.dma_semaphore, #tpu.memory_space<semaphore_mem>>)
        %dma_wait3A_214 = arith.constant 0 : i32
        %dma_wait3A_215 = arith.constant 0 : i32
        %dma_wait3A_216 = tpu.memref_slice %arg12[%add3A_158, %dma_wait3A_214, %dma_wait3A_215] : memref<10240x4x16xf32, #tpu.memory_space<vmem_shared>> -> memref<128x4x16xf32, #tpu.memory_space<vmem_shared>>
        tpu.wait_dma2 semaphore(%run_scoped3A : memref<!tpu.dma_semaphore, #tpu.memory_space<semaphore_mem>>) src(%arg8 : memref<128x4x16xf32, #tpu.memory_space<hbm>>) dst(%dma_wait3A_216 : memref<128x4x16xf32, #tpu.memory_space<vmem_shared>>)
        tpu.yield
      }) : () -> ()
      %mul3A_166 = arith.constant 640 : i32
      %mul3A_167 = arith.muli %arg1, %mul3A_166 : i32
      %add3A_168 = arith.constant 128 : i32
      %add3A_169 = arith.addi %mul3A_167, %add3A_168 : i32
      %add3A_170 = arith.addi %mul3A_0, %add3A_169 : i32
      "tpu.region"() ({
        %run_scoped3A = tpu.sem_alloc : memref<!tpu.dma_semaphore, #tpu.memory_space<semaphore_mem>>
        %dma_start3A_211 = arith.constant 0 : i32
        %dma_start3A_212 = arith.constant 0 : i32
        %dma_start3A_213 = tpu.memref_slice %arg10[%add3A_170, %dma_start3A_211, %dma_start3A_212] : memref<20480x4x16xf32, #tpu.memory_space<hbm>> -> memref<128x4x16xf32, #tpu.memory_space<hbm>>
        %dma_start3A_214 = arith.constant 0 : i32
        %dma_start3A_215 = arith.constant 0 : i32
        %dma_start3A_216 = tpu.memref_slice %arg10[%add3A_170, %dma_start3A_214, %dma_start3A_215] : memref<20480x4x16xf32, #tpu.memory_space<hbm>> -> memref<128x4x16xf32, #tpu.memory_space<hbm>>
        tpu.enqueue_dma source(%dma_start3A_216 : memref<128x4x16xf32, #tpu.memory_space<hbm>>) target(%arg32 : memref<128x4x16xf32, #tpu.memory_space<vmem>>) target_semaphore(%run_scoped3A : memref<!tpu.dma_semaphore, #tpu.memory_space<semaphore_mem>>)
        %dma_wait3A_217 = arith.constant 0 : i32
        %dma_wait3A_218 = arith.constant 0 : i32
        %dma_wait3A_219 = tpu.memref_slice %arg10[%add3A_170, %dma_wait3A_217, %dma_wait3A_218] : memref<20480x4x16xf32, #tpu.memory_space<hbm>> -> memref<128x4x16xf32, #tpu.memory_space<hbm>>
        %dma_wait3A_220 = arith.constant 0 : i32
        %dma_wait3A_221 = arith.constant 0 : i32
        %dma_wait3A_222 = tpu.memref_slice %arg10[%add3A_170, %dma_wait3A_220, %dma_wait3A_221] : memref<20480x4x16xf32, #tpu.memory_space<hbm>> -> memref<128x4x16xf32, #tpu.memory_space<hbm>>
        tpu.wait_dma2 semaphore(%run_scoped3A : memref<!tpu.dma_semaphore, #tpu.memory_space<semaphore_mem>>) src(%dma_wait3A_222 : memref<128x4x16xf32, #tpu.memory_space<hbm>>) dst(%arg32 : memref<128x4x16xf32, #tpu.memory_space<vmem>>)
        tpu.yield
      }) : () -> ()
      "tpu.region"() ({
        %run_scoped3A = tpu.sem_alloc : memref<!tpu.dma_semaphore, #tpu.memory_space<semaphore_mem>>
        %dma_start3A_211 = arith.constant 0 : i32
        %dma_start3A_212 = arith.constant 0 : i32
        %dma_start3A_213 = tpu.memref_slice %arg12[%add3A_169, %dma_start3A_211, %dma_start3A_212] : memref<10240x4x16xf32, #tpu.memory_space<vmem_shared>> -> memref<128x4x16xf32, #tpu.memory_space<vmem_shared>>
        %dma_start3A_214 = arith.constant 0 : i32
        %dma_start3A_215 = arith.constant 0 : i32
        %dma_start3A_216 = tpu.memref_slice %arg12[%add3A_169, %dma_start3A_214, %dma_start3A_215] : memref<10240x4x16xf32, #tpu.memory_space<vmem_shared>> -> memref<128x4x16xf32, #tpu.memory_space<vmem_shared>>
        tpu.enqueue_dma source(%dma_start3A_216 : memref<128x4x16xf32, #tpu.memory_space<vmem_shared>>) target(%arg33 : memref<128x4x16xf32, #tpu.memory_space<vmem>>) target_semaphore(%run_scoped3A : memref<!tpu.dma_semaphore, #tpu.memory_space<semaphore_mem>>)
        %dma_wait3A_217 = arith.constant 0 : i32
        %dma_wait3A_218 = arith.constant 0 : i32
        %dma_wait3A_219 = tpu.memref_slice %arg12[%add3A_169, %dma_wait3A_217, %dma_wait3A_218] : memref<10240x4x16xf32, #tpu.memory_space<vmem_shared>> -> memref<128x4x16xf32, #tpu.memory_space<vmem_shared>>
        %dma_wait3A_220 = arith.constant 0 : i32
        %dma_wait3A_221 = arith.constant 0 : i32
        %dma_wait3A_222 = tpu.memref_slice %arg12[%add3A_169, %dma_wait3A_220, %dma_wait3A_221] : memref<10240x4x16xf32, #tpu.memory_space<vmem_shared>> -> memref<128x4x16xf32, #tpu.memory_space<vmem_shared>>
        tpu.wait_dma2 semaphore(%run_scoped3A : memref<!tpu.dma_semaphore, #tpu.memory_space<semaphore_mem>>) src(%dma_wait3A_222 : memref<128x4x16xf32, #tpu.memory_space<vmem_shared>>) dst(%arg33 : memref<128x4x16xf32, #tpu.memory_space<vmem>>)
        tpu.yield
      }) : () -> ()
      %scan3A_171 = arith.constant 0 : i32
      %scan3A_172 = arith.constant 0 : i32
      %scan3A_173 = arith.constant 64 : i32
      %scan3A_174 = arith.addi %scan3A_172, %scan3A_173 : i32
      %scan3A_175 = arith.constant 1 : i32
      scf.for %scan3A_211 = %scan3A_172 to %scan3A_174 step %scan3A_175  : i32 {
        %get3A = arith.constant 0 : index
        %get3A_212 = tpu.vector_load %arg35[%get3A] {strides = array<i32>} : memref<16xf32, #tpu.memory_space<vmem>>, vector<16xf32>,
        %get3A_213 = vector.shape_cast %get3A_212 : vector<16xf32> to vector<16xf32>
        %mul3A_214 = arith.constant 2 : i32
        %mul3A_215 = arith.muli %scan3A_211, %mul3A_214 : i32
        %add3A_216 = arith.constant 0 : i32
        %add3A_217 = arith.addi %mul3A_215, %add3A_216 : i32
        %get3A_218 = arith.constant 0 : i32
        %get3A_219 = arith.index_cast %add3A_217 : i32 to index
        %get3A_220 = arith.index_cast %get3A_218 : i32 to index
        %get3A_221 = arith.constant 0 : index
        %get3A_222 = tpu.vector_load %arg32[%get3A_219, %get3A_220, %get3A_221] {strides = array<i32>} : memref<128x4x16xf32, #tpu.memory_space<vmem>>, vector<1x1x16xf32>,
        %get3A_223 = vector.shape_cast %get3A_222 : vector<1x1x16xf32> to vector<16xf32>
        %mul3A_224 = arith.mulf %get3A_213, %get3A_223 : vector<16xf32>
        %get3A_225 = arith.constant 0 : i32
        %get3A_226 = arith.index_cast %add3A_217 : i32 to index
        %get3A_227 = arith.index_cast %get3A_225 : i32 to index
        %get3A_228 = arith.constant 0 : index
        %get3A_229 = tpu.vector_load %arg33[%get3A_226, %get3A_227, %get3A_228] {strides = array<i32>} : memref<128x4x16xf32, #tpu.memory_space<vmem>>, vector<1x1x16xf32>,
        %get3A_230 = vector.shape_cast %get3A_229 : vector<1x1x16xf32> to vector<16xf32>
        %add3A_231 = arith.addf %mul3A_224, %get3A_230 : vector<16xf32>
        %swap3A = arith.constant 0 : i32
        %swap3A_232 = arith.index_cast %add3A_217 : i32 to index
        %swap3A_233 = arith.index_cast %swap3A : i32 to index
        %swap3A_234 = arith.constant 0 : index
        %swap3A_235 = tpu.vector_load %arg32[%swap3A_232, %swap3A_233, %swap3A_234] {strides = array<i32>} : memref<128x4x16xf32, #tpu.memory_space<vmem>>, vector<1x1x16xf32>,
        %swap3A_236 = vector.shape_cast %swap3A_235 : vector<1x1x16xf32> to vector<16xf32>
        %swap3A_237 = vector.shape_cast %add3A_231 : vector<16xf32> to vector<1x1x16xf32>
        tpu.vector_store %arg32[%swap3A_232, %swap3A_233, %swap3A_234], %swap3A_237 {strides = array<i32>} : memref<128x4x16xf32, #tpu.memory_space<vmem>>, vector<1x1x16xf32>,
        %get3A_238 = arith.constant 1 : i32
        %get3A_239 = arith.index_cast %add3A_217 : i32 to index
        %get3A_240 = arith.index_cast %get3A_238 : i32 to index
        %get3A_241 = arith.constant 0 : index
        %get3A_242 = tpu.vector_load %arg32[%get3A_239, %get3A_240, %get3A_241] {strides = array<i32>} : memref<128x4x16xf32, #tpu.memory_space<vmem>>, vector<1x1x16xf32>,
        %get3A_243 = vector.shape_cast %get3A_242 : vector<1x1x16xf32> to vector<16xf32>
        %mul3A_244 = arith.mulf %get3A_213, %get3A_243 : vector<16xf32>
        %get3A_245 = arith.constant 1 : i32
        %get3A_246 = arith.index_cast %add3A_217 : i32 to index
        %get3A_247 = arith.index_cast %get3A_245 : i32 to index
        %get3A_248 = arith.constant 0 : index
        %get3A_249 = tpu.vector_load %arg33[%get3A_246, %get3A_247, %get3A_248] {strides = array<i32>} : memref<128x4x16xf32, #tpu.memory_space<vmem>>, vector<1x1x16xf32>,
        %get3A_250 = vector.shape_cast %get3A_249 : vector<1x1x16xf32> to vector<16xf32>
        %add3A_251 = arith.addf %mul3A_244, %get3A_250 : vector<16xf32>
        %swap3A_252 = arith.constant 1 : i32
        %swap3A_253 = arith.index_cast %add3A_217 : i32 to index
        %swap3A_254 = arith.index_cast %swap3A_252 : i32 to index
        %swap3A_255 = arith.constant 0 : index
        %swap3A_256 = tpu.vector_load %arg32[%swap3A_253, %swap3A_254, %swap3A_255] {strides = array<i32>} : memref<128x4x16xf32, #tpu.memory_space<vmem>>, vector<1x1x16xf32>,
        %swap3A_257 = vector.shape_cast %swap3A_256 : vector<1x1x16xf32> to vector<16xf32>
        %swap3A_258 = vector.shape_cast %add3A_251 : vector<16xf32> to vector<1x1x16xf32>
        tpu.vector_store %arg32[%swap3A_253, %swap3A_254, %swap3A_255], %swap3A_258 {strides = array<i32>} : memref<128x4x16xf32, #tpu.memory_space<vmem>>, vector<1x1x16xf32>,
        %get3A_259 = arith.constant 2 : i32
        %get3A_260 = arith.index_cast %add3A_217 : i32 to index
        %get3A_261 = arith.index_cast %get3A_259 : i32 to index
        %get3A_262 = arith.constant 0 : index
        %get3A_263 = tpu.vector_load %arg32[%get3A_260, %get3A_261, %get3A_262] {strides = array<i32>} : memref<128x4x16xf32, #tpu.memory_space<vmem>>, vector<1x1x16xf32>,
        %get3A_264 = vector.shape_cast %get3A_263 : vector<1x1x16xf32> to vector<16xf32>
        %mul3A_265 = arith.mulf %get3A_213, %get3A_264 : vector<16xf32>
        %get3A_266 = arith.constant 2 : i32
        %get3A_267 = arith.index_cast %add3A_217 : i32 to index
        %get3A_268 = arith.index_cast %get3A_266 : i32 to index
        %get3A_269 = arith.constant 0 : index
        %get3A_270 = tpu.vector_load %arg33[%get3A_267, %get3A_268, %get3A_269] {strides = array<i32>} : memref<128x4x16xf32, #tpu.memory_space<vmem>>, vector<1x1x16xf32>,
        %get3A_271 = vector.shape_cast %get3A_270 : vector<1x1x16xf32> to vector<16xf32>
        %add3A_272 = arith.addf %mul3A_265, %get3A_271 : vector<16xf32>
        %swap3A_273 = arith.constant 2 : i32
        %swap3A_274 = arith.index_cast %add3A_217 : i32 to index
        %swap3A_275 = arith.index_cast %swap3A_273 : i32 to index
        %swap3A_276 = arith.constant 0 : index
        %swap3A_277 = tpu.vector_load %arg32[%swap3A_274, %swap3A_275, %swap3A_276] {strides = array<i32>} : memref<128x4x16xf32, #tpu.memory_space<vmem>>, vector<1x1x16xf32>,
        %swap3A_278 = vector.shape_cast %swap3A_277 : vector<1x1x16xf32> to vector<16xf32>
        %swap3A_279 = vector.shape_cast %add3A_272 : vector<16xf32> to vector<1x1x16xf32>
        tpu.vector_store %arg32[%swap3A_274, %swap3A_275, %swap3A_276], %swap3A_279 {strides = array<i32>} : memref<128x4x16xf32, #tpu.memory_space<vmem>>, vector<1x1x16xf32>,
        %get3A_280 = arith.constant 3 : i32
        %get3A_281 = arith.index_cast %add3A_217 : i32 to index
        %get3A_282 = arith.index_cast %get3A_280 : i32 to index
        %get3A_283 = arith.constant 0 : index
        %get3A_284 = tpu.vector_load %arg32[%get3A_281, %get3A_282, %get3A_283] {strides = array<i32>} : memref<128x4x16xf32, #tpu.memory_space<vmem>>, vector<1x1x16xf32>,
        %get3A_285 = vector.shape_cast %get3A_284 : vector<1x1x16xf32> to vector<16xf32>
        %mul3A_286 = arith.mulf %get3A_213, %get3A_285 : vector<16xf32>
        %get3A_287 = arith.constant 3 : i32
        %get3A_288 = arith.index_cast %add3A_217 : i32 to index
        %get3A_289 = arith.index_cast %get3A_287 : i32 to index
        %get3A_290 = arith.constant 0 : index
        %get3A_291 = tpu.vector_load %arg33[%get3A_288, %get3A_289, %get3A_290] {strides = array<i32>} : memref<128x4x16xf32, #tpu.memory_space<vmem>>, vector<1x1x16xf32>,
        %get3A_292 = vector.shape_cast %get3A_291 : vector<1x1x16xf32> to vector<16xf32>
        %add3A_293 = arith.addf %mul3A_286, %get3A_292 : vector<16xf32>
        %swap3A_294 = arith.constant 3 : i32
        %swap3A_295 = arith.index_cast %add3A_217 : i32 to index
        %swap3A_296 = arith.index_cast %swap3A_294 : i32 to index
        %swap3A_297 = arith.constant 0 : index
        %swap3A_298 = tpu.vector_load %arg32[%swap3A_295, %swap3A_296, %swap3A_297] {strides = array<i32>} : memref<128x4x16xf32, #tpu.memory_space<vmem>>, vector<1x1x16xf32>,
        %swap3A_299 = vector.shape_cast %swap3A_298 : vector<1x1x16xf32> to vector<16xf32>
        %swap3A_300 = vector.shape_cast %add3A_293 : vector<16xf32> to vector<1x1x16xf32>
        tpu.vector_store %arg32[%swap3A_295, %swap3A_296, %swap3A_297], %swap3A_300 {strides = array<i32>} : memref<128x4x16xf32, #tpu.memory_space<vmem>>, vector<1x1x16xf32>,
        %mul3A_301 = arith.constant 2 : i32
        %mul3A_302 = arith.muli %scan3A_211, %mul3A_301 : i32
        %add3A_303 = arith.constant 1 : i32
        %add3A_304 = arith.addi %mul3A_302, %add3A_303 : i32
        %get3A_305 = arith.constant 0 : i32
        %get3A_306 = arith.index_cast %add3A_304 : i32 to index
        %get3A_307 = arith.index_cast %get3A_305 : i32 to index
        %get3A_308 = arith.constant 0 : index
        %get3A_309 = tpu.vector_load %arg32[%get3A_306, %get3A_307, %get3A_308] {strides = array<i32>} : memref<128x4x16xf32, #tpu.memory_space<vmem>>, vector<1x1x16xf32>,
        %get3A_310 = vector.shape_cast %get3A_309 : vector<1x1x16xf32> to vector<16xf32>
        %mul3A_311 = arith.mulf %get3A_213, %get3A_310 : vector<16xf32>
        %get3A_312 = arith.constant 0 : i32
        %get3A_313 = arith.index_cast %add3A_304 : i32 to index
        %get3A_314 = arith.index_cast %get3A_312 : i32 to index
        %get3A_315 = arith.constant 0 : index
        %get3A_316 = tpu.vector_load %arg33[%get3A_313, %get3A_314, %get3A_315] {strides = array<i32>} : memref<128x4x16xf32, #tpu.memory_space<vmem>>, vector<1x1x16xf32>,
        %get3A_317 = vector.shape_cast %get3A_316 : vector<1x1x16xf32> to vector<16xf32>
        %add3A_318 = arith.addf %mul3A_311, %get3A_317 : vector<16xf32>
        %swap3A_319 = arith.constant 0 : i32
        %swap3A_320 = arith.index_cast %add3A_304 : i32 to index
        %swap3A_321 = arith.index_cast %swap3A_319 : i32 to index
        %swap3A_322 = arith.constant 0 : index
        %swap3A_323 = tpu.vector_load %arg32[%swap3A_320, %swap3A_321, %swap3A_322] {strides = array<i32>} : memref<128x4x16xf32, #tpu.memory_space<vmem>>, vector<1x1x16xf32>,
        %swap3A_324 = vector.shape_cast %swap3A_323 : vector<1x1x16xf32> to vector<16xf32>
        %swap3A_325 = vector.shape_cast %add3A_318 : vector<16xf32> to vector<1x1x16xf32>
        tpu.vector_store %arg32[%swap3A_320, %swap3A_321, %swap3A_322], %swap3A_325 {strides = array<i32>} : memref<128x4x16xf32, #tpu.memory_space<vmem>>, vector<1x1x16xf32>,
        %get3A_326 = arith.constant 1 : i32
        %get3A_327 = arith.index_cast %add3A_304 : i32 to index
        %get3A_328 = arith.index_cast %get3A_326 : i32 to index
        %get3A_329 = arith.constant 0 : index
        %get3A_330 = tpu.vector_load %arg32[%get3A_327, %get3A_328, %get3A_329] {strides = array<i32>} : memref<128x4x16xf32, #tpu.memory_space<vmem>>, vector<1x1x16xf32>,
        %get3A_331 = vector.shape_cast %get3A_330 : vector<1x1x16xf32> to vector<16xf32>
        %mul3A_332 = arith.mulf %get3A_213, %get3A_331 : vector<16xf32>
        %get3A_333 = arith.constant 1 : i32
        %get3A_334 = arith.index_cast %add3A_304 : i32 to index
        %get3A_335 = arith.index_cast %get3A_333 : i32 to index
        %get3A_336 = arith.constant 0 : index
        %get3A_337 = tpu.vector_load %arg33[%get3A_334, %get3A_335, %get3A_336] {strides = array<i32>} : memref<128x4x16xf32, #tpu.memory_space<vmem>>, vector<1x1x16xf32>,
        %get3A_338 = vector.shape_cast %get3A_337 : vector<1x1x16xf32> to vector<16xf32>
        %add3A_339 = arith.addf %mul3A_332, %get3A_338 : vector<16xf32>
        %swap3A_340 = arith.constant 1 : i32
        %swap3A_341 = arith.index_cast %add3A_304 : i32 to index
        %swap3A_342 = arith.index_cast %swap3A_340 : i32 to index
        %swap3A_343 = arith.constant 0 : index
        %swap3A_344 = tpu.vector_load %arg32[%swap3A_341, %swap3A_342, %swap3A_343] {strides = array<i32>} : memref<128x4x16xf32, #tpu.memory_space<vmem>>, vector<1x1x16xf32>,
        %swap3A_345 = vector.shape_cast %swap3A_344 : vector<1x1x16xf32> to vector<16xf32>
        %swap3A_346 = vector.shape_cast %add3A_339 : vector<16xf32> to vector<1x1x16xf32>
        tpu.vector_store %arg32[%swap3A_341, %swap3A_342, %swap3A_343], %swap3A_346 {strides = array<i32>} : memref<128x4x16xf32, #tpu.memory_space<vmem>>, vector<1x1x16xf32>,
        %get3A_347 = arith.constant 2 : i32
        %get3A_348 = arith.index_cast %add3A_304 : i32 to index
        %get3A_349 = arith.index_cast %get3A_347 : i32 to index
        %get3A_350 = arith.constant 0 : index
        %get3A_351 = tpu.vector_load %arg32[%get3A_348, %get3A_349, %get3A_350] {strides = array<i32>} : memref<128x4x16xf32, #tpu.memory_space<vmem>>, vector<1x1x16xf32>,
        %get3A_352 = vector.shape_cast %get3A_351 : vector<1x1x16xf32> to vector<16xf32>
        %mul3A_353 = arith.mulf %get3A_213, %get3A_352 : vector<16xf32>
        %get3A_354 = arith.constant 2 : i32
        %get3A_355 = arith.index_cast %add3A_304 : i32 to index
        %get3A_356 = arith.index_cast %get3A_354 : i32 to index
        %get3A_357 = arith.constant 0 : index
        %get3A_358 = tpu.vector_load %arg33[%get3A_355, %get3A_356, %get3A_357] {strides = array<i32>} : memref<128x4x16xf32, #tpu.memory_space<vmem>>, vector<1x1x16xf32>,
        %get3A_359 = vector.shape_cast %get3A_358 : vector<1x1x16xf32> to vector<16xf32>
        %add3A_360 = arith.addf %mul3A_353, %get3A_359 : vector<16xf32>
        %swap3A_361 = arith.constant 2 : i32
        %swap3A_362 = arith.index_cast %add3A_304 : i32 to index
        %swap3A_363 = arith.index_cast %swap3A_361 : i32 to index
        %swap3A_364 = arith.constant 0 : index
        %swap3A_365 = tpu.vector_load %arg32[%swap3A_362, %swap3A_363, %swap3A_364] {strides = array<i32>} : memref<128x4x16xf32, #tpu.memory_space<vmem>>, vector<1x1x16xf32>,
        %swap3A_366 = vector.shape_cast %swap3A_365 : vector<1x1x16xf32> to vector<16xf32>
        %swap3A_367 = vector.shape_cast %add3A_360 : vector<16xf32> to vector<1x1x16xf32>
        tpu.vector_store %arg32[%swap3A_362, %swap3A_363, %swap3A_364], %swap3A_367 {strides = array<i32>} : memref<128x4x16xf32, #tpu.memory_space<vmem>>, vector<1x1x16xf32>,
        %get3A_368 = arith.constant 3 : i32
        %get3A_369 = arith.index_cast %add3A_304 : i32 to index
        %get3A_370 = arith.index_cast %get3A_368 : i32 to index
        %get3A_371 = arith.constant 0 : index
        %get3A_372 = tpu.vector_load %arg32[%get3A_369, %get3A_370, %get3A_371] {strides = array<i32>} : memref<128x4x16xf32, #tpu.memory_space<vmem>>, vector<1x1x16xf32>,
        %get3A_373 = vector.shape_cast %get3A_372 : vector<1x1x16xf32> to vector<16xf32>
        %mul3A_374 = arith.mulf %get3A_213, %get3A_373 : vector<16xf32>
        %get3A_375 = arith.constant 3 : i32
        %get3A_376 = arith.index_cast %add3A_304 : i32 to index
        %get3A_377 = arith.index_cast %get3A_375 : i32 to index
        %get3A_378 = arith.constant 0 : index
        %get3A_379 = tpu.vector_load %arg33[%get3A_376, %get3A_377, %get3A_378] {strides = array<i32>} : memref<128x4x16xf32, #tpu.memory_space<vmem>>, vector<1x1x16xf32>,
        %get3A_380 = vector.shape_cast %get3A_379 : vector<1x1x16xf32> to vector<16xf32>
        %add3A_381 = arith.addf %mul3A_374, %get3A_380 : vector<16xf32>
        %swap3A_382 = arith.constant 3 : i32
        %swap3A_383 = arith.index_cast %add3A_304 : i32 to index
        %swap3A_384 = arith.index_cast %swap3A_382 : i32 to index
        %swap3A_385 = arith.constant 0 : index
        %swap3A_386 = tpu.vector_load %arg32[%swap3A_383, %swap3A_384, %swap3A_385] {strides = array<i32>} : memref<128x4x16xf32, #tpu.memory_space<vmem>>, vector<1x1x16xf32>,
        %swap3A_387 = vector.shape_cast %swap3A_386 : vector<1x1x16xf32> to vector<16xf32>
        %swap3A_388 = vector.shape_cast %add3A_381 : vector<16xf32> to vector<1x1x16xf32>
        tpu.vector_store %arg32[%swap3A_383, %swap3A_384, %swap3A_385], %swap3A_388 {strides = array<i32>} : memref<128x4x16xf32, #tpu.memory_space<vmem>>, vector<1x1x16xf32>,
      }
      %scan3A_176 = arith.constant 64 : i32
      "tpu.region"() ({
        %run_scoped3A = tpu.sem_alloc : memref<!tpu.dma_semaphore, #tpu.memory_space<semaphore_mem>>
        %dma_start3A_211 = arith.constant 0 : i32
        %dma_start3A_212 = arith.constant 0 : i32
        %dma_start3A_213 = tpu.memref_slice %arg10[%add3A_170, %dma_start3A_211, %dma_start3A_212] : memref<20480x4x16xf32, #tpu.memory_space<hbm>> -> memref<128x4x16xf32, #tpu.memory_space<hbm>>
        %dma_start3A_214 = arith.constant 0 : i32
        %dma_start3A_215 = arith.constant 0 : i32
        %dma_start3A_216 = tpu.memref_slice %arg10[%add3A_170, %dma_start3A_214, %dma_start3A_215] : memref<20480x4x16xf32, #tpu.memory_space<hbm>> -> memref<128x4x16xf32, #tpu.memory_space<hbm>>
        tpu.enqueue_dma source(%arg32 : memref<128x4x16xf32, #tpu.memory_space<vmem>>) target(%dma_start3A_216 : memref<128x4x16xf32, #tpu.memory_space<hbm>>) target_semaphore(%run_scoped3A : memref<!tpu.dma_semaphore, #tpu.memory_space<semaphore_mem>>)
        %dma_wait3A_217 = arith.constant 0 : i32
        %dma_wait3A_218 = arith.constant 0 : i32
        %dma_wait3A_219 = tpu.memref_slice %arg10[%add3A_170, %dma_wait3A_217, %dma_wait3A_218] : memref<20480x4x16xf32, #tpu.memory_space<hbm>> -> memref<128x4x16xf32, #tpu.memory_space<hbm>>
        %dma_wait3A_220 = arith.constant 0 : i32
        %dma_wait3A_221 = arith.constant 0 : i32
        %dma_wait3A_222 = tpu.memref_slice %arg10[%add3A_170, %dma_wait3A_220, %dma_wait3A_221] : memref<20480x4x16xf32, #tpu.memory_space<hbm>> -> memref<128x4x16xf32, #tpu.memory_space<hbm>>
        tpu.wait_dma2 semaphore(%run_scoped3A : memref<!tpu.dma_semaphore, #tpu.memory_space<semaphore_mem>>) src(%arg32 : memref<128x4x16xf32, #tpu.memory_space<vmem>>) dst(%dma_wait3A_222 : memref<128x4x16xf32, #tpu.memory_space<hbm>>)
        tpu.yield
      }) : () -> ()
      "tpu.region"() ({
        %run_scoped3A = tpu.sem_alloc : memref<!tpu.dma_semaphore, #tpu.memory_space<semaphore_mem>>
        %dma_start3A_211 = arith.constant 0 : i32
        %dma_start3A_212 = arith.constant 0 : i32
        %dma_start3A_213 = tpu.memref_slice %arg12[%add3A_169, %dma_start3A_211, %dma_start3A_212] : memref<10240x4x16xf32, #tpu.memory_space<vmem_shared>> -> memref<128x4x16xf32, #tpu.memory_space<vmem_shared>>
        tpu.enqueue_dma source(%arg8 : memref<128x4x16xf32, #tpu.memory_space<hbm>>) target(%dma_start3A_213 : memref<128x4x16xf32, #tpu.memory_space<vmem_shared>>) target_semaphore(%run_scoped3A : memref<!tpu.dma_semaphore, #tpu.memory_space<semaphore_mem>>)
        %dma_wait3A_214 = arith.constant 0 : i32
        %dma_wait3A_215 = arith.constant 0 : i32
        %dma_wait3A_216 = tpu.memref_slice %arg12[%add3A_169, %dma_wait3A_214, %dma_wait3A_215] : memref<10240x4x16xf32, #tpu.memory_space<vmem_shared>> -> memref<128x4x16xf32, #tpu.memory_space<vmem_shared>>
        tpu.wait_dma2 semaphore(%run_scoped3A : memref<!tpu.dma_semaphore, #tpu.memory_space<semaphore_mem>>) src(%arg8 : memref<128x4x16xf32, #tpu.memory_space<hbm>>) dst(%dma_wait3A_216 : memref<128x4x16xf32, #tpu.memory_space<vmem_shared>>)
        tpu.yield
      }) : () -> ()
      %mul3A_177 = arith.constant 640 : i32
      %mul3A_178 = arith.muli %arg1, %mul3A_177 : i32
      %add3A_179 = arith.constant 256 : i32
      %add3A_180 = arith.addi %mul3A_178, %add3A_179 : i32
      %add3A_181 = arith.addi %mul3A_0, %add3A_180 : i32
      "tpu.region"() ({
        %run_scoped3A = tpu.sem_alloc : memref<!tpu.dma_semaphore, #tpu.memory_space<semaphore_mem>>
        %dma_start3A_211 = arith.constant 0 : i32
        %dma_start3A_212 = arith.constant 0 : i32
        %dma_start3A_213 = tpu.memref_slice %arg10[%add3A_181, %dma_start3A_211, %dma_start3A_212] : memref<20480x4x16xf32, #tpu.memory_space<hbm>> -> memref<128x4x16xf32, #tpu.memory_space<hbm>>
        %dma_start3A_214 = arith.constant 0 : i32
        %dma_start3A_215 = arith.constant 0 : i32
        %dma_start3A_216 = tpu.memref_slice %arg10[%add3A_181, %dma_start3A_214, %dma_start3A_215] : memref<20480x4x16xf32, #tpu.memory_space<hbm>> -> memref<128x4x16xf32, #tpu.memory_space<hbm>>
        tpu.enqueue_dma source(%dma_start3A_216 : memref<128x4x16xf32, #tpu.memory_space<hbm>>) target(%arg32 : memref<128x4x16xf32, #tpu.memory_space<vmem>>) target_semaphore(%run_scoped3A : memref<!tpu.dma_semaphore, #tpu.memory_space<semaphore_mem>>)
        %dma_wait3A_217 = arith.constant 0 : i32
        %dma_wait3A_218 = arith.constant 0 : i32
        %dma_wait3A_219 = tpu.memref_slice %arg10[%add3A_181, %dma_wait3A_217, %dma_wait3A_218] : memref<20480x4x16xf32, #tpu.memory_space<hbm>> -> memref<128x4x16xf32, #tpu.memory_space<hbm>>
        %dma_wait3A_220 = arith.constant 0 : i32
        %dma_wait3A_221 = arith.constant 0 : i32
        %dma_wait3A_222 = tpu.memref_slice %arg10[%add3A_181, %dma_wait3A_220, %dma_wait3A_221] : memref<20480x4x16xf32, #tpu.memory_space<hbm>> -> memref<128x4x16xf32, #tpu.memory_space<hbm>>
        tpu.wait_dma2 semaphore(%run_scoped3A : memref<!tpu.dma_semaphore, #tpu.memory_space<semaphore_mem>>) src(%dma_wait3A_222 : memref<128x4x16xf32, #tpu.memory_space<hbm>>) dst(%arg32 : memref<128x4x16xf32, #tpu.memory_space<vmem>>)
        tpu.yield
      }) : () -> ()
      "tpu.region"() ({
        %run_scoped3A = tpu.sem_alloc : memref<!tpu.dma_semaphore, #tpu.memory_space<semaphore_mem>>
        %dma_start3A_211 = arith.constant 0 : i32
        %dma_start3A_212 = arith.constant 0 : i32
        %dma_start3A_213 = tpu.memref_slice %arg12[%add3A_180, %dma_start3A_211, %dma_start3A_212] : memref<10240x4x16xf32, #tpu.memory_space<vmem_shared>> -> memref<128x4x16xf32, #tpu.memory_space<vmem_shared>>
        %dma_start3A_214 = arith.constant 0 : i32
        %dma_start3A_215 = arith.constant 0 : i32
        %dma_start3A_216 = tpu.memref_slice %arg12[%add3A_180, %dma_start3A_214, %dma_start3A_215] : memref<10240x4x16xf32, #tpu.memory_space<vmem_shared>> -> memref<128x4x16xf32, #tpu.memory_space<vmem_shared>>
        tpu.enqueue_dma source(%dma_start3A_216 : memref<128x4x16xf32, #tpu.memory_space<vmem_shared>>) target(%arg33 : memref<128x4x16xf32, #tpu.memory_space<vmem>>) target_semaphore(%run_scoped3A : memref<!tpu.dma_semaphore, #tpu.memory_space<semaphore_mem>>)
        %dma_wait3A_217 = arith.constant 0 : i32
        %dma_wait3A_218 = arith.constant 0 : i32
        %dma_wait3A_219 = tpu.memref_slice %arg12[%add3A_180, %dma_wait3A_217, %dma_wait3A_218] : memref<10240x4x16xf32, #tpu.memory_space<vmem_shared>> -> memref<128x4x16xf32, #tpu.memory_space<vmem_shared>>
        %dma_wait3A_220 = arith.constant 0 : i32
        %dma_wait3A_221 = arith.constant 0 : i32
        %dma_wait3A_222 = tpu.memref_slice %arg12[%add3A_180, %dma_wait3A_220, %dma_wait3A_221] : memref<10240x4x16xf32, #tpu.memory_space<vmem_shared>> -> memref<128x4x16xf32, #tpu.memory_space<vmem_shared>>
        tpu.wait_dma2 semaphore(%run_scoped3A : memref<!tpu.dma_semaphore, #tpu.memory_space<semaphore_mem>>) src(%dma_wait3A_222 : memref<128x4x16xf32, #tpu.memory_space<vmem_shared>>) dst(%arg33 : memref<128x4x16xf32, #tpu.memory_space<vmem>>)
        tpu.yield
      }) : () -> ()
      %scan3A_182 = arith.constant 0 : i32
      %scan3A_183 = arith.constant 0 : i32
      %scan3A_184 = arith.constant 64 : i32
      %scan3A_185 = arith.addi %scan3A_183, %scan3A_184 : i32
      %scan3A_186 = arith.constant 1 : i32
      scf.for %scan3A_211 = %scan3A_183 to %scan3A_185 step %scan3A_186  : i32 {
        %get3A = arith.constant 0 : index
        %get3A_212 = tpu.vector_load %arg35[%get3A] {strides = array<i32>} : memref<16xf32, #tpu.memory_space<vmem>>, vector<16xf32>,
        %get3A_213 = vector.shape_cast %get3A_212 : vector<16xf32> to vector<16xf32>
        %mul3A_214 = arith.constant 2 : i32
        %mul3A_215 = arith.muli %scan3A_211, %mul3A_214 : i32
        %add3A_216 = arith.constant 0 : i32
        %add3A_217 = arith.addi %mul3A_215, %add3A_216 : i32
        %get3A_218 = arith.constant 0 : i32
        %get3A_219 = arith.index_cast %add3A_217 : i32 to index
        %get3A_220 = arith.index_cast %get3A_218 : i32 to index
        %get3A_221 = arith.constant 0 : index
        %get3A_222 = tpu.vector_load %arg32[%get3A_219, %get3A_220, %get3A_221] {strides = array<i32>} : memref<128x4x16xf32, #tpu.memory_space<vmem>>, vector<1x1x16xf32>,
        %get3A_223 = vector.shape_cast %get3A_222 : vector<1x1x16xf32> to vector<16xf32>
        %mul3A_224 = arith.mulf %get3A_213, %get3A_223 : vector<16xf32>
        %get3A_225 = arith.constant 0 : i32
        %get3A_226 = arith.index_cast %add3A_217 : i32 to index
        %get3A_227 = arith.index_cast %get3A_225 : i32 to index
        %get3A_228 = arith.constant 0 : index
        %get3A_229 = tpu.vector_load %arg33[%get3A_226, %get3A_227, %get3A_228] {strides = array<i32>} : memref<128x4x16xf32, #tpu.memory_space<vmem>>, vector<1x1x16xf32>,
        %get3A_230 = vector.shape_cast %get3A_229 : vector<1x1x16xf32> to vector<16xf32>
        %add3A_231 = arith.addf %mul3A_224, %get3A_230 : vector<16xf32>
        %swap3A = arith.constant 0 : i32
        %swap3A_232 = arith.index_cast %add3A_217 : i32 to index
        %swap3A_233 = arith.index_cast %swap3A : i32 to index
        %swap3A_234 = arith.constant 0 : index
        %swap3A_235 = tpu.vector_load %arg32[%swap3A_232, %swap3A_233, %swap3A_234] {strides = array<i32>} : memref<128x4x16xf32, #tpu.memory_space<vmem>>, vector<1x1x16xf32>,
        %swap3A_236 = vector.shape_cast %swap3A_235 : vector<1x1x16xf32> to vector<16xf32>
        %swap3A_237 = vector.shape_cast %add3A_231 : vector<16xf32> to vector<1x1x16xf32>
        tpu.vector_store %arg32[%swap3A_232, %swap3A_233, %swap3A_234], %swap3A_237 {strides = array<i32>} : memref<128x4x16xf32, #tpu.memory_space<vmem>>, vector<1x1x16xf32>,
        %get3A_238 = arith.constant 1 : i32
        %get3A_239 = arith.index_cast %add3A_217 : i32 to index
        %get3A_240 = arith.index_cast %get3A_238 : i32 to index
        %get3A_241 = arith.constant 0 : index
        %get3A_242 = tpu.vector_load %arg32[%get3A_239, %get3A_240, %get3A_241] {strides = array<i32>} : memref<128x4x16xf32, #tpu.memory_space<vmem>>, vector<1x1x16xf32>,
        %get3A_243 = vector.shape_cast %get3A_242 : vector<1x1x16xf32> to vector<16xf32>
        %mul3A_244 = arith.mulf %get3A_213, %get3A_243 : vector<16xf32>
        %get3A_245 = arith.constant 1 : i32
        %get3A_246 = arith.index_cast %add3A_217 : i32 to index
        %get3A_247 = arith.index_cast %get3A_245 : i32 to index
        %get3A_248 = arith.constant 0 : index
        %get3A_249 = tpu.vector_load %arg33[%get3A_246, %get3A_247, %get3A_248] {strides = array<i32>} : memref<128x4x16xf32, #tpu.memory_space<vmem>>, vector<1x1x16xf32>,
        %get3A_250 = vector.shape_cast %get3A_249 : vector<1x1x16xf32> to vector<16xf32>
        %add3A_251 = arith.addf %mul3A_244, %get3A_250 : vector<16xf32>
        %swap3A_252 = arith.constant 1 : i32
        %swap3A_253 = arith.index_cast %add3A_217 : i32 to index
        %swap3A_254 = arith.index_cast %swap3A_252 : i32 to index
        %swap3A_255 = arith.constant 0 : index
        %swap3A_256 = tpu.vector_load %arg32[%swap3A_253, %swap3A_254, %swap3A_255] {strides = array<i32>} : memref<128x4x16xf32, #tpu.memory_space<vmem>>, vector<1x1x16xf32>,
        %swap3A_257 = vector.shape_cast %swap3A_256 : vector<1x1x16xf32> to vector<16xf32>
        %swap3A_258 = vector.shape_cast %add3A_251 : vector<16xf32> to vector<1x1x16xf32>
        tpu.vector_store %arg32[%swap3A_253, %swap3A_254, %swap3A_255], %swap3A_258 {strides = array<i32>} : memref<128x4x16xf32, #tpu.memory_space<vmem>>, vector<1x1x16xf32>,
        %get3A_259 = arith.constant 2 : i32
        %get3A_260 = arith.index_cast %add3A_217 : i32 to index
        %get3A_261 = arith.index_cast %get3A_259 : i32 to index
        %get3A_262 = arith.constant 0 : index
        %get3A_263 = tpu.vector_load %arg32[%get3A_260, %get3A_261, %get3A_262] {strides = array<i32>} : memref<128x4x16xf32, #tpu.memory_space<vmem>>, vector<1x1x16xf32>,
        %get3A_264 = vector.shape_cast %get3A_263 : vector<1x1x16xf32> to vector<16xf32>
        %mul3A_265 = arith.mulf %get3A_213, %get3A_264 : vector<16xf32>
        %get3A_266 = arith.constant 2 : i32
        %get3A_267 = arith.index_cast %add3A_217 : i32 to index
        %get3A_268 = arith.index_cast %get3A_266 : i32 to index
        %get3A_269 = arith.constant 0 : index
        %get3A_270 = tpu.vector_load %arg33[%get3A_267, %get3A_268, %get3A_269] {strides = array<i32>} : memref<128x4x16xf32, #tpu.memory_space<vmem>>, vector<1x1x16xf32>,
        %get3A_271 = vector.shape_cast %get3A_270 : vector<1x1x16xf32> to vector<16xf32>
        %add3A_272 = arith.addf %mul3A_265, %get3A_271 : vector<16xf32>
        %swap3A_273 = arith.constant 2 : i32
        %swap3A_274 = arith.index_cast %add3A_217 : i32 to index
        %swap3A_275 = arith.index_cast %swap3A_273 : i32 to index
        %swap3A_276 = arith.constant 0 : index
        %swap3A_277 = tpu.vector_load %arg32[%swap3A_274, %swap3A_275, %swap3A_276] {strides = array<i32>} : memref<128x4x16xf32, #tpu.memory_space<vmem>>, vector<1x1x16xf32>,
        %swap3A_278 = vector.shape_cast %swap3A_277 : vector<1x1x16xf32> to vector<16xf32>
        %swap3A_279 = vector.shape_cast %add3A_272 : vector<16xf32> to vector<1x1x16xf32>
        tpu.vector_store %arg32[%swap3A_274, %swap3A_275, %swap3A_276], %swap3A_279 {strides = array<i32>} : memref<128x4x16xf32, #tpu.memory_space<vmem>>, vector<1x1x16xf32>,
        %get3A_280 = arith.constant 3 : i32
        %get3A_281 = arith.index_cast %add3A_217 : i32 to index
        %get3A_282 = arith.index_cast %get3A_280 : i32 to index
        %get3A_283 = arith.constant 0 : index
        %get3A_284 = tpu.vector_load %arg32[%get3A_281, %get3A_282, %get3A_283] {strides = array<i32>} : memref<128x4x16xf32, #tpu.memory_space<vmem>>, vector<1x1x16xf32>,
        %get3A_285 = vector.shape_cast %get3A_284 : vector<1x1x16xf32> to vector<16xf32>
        %mul3A_286 = arith.mulf %get3A_213, %get3A_285 : vector<16xf32>
        %get3A_287 = arith.constant 3 : i32
        %get3A_288 = arith.index_cast %add3A_217 : i32 to index
        %get3A_289 = arith.index_cast %get3A_287 : i32 to index
        %get3A_290 = arith.constant 0 : index
        %get3A_291 = tpu.vector_load %arg33[%get3A_288, %get3A_289, %get3A_290] {strides = array<i32>} : memref<128x4x16xf32, #tpu.memory_space<vmem>>, vector<1x1x16xf32>,
        %get3A_292 = vector.shape_cast %get3A_291 : vector<1x1x16xf32> to vector<16xf32>
        %add3A_293 = arith.addf %mul3A_286, %get3A_292 : vector<16xf32>
        %swap3A_294 = arith.constant 3 : i32
        %swap3A_295 = arith.index_cast %add3A_217 : i32 to index
        %swap3A_296 = arith.index_cast %swap3A_294 : i32 to index
        %swap3A_297 = arith.constant 0 : index
        %swap3A_298 = tpu.vector_load %arg32[%swap3A_295, %swap3A_296, %swap3A_297] {strides = array<i32>} : memref<128x4x16xf32, #tpu.memory_space<vmem>>, vector<1x1x16xf32>,
        %swap3A_299 = vector.shape_cast %swap3A_298 : vector<1x1x16xf32> to vector<16xf32>
        %swap3A_300 = vector.shape_cast %add3A_293 : vector<16xf32> to vector<1x1x16xf32>
        tpu.vector_store %arg32[%swap3A_295, %swap3A_296, %swap3A_297], %swap3A_300 {strides = array<i32>} : memref<128x4x16xf32, #tpu.memory_space<vmem>>, vector<1x1x16xf32>,
        %mul3A_301 = arith.constant 2 : i32
        %mul3A_302 = arith.muli %scan3A_211, %mul3A_301 : i32
        %add3A_303 = arith.constant 1 : i32
        %add3A_304 = arith.addi %mul3A_302, %add3A_303 : i32
        %get3A_305 = arith.constant 0 : i32
        %get3A_306 = arith.index_cast %add3A_304 : i32 to index
        %get3A_307 = arith.index_cast %get3A_305 : i32 to index
        %get3A_308 = arith.constant 0 : index
        %get3A_309 = tpu.vector_load %arg32[%get3A_306, %get3A_307, %get3A_308] {strides = array<i32>} : memref<128x4x16xf32, #tpu.memory_space<vmem>>, vector<1x1x16xf32>,
        %get3A_310 = vector.shape_cast %get3A_309 : vector<1x1x16xf32> to vector<16xf32>
        %mul3A_311 = arith.mulf %get3A_213, %get3A_310 : vector<16xf32>
        %get3A_312 = arith.constant 0 : i32
        %get3A_313 = arith.index_cast %add3A_304 : i32 to index
        %get3A_314 = arith.index_cast %get3A_312 : i32 to index
        %get3A_315 = arith.constant 0 : index
        %get3A_316 = tpu.vector_load %arg33[%get3A_313, %get3A_314, %get3A_315] {strides = array<i32>} : memref<128x4x16xf32, #tpu.memory_space<vmem>>, vector<1x1x16xf32>,
        %get3A_317 = vector.shape_cast %get3A_316 : vector<1x1x16xf32> to vector<16xf32>
        %add3A_318 = arith.addf %mul3A_311, %get3A_317 : vector<16xf32>
        %swap3A_319 = arith.constant 0 : i32
        %swap3A_320 = arith.index_cast %add3A_304 : i32 to index
        %swap3A_321 = arith.index_cast %swap3A_319 : i32 to index
        %swap3A_322 = arith.constant 0 : index
        %swap3A_323 = tpu.vector_load %arg32[%swap3A_320, %swap3A_321, %swap3A_322] {strides = array<i32>} : memref<128x4x16xf32, #tpu.memory_space<vmem>>, vector<1x1x16xf32>,
        %swap3A_324 = vector.shape_cast %swap3A_323 : vector<1x1x16xf32> to vector<16xf32>
        %swap3A_325 = vector.shape_cast %add3A_318 : vector<16xf32> to vector<1x1x16xf32>
        tpu.vector_store %arg32[%swap3A_320, %swap3A_321, %swap3A_322], %swap3A_325 {strides = array<i32>} : memref<128x4x16xf32, #tpu.memory_space<vmem>>, vector<1x1x16xf32>,
        %get3A_326 = arith.constant 1 : i32
        %get3A_327 = arith.index_cast %add3A_304 : i32 to index
        %get3A_328 = arith.index_cast %get3A_326 : i32 to index
        %get3A_329 = arith.constant 0 : index
        %get3A_330 = tpu.vector_load %arg32[%get3A_327, %get3A_328, %get3A_329] {strides = array<i32>} : memref<128x4x16xf32, #tpu.memory_space<vmem>>, vector<1x1x16xf32>,
        %get3A_331 = vector.shape_cast %get3A_330 : vector<1x1x16xf32> to vector<16xf32>
        %mul3A_332 = arith.mulf %get3A_213, %get3A_331 : vector<16xf32>
        %get3A_333 = arith.constant 1 : i32
        %get3A_334 = arith.index_cast %add3A_304 : i32 to index
        %get3A_335 = arith.index_cast %get3A_333 : i32 to index
        %get3A_336 = arith.constant 0 : index
        %get3A_337 = tpu.vector_load %arg33[%get3A_334, %get3A_335, %get3A_336] {strides = array<i32>} : memref<128x4x16xf32, #tpu.memory_space<vmem>>, vector<1x1x16xf32>,
        %get3A_338 = vector.shape_cast %get3A_337 : vector<1x1x16xf32> to vector<16xf32>
        %add3A_339 = arith.addf %mul3A_332, %get3A_338 : vector<16xf32>
        %swap3A_340 = arith.constant 1 : i32
        %swap3A_341 = arith.index_cast %add3A_304 : i32 to index
        %swap3A_342 = arith.index_cast %swap3A_340 : i32 to index
        %swap3A_343 = arith.constant 0 : index
        %swap3A_344 = tpu.vector_load %arg32[%swap3A_341, %swap3A_342, %swap3A_343] {strides = array<i32>} : memref<128x4x16xf32, #tpu.memory_space<vmem>>, vector<1x1x16xf32>,
        %swap3A_345 = vector.shape_cast %swap3A_344 : vector<1x1x16xf32> to vector<16xf32>
        %swap3A_346 = vector.shape_cast %add3A_339 : vector<16xf32> to vector<1x1x16xf32>
        tpu.vector_store %arg32[%swap3A_341, %swap3A_342, %swap3A_343], %swap3A_346 {strides = array<i32>} : memref<128x4x16xf32, #tpu.memory_space<vmem>>, vector<1x1x16xf32>,
        %get3A_347 = arith.constant 2 : i32
        %get3A_348 = arith.index_cast %add3A_304 : i32 to index
        %get3A_349 = arith.index_cast %get3A_347 : i32 to index
        %get3A_350 = arith.constant 0 : index
        %get3A_351 = tpu.vector_load %arg32[%get3A_348, %get3A_349, %get3A_350] {strides = array<i32>} : memref<128x4x16xf32, #tpu.memory_space<vmem>>, vector<1x1x16xf32>,
        %get3A_352 = vector.shape_cast %get3A_351 : vector<1x1x16xf32> to vector<16xf32>
        %mul3A_353 = arith.mulf %get3A_213, %get3A_352 : vector<16xf32>
        %get3A_354 = arith.constant 2 : i32
        %get3A_355 = arith.index_cast %add3A_304 : i32 to index
        %get3A_356 = arith.index_cast %get3A_354 : i32 to index
        %get3A_357 = arith.constant 0 : index
        %get3A_358 = tpu.vector_load %arg33[%get3A_355, %get3A_356, %get3A_357] {strides = array<i32>} : memref<128x4x16xf32, #tpu.memory_space<vmem>>, vector<1x1x16xf32>,
        %get3A_359 = vector.shape_cast %get3A_358 : vector<1x1x16xf32> to vector<16xf32>
        %add3A_360 = arith.addf %mul3A_353, %get3A_359 : vector<16xf32>
        %swap3A_361 = arith.constant 2 : i32
        %swap3A_362 = arith.index_cast %add3A_304 : i32 to index
        %swap3A_363 = arith.index_cast %swap3A_361 : i32 to index
        %swap3A_364 = arith.constant 0 : index
        %swap3A_365 = tpu.vector_load %arg32[%swap3A_362, %swap3A_363, %swap3A_364] {strides = array<i32>} : memref<128x4x16xf32, #tpu.memory_space<vmem>>, vector<1x1x16xf32>,
        %swap3A_366 = vector.shape_cast %swap3A_365 : vector<1x1x16xf32> to vector<16xf32>
        %swap3A_367 = vector.shape_cast %add3A_360 : vector<16xf32> to vector<1x1x16xf32>
        tpu.vector_store %arg32[%swap3A_362, %swap3A_363, %swap3A_364], %swap3A_367 {strides = array<i32>} : memref<128x4x16xf32, #tpu.memory_space<vmem>>, vector<1x1x16xf32>,
        %get3A_368 = arith.constant 3 : i32
        %get3A_369 = arith.index_cast %add3A_304 : i32 to index
        %get3A_370 = arith.index_cast %get3A_368 : i32 to index
        %get3A_371 = arith.constant 0 : index
        %get3A_372 = tpu.vector_load %arg32[%get3A_369, %get3A_370, %get3A_371] {strides = array<i32>} : memref<128x4x16xf32, #tpu.memory_space<vmem>>, vector<1x1x16xf32>,
        %get3A_373 = vector.shape_cast %get3A_372 : vector<1x1x16xf32> to vector<16xf32>
        %mul3A_374 = arith.mulf %get3A_213, %get3A_373 : vector<16xf32>
        %get3A_375 = arith.constant 3 : i32
        %get3A_376 = arith.index_cast %add3A_304 : i32 to index
        %get3A_377 = arith.index_cast %get3A_375 : i32 to index
        %get3A_378 = arith.constant 0 : index
        %get3A_379 = tpu.vector_load %arg33[%get3A_376, %get3A_377, %get3A_378] {strides = array<i32>} : memref<128x4x16xf32, #tpu.memory_space<vmem>>, vector<1x1x16xf32>,
        %get3A_380 = vector.shape_cast %get3A_379 : vector<1x1x16xf32> to vector<16xf32>
        %add3A_381 = arith.addf %mul3A_374, %get3A_380 : vector<16xf32>
        %swap3A_382 = arith.constant 3 : i32
        %swap3A_383 = arith.index_cast %add3A_304 : i32 to index
        %swap3A_384 = arith.index_cast %swap3A_382 : i32 to index
        %swap3A_385 = arith.constant 0 : index
        %swap3A_386 = tpu.vector_load %arg32[%swap3A_383, %swap3A_384, %swap3A_385] {strides = array<i32>} : memref<128x4x16xf32, #tpu.memory_space<vmem>>, vector<1x1x16xf32>,
        %swap3A_387 = vector.shape_cast %swap3A_386 : vector<1x1x16xf32> to vector<16xf32>
        %swap3A_388 = vector.shape_cast %add3A_381 : vector<16xf32> to vector<1x1x16xf32>
        tpu.vector_store %arg32[%swap3A_383, %swap3A_384, %swap3A_385], %swap3A_388 {strides = array<i32>} : memref<128x4x16xf32, #tpu.memory_space<vmem>>, vector<1x1x16xf32>,
      }
      %scan3A_187 = arith.constant 64 : i32
      "tpu.region"() ({
        %run_scoped3A = tpu.sem_alloc : memref<!tpu.dma_semaphore, #tpu.memory_space<semaphore_mem>>
        %dma_start3A_211 = arith.constant 0 : i32
        %dma_start3A_212 = arith.constant 0 : i32
        %dma_start3A_213 = tpu.memref_slice %arg10[%add3A_181, %dma_start3A_211, %dma_start3A_212] : memref<20480x4x16xf32, #tpu.memory_space<hbm>> -> memref<128x4x16xf32, #tpu.memory_space<hbm>>
        %dma_start3A_214 = arith.constant 0 : i32
        %dma_start3A_215 = arith.constant 0 : i32
        %dma_start3A_216 = tpu.memref_slice %arg10[%add3A_181, %dma_start3A_214, %dma_start3A_215] : memref<20480x4x16xf32, #tpu.memory_space<hbm>> -> memref<128x4x16xf32, #tpu.memory_space<hbm>>
        tpu.enqueue_dma source(%arg32 : memref<128x4x16xf32, #tpu.memory_space<vmem>>) target(%dma_start3A_216 : memref<128x4x16xf32, #tpu.memory_space<hbm>>) target_semaphore(%run_scoped3A : memref<!tpu.dma_semaphore, #tpu.memory_space<semaphore_mem>>)
        %dma_wait3A_217 = arith.constant 0 : i32
        %dma_wait3A_218 = arith.constant 0 : i32
        %dma_wait3A_219 = tpu.memref_slice %arg10[%add3A_181, %dma_wait3A_217, %dma_wait3A_218] : memref<20480x4x16xf32, #tpu.memory_space<hbm>> -> memref<128x4x16xf32, #tpu.memory_space<hbm>>
        %dma_wait3A_220 = arith.constant 0 : i32
        %dma_wait3A_221 = arith.constant 0 : i32
        %dma_wait3A_222 = tpu.memref_slice %arg10[%add3A_181, %dma_wait3A_220, %dma_wait3A_221] : memref<20480x4x16xf32, #tpu.memory_space<hbm>> -> memref<128x4x16xf32, #tpu.memory_space<hbm>>
        tpu.wait_dma2 semaphore(%run_scoped3A : memref<!tpu.dma_semaphore, #tpu.memory_space<semaphore_mem>>) src(%arg32 : memref<128x4x16xf32, #tpu.memory_space<vmem>>) dst(%dma_wait3A_222 : memref<128x4x16xf32, #tpu.memory_space<hbm>>)
        tpu.yield
      }) : () -> ()
      "tpu.region"() ({
        %run_scoped3A = tpu.sem_alloc : memref<!tpu.dma_semaphore, #tpu.memory_space<semaphore_mem>>
        %dma_start3A_211 = arith.constant 0 : i32
        %dma_start3A_212 = arith.constant 0 : i32
        %dma_start3A_213 = tpu.memref_slice %arg12[%add3A_180, %dma_start3A_211, %dma_start3A_212] : memref<10240x4x16xf32, #tpu.memory_space<vmem_shared>> -> memref<128x4x16xf32, #tpu.memory_space<vmem_shared>>
        tpu.enqueue_dma source(%arg8 : memref<128x4x16xf32, #tpu.memory_space<hbm>>) target(%dma_start3A_213 : memref<128x4x16xf32, #tpu.memory_space<vmem_shared>>) target_semaphore(%run_scoped3A : memref<!tpu.dma_semaphore, #tpu.memory_space<semaphore_mem>>)
        %dma_wait3A_214 = arith.constant 0 : i32
        %dma_wait3A_215 = arith.constant 0 : i32
        %dma_wait3A_216 = tpu.memref_slice %arg12[%add3A_180, %dma_wait3A_214, %dma_wait3A_215] : memref<10240x4x16xf32, #tpu.memory_space<vmem_shared>> -> memref<128x4x16xf32, #tpu.memory_space<vmem_shared>>
        tpu.wait_dma2 semaphore(%run_scoped3A : memref<!tpu.dma_semaphore, #tpu.memory_space<semaphore_mem>>) src(%arg8 : memref<128x4x16xf32, #tpu.memory_space<hbm>>) dst(%dma_wait3A_216 : memref<128x4x16xf32, #tpu.memory_space<vmem_shared>>)
        tpu.yield
      }) : () -> ()
      %mul3A_188 = arith.constant 640 : i32
      %mul3A_189 = arith.muli %arg1, %mul3A_188 : i32
      %add3A_190 = arith.constant 384 : i32
      %add3A_191 = arith.addi %mul3A_189, %add3A_190 : i32
      %add3A_192 = arith.addi %mul3A_0, %add3A_191 : i32
      "tpu.region"() ({
        %run_scoped3A = tpu.sem_alloc : memref<!tpu.dma_semaphore, #tpu.memory_space<semaphore_mem>>
        %dma_start3A_211 = arith.constant 0 : i32
        %dma_start3A_212 = arith.constant 0 : i32
        %dma_start3A_213 = tpu.memref_slice %arg10[%add3A_192, %dma_start3A_211, %dma_start3A_212] : memref<20480x4x16xf32, #tpu.memory_space<hbm>> -> memref<128x4x16xf32, #tpu.memory_space<hbm>>
        %dma_start3A_214 = arith.constant 0 : i32
        %dma_start3A_215 = arith.constant 0 : i32
        %dma_start3A_216 = tpu.memref_slice %arg10[%add3A_192, %dma_start3A_214, %dma_start3A_215] : memref<20480x4x16xf32, #tpu.memory_space<hbm>> -> memref<128x4x16xf32, #tpu.memory_space<hbm>>
        tpu.enqueue_dma source(%dma_start3A_216 : memref<128x4x16xf32, #tpu.memory_space<hbm>>) target(%arg32 : memref<128x4x16xf32, #tpu.memory_space<vmem>>) target_semaphore(%run_scoped3A : memref<!tpu.dma_semaphore, #tpu.memory_space<semaphore_mem>>)
        %dma_wait3A_217 = arith.constant 0 : i32
        %dma_wait3A_218 = arith.constant 0 : i32
        %dma_wait3A_219 = tpu.memref_slice %arg10[%add3A_192, %dma_wait3A_217, %dma_wait3A_218] : memref<20480x4x16xf32, #tpu.memory_space<hbm>> -> memref<128x4x16xf32, #tpu.memory_space<hbm>>
        %dma_wait3A_220 = arith.constant 0 : i32
        %dma_wait3A_221 = arith.constant 0 : i32
        %dma_wait3A_222 = tpu.memref_slice %arg10[%add3A_192, %dma_wait3A_220, %dma_wait3A_221] : memref<20480x4x16xf32, #tpu.memory_space<hbm>> -> memref<128x4x16xf32, #tpu.memory_space<hbm>>
        tpu.wait_dma2 semaphore(%run_scoped3A : memref<!tpu.dma_semaphore, #tpu.memory_space<semaphore_mem>>) src(%dma_wait3A_222 : memref<128x4x16xf32, #tpu.memory_space<hbm>>) dst(%arg32 : memref<128x4x16xf32, #tpu.memory_space<vmem>>)
        tpu.yield
      }) : () -> ()
      "tpu.region"() ({
        %run_scoped3A = tpu.sem_alloc : memref<!tpu.dma_semaphore, #tpu.memory_space<semaphore_mem>>
        %dma_start3A_211 = arith.constant 0 : i32
        %dma_start3A_212 = arith.constant 0 : i32
        %dma_start3A_213 = tpu.memref_slice %arg12[%add3A_191, %dma_start3A_211, %dma_start3A_212] : memref<10240x4x16xf32, #tpu.memory_space<vmem_shared>> -> memref<128x4x16xf32, #tpu.memory_space<vmem_shared>>
        %dma_start3A_214 = arith.constant 0 : i32
        %dma_start3A_215 = arith.constant 0 : i32
        %dma_start3A_216 = tpu.memref_slice %arg12[%add3A_191, %dma_start3A_214, %dma_start3A_215] : memref<10240x4x16xf32, #tpu.memory_space<vmem_shared>> -> memref<128x4x16xf32, #tpu.memory_space<vmem_shared>>
        tpu.enqueue_dma source(%dma_start3A_216 : memref<128x4x16xf32, #tpu.memory_space<vmem_shared>>) target(%arg33 : memref<128x4x16xf32, #tpu.memory_space<vmem>>) target_semaphore(%run_scoped3A : memref<!tpu.dma_semaphore, #tpu.memory_space<semaphore_mem>>)
        %dma_wait3A_217 = arith.constant 0 : i32
        %dma_wait3A_218 = arith.constant 0 : i32
        %dma_wait3A_219 = tpu.memref_slice %arg12[%add3A_191, %dma_wait3A_217, %dma_wait3A_218] : memref<10240x4x16xf32, #tpu.memory_space<vmem_shared>> -> memref<128x4x16xf32, #tpu.memory_space<vmem_shared>>
        %dma_wait3A_220 = arith.constant 0 : i32
        %dma_wait3A_221 = arith.constant 0 : i32
        %dma_wait3A_222 = tpu.memref_slice %arg12[%add3A_191, %dma_wait3A_220, %dma_wait3A_221] : memref<10240x4x16xf32, #tpu.memory_space<vmem_shared>> -> memref<128x4x16xf32, #tpu.memory_space<vmem_shared>>
        tpu.wait_dma2 semaphore(%run_scoped3A : memref<!tpu.dma_semaphore, #tpu.memory_space<semaphore_mem>>) src(%dma_wait3A_222 : memref<128x4x16xf32, #tpu.memory_space<vmem_shared>>) dst(%arg33 : memref<128x4x16xf32, #tpu.memory_space<vmem>>)
        tpu.yield
      }) : () -> ()
      %scan3A_193 = arith.constant 0 : i32
      %scan3A_194 = arith.constant 0 : i32
      %scan3A_195 = arith.constant 64 : i32
      %scan3A_196 = arith.addi %scan3A_194, %scan3A_195 : i32
      %scan3A_197 = arith.constant 1 : i32
      scf.for %scan3A_211 = %scan3A_194 to %scan3A_196 step %scan3A_197  : i32 {
        %get3A = arith.constant 0 : index
        %get3A_212 = tpu.vector_load %arg35[%get3A] {strides = array<i32>} : memref<16xf32, #tpu.memory_space<vmem>>, vector<16xf32>,
        %get3A_213 = vector.shape_cast %get3A_212 : vector<16xf32> to vector<16xf32>
        %mul3A_214 = arith.constant 2 : i32
        %mul3A_215 = arith.muli %scan3A_211, %mul3A_214 : i32
        %add3A_216 = arith.constant 0 : i32
        %add3A_217 = arith.addi %mul3A_215, %add3A_216 : i32
        %get3A_218 = arith.constant 0 : i32
        %get3A_219 = arith.index_cast %add3A_217 : i32 to index
        %get3A_220 = arith.index_cast %get3A_218 : i32 to index
        %get3A_221 = arith.constant 0 : index
        %get3A_222 = tpu.vector_load %arg32[%get3A_219, %get3A_220, %get3A_221] {strides = array<i32>} : memref<128x4x16xf32, #tpu.memory_space<vmem>>, vector<1x1x16xf32>,
        %get3A_223 = vector.shape_cast %get3A_222 : vector<1x1x16xf32> to vector<16xf32>
        %mul3A_224 = arith.mulf %get3A_213, %get3A_223 : vector<16xf32>
        %get3A_225 = arith.constant 0 : i32
        %get3A_226 = arith.index_cast %add3A_217 : i32 to index
        %get3A_227 = arith.index_cast %get3A_225 : i32 to index
        %get3A_228 = arith.constant 0 : index
        %get3A_229 = tpu.vector_load %arg33[%get3A_226, %get3A_227, %get3A_228] {strides = array<i32>} : memref<128x4x16xf32, #tpu.memory_space<vmem>>, vector<1x1x16xf32>,
        %get3A_230 = vector.shape_cast %get3A_229 : vector<1x1x16xf32> to vector<16xf32>
        %add3A_231 = arith.addf %mul3A_224, %get3A_230 : vector<16xf32>
        %swap3A = arith.constant 0 : i32
        %swap3A_232 = arith.index_cast %add3A_217 : i32 to index
        %swap3A_233 = arith.index_cast %swap3A : i32 to index
        %swap3A_234 = arith.constant 0 : index
        %swap3A_235 = tpu.vector_load %arg32[%swap3A_232, %swap3A_233, %swap3A_234] {strides = array<i32>} : memref<128x4x16xf32, #tpu.memory_space<vmem>>, vector<1x1x16xf32>,
        %swap3A_236 = vector.shape_cast %swap3A_235 : vector<1x1x16xf32> to vector<16xf32>
        %swap3A_237 = vector.shape_cast %add3A_231 : vector<16xf32> to vector<1x1x16xf32>
        tpu.vector_store %arg32[%swap3A_232, %swap3A_233, %swap3A_234], %swap3A_237 {strides = array<i32>} : memref<128x4x16xf32, #tpu.memory_space<vmem>>, vector<1x1x16xf32>,
        %get3A_238 = arith.constant 1 : i32
        %get3A_239 = arith.index_cast %add3A_217 : i32 to index
        %get3A_240 = arith.index_cast %get3A_238 : i32 to index
        %get3A_241 = arith.constant 0 : index
        %get3A_242 = tpu.vector_load %arg32[%get3A_239, %get3A_240, %get3A_241] {strides = array<i32>} : memref<128x4x16xf32, #tpu.memory_space<vmem>>, vector<1x1x16xf32>,
        %get3A_243 = vector.shape_cast %get3A_242 : vector<1x1x16xf32> to vector<16xf32>
        %mul3A_244 = arith.mulf %get3A_213, %get3A_243 : vector<16xf32>
        %get3A_245 = arith.constant 1 : i32
        %get3A_246 = arith.index_cast %add3A_217 : i32 to index
        %get3A_247 = arith.index_cast %get3A_245 : i32 to index
        %get3A_248 = arith.constant 0 : index
        %get3A_249 = tpu.vector_load %arg33[%get3A_246, %get3A_247, %get3A_248] {strides = array<i32>} : memref<128x4x16xf32, #tpu.memory_space<vmem>>, vector<1x1x16xf32>,
        %get3A_250 = vector.shape_cast %get3A_249 : vector<1x1x16xf32> to vector<16xf32>
        %add3A_251 = arith.addf %mul3A_244, %get3A_250 : vector<16xf32>
        %swap3A_252 = arith.constant 1 : i32
        %swap3A_253 = arith.index_cast %add3A_217 : i32 to index
        %swap3A_254 = arith.index_cast %swap3A_252 : i32 to index
        %swap3A_255 = arith.constant 0 : index
        %swap3A_256 = tpu.vector_load %arg32[%swap3A_253, %swap3A_254, %swap3A_255] {strides = array<i32>} : memref<128x4x16xf32, #tpu.memory_space<vmem>>, vector<1x1x16xf32>,
        %swap3A_257 = vector.shape_cast %swap3A_256 : vector<1x1x16xf32> to vector<16xf32>
        %swap3A_258 = vector.shape_cast %add3A_251 : vector<16xf32> to vector<1x1x16xf32>
        tpu.vector_store %arg32[%swap3A_253, %swap3A_254, %swap3A_255], %swap3A_258 {strides = array<i32>} : memref<128x4x16xf32, #tpu.memory_space<vmem>>, vector<1x1x16xf32>,
        %get3A_259 = arith.constant 2 : i32
        %get3A_260 = arith.index_cast %add3A_217 : i32 to index
        %get3A_261 = arith.index_cast %get3A_259 : i32 to index
        %get3A_262 = arith.constant 0 : index
        %get3A_263 = tpu.vector_load %arg32[%get3A_260, %get3A_261, %get3A_262] {strides = array<i32>} : memref<128x4x16xf32, #tpu.memory_space<vmem>>, vector<1x1x16xf32>,
        %get3A_264 = vector.shape_cast %get3A_263 : vector<1x1x16xf32> to vector<16xf32>
        %mul3A_265 = arith.mulf %get3A_213, %get3A_264 : vector<16xf32>
        %get3A_266 = arith.constant 2 : i32
        %get3A_267 = arith.index_cast %add3A_217 : i32 to index
        %get3A_268 = arith.index_cast %get3A_266 : i32 to index
        %get3A_269 = arith.constant 0 : index
        %get3A_270 = tpu.vector_load %arg33[%get3A_267, %get3A_268, %get3A_269] {strides = array<i32>} : memref<128x4x16xf32, #tpu.memory_space<vmem>>, vector<1x1x16xf32>,
        %get3A_271 = vector.shape_cast %get3A_270 : vector<1x1x16xf32> to vector<16xf32>
        %add3A_272 = arith.addf %mul3A_265, %get3A_271 : vector<16xf32>
        %swap3A_273 = arith.constant 2 : i32
        %swap3A_274 = arith.index_cast %add3A_217 : i32 to index
        %swap3A_275 = arith.index_cast %swap3A_273 : i32 to index
        %swap3A_276 = arith.constant 0 : index
        %swap3A_277 = tpu.vector_load %arg32[%swap3A_274, %swap3A_275, %swap3A_276] {strides = array<i32>} : memref<128x4x16xf32, #tpu.memory_space<vmem>>, vector<1x1x16xf32>,
        %swap3A_278 = vector.shape_cast %swap3A_277 : vector<1x1x16xf32> to vector<16xf32>
        %swap3A_279 = vector.shape_cast %add3A_272 : vector<16xf32> to vector<1x1x16xf32>
        tpu.vector_store %arg32[%swap3A_274, %swap3A_275, %swap3A_276], %swap3A_279 {strides = array<i32>} : memref<128x4x16xf32, #tpu.memory_space<vmem>>, vector<1x1x16xf32>,
        %get3A_280 = arith.constant 3 : i32
        %get3A_281 = arith.index_cast %add3A_217 : i32 to index
        %get3A_282 = arith.index_cast %get3A_280 : i32 to index
        %get3A_283 = arith.constant 0 : index
        %get3A_284 = tpu.vector_load %arg32[%get3A_281, %get3A_282, %get3A_283] {strides = array<i32>} : memref<128x4x16xf32, #tpu.memory_space<vmem>>, vector<1x1x16xf32>,
        %get3A_285 = vector.shape_cast %get3A_284 : vector<1x1x16xf32> to vector<16xf32>
        %mul3A_286 = arith.mulf %get3A_213, %get3A_285 : vector<16xf32>
        %get3A_287 = arith.constant 3 : i32
        %get3A_288 = arith.index_cast %add3A_217 : i32 to index
        %get3A_289 = arith.index_cast %get3A_287 : i32 to index
        %get3A_290 = arith.constant 0 : index
        %get3A_291 = tpu.vector_load %arg33[%get3A_288, %get3A_289, %get3A_290] {strides = array<i32>} : memref<128x4x16xf32, #tpu.memory_space<vmem>>, vector<1x1x16xf32>,
        %get3A_292 = vector.shape_cast %get3A_291 : vector<1x1x16xf32> to vector<16xf32>
        %add3A_293 = arith.addf %mul3A_286, %get3A_292 : vector<16xf32>
        %swap3A_294 = arith.constant 3 : i32
        %swap3A_295 = arith.index_cast %add3A_217 : i32 to index
        %swap3A_296 = arith.index_cast %swap3A_294 : i32 to index
        %swap3A_297 = arith.constant 0 : index
        %swap3A_298 = tpu.vector_load %arg32[%swap3A_295, %swap3A_296, %swap3A_297] {strides = array<i32>} : memref<128x4x16xf32, #tpu.memory_space<vmem>>, vector<1x1x16xf32>,
        %swap3A_299 = vector.shape_cast %swap3A_298 : vector<1x1x16xf32> to vector<16xf32>
        %swap3A_300 = vector.shape_cast %add3A_293 : vector<16xf32> to vector<1x1x16xf32>
        tpu.vector_store %arg32[%swap3A_295, %swap3A_296, %swap3A_297], %swap3A_300 {strides = array<i32>} : memref<128x4x16xf32, #tpu.memory_space<vmem>>, vector<1x1x16xf32>,
        %mul3A_301 = arith.constant 2 : i32
        %mul3A_302 = arith.muli %scan3A_211, %mul3A_301 : i32
        %add3A_303 = arith.constant 1 : i32
        %add3A_304 = arith.addi %mul3A_302, %add3A_303 : i32
        %get3A_305 = arith.constant 0 : i32
        %get3A_306 = arith.index_cast %add3A_304 : i32 to index
        %get3A_307 = arith.index_cast %get3A_305 : i32 to index
        %get3A_308 = arith.constant 0 : index
        %get3A_309 = tpu.vector_load %arg32[%get3A_306, %get3A_307, %get3A_308] {strides = array<i32>} : memref<128x4x16xf32, #tpu.memory_space<vmem>>, vector<1x1x16xf32>,
        %get3A_310 = vector.shape_cast %get3A_309 : vector<1x1x16xf32> to vector<16xf32>
        %mul3A_311 = arith.mulf %get3A_213, %get3A_310 : vector<16xf32>
        %get3A_312 = arith.constant 0 : i32
        %get3A_313 = arith.index_cast %add3A_304 : i32 to index
        %get3A_314 = arith.index_cast %get3A_312 : i32 to index
        %get3A_315 = arith.constant 0 : index
        %get3A_316 = tpu.vector_load %arg33[%get3A_313, %get3A_314, %get3A_315] {strides = array<i32>} : memref<128x4x16xf32, #tpu.memory_space<vmem>>, vector<1x1x16xf32>,
        %get3A_317 = vector.shape_cast %get3A_316 : vector<1x1x16xf32> to vector<16xf32>
        %add3A_318 = arith.addf %mul3A_311, %get3A_317 : vector<16xf32>
        %swap3A_319 = arith.constant 0 : i32
        %swap3A_320 = arith.index_cast %add3A_304 : i32 to index
        %swap3A_321 = arith.index_cast %swap3A_319 : i32 to index
        %swap3A_322 = arith.constant 0 : index
        %swap3A_323 = tpu.vector_load %arg32[%swap3A_320, %swap3A_321, %swap3A_322] {strides = array<i32>} : memref<128x4x16xf32, #tpu.memory_space<vmem>>, vector<1x1x16xf32>,
        %swap3A_324 = vector.shape_cast %swap3A_323 : vector<1x1x16xf32> to vector<16xf32>
        %swap3A_325 = vector.shape_cast %add3A_318 : vector<16xf32> to vector<1x1x16xf32>
        tpu.vector_store %arg32[%swap3A_320, %swap3A_321, %swap3A_322], %swap3A_325 {strides = array<i32>} : memref<128x4x16xf32, #tpu.memory_space<vmem>>, vector<1x1x16xf32>,
        %get3A_326 = arith.constant 1 : i32
        %get3A_327 = arith.index_cast %add3A_304 : i32 to index
        %get3A_328 = arith.index_cast %get3A_326 : i32 to index
        %get3A_329 = arith.constant 0 : index
        %get3A_330 = tpu.vector_load %arg32[%get3A_327, %get3A_328, %get3A_329] {strides = array<i32>} : memref<128x4x16xf32, #tpu.memory_space<vmem>>, vector<1x1x16xf32>,
        %get3A_331 = vector.shape_cast %get3A_330 : vector<1x1x16xf32> to vector<16xf32>
        %mul3A_332 = arith.mulf %get3A_213, %get3A_331 : vector<16xf32>
        %get3A_333 = arith.constant 1 : i32
        %get3A_334 = arith.index_cast %add3A_304 : i32 to index
        %get3A_335 = arith.index_cast %get3A_333 : i32 to index
        %get3A_336 = arith.constant 0 : index
        %get3A_337 = tpu.vector_load %arg33[%get3A_334, %get3A_335, %get3A_336] {strides = array<i32>} : memref<128x4x16xf32, #tpu.memory_space<vmem>>, vector<1x1x16xf32>,
        %get3A_338 = vector.shape_cast %get3A_337 : vector<1x1x16xf32> to vector<16xf32>
        %add3A_339 = arith.addf %mul3A_332, %get3A_338 : vector<16xf32>
        %swap3A_340 = arith.constant 1 : i32
        %swap3A_341 = arith.index_cast %add3A_304 : i32 to index
        %swap3A_342 = arith.index_cast %swap3A_340 : i32 to index
        %swap3A_343 = arith.constant 0 : index
        %swap3A_344 = tpu.vector_load %arg32[%swap3A_341, %swap3A_342, %swap3A_343] {strides = array<i32>} : memref<128x4x16xf32, #tpu.memory_space<vmem>>, vector<1x1x16xf32>,
        %swap3A_345 = vector.shape_cast %swap3A_344 : vector<1x1x16xf32> to vector<16xf32>
        %swap3A_346 = vector.shape_cast %add3A_339 : vector<16xf32> to vector<1x1x16xf32>
        tpu.vector_store %arg32[%swap3A_341, %swap3A_342, %swap3A_343], %swap3A_346 {strides = array<i32>} : memref<128x4x16xf32, #tpu.memory_space<vmem>>, vector<1x1x16xf32>,
        %get3A_347 = arith.constant 2 : i32
        %get3A_348 = arith.index_cast %add3A_304 : i32 to index
        %get3A_349 = arith.index_cast %get3A_347 : i32 to index
        %get3A_350 = arith.constant 0 : index
        %get3A_351 = tpu.vector_load %arg32[%get3A_348, %get3A_349, %get3A_350] {strides = array<i32>} : memref<128x4x16xf32, #tpu.memory_space<vmem>>, vector<1x1x16xf32>,
        %get3A_352 = vector.shape_cast %get3A_351 : vector<1x1x16xf32> to vector<16xf32>
        %mul3A_353 = arith.mulf %get3A_213, %get3A_352 : vector<16xf32>
        %get3A_354 = arith.constant 2 : i32
        %get3A_355 = arith.index_cast %add3A_304 : i32 to index
        %get3A_356 = arith.index_cast %get3A_354 : i32 to index
        %get3A_357 = arith.constant 0 : index
        %get3A_358 = tpu.vector_load %arg33[%get3A_355, %get3A_356, %get3A_357] {strides = array<i32>} : memref<128x4x16xf32, #tpu.memory_space<vmem>>, vector<1x1x16xf32>,
        %get3A_359 = vector.shape_cast %get3A_358 : vector<1x1x16xf32> to vector<16xf32>
        %add3A_360 = arith.addf %mul3A_353, %get3A_359 : vector<16xf32>
        %swap3A_361 = arith.constant 2 : i32
        %swap3A_362 = arith.index_cast %add3A_304 : i32 to index
        %swap3A_363 = arith.index_cast %swap3A_361 : i32 to index
        %swap3A_364 = arith.constant 0 : index
        %swap3A_365 = tpu.vector_load %arg32[%swap3A_362, %swap3A_363, %swap3A_364] {strides = array<i32>} : memref<128x4x16xf32, #tpu.memory_space<vmem>>, vector<1x1x16xf32>,
        %swap3A_366 = vector.shape_cast %swap3A_365 : vector<1x1x16xf32> to vector<16xf32>
        %swap3A_367 = vector.shape_cast %add3A_360 : vector<16xf32> to vector<1x1x16xf32>
        tpu.vector_store %arg32[%swap3A_362, %swap3A_363, %swap3A_364], %swap3A_367 {strides = array<i32>} : memref<128x4x16xf32, #tpu.memory_space<vmem>>, vector<1x1x16xf32>,
        %get3A_368 = arith.constant 3 : i32
        %get3A_369 = arith.index_cast %add3A_304 : i32 to index
        %get3A_370 = arith.index_cast %get3A_368 : i32 to index
        %get3A_371 = arith.constant 0 : index
        %get3A_372 = tpu.vector_load %arg32[%get3A_369, %get3A_370, %get3A_371] {strides = array<i32>} : memref<128x4x16xf32, #tpu.memory_space<vmem>>, vector<1x1x16xf32>,
        %get3A_373 = vector.shape_cast %get3A_372 : vector<1x1x16xf32> to vector<16xf32>
        %mul3A_374 = arith.mulf %get3A_213, %get3A_373 : vector<16xf32>
        %get3A_375 = arith.constant 3 : i32
        %get3A_376 = arith.index_cast %add3A_304 : i32 to index
        %get3A_377 = arith.index_cast %get3A_375 : i32 to index
        %get3A_378 = arith.constant 0 : index
        %get3A_379 = tpu.vector_load %arg33[%get3A_376, %get3A_377, %get3A_378] {strides = array<i32>} : memref<128x4x16xf32, #tpu.memory_space<vmem>>, vector<1x1x16xf32>,
        %get3A_380 = vector.shape_cast %get3A_379 : vector<1x1x16xf32> to vector<16xf32>
        %add3A_381 = arith.addf %mul3A_374, %get3A_380 : vector<16xf32>
        %swap3A_382 = arith.constant 3 : i32
        %swap3A_383 = arith.index_cast %add3A_304 : i32 to index
        %swap3A_384 = arith.index_cast %swap3A_382 : i32 to index
        %swap3A_385 = arith.constant 0 : index
        %swap3A_386 = tpu.vector_load %arg32[%swap3A_383, %swap3A_384, %swap3A_385] {strides = array<i32>} : memref<128x4x16xf32, #tpu.memory_space<vmem>>, vector<1x1x16xf32>,
        %swap3A_387 = vector.shape_cast %swap3A_386 : vector<1x1x16xf32> to vector<16xf32>
        %swap3A_388 = vector.shape_cast %add3A_381 : vector<16xf32> to vector<1x1x16xf32>
        tpu.vector_store %arg32[%swap3A_383, %swap3A_384, %swap3A_385], %swap3A_388 {strides = array<i32>} : memref<128x4x16xf32, #tpu.memory_space<vmem>>, vector<1x1x16xf32>,
      }
      %scan3A_198 = arith.constant 64 : i32
      "tpu.region"() ({
        %run_scoped3A = tpu.sem_alloc : memref<!tpu.dma_semaphore, #tpu.memory_space<semaphore_mem>>
        %dma_start3A_211 = arith.constant 0 : i32
        %dma_start3A_212 = arith.constant 0 : i32
        %dma_start3A_213 = tpu.memref_slice %arg10[%add3A_192, %dma_start3A_211, %dma_start3A_212] : memref<20480x4x16xf32, #tpu.memory_space<hbm>> -> memref<128x4x16xf32, #tpu.memory_space<hbm>>
        %dma_start3A_214 = arith.constant 0 : i32
        %dma_start3A_215 = arith.constant 0 : i32
        %dma_start3A_216 = tpu.memref_slice %arg10[%add3A_192, %dma_start3A_214, %dma_start3A_215] : memref<20480x4x16xf32, #tpu.memory_space<hbm>> -> memref<128x4x16xf32, #tpu.memory_space<hbm>>
        tpu.enqueue_dma source(%arg32 : memref<128x4x16xf32, #tpu.memory_space<vmem>>) target(%dma_start3A_216 : memref<128x4x16xf32, #tpu.memory_space<hbm>>) target_semaphore(%run_scoped3A : memref<!tpu.dma_semaphore, #tpu.memory_space<semaphore_mem>>)
        %dma_wait3A_217 = arith.constant 0 : i32
        %dma_wait3A_218 = arith.constant 0 : i32
        %dma_wait3A_219 = tpu.memref_slice %arg10[%add3A_192, %dma_wait3A_217, %dma_wait3A_218] : memref<20480x4x16xf32, #tpu.memory_space<hbm>> -> memref<128x4x16xf32, #tpu.memory_space<hbm>>
        %dma_wait3A_220 = arith.constant 0 : i32
        %dma_wait3A_221 = arith.constant 0 : i32
        %dma_wait3A_222 = tpu.memref_slice %arg10[%add3A_192, %dma_wait3A_220, %dma_wait3A_221] : memref<20480x4x16xf32, #tpu.memory_space<hbm>> -> memref<128x4x16xf32, #tpu.memory_space<hbm>>
        tpu.wait_dma2 semaphore(%run_scoped3A : memref<!tpu.dma_semaphore, #tpu.memory_space<semaphore_mem>>) src(%arg32 : memref<128x4x16xf32, #tpu.memory_space<vmem>>) dst(%dma_wait3A_222 : memref<128x4x16xf32, #tpu.memory_space<hbm>>)
        tpu.yield
      }) : () -> ()
      "tpu.region"() ({
        %run_scoped3A = tpu.sem_alloc : memref<!tpu.dma_semaphore, #tpu.memory_space<semaphore_mem>>
        %dma_start3A_211 = arith.constant 0 : i32
        %dma_start3A_212 = arith.constant 0 : i32
        %dma_start3A_213 = tpu.memref_slice %arg12[%add3A_191, %dma_start3A_211, %dma_start3A_212] : memref<10240x4x16xf32, #tpu.memory_space<vmem_shared>> -> memref<128x4x16xf32, #tpu.memory_space<vmem_shared>>
        tpu.enqueue_dma source(%arg8 : memref<128x4x16xf32, #tpu.memory_space<hbm>>) target(%dma_start3A_213 : memref<128x4x16xf32, #tpu.memory_space<vmem_shared>>) target_semaphore(%run_scoped3A : memref<!tpu.dma_semaphore, #tpu.memory_space<semaphore_mem>>)
        %dma_wait3A_214 = arith.constant 0 : i32
        %dma_wait3A_215 = arith.constant 0 : i32
        %dma_wait3A_216 = tpu.memref_slice %arg12[%add3A_191, %dma_wait3A_214, %dma_wait3A_215] : memref<10240x4x16xf32, #tpu.memory_space<vmem_shared>> -> memref<128x4x16xf32, #tpu.memory_space<vmem_shared>>
        tpu.wait_dma2 semaphore(%run_scoped3A : memref<!tpu.dma_semaphore, #tpu.memory_space<semaphore_mem>>) src(%arg8 : memref<128x4x16xf32, #tpu.memory_space<hbm>>) dst(%dma_wait3A_216 : memref<128x4x16xf32, #tpu.memory_space<vmem_shared>>)
        tpu.yield
      }) : () -> ()
      %mul3A_199 = arith.constant 640 : i32
      %mul3A_200 = arith.muli %arg1, %mul3A_199 : i32
      %add3A_201 = arith.constant 512 : i32
      %add3A_202 = arith.addi %mul3A_200, %add3A_201 : i32
      %add3A_203 = arith.addi %mul3A_0, %add3A_202 : i32
      "tpu.region"() ({
        %run_scoped3A = tpu.sem_alloc : memref<!tpu.dma_semaphore, #tpu.memory_space<semaphore_mem>>
        %dma_start3A_211 = arith.constant 0 : i32
        %dma_start3A_212 = arith.constant 0 : i32
        %dma_start3A_213 = tpu.memref_slice %arg10[%add3A_203, %dma_start3A_211, %dma_start3A_212] : memref<20480x4x16xf32, #tpu.memory_space<hbm>> -> memref<128x4x16xf32, #tpu.memory_space<hbm>>
        %dma_start3A_214 = arith.constant 0 : i32
        %dma_start3A_215 = arith.constant 0 : i32
        %dma_start3A_216 = tpu.memref_slice %arg10[%add3A_203, %dma_start3A_214, %dma_start3A_215] : memref<20480x4x16xf32, #tpu.memory_space<hbm>> -> memref<128x4x16xf32, #tpu.memory_space<hbm>>
        tpu.enqueue_dma source(%dma_start3A_216 : memref<128x4x16xf32, #tpu.memory_space<hbm>>) target(%arg32 : memref<128x4x16xf32, #tpu.memory_space<vmem>>) target_semaphore(%run_scoped3A : memref<!tpu.dma_semaphore, #tpu.memory_space<semaphore_mem>>)
        %dma_wait3A_217 = arith.constant 0 : i32
        %dma_wait3A_218 = arith.constant 0 : i32
        %dma_wait3A_219 = tpu.memref_slice %arg10[%add3A_203, %dma_wait3A_217, %dma_wait3A_218] : memref<20480x4x16xf32, #tpu.memory_space<hbm>> -> memref<128x4x16xf32, #tpu.memory_space<hbm>>
        %dma_wait3A_220 = arith.constant 0 : i32
        %dma_wait3A_221 = arith.constant 0 : i32
        %dma_wait3A_222 = tpu.memref_slice %arg10[%add3A_203, %dma_wait3A_220, %dma_wait3A_221] : memref<20480x4x16xf32, #tpu.memory_space<hbm>> -> memref<128x4x16xf32, #tpu.memory_space<hbm>>
        tpu.wait_dma2 semaphore(%run_scoped3A : memref<!tpu.dma_semaphore, #tpu.memory_space<semaphore_mem>>) src(%dma_wait3A_222 : memref<128x4x16xf32, #tpu.memory_space<hbm>>) dst(%arg32 : memref<128x4x16xf32, #tpu.memory_space<vmem>>)
        tpu.yield
      }) : () -> ()
      "tpu.region"() ({
        %run_scoped3A = tpu.sem_alloc : memref<!tpu.dma_semaphore, #tpu.memory_space<semaphore_mem>>
        %dma_start3A_211 = arith.constant 0 : i32
        %dma_start3A_212 = arith.constant 0 : i32
        %dma_start3A_213 = tpu.memref_slice %arg12[%add3A_202, %dma_start3A_211, %dma_start3A_212] : memref<10240x4x16xf32, #tpu.memory_space<vmem_shared>> -> memref<128x4x16xf32, #tpu.memory_space<vmem_shared>>
        %dma_start3A_214 = arith.constant 0 : i32
        %dma_start3A_215 = arith.constant 0 : i32
        %dma_start3A_216 = tpu.memref_slice %arg12[%add3A_202, %dma_start3A_214, %dma_start3A_215] : memref<10240x4x16xf32, #tpu.memory_space<vmem_shared>> -> memref<128x4x16xf32, #tpu.memory_space<vmem_shared>>
        tpu.enqueue_dma source(%dma_start3A_216 : memref<128x4x16xf32, #tpu.memory_space<vmem_shared>>) target(%arg33 : memref<128x4x16xf32, #tpu.memory_space<vmem>>) target_semaphore(%run_scoped3A : memref<!tpu.dma_semaphore, #tpu.memory_space<semaphore_mem>>)
        %dma_wait3A_217 = arith.constant 0 : i32
        %dma_wait3A_218 = arith.constant 0 : i32
        %dma_wait3A_219 = tpu.memref_slice %arg12[%add3A_202, %dma_wait3A_217, %dma_wait3A_218] : memref<10240x4x16xf32, #tpu.memory_space<vmem_shared>> -> memref<128x4x16xf32, #tpu.memory_space<vmem_shared>>
        %dma_wait3A_220 = arith.constant 0 : i32
        %dma_wait3A_221 = arith.constant 0 : i32
        %dma_wait3A_222 = tpu.memref_slice %arg12[%add3A_202, %dma_wait3A_220, %dma_wait3A_221] : memref<10240x4x16xf32, #tpu.memory_space<vmem_shared>> -> memref<128x4x16xf32, #tpu.memory_space<vmem_shared>>
        tpu.wait_dma2 semaphore(%run_scoped3A : memref<!tpu.dma_semaphore, #tpu.memory_space<semaphore_mem>>) src(%dma_wait3A_222 : memref<128x4x16xf32, #tpu.memory_space<vmem_shared>>) dst(%arg33 : memref<128x4x16xf32, #tpu.memory_space<vmem>>)
        tpu.yield
      }) : () -> ()
      %scan3A_204 = arith.constant 0 : i32
      %scan3A_205 = arith.constant 0 : i32
      %scan3A_206 = arith.constant 64 : i32
      %scan3A_207 = arith.addi %scan3A_205, %scan3A_206 : i32
      %scan3A_208 = arith.constant 1 : i32
      scf.for %scan3A_211 = %scan3A_205 to %scan3A_207 step %scan3A_208  : i32 {
        %get3A = arith.constant 0 : index
        %get3A_212 = tpu.vector_load %arg35[%get3A] {strides = array<i32>} : memref<16xf32, #tpu.memory_space<vmem>>, vector<16xf32>,
        %get3A_213 = vector.shape_cast %get3A_212 : vector<16xf32> to vector<16xf32>
        %mul3A_214 = arith.constant 2 : i32
        %mul3A_215 = arith.muli %scan3A_211, %mul3A_214 : i32
        %add3A_216 = arith.constant 0 : i32
        %add3A_217 = arith.addi %mul3A_215, %add3A_216 : i32
        %get3A_218 = arith.constant 0 : i32
        %get3A_219 = arith.index_cast %add3A_217 : i32 to index
        %get3A_220 = arith.index_cast %get3A_218 : i32 to index
        %get3A_221 = arith.constant 0 : index
        %get3A_222 = tpu.vector_load %arg32[%get3A_219, %get3A_220, %get3A_221] {strides = array<i32>} : memref<128x4x16xf32, #tpu.memory_space<vmem>>, vector<1x1x16xf32>,
        %get3A_223 = vector.shape_cast %get3A_222 : vector<1x1x16xf32> to vector<16xf32>
        %mul3A_224 = arith.mulf %get3A_213, %get3A_223 : vector<16xf32>
        %get3A_225 = arith.constant 0 : i32
        %get3A_226 = arith.index_cast %add3A_217 : i32 to index
        %get3A_227 = arith.index_cast %get3A_225 : i32 to index
        %get3A_228 = arith.constant 0 : index
        %get3A_229 = tpu.vector_load %arg33[%get3A_226, %get3A_227, %get3A_228] {strides = array<i32>} : memref<128x4x16xf32, #tpu.memory_space<vmem>>, vector<1x1x16xf32>,
        %get3A_230 = vector.shape_cast %get3A_229 : vector<1x1x16xf32> to vector<16xf32>
        %add3A_231 = arith.addf %mul3A_224, %get3A_230 : vector<16xf32>
        %swap3A = arith.constant 0 : i32
        %swap3A_232 = arith.index_cast %add3A_217 : i32 to index
        %swap3A_233 = arith.index_cast %swap3A : i32 to index
        %swap3A_234 = arith.constant 0 : index
        %swap3A_235 = tpu.vector_load %arg32[%swap3A_232, %swap3A_233, %swap3A_234] {strides = array<i32>} : memref<128x4x16xf32, #tpu.memory_space<vmem>>, vector<1x1x16xf32>,
        %swap3A_236 = vector.shape_cast %swap3A_235 : vector<1x1x16xf32> to vector<16xf32>
        %swap3A_237 = vector.shape_cast %add3A_231 : vector<16xf32> to vector<1x1x16xf32>
        tpu.vector_store %arg32[%swap3A_232, %swap3A_233, %swap3A_234], %swap3A_237 {strides = array<i32>} : memref<128x4x16xf32, #tpu.memory_space<vmem>>, vector<1x1x16xf32>,
        %get3A_238 = arith.constant 1 : i32
        %get3A_239 = arith.index_cast %add3A_217 : i32 to index
        %get3A_240 = arith.index_cast %get3A_238 : i32 to index
        %get3A_241 = arith.constant 0 : index
        %get3A_242 = tpu.vector_load %arg32[%get3A_239, %get3A_240, %get3A_241] {strides = array<i32>} : memref<128x4x16xf32, #tpu.memory_space<vmem>>, vector<1x1x16xf32>,
        %get3A_243 = vector.shape_cast %get3A_242 : vector<1x1x16xf32> to vector<16xf32>
        %mul3A_244 = arith.mulf %get3A_213, %get3A_243 : vector<16xf32>
        %get3A_245 = arith.constant 1 : i32
        %get3A_246 = arith.index_cast %add3A_217 : i32 to index
        %get3A_247 = arith.index_cast %get3A_245 : i32 to index
        %get3A_248 = arith.constant 0 : index
        %get3A_249 = tpu.vector_load %arg33[%get3A_246, %get3A_247, %get3A_248] {strides = array<i32>} : memref<128x4x16xf32, #tpu.memory_space<vmem>>, vector<1x1x16xf32>,
        %get3A_250 = vector.shape_cast %get3A_249 : vector<1x1x16xf32> to vector<16xf32>
        %add3A_251 = arith.addf %mul3A_244, %get3A_250 : vector<16xf32>
        %swap3A_252 = arith.constant 1 : i32
        %swap3A_253 = arith.index_cast %add3A_217 : i32 to index
        %swap3A_254 = arith.index_cast %swap3A_252 : i32 to index
        %swap3A_255 = arith.constant 0 : index
        %swap3A_256 = tpu.vector_load %arg32[%swap3A_253, %swap3A_254, %swap3A_255] {strides = array<i32>} : memref<128x4x16xf32, #tpu.memory_space<vmem>>, vector<1x1x16xf32>,
        %swap3A_257 = vector.shape_cast %swap3A_256 : vector<1x1x16xf32> to vector<16xf32>
        %swap3A_258 = vector.shape_cast %add3A_251 : vector<16xf32> to vector<1x1x16xf32>
        tpu.vector_store %arg32[%swap3A_253, %swap3A_254, %swap3A_255], %swap3A_258 {strides = array<i32>} : memref<128x4x16xf32, #tpu.memory_space<vmem>>, vector<1x1x16xf32>,
        %get3A_259 = arith.constant 2 : i32
        %get3A_260 = arith.index_cast %add3A_217 : i32 to index
        %get3A_261 = arith.index_cast %get3A_259 : i32 to index
        %get3A_262 = arith.constant 0 : index
        %get3A_263 = tpu.vector_load %arg32[%get3A_260, %get3A_261, %get3A_262] {strides = array<i32>} : memref<128x4x16xf32, #tpu.memory_space<vmem>>, vector<1x1x16xf32>,
        %get3A_264 = vector.shape_cast %get3A_263 : vector<1x1x16xf32> to vector<16xf32>
        %mul3A_265 = arith.mulf %get3A_213, %get3A_264 : vector<16xf32>
        %get3A_266 = arith.constant 2 : i32
        %get3A_267 = arith.index_cast %add3A_217 : i32 to index
        %get3A_268 = arith.index_cast %get3A_266 : i32 to index
        %get3A_269 = arith.constant 0 : index
        %get3A_270 = tpu.vector_load %arg33[%get3A_267, %get3A_268, %get3A_269] {strides = array<i32>} : memref<128x4x16xf32, #tpu.memory_space<vmem>>, vector<1x1x16xf32>,
        %get3A_271 = vector.shape_cast %get3A_270 : vector<1x1x16xf32> to vector<16xf32>
        %add3A_272 = arith.addf %mul3A_265, %get3A_271 : vector<16xf32>
        %swap3A_273 = arith.constant 2 : i32
        %swap3A_274 = arith.index_cast %add3A_217 : i32 to index
        %swap3A_275 = arith.index_cast %swap3A_273 : i32 to index
        %swap3A_276 = arith.constant 0 : index
        %swap3A_277 = tpu.vector_load %arg32[%swap3A_274, %swap3A_275, %swap3A_276] {strides = array<i32>} : memref<128x4x16xf32, #tpu.memory_space<vmem>>, vector<1x1x16xf32>,
        %swap3A_278 = vector.shape_cast %swap3A_277 : vector<1x1x16xf32> to vector<16xf32>
        %swap3A_279 = vector.shape_cast %add3A_272 : vector<16xf32> to vector<1x1x16xf32>
        tpu.vector_store %arg32[%swap3A_274, %swap3A_275, %swap3A_276], %swap3A_279 {strides = array<i32>} : memref<128x4x16xf32, #tpu.memory_space<vmem>>, vector<1x1x16xf32>,
        %get3A_280 = arith.constant 3 : i32
        %get3A_281 = arith.index_cast %add3A_217 : i32 to index
        %get3A_282 = arith.index_cast %get3A_280 : i32 to index
        %get3A_283 = arith.constant 0 : index
        %get3A_284 = tpu.vector_load %arg32[%get3A_281, %get3A_282, %get3A_283] {strides = array<i32>} : memref<128x4x16xf32, #tpu.memory_space<vmem>>, vector<1x1x16xf32>,
        %get3A_285 = vector.shape_cast %get3A_284 : vector<1x1x16xf32> to vector<16xf32>
        %mul3A_286 = arith.mulf %get3A_213, %get3A_285 : vector<16xf32>
        %get3A_287 = arith.constant 3 : i32
        %get3A_288 = arith.index_cast %add3A_217 : i32 to index
        %get3A_289 = arith.index_cast %get3A_287 : i32 to index
        %get3A_290 = arith.constant 0 : index
        %get3A_291 = tpu.vector_load %arg33[%get3A_288, %get3A_289, %get3A_290] {strides = array<i32>} : memref<128x4x16xf32, #tpu.memory_space<vmem>>, vector<1x1x16xf32>,
        %get3A_292 = vector.shape_cast %get3A_291 : vector<1x1x16xf32> to vector<16xf32>
        %add3A_293 = arith.addf %mul3A_286, %get3A_292 : vector<16xf32>
        %swap3A_294 = arith.constant 3 : i32
        %swap3A_295 = arith.index_cast %add3A_217 : i32 to index
        %swap3A_296 = arith.index_cast %swap3A_294 : i32 to index
        %swap3A_297 = arith.constant 0 : index
        %swap3A_298 = tpu.vector_load %arg32[%swap3A_295, %swap3A_296, %swap3A_297] {strides = array<i32>} : memref<128x4x16xf32, #tpu.memory_space<vmem>>, vector<1x1x16xf32>,
        %swap3A_299 = vector.shape_cast %swap3A_298 : vector<1x1x16xf32> to vector<16xf32>
        %swap3A_300 = vector.shape_cast %add3A_293 : vector<16xf32> to vector<1x1x16xf32>
        tpu.vector_store %arg32[%swap3A_295, %swap3A_296, %swap3A_297], %swap3A_300 {strides = array<i32>} : memref<128x4x16xf32, #tpu.memory_space<vmem>>, vector<1x1x16xf32>,
        %mul3A_301 = arith.constant 2 : i32
        %mul3A_302 = arith.muli %scan3A_211, %mul3A_301 : i32
        %add3A_303 = arith.constant 1 : i32
        %add3A_304 = arith.addi %mul3A_302, %add3A_303 : i32
        %get3A_305 = arith.constant 0 : i32
        %get3A_306 = arith.index_cast %add3A_304 : i32 to index
        %get3A_307 = arith.index_cast %get3A_305 : i32 to index
        %get3A_308 = arith.constant 0 : index
        %get3A_309 = tpu.vector_load %arg32[%get3A_306, %get3A_307, %get3A_308] {strides = array<i32>} : memref<128x4x16xf32, #tpu.memory_space<vmem>>, vector<1x1x16xf32>,
        %get3A_310 = vector.shape_cast %get3A_309 : vector<1x1x16xf32> to vector<16xf32>
        %mul3A_311 = arith.mulf %get3A_213, %get3A_310 : vector<16xf32>
        %get3A_312 = arith.constant 0 : i32
        %get3A_313 = arith.index_cast %add3A_304 : i32 to index
        %get3A_314 = arith.index_cast %get3A_312 : i32 to index
        %get3A_315 = arith.constant 0 : index
        %get3A_316 = tpu.vector_load %arg33[%get3A_313, %get3A_314, %get3A_315] {strides = array<i32>} : memref<128x4x16xf32, #tpu.memory_space<vmem>>, vector<1x1x16xf32>,
        %get3A_317 = vector.shape_cast %get3A_316 : vector<1x1x16xf32> to vector<16xf32>
        %add3A_318 = arith.addf %mul3A_311, %get3A_317 : vector<16xf32>
        %swap3A_319 = arith.constant 0 : i32
        %swap3A_320 = arith.index_cast %add3A_304 : i32 to index
        %swap3A_321 = arith.index_cast %swap3A_319 : i32 to index
        %swap3A_322 = arith.constant 0 : index
        %swap3A_323 = tpu.vector_load %arg32[%swap3A_320, %swap3A_321, %swap3A_322] {strides = array<i32>} : memref<128x4x16xf32, #tpu.memory_space<vmem>>, vector<1x1x16xf32>,
        %swap3A_324 = vector.shape_cast %swap3A_323 : vector<1x1x16xf32> to vector<16xf32>
        %swap3A_325 = vector.shape_cast %add3A_318 : vector<16xf32> to vector<1x1x16xf32>
        tpu.vector_store %arg32[%swap3A_320, %swap3A_321, %swap3A_322], %swap3A_325 {strides = array<i32>} : memref<128x4x16xf32, #tpu.memory_space<vmem>>, vector<1x1x16xf32>,
        %get3A_326 = arith.constant 1 : i32
        %get3A_327 = arith.index_cast %add3A_304 : i32 to index
        %get3A_328 = arith.index_cast %get3A_326 : i32 to index
        %get3A_329 = arith.constant 0 : index
        %get3A_330 = tpu.vector_load %arg32[%get3A_327, %get3A_328, %get3A_329] {strides = array<i32>} : memref<128x4x16xf32, #tpu.memory_space<vmem>>, vector<1x1x16xf32>,
        %get3A_331 = vector.shape_cast %get3A_330 : vector<1x1x16xf32> to vector<16xf32>
        %mul3A_332 = arith.mulf %get3A_213, %get3A_331 : vector<16xf32>
        %get3A_333 = arith.constant 1 : i32
        %get3A_334 = arith.index_cast %add3A_304 : i32 to index
        %get3A_335 = arith.index_cast %get3A_333 : i32 to index
        %get3A_336 = arith.constant 0 : index
        %get3A_337 = tpu.vector_load %arg33[%get3A_334, %get3A_335, %get3A_336] {strides = array<i32>} : memref<128x4x16xf32, #tpu.memory_space<vmem>>, vector<1x1x16xf32>,
        %get3A_338 = vector.shape_cast %get3A_337 : vector<1x1x16xf32> to vector<16xf32>
        %add3A_339 = arith.addf %mul3A_332, %get3A_338 : vector<16xf32>
        %swap3A_340 = arith.constant 1 : i32
        %swap3A_341 = arith.index_cast %add3A_304 : i32 to index
        %swap3A_342 = arith.index_cast %swap3A_340 : i32 to index
        %swap3A_343 = arith.constant 0 : index
        %swap3A_344 = tpu.vector_load %arg32[%swap3A_341, %swap3A_342, %swap3A_343] {strides = array<i32>} : memref<128x4x16xf32, #tpu.memory_space<vmem>>, vector<1x1x16xf32>,
        %swap3A_345 = vector.shape_cast %swap3A_344 : vector<1x1x16xf32> to vector<16xf32>
        %swap3A_346 = vector.shape_cast %add3A_339 : vector<16xf32> to vector<1x1x16xf32>
        tpu.vector_store %arg32[%swap3A_341, %swap3A_342, %swap3A_343], %swap3A_346 {strides = array<i32>} : memref<128x4x16xf32, #tpu.memory_space<vmem>>, vector<1x1x16xf32>,
        %get3A_347 = arith.constant 2 : i32
        %get3A_348 = arith.index_cast %add3A_304 : i32 to index
        %get3A_349 = arith.index_cast %get3A_347 : i32 to index
        %get3A_350 = arith.constant 0 : index
        %get3A_351 = tpu.vector_load %arg32[%get3A_348, %get3A_349, %get3A_350] {strides = array<i32>} : memref<128x4x16xf32, #tpu.memory_space<vmem>>, vector<1x1x16xf32>,
        %get3A_352 = vector.shape_cast %get3A_351 : vector<1x1x16xf32> to vector<16xf32>
        %mul3A_353 = arith.mulf %get3A_213, %get3A_352 : vector<16xf32>
        %get3A_354 = arith.constant 2 : i32
        %get3A_355 = arith.index_cast %add3A_304 : i32 to index
        %get3A_356 = arith.index_cast %get3A_354 : i32 to index
        %get3A_357 = arith.constant 0 : index
        %get3A_358 = tpu.vector_load %arg33[%get3A_355, %get3A_356, %get3A_357] {strides = array<i32>} : memref<128x4x16xf32, #tpu.memory_space<vmem>>, vector<1x1x16xf32>,
        %get3A_359 = vector.shape_cast %get3A_358 : vector<1x1x16xf32> to vector<16xf32>
        %add3A_360 = arith.addf %mul3A_353, %get3A_359 : vector<16xf32>
        %swap3A_361 = arith.constant 2 : i32
        %swap3A_362 = arith.index_cast %add3A_304 : i32 to index
        %swap3A_363 = arith.index_cast %swap3A_361 : i32 to index
        %swap3A_364 = arith.constant 0 : index
        %swap3A_365 = tpu.vector_load %arg32[%swap3A_362, %swap3A_363, %swap3A_364] {strides = array<i32>} : memref<128x4x16xf32, #tpu.memory_space<vmem>>, vector<1x1x16xf32>,
        %swap3A_366 = vector.shape_cast %swap3A_365 : vector<1x1x16xf32> to vector<16xf32>
        %swap3A_367 = vector.shape_cast %add3A_360 : vector<16xf32> to vector<1x1x16xf32>
        tpu.vector_store %arg32[%swap3A_362, %swap3A_363, %swap3A_364], %swap3A_367 {strides = array<i32>} : memref<128x4x16xf32, #tpu.memory_space<vmem>>, vector<1x1x16xf32>,
        %get3A_368 = arith.constant 3 : i32
        %get3A_369 = arith.index_cast %add3A_304 : i32 to index
        %get3A_370 = arith.index_cast %get3A_368 : i32 to index
        %get3A_371 = arith.constant 0 : index
        %get3A_372 = tpu.vector_load %arg32[%get3A_369, %get3A_370, %get3A_371] {strides = array<i32>} : memref<128x4x16xf32, #tpu.memory_space<vmem>>, vector<1x1x16xf32>,
        %get3A_373 = vector.shape_cast %get3A_372 : vector<1x1x16xf32> to vector<16xf32>
        %mul3A_374 = arith.mulf %get3A_213, %get3A_373 : vector<16xf32>
        %get3A_375 = arith.constant 3 : i32
        %get3A_376 = arith.index_cast %add3A_304 : i32 to index
        %get3A_377 = arith.index_cast %get3A_375 : i32 to index
        %get3A_378 = arith.constant 0 : index
        %get3A_379 = tpu.vector_load %arg33[%get3A_376, %get3A_377, %get3A_378] {strides = array<i32>} : memref<128x4x16xf32, #tpu.memory_space<vmem>>, vector<1x1x16xf32>,
        %get3A_380 = vector.shape_cast %get3A_379 : vector<1x1x16xf32> to vector<16xf32>
        %add3A_381 = arith.addf %mul3A_374, %get3A_380 : vector<16xf32>
        %swap3A_382 = arith.constant 3 : i32
        %swap3A_383 = arith.index_cast %add3A_304 : i32 to index
        %swap3A_384 = arith.index_cast %swap3A_382 : i32 to index
        %swap3A_385 = arith.constant 0 : index
        %swap3A_386 = tpu.vector_load %arg32[%swap3A_383, %swap3A_384, %swap3A_385] {strides = array<i32>} : memref<128x4x16xf32, #tpu.memory_space<vmem>>, vector<1x1x16xf32>,
        %swap3A_387 = vector.shape_cast %swap3A_386 : vector<1x1x16xf32> to vector<16xf32>
        %swap3A_388 = vector.shape_cast %add3A_381 : vector<16xf32> to vector<1x1x16xf32>
        tpu.vector_store %arg32[%swap3A_383, %swap3A_384, %swap3A_385], %swap3A_388 {strides = array<i32>} : memref<128x4x16xf32, #tpu.memory_space<vmem>>, vector<1x1x16xf32>,
      }
      %scan3A_209 = arith.constant 64 : i32
      "tpu.region"() ({
        %run_scoped3A = tpu.sem_alloc : memref<!tpu.dma_semaphore, #tpu.memory_space<semaphore_mem>>
        %dma_start3A_211 = arith.constant 0 : i32
        %dma_start3A_212 = arith.constant 0 : i32
        %dma_start3A_213 = tpu.memref_slice %arg10[%add3A_203, %dma_start3A_211, %dma_start3A_212] : memref<20480x4x16xf32, #tpu.memory_space<hbm>> -> memref<128x4x16xf32, #tpu.memory_space<hbm>>
        %dma_start3A_214 = arith.constant 0 : i32
        %dma_start3A_215 = arith.constant 0 : i32
        %dma_start3A_216 = tpu.memref_slice %arg10[%add3A_203, %dma_start3A_214, %dma_start3A_215] : memref<20480x4x16xf32, #tpu.memory_space<hbm>> -> memref<128x4x16xf32, #tpu.memory_space<hbm>>
        tpu.enqueue_dma source(%arg32 : memref<128x4x16xf32, #tpu.memory_space<vmem>>) target(%dma_start3A_216 : memref<128x4x16xf32, #tpu.memory_space<hbm>>) target_semaphore(%run_scoped3A : memref<!tpu.dma_semaphore, #tpu.memory_space<semaphore_mem>>)
        %dma_wait3A_217 = arith.constant 0 : i32
        %dma_wait3A_218 = arith.constant 0 : i32
        %dma_wait3A_219 = tpu.memref_slice %arg10[%add3A_203, %dma_wait3A_217, %dma_wait3A_218] : memref<20480x4x16xf32, #tpu.memory_space<hbm>> -> memref<128x4x16xf32, #tpu.memory_space<hbm>>
        %dma_wait3A_220 = arith.constant 0 : i32
        %dma_wait3A_221 = arith.constant 0 : i32
        %dma_wait3A_222 = tpu.memref_slice %arg10[%add3A_203, %dma_wait3A_220, %dma_wait3A_221] : memref<20480x4x16xf32, #tpu.memory_space<hbm>> -> memref<128x4x16xf32, #tpu.memory_space<hbm>>
        tpu.wait_dma2 semaphore(%run_scoped3A : memref<!tpu.dma_semaphore, #tpu.memory_space<semaphore_mem>>) src(%arg32 : memref<128x4x16xf32, #tpu.memory_space<vmem>>) dst(%dma_wait3A_222 : memref<128x4x16xf32, #tpu.memory_space<hbm>>)
        tpu.yield
      }) : () -> ()
      "tpu.region"() ({
        %run_scoped3A = tpu.sem_alloc : memref<!tpu.dma_semaphore, #tpu.memory_space<semaphore_mem>>
        %dma_start3A_211 = arith.constant 0 : i32
        %dma_start3A_212 = arith.constant 0 : i32
        %dma_start3A_213 = tpu.memref_slice %arg12[%add3A_202, %dma_start3A_211, %dma_start3A_212] : memref<10240x4x16xf32, #tpu.memory_space<vmem_shared>> -> memref<128x4x16xf32, #tpu.memory_space<vmem_shared>>
        tpu.enqueue_dma source(%arg8 : memref<128x4x16xf32, #tpu.memory_space<hbm>>) target(%dma_start3A_213 : memref<128x4x16xf32, #tpu.memory_space<vmem_shared>>) target_semaphore(%run_scoped3A : memref<!tpu.dma_semaphore, #tpu.memory_space<semaphore_mem>>)
        %dma_wait3A_214 = arith.constant 0 : i32
        %dma_wait3A_215 = arith.constant 0 : i32
        %dma_wait3A_216 = tpu.memref_slice %arg12[%add3A_202, %dma_wait3A_214, %dma_wait3A_215] : memref<10240x4x16xf32, #tpu.memory_space<vmem_shared>> -> memref<128x4x16xf32, #tpu.memory_space<vmem_shared>>
        tpu.wait_dma2 semaphore(%run_scoped3A : memref<!tpu.dma_semaphore, #tpu.memory_space<semaphore_mem>>) src(%arg8 : memref<128x4x16xf32, #tpu.memory_space<hbm>>) dst(%dma_wait3A_216 : memref<128x4x16xf32, #tpu.memory_space<vmem_shared>>)
        tpu.yield
      }) : () -> ()
      %barrier3A_210 = arith.constant 0 : index
      tpu.barrier barrier_id(%barrier3A_210)
    }
    %scan3A_96 = arith.constant 8 : i32
    return
  }
}

</mosaic_0001>

<sc_bundles>
// kernel: _diffuse.3.cloned.1.call-start
scs
__scs_entry_jumppad:
0x0: {  	(pc) =	sbr.rel $0x88, $3  }
0x1: {  	(tag) =	ssettag $0x0;
	lr =	simm.s32 $0x1  }
0x2: {  	[smem:$0x3F99] =	sst lr;
	_ =	strace $0xD0000000  }
0x3: {  	_ = 	snop  }
0x4: {  	_ = 	snop  }
0x5: {  	_ = 	snop  }
0x6: {  	_ = 	snop  }
0x7: {  	_ = 	snop  }
__scs_overlays_trampoline_lowered:
0x8: {  	[smem:$0x3FA8] =	sst s0  }
0x9: {  	[smem:$0x3FA9] =	sst s1  }
0xa: {  	[smem:$0x3FAA] =	sst s2  }
0xb: {  	[smem:$0x3FAB] =	sst s3  }
0xc: {  	[smem:$0x3FAC] =	sst s4  }
0xd: {  	[smem:$0x3FAD] =	sst s5  }
0xe: {  	[smem:$0x3FAE] =	sst s6  }
0xf: {  	[smem:$0x3FAF] =	sst s7  }
0x10: {  	[smem:$0x3FB0] =	sst s8  }
0x11: {  	[smem:$0x3FB1] =	sst s9;
	s0 =	simm.s32 @!p0 $0x0  }
0x12: {  	s1 =	sld [smem:$0x3F97];
	s0 =	simm.s32 @p0 $0x1  }
0x13: {  	[smem:$0x3FB2] =	sst s0;
	s0 =	simm.s32 @!p1 $0x0  }
0x14: {  	s2 =	sld [smem:$0x3F96];
	s0 =	simm.s32 @p1 $0x1  }
0x15: {  	[smem:$0x3FB3] =	sst s0;
	s0 =	simm.s32 @!p2 $0x0  }
0x16: {  	s3 =	sld [smem:$0x3FDB];
	s0 =	simm.s32 @p2 $0x1  }
0x17: {  	s4 =	simm.s32 $0x1BF5;
	[smem:$0x3FB5] =	sst s0  }
0x18: {  	s0 =	sld [smem:$0x3F98];
	_ =	swait.ge [sflag:s4], $0x0  }
0x19: {  	s7 =	sld [smem:$0x3F99]  }
0x1a: {  	s8 =	sadd.s32 $0xFFFFE003, lr  }
0x1b: {  	s9 =	sadd.s32 $0xFFFFFEF7, lr;
	s5 =	simm.s32 $0xFFFFFFFF;
	p2 =	slt.u32 s8, $0xFFFFF086  }
0x1c: {  	p1 =	slt.u32 s9, $0xF7A;
	s5 =	simm.s32 @!p2 $0x0  }
0x1d: {  	s5 =	simm.s32 @p1 $0x1;
	p0 =	seq.s32 s7, s2  }
0x1e: {  	s7 =	smul.u32 @!p0 $0xF7A, s2;
	p2 =	seq.s32 @!p0 s5, $0x0  }
0x1f: {  	s9 =	smul.u32 $0xF7A, s1;
	s8 =	simm.s32 @!p0 $0x1BF5;
	p2 =	por !p2, p0  }
0x20: {  	[sflag:s8] =	ssyncset.s32 @!p0 $0xFFFFF086;
	s6 =	sadd.s32 @!p0 s3, s7;
	s7 =	simm.s32 @!p0 $0x108  }
0x21: {  	s3 =	sadd.s32 s3, s9;
	s6 =	sadd.s32 @!p0 $0x88, s6;
	s7 =	simm.s32 @p2 $0x1082  }
0x22: {  	[simem:s7], [sflag:s8] =	dma.local @!p0 [hbm:s6], $0xF7A  }
0x23: {  	s9 =	sor.u32 $0xD0000000, s2;
	s6 =	simm.s32 $0x108;
	_ =	swait.ge @!p0 [sflag:s8], $0x0  }
0x24: {  	s3 =	sadd.s32 $0x88, s3;
	s6 =	simm.s32 @!p1 $0x1082;
	[sflag:s4] =	ssyncset.s32 $0xFFFFF086  }
0x25: {  	[simem:s6], [sflag:s4] =	dma.local [hbm:s3], $0xF7A  }
0x26: {  	[smem:$0x3F99] =	sst s1;
	(tag) =	ssettag s2;
	_ =	strace s9  }
0x27: {  	s1 =	sld [smem:$0x3FA9]  }
0x28: {  	s2 =	sld [smem:$0x3FAA]  }
0x29: {  	s4 =	sld [smem:$0x3FAC]  }
0x2a: {  	p0 =	seq.s32 s5, $0x0;
	s5 =	sld [smem:$0x3FAD]  }
0x2b: {  	s6 =	sld [smem:$0x3FAE]  }
0x2c: {  	s7 =	sld [smem:$0x3FAF]  }
0x2d: {  	s3 =	simm.s32 $0x108;
	s8 =	sld [smem:$0x3FB0]  }
0x2e: {  	s3 =	simm.s32 @!p0 $0x1082;
	s9 =	sld [smem:$0x3FB1]  }
0x2f: {  	lr =	sadd.s32 s0, s3;
	s0 =	sld [smem:$0x3FA8]  }
0x30: {  	s3 =	sld [smem:$0x3FAB]  }
0x31: {  	[smem:$0x3FB4] =	sst s10  }
0x32: {  	s10 =	sld [smem:$0x3FB2];
	_ =	sdelay $0x3  }
0x33: {  	p0 =	seq.s32 s10, $0x1;
	s10 =	sld [smem:$0x3FB4];
	_ =	sdelay $0x3  }
0x34: {  	[smem:$0x3FB4] =	sst s10  }
0x35: {  	s10 =	sld [smem:$0x3FB3];
	_ =	sdelay $0x3  }
0x36: {  	p1 =	seq.s32 s10, $0x1;
	s10 =	sld [smem:$0x3FB4];
	_ =	sdelay $0x3  }
0x37: {  	[smem:$0x3FB4] =	sst s10  }
0x38: {  	s10 =	sld [smem:$0x3FB5]  }
0x39: {  	_ = 	snop;
	(pc) =	sbr.ind lr, $3  }
0x3a: {  	_ = 	snop  }
0x3b: {  	_ = 	snop  }
0x3c: {  	p2 =	seq.s32 s10, $0x1;
	s10 =	sld [smem:$0x3FB4]  }
0x3d: {  	_ =	shalt  }
0x3e: {  	_ =	shalt  }
0x3f: {  	_ =	shalt  }
0x40: {  	_ =	shalt  }
0x41: {  	_ =	shalt  }
0x42: {  	_ =	shalt  }
0x43: {  	_ =	shalt  }
0x44: {  	_ =	shalt  }
0x45: {  	_ =	shalt  }
0x46: {  	_ =	shalt  }
0x47: {  	_ =	shalt  }
0x48: {  	_ =	shalt  }
0x49: {  	_ =	shalt  }
0x4a: {  	_ =	shalt  }
0x4b: {  	_ =	shalt  }
0x4c: {  	_ =	shalt  }
0x4d: {  	_ =	shalt  }
0x4e: {  	_ =	shalt  }
0x4f: {  	_ =	shalt  }
0x50: {  	_ =	shalt  }
0x51: {  	_ =	shalt  }
0x52: {  	_ =	shalt  }
0x53: {  	_ =	shalt  }
0x54: {  	_ =	shalt  }
0x55: {  	_ =	shalt  }
0x56: {  	_ =	shalt  }
0x57: {  	_ =	shalt  }
0x58: {  	_ =	shalt  }
0x59: {  	_ =	shalt  }
0x5a: {  	_ =	shalt  }
0x5b: {  	_ =	shalt  }
0x5c: {  	_ =	shalt  }
0x5d: {  	_ =	shalt  }
0x5e: {  	_ =	shalt  }
0x5f: {  	_ =	shalt  }
0x60: {  	_ =	shalt  }
0x61: {  	_ =	shalt  }
0x62: {  	_ =	shalt  }
0x63: {  	_ =	shalt  }
0x64: {  	_ =	shalt  }
0x65: {  	_ =	shalt  }
0x66: {  	_ =	shalt  }
0x67: {  	_ =	shalt  }
0x68: {  	_ =	shalt  }
0x69: {  	_ =	shalt  }
0x6a: {  	_ =	shalt  }
0x6b: {  	_ =	shalt  }
0x6c: {  	_ =	shalt  }
0x6d: {  	_ =	shalt  }
0x6e: {  	_ =	shalt  }
0x6f: {  	_ =	shalt  }
0x70: {  	_ =	shalt  }
0x71: {  	_ =	shalt  }
0x72: {  	_ =	shalt  }
0x73: {  	_ =	shalt  }
0x74: {  	_ =	shalt  }
0x75: {  	_ =	shalt  }
0x76: {  	_ =	shalt  }
0x77: {  	_ =	shalt  }
0x78: {  	_ =	shalt  }
0x79: {  	_ =	shalt  }
0x7a: {  	_ =	shalt  }
0x7b: {  	_ =	shalt  }
0x7c: {  	_ =	shalt  }
0x7d: {  	_ =	shalt  }
0x7e: {  	_ =	shalt  }
0x7f: {  	_ =	shalt  }
0x80: {  	_ =	shalt  }
0x81: {  	_ =	shalt  }
0x82: {  	_ =	shalt  }
0x83: {  	_ =	shalt  }
0x84: {  	_ =	shalt  }
0x85: {  	_ =	shalt  }
0x86: {  	_ =	shalt  }
0x87: {  	_ =	shalt  }
.Lfunc_end0:
.L_simem_size_0:
called_computation_lowered:
.L_overlay_start_0:
0x88: {  	s2 =	sld [smem:$0x3FD9]  }
0x89: {  	s3 =	sld [smem:$0x3FFE];
	_ =	sdelay $0x1  }
0x8a: {  	s1 =	srdreg.scid  }
0x8b: {  	s0 =	sand.u32 $0x1, s1  }
0x8c: {  	s14 =	sshll.u32 s0, $0xA;
	s2 =	sadd.s32 s3, s2  }
0x8d: {  	s2 =	sadd.s32 s2, s14  }
0x8e: {  	[smem:$0x3FC0] =	sst s2  }
0x8f: {  	_ = 	snop  }
0x90: {  	s2 =	sld [smem:$0x3FC8]  }
0x91: {  	s15 =	sld [smem:$0x3FD0]  }
0x92: {  	s4 =	sld [smem:$0x3FC7]  }
0x93: {  	s5 =	sld [smem:$0x3FC5]  }
0x94: {  	s7 =	simm.s32 $0xA;
	s8 =	simm.s32 $0x10;
	s6 =	sld [smem:$0x3FC4]  }
0x95: {  	[smem:s8], [sflag:s7] =	dma.local [hbm:s15], $0x1  }
0x96: {  	_ =	swait.eq [sflag:s7], $0x1  }
0x97: {  	[sflag:s7] =	ssyncset.done $0x0  }
0x98: {  	s16 =	sld [smem:$0x10];
	[sflag:s7] =	ssyncadd.s32 $0xFFFFFFFF  }
0x99: {  	s17 =	sld [smem:$0x11];
	(tm) =	ssettm $0x1  }
0x9a: {  	s18 =	sld [smem:$0x3FFB];
	_ =	sdelay $0x3  }
0x9b: {  	_ =	strace s18  }
0x9c: {  	s8 =	sld [smem:$0x3FFC];
	_ =	sdelay $0x3  }
0x9d: {  	_ =	strace s8  }
0x9e: {  	s8 =	sld [smem:$0x3FFD];
	_ =	sdelay $0x3  }
0x9f: {  	_ =	strace s8  }
0xa0: {  	_ =	strace $0x8FFFFFFF  }
0xa1: {  	s19 =	sld [smem:$0x3FDB];
	_ =	sdelay $0x1  }
0xa2: {  	s9 =	simm.s32 $_scs_section_size  }
0xa3: {  	s10 =	simm.s32 $_size__tile_overlayer_lowered;
	s11 =	simm.s32 $_tile_overlayer_lowered  }
0xa4: {  	s22 =	simm.s32 $0x1BFF;
	s21 =	sshll.u32 s11, $0x1;
	s8 =	sadd.s32 s9, s19  }
0xa5: {  	s12 =	simm.s32 $0x0;
	s20 =	sshll.u32 s10, $0x1;
	s10 =	sadd.s32 s21, s8  }
0xa6: {  	[timem:s12], [sflag:s22] =	dma.local [hbm:s10], s20  }
0xa7: {  	_ =	swait.ge [sflag:s22], s20  }
0xa8: {  	s9 =	ssub.s32 $0x0, s20;
	[sflag:s22] =	ssyncset.done $0x0  }
0xa9: {  	[sflag:s22] =	ssyncadd.s32 s9;
	_ =	sdelay $0x1  }
0xaa: {  	s23 =	simm.s32 $0x1B8B  }
0xab: {  	_ =	swait.ge [sflag:s23], $0x1  }
0xac: {  	[sflag:s23] =	ssyncset.done $0x0  }
0xad: {  	s25 =	simm.s32 $0x1B8E;
	s24 =	sld [smem:$0x3FFE];
	[sflag:s23] =	ssyncadd.s32 $0xFFFFFFFF  }
0xae: {  	s26 =	simm.s32 $execute0_lowered;
	[smem:$0x3FD2] =	sst s25  }
0xaf: {  	s10 =	sshll.u32 s26, $0x1;
	_ =	strace $0x80000046;
	[dreg:$0x1] =	wrdreg $0xFFFFFFFF  }
0xb0: {  	s28 =	simm.s32 $_size_execute0_lowered;
	s8 =	sadd.s32 s8, s10;
	[dreg:$0x0] =	wrdreg $0x0  }
0xb1: {  	s10 =	sshll.u32 s28, $0x1;
	[dreg:$0x2] =	wrdreg s8  }
0xb2: {  	[dreg:$0x3] =	wrdreg s10  }
0xb3: {  	[dreg:$0x4] =	wrdreg $0xC0  }
0xb4: {  	_ =	task [dreg:s12], $0x5FFFF  }
0xb5: {  	[dreg:$0x1] =	wrdreg $0xFFFFFFFF  }
0xb6: {  	[dreg:$0x0] =	wrdreg $0x60  }
0xb7: {  	[dreg:$0x2] =	wrdreg s16  }
0xb8: {  	[dreg:$0x3] =	wrdreg s2  }
0xb9: {  	[dreg:$0x4] =	wrdreg s4  }
0xba: {  	[dreg:$0x5] =	wrdreg s17  }
0xbb: {  	[dreg:$0x6] =	wrdreg s5  }
0xbc: {  	[dreg:$0x7] =	wrdreg s6  }
0xbd: {  	[dreg:$0x8] =	wrdreg s24  }
0xbe: {  	[dreg:$0x9] =	wrdreg $0x0  }
0xbf: {  	[dreg:$0xa] =	wrdreg $0xA0000  }
0xc0: {  	[dreg:$0xb] =	wrdreg $0x9  }
0xc1: {  	_ =	task.clear_ibuf [dreg:s12], $0xCFFFF;
	_ =	strace $0x90000046  }
0xc2: {  	s29 =	simm.s32 $0x9;
	_ =	strace $0x80000048  }
0xc3: {  	_ =	swait.ge [sflag:s29], $0x1  }
0xc4: {  	[sflag:s29] =	ssyncadd.s32 $0xFFFFFFFF  }
0xc5: {  	_ =	strace $0x90000048  }
0xc6: {  	_ =	sfence  }
0xc7: {  	s30 =	sld [smem:$0x0];
	_ =	sdelay $0x2  }
0xc8: {  	s31 =	sshll.u32 s1, $0xD;
	s1 =	sshrl.u32 s1, $0x2  }
0xc9: {  	s3 =	sand.u32 $0x4000, s31;
	s1 =	sadd.s32 s1, s30  }
0xca: {  	s0 =	sor.u32 s3, s0;
	s1 =	sshll.u32 s1, $0x11  }
0xcb: {  	s0 =	sor.u32 s1, s0  }
0xcc: {  	s0 =	sadd.s32 $0x8F2B, s0  }
0xcd: {  	[sflag:s0] =	ssyncadd.remote.s32 $0x1  }
0xce: {  	_ =	sfence.sel $0xFFFF  }
0xcf: {  	[dreg:$0x0] =	wrdreg $0xFFFFFFFF;
	(pc) =	sbr.abs _section_cstart, $3  }
0xd0: {  	[dreg:$0x1] =	wrdreg $0xFFFFFFFF  }
0xd1: {  	_ =	task.clear_ibuf [dreg:s12], $0x2FFFF;
	_ =	strace $0x9FFFFFFF  }
0xd2: {  	(tm) =	ssettm $0x7FFFFFFF  }
0xd3: {  	_ =	shalt  }
tec
execute0_lowered:
.L_overlay_start_1:
0x0: {  	(tag) =	ssettag $0x1  }
0x1: {  	s2 =	rddreg [dreg:$0x0]  }
0x2: {  	s0 =	rddreg [dreg:$0x1]  }
0x3: {  	s1 =	rddreg [dreg:$0x2]  }
0x4: {  	s20 =	rddreg [dreg:$0x3]  }
0x5: {  	s3 =	rddreg [dreg:$0x6]  }
0x6: {  	s6 =	rddreg [dreg:$0x7]  }
0x7: {  	s24 =	rddreg [dreg:$0x8];
	s4 =	srdreg.scid;
	s9 =	simm.s32 $0x0  }
0x8: {  	s19 =	stileid.u32;
	s31 =	simm.s32 $0xCA00;
	s29 =	simm.s32 $0xA  }
0x9: {  	s4 =	sand.u32 $0x1, s4;
	[smem:$0x7FF] =	sst s9;
	s10 =	smul.u32 $0x5000, s19  }
0xa: {  	s30 =	sadd.s32 $0x2200, s3;
	s8 =	sadd.s32 $0x2600, s3;
	s12 =	smul.u32 $0x28000, s19  }
0xb: {  	s13 =	sadd.s32 $0x2800, s3;
	s14 =	sadd.s32 $0x2A800, s3;
	s5 =	smul.u32 $0x2800, s4  }
0xc: {  	_ =	strace $0x80000047;
	s7 =	smul.u32 $0x50000, s4;
	s4 =	ssub.s32 $0x2, s4  }
0xd: {  	[dreg:$0xb] =	wrdreg s8;
	s8 =	smul.u32 $0x280, s19;
	s11 =	sshrl.u32 s4, $0x1  }
0xe: {  	[dreg:$0xa] =	wrdreg s30;
	s22 =	sshrl.u32 s12, $0x2;
	s4 =	ssub.s32 s4, s11  }
0xf: {  	s11 =	smul.u32 $0xA000, s19;
	s15 =	sadd.s32 s10, s7;
	s23 =	sadd.s32 s8, s5  }
0x10: {  	s3 =	sadd.s32 s22, s6;
	s28 =	sadd.s32 $0x80, s8;
	s22 =	sadd.s32 $0x100, s8  }
0x11: {  	[dreg:$0xc] =	wrdreg s3;
	s7 =	sshll.u32 s23, $0x3;
	s17 =	sshll.u32 s28, $0x6  }
0x12: {  	s16 =	sadd.s32 s5, s28;
	s18 =	sshll.u32 s28, $0x4;
	s23 =	sshll.u32 s22, $0x6  }
0x13: {  	s28 =	sadd.s32 $0x180, s8;
	s8 =	sadd.s32 $0x200, s8;
	s26 =	sadd.s32 s2, s7  }
0x14: {  	s25 =	sshrl.u32 s11, $0x2;
	s7 =	sadd.s32 s13, s7;
	[dreg:$0xd] =	wrdreg s26  }
0x15: {  	s21 =	sshll.u32 s16, $0x3;
	s3 =	sadd.s32 s25, s24;
	[dreg:$0xe] =	wrdreg s7  }
0x16: {  	s7 =	sadd.s32 s17, s6;
	s16 =	sadd.s32 s2, s21;
	s12 =	sadd.s32 s13, s21  }
0x17: {  	s17 =	sadd.s32 s5, s22;
	s25 =	sshll.u32 s22, $0x4;
	[dreg:$0xf] =	wrdreg s7  }
0x18: {  	s21 =	sshll.u32 s28, $0x6;
	s22 =	sshll.u32 s28, $0x4;
	[dreg:$0x10] =	wrdreg s16  }
0x19: {  	s7 =	sadd.s32 s18, s24;
	[dreg:$0x11] =	wrdreg s12;
	s12 =	sadd.s32 s23, s6  }
0x1a: {  	s26 =	sshll.u32 s17, $0x3;
	s18 =	sadd.s32 s5, s28;
	s5 =	sadd.s32 s5, s8  }
0x1b: {  	s28 =	sshrl.u32 s15, $0x3;
	[dreg:$0x12] =	wrdreg s12;
	s12 =	sadd.s32 s25, s24  }
0x1c: {  	s17 =	sadd.s32 s2, s26;
	s16 =	sadd.s32 s13, s26;
	s23 =	sshll.u32 s18, $0x3  }
0x1d: {  	s25 =	sshll.u32 s8, $0x6;
	s8 =	sshll.u32 s8, $0x4;
	[dreg:$0x13] =	wrdreg s17  }
0x1e: {  	s5 =	sshll.u32 s5, $0x3;
	[dreg:$0x14] =	wrdreg s16;
	s16 =	sadd.s32 s21, s6  }
0x1f: {  	s26 =	sshrl.u32 s10, $0x3;
	s18 =	sadd.s32 s2, s23;
	[dreg:$0x15] =	wrdreg s16  }
0x20: {  	s17 =	sadd.s32 s13, s23;
	s8 =	sadd.s32 s8, s24;
	[dreg:$0x16] =	wrdreg s18  }
0x21: {  	s2 =	sadd.s32 s2, s5;
	s5 =	sadd.s32 s13, s5;
	[dreg:$0x17] =	wrdreg s17  }
0x22: {  	s21 =	sadd.s32 s14, s11;
	s23 =	sor.u32 $0x100, s10;
	[dreg:$0x19] =	wrdreg s2  }
0x23: {  	s16 =	sadd.s32 s22, s24;
	s17 =	sadd.s32 s25, s6;
	[dreg:$0x1a] =	wrdreg s5  }
0x24: {  	s18 =	sadd.s32 s0, s28;
	s5 =	sadd.s32 s20, s11;
	[dreg:$0x1e] =	wrdreg s21  }
0x25: {  	s22 =	smax.u32 s4, $0x1;
	s25 =	sor.u32 $0x80, s10;
	[smem:$0x7F1] =	sst s23  }
0x26: {  	s28 =	sshrl.u32 s23, $0x3;
	s11 =	sshrl.u32 s7, $0x3;
	[dreg:$0x18] =	wrdreg s17  }
0x27: {  	s7 =	simm.s32 $0xC;
	s17 =	sadd.s32 s1, s26;
	[dreg:$0x1d] =	wrdreg s5  }
0x28: {  	[dreg:$0x1f] =	wrdreg s22;
	s26 =	sshrl.u32 s25, $0x3;
	s2 =	sshll.u32 s25, $0x1  }
0x29: {  	s21 =	sadd.s32 s1, s28;
	s22 =	sshll.u32 s23, $0x1;
	[smem:$0x7F7] =	sst s11  }
0x2a: {  	s23 =	sadd.s32 $0x4F80, s10;
	s25 =	smul.u32 $0xA00, s19;
	[dreg:$0x1c] =	wrdreg s18  }
0x2b: {  	s5 =	sshrl.u32 s3, $0x3;
	s3 =	simm.s32 $0x6;
	[smem:$0x7F0] =	sst s21  }
0x2c: {  	s11 =	simm.s32 $0xB;
	s4 =	sadd.s32 s1, s26;
	[smem:$0x7F6] =	sst s5  }
0x2d: {  	s2 =	sadd.s32 s20, s2;
	s26 =	sshrl.u32 s23, $0x3;
	[dreg:$0x1b] =	wrdreg s17  }
0x2e: {  	s21 =	sshrl.u32 s16, $0x3;
	s5 =	simm.s32 $0x0;
	[smem:$0x7EE] =	sst s4  }
0x2f: {  	[smem:$0x7EF] =	sst s2;
	s2 =	sadd.s32 s20, s22;
	s4 =	sshll.u32 s23, $0x1  }
0x30: {  	[smem:$0x7F9] =	sst s21;
	s23 =	smul.u32 $0x50000, s19;
	s22 =	sshrl.u32 s8, $0x3  }
0x31: {  	s19 =	simm.s32 $0xD;
	s21 =	simm.s32 $0x2;
	[smem:$0x7F2] =	sst s2  }
0x32: {  	s2 =	sadd.s32 s1, s26;
	s28 =	sadd.s32 s20, s4;
	[smem:$0x7FA] =	sst s22  }
0x33: {  	s4 =	sadd.s32 s25, s1;
	s20 =	sshrl.u32 s12, $0x3;
	[smem:$0x7F3] =	sst s2  }
0x34: {  	s25 =	sadd.s32 $0x10, s18;
	s26 =	sadd.s32 $0x10, s17;
	[smem:$0x7F4] =	sst s28  }
0x35: {  	s22 =	simm.s32 $0xCC00;
	s17 =	simm.s32 $0x9;
	[smem:$0x7F8] =	sst s20  }
0x36: {  	s18 =	simm.s32 $0x1;
	s12 =	simm.s32 $0xF;
	[smem:$0x7FB] =	sst s25  }
0x37: {  	s2 =	sadd.s32 $0x40, s4;
	[smem:$0x7FC] =	sst s26;
	s28 =	sor.u32 $0x800, s23  }
0x38: {  	s20 =	simm.s32 $0xCA80;
	s26 =	simm.s32 $0x80;
	[smem:$0x7F5] =	sst s2  }
0x39: {  	s25 =	simm.s32 $0xE;
	[smem:$0x7FD] =	sst s28;
	s2 =	simm.s32 $0x10  }
.LBB2_1:
0x3a: {  	[smem:$0x7E7] =	sst s5  }
0x3b: {  	s4 =	rddreg [dreg:$0x4];
	s16 =	simm.s32 $0x1BC00;
	s8 =	simm.s32 $0x11  }
0x3c: {  	[tilespmem:s16], [sflag:$0x11] =	stream.linear.gather [hbm4b:s4+s9], $0x10, $0x38;
	[tilespmem:$0x1BC20] =	vst v63  }
0x3d: {  	_ =	swait.ge [sflag:s8], $0x10  }
0x3e: {  	[sflag:s8] =	ssyncset.done $0x0  }
0x3f: {  	[sflag:s8] =	ssyncadd.s32 $0xFFFFFFF0  }
0x40: {  	s16 =	simm.s32 $0x1BC10;
	s5 =	rddreg [dreg:$0x5]  }
0x41: {  	[tilespmem:s16], [sflag:$0x11] =	stream.linear.gather [hbm4b:s5+s9], $0x10, $0x38;
	[tilespmem:$0x1BC20] =	vst v63  }
0x42: {  	s16 =	stileid.u32;
	_ =	swait.ge [sflag:s8], $0x10  }
0x43: {  	s4 =	sshll.u32 s16, $0x6;
	s5 =	rddreg [dreg:$0xc]  }
0x44: {  	[sflag:s8] =	ssyncset.done $0x0;
	s28 =	sor.u32 $0x1C11, s4;
	s4 =	sshrl.u32 s5, $0x3  }
0x45: {  	[sflag:s8] =	ssyncadd.s32 $0xFFFFFFF0;
	[smem:$0x7E8] =	sst s4  }
0x46: {  	[spmem:s4], [sflag:s28] =	dma.local [hbm:s30], $0x400  }
0x47: {  	_ =	swait.ge [sflag:s8], $0x400  }
0x48: {  	s16 =	sld [smem:$0x7F6]  }
0x49: {  	[sflag:s8] =	ssyncset.done $0x0  }
0x4a: {  	s4 =	rddreg [dreg:$0xb];
	[sflag:s8] =	ssyncadd.s32 $0xFFFFFC00  }
0x4b: {  	[spmem:s16], [sflag:s28] =	dma.local [hbm:s4], $0x100  }
0x4c: {  	_ =	swait.ge [sflag:s8], $0x100  }
0x4d: {  	[sflag:s8] =	ssyncset.done $0x0  }
0x4e: {  	s16 =	simm.s32 $0x17C00;
	s5 =	rddreg [dreg:$0xd];
	[sflag:s8] =	ssyncadd.s32 $0xFFFFFF00  }
0x4f: {  	[tilespmem:s16], [sflag:$0x11] =	stream.linear.gather [hbm4b:s5+s9], $0x2000, $0x38;
	[tilespmem:$0x1BC20] =	vst v63  }
0x50: {  	_ =	swait.ge [sflag:s8], $0x2000  }
0x51: {  	[sflag:s8] =	ssyncset.done $0x0  }
0x52: {  	s5 =	rddreg [dreg:$0xe];
	[sflag:s8] =	ssyncadd.s32 $0xFFFFE000  }
0x53: {  	[hbm4b:s5+s9] =	stream.linear.scatter [tilespmem:s16], [sflag:$0x11], $0x2000, $0x38;
	[tilespmem:$0x1BC20] =	vst v63  }
0x54: {  	_ =	swait.ge [sflag:s8], $0x2000  }
0x55: {  	s5 =	rddreg [dreg:$0xf]  }
0x56: {  	[sflag:s8] =	ssyncset.done $0x0;
	s5 =	sshrl.u32 s5, $0x3  }
0x57: {  	[sflag:s8] =	ssyncadd.s32 $0xFFFFE000;
	[smem:$0x7E9] =	sst s5  }
0x58: {  	[spmem:s5], [sflag:s28] =	dma.local [hbm:s30], $0x400  }
0x59: {  	_ =	swait.ge [sflag:s8], $0x400  }
0x5a: {  	s5 =	sld [smem:$0x7F7]  }
0x5b: {  	[sflag:s8] =	ssyncset.done $0x0  }
0x5c: {  	[sflag:s8] =	ssyncadd.s32 $0xFFFFFC00  }
0x5d: {  	[spmem:s5], [sflag:s28] =	dma.local [hbm:s4], $0x100  }
0x5e: {  	_ =	swait.ge [sflag:s8], $0x100  }
0x5f: {  	[sflag:s8] =	ssyncset.done $0x0  }
0x60: {  	s5 =	rddreg [dreg:$0x10];
	[sflag:s8] =	ssyncadd.s32 $0xFFFFFF00  }
0x61: {  	[tilespmem:s16], [sflag:$0x11] =	stream.linear.gather [hbm4b:s5+s9], $0x2000, $0x38;
	[tilespmem:$0x1BC20] =	vst v63  }
0x62: {  	_ =	swait.ge [sflag:s8], $0x2000  }
0x63: {  	[sflag:s8] =	ssyncset.done $0x0  }
0x64: {  	s5 =	rddreg [dreg:$0x11];
	[sflag:s8] =	ssyncadd.s32 $0xFFFFE000  }
0x65: {  	[hbm4b:s5+s9] =	stream.linear.scatter [tilespmem:s16], [sflag:$0x11], $0x2000, $0x38;
	[tilespmem:$0x1BC20] =	vst v63  }
0x66: {  	_ =	swait.ge [sflag:s8], $0x2000  }
0x67: {  	s5 =	rddreg [dreg:$0x12]  }
0x68: {  	[sflag:s8] =	ssyncset.done $0x0;
	s5 =	sshrl.u32 s5, $0x3  }
0x69: {  	[sflag:s8] =	ssyncadd.s32 $0xFFFFE000;
	[smem:$0x7EA] =	sst s5  }
0x6a: {  	[spmem:s5], [sflag:s28] =	dma.local [hbm:s30], $0x400  }
0x6b: {  	_ =	swait.ge [sflag:s8], $0x400  }
0x6c: {  	s5 =	sld [smem:$0x7F8]  }
0x6d: {  	[sflag:s8] =	ssyncset.done $0x0  }
0x6e: {  	[sflag:s8] =	ssyncadd.s32 $0xFFFFFC00  }
0x6f: {  	[spmem:s5], [sflag:s28] =	dma.local [hbm:s4], $0x100  }
0x70: {  	_ =	swait.ge [sflag:s8], $0x100  }
0x71: {  	[sflag:s8] =	ssyncset.done $0x0  }
0x72: {  	s5 =	rddreg [dreg:$0x13];
	[sflag:s8] =	ssyncadd.s32 $0xFFFFFF00  }
0x73: {  	[tilespmem:s16], [sflag:$0x11] =	stream.linear.gather [hbm4b:s5+s9], $0x2000, $0x38;
	[tilespmem:$0x1BC20] =	vst v63  }
0x74: {  	_ =	swait.ge [sflag:s8], $0x2000  }
0x75: {  	[sflag:s8] =	ssyncset.done $0x0  }
0x76: {  	s5 =	rddreg [dreg:$0x14];
	[sflag:s8] =	ssyncadd.s32 $0xFFFFE000  }
0x77: {  	[hbm4b:s5+s9] =	stream.linear.scatter [tilespmem:s16], [sflag:$0x11], $0x2000, $0x38;
	[tilespmem:$0x1BC20] =	vst v63  }
0x78: {  	_ =	swait.ge [sflag:s8], $0x2000  }
0x79: {  	s5 =	rddreg [dreg:$0x15]  }
0x7a: {  	[sflag:s8] =	ssyncset.done $0x0;
	s5 =	sshrl.u32 s5, $0x3  }
0x7b: {  	[sflag:s8] =	ssyncadd.s32 $0xFFFFE000;
	[smem:$0x7EB] =	sst s5  }
0x7c: {  	[spmem:s5], [sflag:s28] =	dma.local [hbm:s30], $0x400  }
0x7d: {  	_ =	swait.ge [sflag:s8], $0x400  }
0x7e: {  	s5 =	sld [smem:$0x7F9]  }
0x7f: {  	[sflag:s8] =	ssyncset.done $0x0  }
0x80: {  	[sflag:s8] =	ssyncadd.s32 $0xFFFFFC00  }
0x81: {  	[spmem:s5], [sflag:s28] =	dma.local [hbm:s4], $0x100  }
0x82: {  	_ =	swait.ge [sflag:s8], $0x100  }
0x83: {  	[sflag:s8] =	ssyncset.done $0x0  }
0x84: {  	s5 =	rddreg [dreg:$0x16];
	[sflag:s8] =	ssyncadd.s32 $0xFFFFFF00  }
0x85: {  	[tilespmem:s16], [sflag:$0x11] =	stream.linear.gather [hbm4b:s5+s9], $0x2000, $0x38;
	[tilespmem:$0x1BC20] =	vst v63  }
0x86: {  	_ =	swait.ge [sflag:s8], $0x2000  }
0x87: {  	[sflag:s8] =	ssyncset.done $0x0  }
0x88: {  	s5 =	rddreg [dreg:$0x17];
	[sflag:s8] =	ssyncadd.s32 $0xFFFFE000  }
0x89: {  	[hbm4b:s5+s9] =	stream.linear.scatter [tilespmem:s16], [sflag:$0x11], $0x2000, $0x38;
	[tilespmem:$0x1BC20] =	vst v63  }
0x8a: {  	_ =	swait.ge [sflag:s8], $0x2000  }
0x8b: {  	s5 =	rddreg [dreg:$0x18]  }
0x8c: {  	[sflag:s8] =	ssyncset.done $0x0;
	s5 =	sshrl.u32 s5, $0x3  }
0x8d: {  	[sflag:s8] =	ssyncadd.s32 $0xFFFFE000;
	[smem:$0x7EC] =	sst s5  }
0x8e: {  	[spmem:s5], [sflag:s28] =	dma.local [hbm:s30], $0x400  }
0x8f: {  	_ =	swait.ge [sflag:s8], $0x400  }
0x90: {  	s5 =	sld [smem:$0x7FA]  }
0x91: {  	[sflag:s8] =	ssyncset.done $0x0  }
0x92: {  	[smem:$0x7ED] =	sst s28;
	[sflag:s8] =	ssyncadd.s32 $0xFFFFFC00  }
0x93: {  	[spmem:s5], [sflag:s28] =	dma.local [hbm:s4], $0x100  }
0x94: {  	_ =	swait.ge [sflag:s8], $0x100  }
0x95: {  	[sflag:s8] =	ssyncset.done $0x0  }
0x96: {  	s5 =	rddreg [dreg:$0x19];
	[sflag:s8] =	ssyncadd.s32 $0xFFFFFF00  }
0x97: {  	[tilespmem:s16], [sflag:$0x11] =	stream.linear.gather [hbm4b:s5+s9], $0x2000, $0x38;
	[tilespmem:$0x1BC20] =	vst v63  }
0x98: {  	_ =	swait.ge [sflag:s8], $0x2000  }
0x99: {  	[sflag:s8] =	ssyncset.done $0x0  }
0x9a: {  	s5 =	rddreg [dreg:$0x1a];
	[sflag:s8] =	ssyncadd.s32 $0xFFFFE000  }
0x9b: {  	[hbm4b:s5+s9] =	stream.linear.scatter [tilespmem:s16], [sflag:$0x11], $0x2000, $0x38;
	[tilespmem:$0x1BC20] =	vst v63  }
0x9c: {  	_ =	swait.ge [sflag:s8], $0x2000  }
0x9d: {  	[sflag:s8] =	ssyncset.done $0x0  }
0x9e: {  	[sflag:s8] =	ssyncadd.s32 $0xFFFFE000  }
0x9f: {  	[bflag:$0x0] =	sbarrier.arrive $0xFFFF  }
0xa0: {  	s5 =	rddreg [dreg:$0x1b]  }
0xa1: {  	s30 =	rddreg [dreg:$0x1d]  }
0xa2: {  	[tilespmem:s31], [sflag:$0xD] =	stream.linear.gather [hbm4b:s5+s9], $0x80, $0x38;
	[tilespmem:$0x1BC20] =	vst v63  }
0xa3: {  	s8 =	sld [smem:$0x7EE]  }
0xa4: {  	[tilespmem:s22], [sflag:$0x9] =	stream.linear.gather [hbm4b:s30+s9], $0x800, $0x38;
	[tilespmem:$0x1BC20] =	vst v63  }
0xa5: {  	s16 =	sld [smem:$0x7EF]  }
0xa6: {  	[tilespmem:s20], [sflag:$0xE] =	stream.linear.gather [hbm4b:s8+s9], $0x80, $0x38;
	[tilespmem:$0x1BC20] =	vst v63  }
0xa7: {  	s28 =	simm.s32 $0xD400  }
0xa8: {  	[tilespmem:s28], [sflag:$0xA] =	stream.linear.gather [hbm4b:s16+s9], $0x800, $0x38;
	[tilespmem:$0x1BC20] =	vst v63  }
0xa9: {  	_ =	swait.ge [sflag:s19], $0x80  }
0xaa: {  	[sflag:s19] =	ssyncset.done $0x0  }
0xab: {  	[sflag:s19] =	ssyncadd.s32 $0xFFFFFF80  }
0xac: {  	_ =	swait.ge [sflag:s17], $0x800  }
0xad: {  	[sflag:s17] =	ssyncset.done $0x0  }
0xae: {  	s16 =	simm.s32 $0x5;
	[sflag:s17] =	ssyncadd.s32 $0xFFFFF800  }
0xaf: {  	[spmem:s24] =	stream.indirect.scatter.add.f32 [tilespmem:s22], [sflag:$0x5], $0x10, s31, s26, $0xb8;
	[tilespmem:$0x1BC20] =	vst v63  }
0xb0: {  	_ =	swait.ge [sflag:s16], $0x800  }
0xb1: {  	s5 =	sld [smem:$0x7F0]  }
0xb2: {  	[sflag:s16] =	ssyncset.done $0x0  }
0xb3: {  	s8 =	sld [smem:$0x7F2];
	[sflag:s16] =	ssyncadd.s32 $0xFFFFF800  }
0xb4: {  	[tilespmem:s31], [sflag:$0xD] =	stream.linear.gather [hbm4b:s5+s9], $0x80, $0x38;
	[tilespmem:$0x1BC20] =	vst v63  }
0xb5: {  	_ = 	snop  }
0xb6: {  	[tilespmem:s22], [sflag:$0x9] =	stream.linear.gather [hbm4b:s8+s9], $0x800, $0x38;
	[tilespmem:$0x1BC20] =	vst v63  }
0xb7: {  	_ =	swait.ge [sflag:s25], $0x80  }
0xb8: {  	[sflag:s25] =	ssyncset.done $0x0  }
0xb9: {  	[sflag:s25] =	ssyncadd.s32 $0xFFFFFF80  }
0xba: {  	_ =	swait.ge [sflag:s29], $0x800  }
0xbb: {  	[sflag:s29] =	ssyncset.done $0x0  }
0xbc: {  	[sflag:s29] =	ssyncadd.s32 $0xFFFFF800  }
0xbd: {  	[spmem:s24] =	stream.indirect.scatter.add.f32 [tilespmem:s28], [sflag:$0x6], $0x10, s20, s26, $0xb8;
	[tilespmem:$0x1BC20] =	vst v63  }
0xbe: {  	_ =	swait.ge [sflag:s3], $0x800  }
0xbf: {  	s8 =	sld [smem:$0x7F5];
	_ =	sdelay $0x1  }
0xc0: {  	[sflag:s3] =	ssyncset.done $0x0  }
0xc1: {  	s5 =	sadd.s32 $0x0, s30;
	[sflag:s3] =	ssyncadd.s32 $0xFFFFF800;
	s4 =	sadd.s32 $0xFFFFFFF0, s8  }
0xc2: {  	[tilespmem:s20], [sflag:$0xE] =	stream.linear.gather [hbm4b:s4+s9], $0x80, $0x38;
	[tilespmem:$0x1BC20] =	vst v63  }
0xc3: {  	s4 =	sadd.s32 $0x300, s5  }
0xc4: {  	[tilespmem:s28], [sflag:$0xA] =	stream.linear.gather [hbm4b:s4+s9], $0x800, $0x38;
	[tilespmem:$0x1BC20] =	vst v63  }
0xc5: {  	_ =	swait.ge [sflag:s19], $0x80  }
0xc6: {  	[sflag:s19] =	ssyncset.done $0x0  }
0xc7: {  	[sflag:s19] =	ssyncadd.s32 $0xFFFFFF80  }
0xc8: {  	_ =	swait.ge [sflag:s17], $0x800  }
0xc9: {  	[sflag:s17] =	ssyncset.done $0x0  }
0xca: {  	[sflag:s17] =	ssyncadd.s32 $0xFFFFF800  }
0xcb: {  	[spmem:s24] =	stream.indirect.scatter.add.f32 [tilespmem:s22], [sflag:$0x5], $0x10, s31, s26, $0xb8;
	[tilespmem:$0x1BC20] =	vst v63  }
0xcc: {  	_ =	swait.ge [sflag:s16], $0x800  }
0xcd: {  	[sflag:s16] =	ssyncset.done $0x0  }
0xce: {  	[sflag:s16] =	ssyncadd.s32 $0xFFFFF800  }
0xcf: {  	[tilespmem:s31], [sflag:$0xD] =	stream.linear.gather [hbm4b:s8+s9], $0x80, $0x38;
	[tilespmem:$0x1BC20] =	vst v63  }
0xd0: {  	s16 =	sadd.s32 $0x400, s5  }
0xd1: {  	[tilespmem:s22], [sflag:$0x9] =	stream.linear.gather [hbm4b:s16+s9], $0x800, $0x38;
	[tilespmem:$0x1BC20] =	vst v63  }
0xd2: {  	_ =	swait.ge [sflag:s25], $0x80  }
0xd3: {  	[sflag:s25] =	ssyncset.done $0x0  }
0xd4: {  	[sflag:s25] =	ssyncadd.s32 $0xFFFFFF80  }
0xd5: {  	_ =	swait.ge [sflag:s29], $0x800  }
0xd6: {  	[sflag:s29] =	ssyncset.done $0x0  }
0xd7: {  	s4 =	simm.s32 $0x200;
	s5 =	sadd.s32 $0x20, s8;
	[sflag:s29] =	ssyncadd.s32 $0xFFFFF800  }
.LBB2_2:
0xd8: {  	[spmem:s24] =	stream.indirect.scatter.add.f32 [tilespmem:s28], [sflag:$0x6], $0x10, s20, s26, $0xb8;
	[tilespmem:$0x1BC20] =	vst v63  }
0xd9: {  	s8 =	smov.u32 s4  }
0xda: {  	p0 =	sne.s32 s4, $0x9A00;
	s4 =	sadd.s32 $0x200, s4;
	_ =	swait.ge [sflag:s3], $0x800  }
0xdb: {  	[sflag:s3] =	ssyncset.done $0x0  }
0xdc: {  	s16 =	sadd.s32 $0xFFFFFFF0, s5;
	s8 =	sadd.s32 s8, s30;
	[sflag:s3] =	ssyncadd.s32 $0xFFFFF800  }
0xdd: {  	[tilespmem:s20], [sflag:$0xE] =	stream.linear.gather [hbm4b:s16+s9], $0x80, $0x38;
	[tilespmem:$0x1BC20] =	vst v63  }
0xde: {  	s16 =	sadd.s32 $0x300, s8  }
0xdf: {  	[tilespmem:s28], [sflag:$0xA] =	stream.linear.gather [hbm4b:s16+s9], $0x800, $0x38;
	[tilespmem:$0x1BC20] =	vst v63  }
0xe0: {  	s16 =	simm.s32 $0x5  }
0xe1: {  	_ =	swait.ge [sflag:s19], $0x80  }
0xe2: {  	[sflag:s19] =	ssyncset.done $0x0  }
0xe3: {  	[sflag:s19] =	ssyncadd.s32 $0xFFFFFF80  }
0xe4: {  	_ =	swait.ge [sflag:s17], $0x800  }
0xe5: {  	[sflag:s17] =	ssyncset.done $0x0  }
0xe6: {  	[sflag:s17] =	ssyncadd.s32 $0xFFFFF800  }
0xe7: {  	[spmem:s24] =	stream.indirect.scatter.add.f32 [tilespmem:s22], [sflag:$0x5], $0x10, s31, s26, $0xb8;
	[tilespmem:$0x1BC20] =	vst v63  }
0xe8: {  	_ =	swait.ge [sflag:s16], $0x800  }
0xe9: {  	[sflag:s16] =	ssyncset.done $0x0  }
0xea: {  	[sflag:s16] =	ssyncadd.s32 $0xFFFFF800  }
0xeb: {  	[tilespmem:s31], [sflag:$0xD] =	stream.linear.gather [hbm4b:s5+s9], $0x80, $0x38;
	[tilespmem:$0x1BC20] =	vst v63  }
0xec: {  	s8 =	sadd.s32 $0x400, s8  }
0xed: {  	[tilespmem:s22], [sflag:$0x9] =	stream.linear.gather [hbm4b:s8+s9], $0x800, $0x38;
	[tilespmem:$0x1BC20] =	vst v63  }
0xee: {  	_ =	swait.ge [sflag:s25], $0x80  }
.Ltmp0:
0xef: {  	[sflag:s25] =	ssyncset.done $0x0;
	(pc) =	sbr.rel @p0 .LBB2_2-.Ltmp0, $4  }
0xf0: {  	[sflag:s25] =	ssyncadd.s32 $0xFFFFFF80  }
0xf1: {  	_ =	swait.ge [sflag:s29], $0x800  }
0xf2: {  	[sflag:s29] =	ssyncset.done $0x0  }
0xf3: {  	s5 =	sadd.s32 $0x20, s5;
	[sflag:s29] =	ssyncadd.s32 $0xFFFFF800  }
0xf4: {  	[spmem:s24] =	stream.indirect.scatter.add.f32 [tilespmem:s28], [sflag:$0x6], $0x10, s20, s26, $0xb8;
	[tilespmem:$0x1BC20] =	vst v63  }
0xf5: {  	_ =	swait.ge [sflag:s3], $0x800  }
0xf6: {  	s4 =	sld [smem:$0x7F3]  }
0xf7: {  	[sflag:s3] =	ssyncset.done $0x0  }
0xf8: {  	s5 =	simm.s32 $0x0;
	s8 =	sld [smem:$0x7F4];
	[sflag:s3] =	ssyncadd.s32 $0xFFFFF800  }
0xf9: {  	[tilespmem:s20], [sflag:$0xE] =	stream.linear.gather [hbm4b:s4+s5], $0x80, $0x38;
	[tilespmem:$0x1BC20] =	vst v63  }
0xfa: {  	_ = 	snop  }
0xfb: {  	[tilespmem:s28], [sflag:$0xA] =	stream.linear.gather [hbm4b:s8+s5], $0x800, $0x38;
	[tilespmem:$0x1BC20] =	vst v63  }
0xfc: {  	_ =	swait.ge [sflag:s19], $0x80  }
0xfd: {  	[sflag:s19] =	ssyncset.done $0x0  }
0xfe: {  	[sflag:s19] =	ssyncadd.s32 $0xFFFFFF80  }
0xff: {  	_ =	swait.ge [sflag:s17], $0x800  }
0x100: {  	[sflag:s17] =	ssyncset.done $0x0  }
0x101: {  	[sflag:s17] =	ssyncadd.s32 $0xFFFFF800  }
0x102: {  	[spmem:s24] =	stream.indirect.scatter.add.f32 [tilespmem:s22], [sflag:$0x5], $0x10, s31, s26, $0xb8;
	[tilespmem:$0x1BC20] =	vst v63  }
0x103: {  	_ =	swait.ge [sflag:s25], $0x80  }
0x104: {  	[sflag:s25] =	ssyncset.done $0x0  }
0x105: {  	[sflag:s25] =	ssyncadd.s32 $0xFFFFFF80  }
0x106: {  	_ =	swait.ge [sflag:s29], $0x800  }
0x107: {  	[sflag:s29] =	ssyncset.done $0x0  }
0x108: {  	[sflag:s29] =	ssyncadd.s32 $0xFFFFF800  }
0x109: {  	[spmem:s24] =	stream.indirect.scatter.add.f32 [tilespmem:s28], [sflag:$0x6], $0x10, s20, s26, $0xb8;
	[tilespmem:$0x1BC20] =	vst v63  }
0x10a: {  	_ =	swait.ge [sflag:s16], $0x800  }
0x10b: {  	[sflag:s16] =	ssyncset.done $0x0  }
0x10c: {  	[sflag:s16] =	ssyncadd.s32 $0xFFFFF800  }
0x10d: {  	_ =	swait.ge [sflag:s3], $0x800  }
0x10e: {  	[sflag:s3] =	ssyncset.done $0x0  }
0x10f: {  	[sflag:s3] =	ssyncadd.s32 $0xFFFFF800  }
0x110: {  	[bflag:$0x0] =	sbarrier.arrive $0xFFFF  }
0x111: {  	s16 =	rddreg [dreg:$0x1b]  }
0x112: {  	[tilespmem:s31], [sflag:$0xD] =	stream.linear.gather [hbm4b:s16+s5], $0x80, $0x38;
	[tilespmem:$0x1BC20] =	vst v63  }
0x113: {  	_ =	swait.ge [sflag:s19], $0x80  }
0x114: {  	[sflag:s19] =	ssyncset.done $0x0  }
0x115: {  	[sflag:s19] =	ssyncadd.s32 $0xFFFFFF80  }
0x116: {  	[tilespmem:s22], [sflag:$0x9] =	stream.linear.gather [hbm4b:s30+s5], $0x800, $0x38;
	[tilespmem:$0x1BC20] =	vst v63  }
0x117: {  	s8 =	simm.s32 $0x0;
	s28 =	simm.s32 $0xD400;
	s30 =	simm.s32 $0xEC00  }
0x118: {  	[tilespmem:s30], [sflag:$0x1] =	stream.indirect.gather [spmem:s24], $0x10, s31, s26, $0xb8;
	[tilespmem:$0x1BC20] =	vst v63  }
.LBB2_4:
0x119: {  	s30 =	sshllo.u32 s8, $0x1;
	p0 =	seq.s32 s8, $0x0  }
0x11a: {  	s4 =	simm.s32 @!p0 $0x4;
	s16 =	sshll.u32 s30, $0x7  }
0x11b: {  	_ =	swait.ge @!p0 [sflag:s4], $0x800;
	s16 =	sadd.s32 s10, s16  }
0x11c: {  	[sflag:s4] =	ssyncset.done @!p0 $0x0;
	s24 =	sshrl.u32 s16, $0x3  }
0x11d: {  	[sflag:s4] =	ssyncadd.s32 @!p0 $0xFFFFF800;
	s31 =	sadd.s32 s1, s24  }
0x11e: {  	[tilespmem:s20], [sflag:$0xE] =	stream.linear.gather [hbm4b:s31+s5], $0x80, $0x38;
	[tilespmem:$0x1BC20] =	vst v63  }
0x11f: {  	s16 =	sshll.u32 s16, $0x1;
	s24 =	rddreg [dreg:$0x3]  }
0x120: {  	s4 =	sadd.s32 s24, s16  }
0x121: {  	[tilespmem:s28], [sflag:$0xA] =	stream.linear.gather [hbm4b:s4+s5], $0x800, $0x38;
	[tilespmem:$0x1BC20] =	vst v63  }
0x122: {  	_ =	swait.ge [sflag:s25], $0x80  }
0x123: {  	[sflag:s25] =	ssyncset.done $0x0  }
0x124: {  	[sflag:s25] =	ssyncadd.s32 $0xFFFFFF80  }
0x125: {  	s31 =	simm.s32 $0xF400;
	s28 =	rddreg [dreg:$0x8]  }
0x126: {  	[tilespmem:s31], [sflag:$0x2] =	stream.indirect.gather [spmem:s28], $0x10, s20, s26, $0xb8;
	[tilespmem:$0x1BC20] =	vst v63  }
0x127: {  	_ =	swait.ge [sflag:s17], $0x800  }
0x128: {  	[sflag:s17] =	ssyncset.done $0x0  }
0x129: {  	[sflag:s17] =	ssyncadd.s32 $0xFFFFF800  }
0x12a: {  	_ =	swait.ge [sflag:s18], $0x800  }
0x12b: {  	[sflag:s18] =	ssyncset.done $0x0  }
0x12c: {  	s16 =	simm.s32 $0x0;
	[sflag:s18] =	ssyncadd.s32 $0xFFFFF800  }
0x12d: {  	v0 =	vld [tilespmem:s16+$0xEC00];
	_ =	sdelay $0x4  }
0x12e: {  	v0 =	vadd.f32 $9.999999930e-09, v0;
	_ =	sdelay $0x1  }
0x12f: {  	(erf) = vrcp.f32 v0;
	v0 =	vld [tilespmem:s16+$0xEC10];
	_ =	sdelay $0x4  }
0x130: {  	v2 =	vadd.f32 $9.999999930e-09, v0;
	_ =	sdelay $0x1  }
0x131: {  	(erf) = vrcp.f32 v2  }
0x132: {  	s4 =	simm.s32 $0x20  }
0x133: {  	v3 =	vld [tilespmem:s4+$0xEC00]  }
0x134: {  	v4 =	vld [tilespmem:s4+$0xEC10]  }
0x135: {  	v1 =	vld [tilespmem:$0x1BC00]  }
0x136: {  	v0 =	vld [tilespmem:s16+$0xCC00]  }
0x137: {  	v2 =	vld [tilespmem:s16+$0xCC10];
	_ =	sdelay $0x1  }
0x138: {  	s24 =	simm.s32 $0x100;
	v5 =	vadd.f32 $9.999999930e-09, v3;
	v3 =	vadd.f32 $9.999999930e-09, v4;
	v4 =	vpop (erf)  }
.LBB2_5:
0x139: {  	p0 =	sne.s32 s24, $0x1F80;
	v6 =	vpop (erf);
	s31 =	smov.u32 s24;
	s24 =	sadd.s32 $0x80, s24  }
0x13a: {  	(erf) = vrcp.f32 v5;
	v0 =	vmul.f32 v0, v1  }
0x13b: {  	s31 =	sshra.s32 s31, $0x2;
	(erf) = vrcp.f32 v3;
	v1 =	vmul.f32 v2, v1  }
0x13c: {  	v3 =	vld [tilespmem:s31+$0xEC00];
	v0 =	vmul.f32 v4, v0  }
0x13d: {  	v1 =	vmul.f32 v6, v1  }
0x13e: {  	v4 =	vld [tilespmem:s31+$0xEC10];
	[tilespmem:s16+$0xCC00] =	vst v0  }
.Ltmp1:
0x13f: {  	v0 =	vld [tilespmem:s4+$0xCC00];
	[tilespmem:s16+$0xCC10] =	vst v1;
	s16 =	smov.u32 s4;
	s4 =	smov.u32 s31;
	(pc) =	sbr.rel @p0 .LBB2_5-.Ltmp1, $4  }
0x140: {  	v1 =	vld [tilespmem:$0x1BC00]  }
0x141: {  	v2 =	vld [tilespmem:s16+$0xCC10]  }
0x142: {  	v5 =	vadd.f32 $9.999999930e-09, v3  }
0x143: {  	v3 =	vadd.f32 $9.999999930e-09, v4;
	v4 =	vpop (erf)  }
0x144: {  	_ = 	snop  }
0x145: {  	v0 =	vmul.f32 v0, v1  }
0x146: {  	v1 =	vmul.f32 v2, v1  }
0x147: {  	v2 =	vpop (erf);
	v0 =	vmul.f32 v4, v0  }
0x148: {  	(erf) = vrcp.f32 v5;
	v1 =	vmul.f32 v2, v1  }
0x149: {  	(erf) = vrcp.f32 v3;
	[tilespmem:s16+$0xCC00] =	vst v0  }
0x14a: {  	v0 =	vld [tilespmem:s4+$0xCC00];
	[tilespmem:s16+$0xCC10] =	vst v1  }
0x14b: {  	v1 =	vld [tilespmem:$0x1BC00]  }
0x14c: {  	v2 =	vld [tilespmem:s4+$0xCC10];
	_ =	sdelay $0x3  }
0x14d: {  	v0 =	vmul.f32 v0, v1  }
0x14e: {  	v3 =	vpop (erf);
	v1 =	vmul.f32 v2, v1  }
0x14f: {  	s28 =	sshll.u32 s8, $0xC;
	v2 =	vpop (erf);
	v0 =	vmul.f32 v3, v0  }
0x150: {  	s16 =	sadd.s32 s23, s28;
	v1 =	vmul.f32 v2, v1  }
0x151: {  	p0 =	seq.s32 s8, $0x4F;
	s16 =	sshrl.u32 s16, $0x3;
	[tilespmem:s4+$0xCC00] =	vst v0  }
0x152: {  	s31 =	sadd.s32 s14, s16;
	[tilespmem:s4+$0xCC10] =	vst v1;
	s4 =	simm.s32 @!p0 $0x3  }
0x153: {  	[hbm4b:s31+s9] =	stream.linear.scatter [tilespmem:s22], [sflag:$0x3], $0x800, $0x38;
	[tilespmem:$0x1BC20] =	vst v63  }
0x154: {  	_ =	swait.ge @!p0 [sflag:s4], $0x800  }
0x155: {  	s24 =	sld [smem:$0x7F1];
	_ =	sdelay $0x1  }
0x156: {  	s16 =	sshll.u32 @!p0 s8, $0x8  }
0x157: {  	[sflag:s4] =	ssyncset.done @!p0 $0x0;
	s16 =	sadd.s32 @!p0 s16, s24  }
0x158: {  	[sflag:s4] =	ssyncadd.s32 @!p0 $0xFFFFF800;
	s4 =	sshrl.u32 @!p0 s16, $0x3  }
0x159: {  	s31 =	simm.s32 @!p0 $0xCA00;
	s24 =	simm.s32 @!p0 $0x0;
	s4 =	sadd.s32 @!p0 s1, s4  }
0x15a: {  	[tilespmem:s31], [sflag:$0xD] =	stream.linear.gather @!p0 [hbm4b:s4+s24], $0x80, $0x38;
	[tilespmem:$0x1BC20] =	vst v63  }
0x15b: {  	s4 =	sshll.u32 @!p0 s16, $0x1;
	s16 =	rddreg [dreg:$0x3]  }
0x15c: {  	s4 =	sadd.s32 @!p0 s16, s4;
	s16 =	simm.s32 @!p0 $0xCC00  }
0x15d: {  	[tilespmem:s16], [sflag:$0x9] =	stream.linear.gather @!p0 [hbm4b:s4+s24], $0x800, $0x38;
	[tilespmem:$0x1BC20] =	vst v63  }
0x15e: {  	s4 =	simm.s32 @!p0 $0xD  }
0x15f: {  	_ =	swait.ge @!p0 [sflag:s4], $0x80  }
0x160: {  	[sflag:s4] =	ssyncset.done @!p0 $0x0  }
0x161: {  	[sflag:s4] =	ssyncadd.s32 @!p0 $0xFFFFFF80  }
0x162: {  	s16 =	simm.s32 @!p0 $0xEC00;
	s4 =	simm.s32 @!p0 $0x80;
	s24 =	rddreg [dreg:$0x8]  }
0x163: {  	[tilespmem:s16], [sflag:$0x1] =	stream.indirect.gather @!p0 [spmem:s24], $0x10, s31, s4, $0xb8;
	[tilespmem:$0x1BC20] =	vst v63  }
0x164: {  	_ =	swait.ge [sflag:s29], $0x800  }
0x165: {  	[sflag:s29] =	ssyncset.done $0x0  }
0x166: {  	[sflag:s29] =	ssyncadd.s32 $0xFFFFF800  }
0x167: {  	_ =	swait.ge [sflag:s21], $0x800  }
0x168: {  	[sflag:s21] =	ssyncset.done $0x0  }
0x169: {  	s16 =	simm.s32 $0x0;
	[sflag:s21] =	ssyncadd.s32 $0xFFFFF800  }
0x16a: {  	v0 =	vld [tilespmem:s16+$0xF400];
	_ =	sdelay $0x4  }
0x16b: {  	v0 =	vadd.f32 $9.999999930e-09, v0;
	_ =	sdelay $0x1  }
0x16c: {  	(erf) = vrcp.f32 v0;
	v0 =	vld [tilespmem:s16+$0xF410];
	_ =	sdelay $0x4  }
0x16d: {  	v2 =	vadd.f32 $9.999999930e-09, v0;
	_ =	sdelay $0x1  }
0x16e: {  	(erf) = vrcp.f32 v2  }
0x16f: {  	s4 =	simm.s32 $0x20  }
0x170: {  	v3 =	vld [tilespmem:s4+$0xF400]  }
0x171: {  	v4 =	vld [tilespmem:s4+$0xF410]  }
0x172: {  	v1 =	vld [tilespmem:$0x1BC00]  }
0x173: {  	v0 =	vld [tilespmem:s16+$0xD400]  }
0x174: {  	v2 =	vld [tilespmem:s16+$0xD410];
	_ =	sdelay $0x1  }
0x175: {  	s24 =	simm.s32 $0x100;
	v5 =	vadd.f32 $9.999999930e-09, v3;
	v3 =	vadd.f32 $9.999999930e-09, v4;
	v4 =	vpop (erf)  }
.LBB2_7:
0x176: {  	p0 =	sne.s32 s24, $0x1F80;
	v6 =	vpop (erf);
	s31 =	smov.u32 s24;
	s24 =	sadd.s32 $0x80, s24  }
0x177: {  	(erf) = vrcp.f32 v5;
	v0 =	vmul.f32 v0, v1  }
0x178: {  	s31 =	sshra.s32 s31, $0x2;
	(erf) = vrcp.f32 v3;
	v1 =	vmul.f32 v2, v1  }
0x179: {  	v3 =	vld [tilespmem:s31+$0xF400];
	v0 =	vmul.f32 v4, v0  }
0x17a: {  	v1 =	vmul.f32 v6, v1  }
0x17b: {  	v4 =	vld [tilespmem:s31+$0xF410];
	[tilespmem:s16+$0xD400] =	vst v0  }
.Ltmp2:
0x17c: {  	v0 =	vld [tilespmem:s4+$0xD400];
	[tilespmem:s16+$0xD410] =	vst v1;
	s16 =	smov.u32 s4;
	s4 =	smov.u32 s31;
	(pc) =	sbr.rel @p0 .LBB2_7-.Ltmp2, $4  }
0x17d: {  	v1 =	vld [tilespmem:$0x1BC00]  }
0x17e: {  	v2 =	vld [tilespmem:s16+$0xD410]  }
0x17f: {  	v5 =	vadd.f32 $9.999999930e-09, v3  }
0x180: {  	v3 =	vadd.f32 $9.999999930e-09, v4;
	v4 =	vpop (erf)  }
0x181: {  	_ = 	snop  }
0x182: {  	v0 =	vmul.f32 v0, v1  }
0x183: {  	v59 =	vmul.f32 v2, v1  }
0x184: {  	v60 =	vpop (erf);
	v0 =	vmul.f32 v4, v0  }
0x185: {  	(erf) = vrcp.f32 v5;
	v1 =	vmul.f32 v60, v59  }
0x186: {  	(erf) = vrcp.f32 v3;
	[tilespmem:s16+$0xD400] =	vst v0  }
0x187: {  	v0 =	vld [tilespmem:s4+$0xD400];
	[tilespmem:s16+$0xD410] =	vst v1  }
0x188: {  	v1 =	vld [tilespmem:$0x1BC00]  }
0x189: {  	v61 =	vld [tilespmem:s4+$0xD410];
	_ =	sdelay $0x3  }
0x18a: {  	s8 =	sadd.s32 $0x1, s8;
	v0 =	vmul.f32 v0, v1  }
0x18b: {  	p0 =	sne.s32 s8, $0x50;
	v62 =	vpop (erf);
	v1 =	vmul.f32 v61, v1  }
.Ltmp3:
0x18c: {  	s30 =	sshll.u32 s30, $0xB;
	v63 =	vpop (erf);
	v0 =	vmul.f32 v62, v0;
	(pc) =	sbr.rel @p0 .LBB2_4-.Ltmp3, $4  }
0x18d: {  	s16 =	sadd.s32 s23, s30;
	v1 =	vmul.f32 v63, v1  }
0x18e: {  	s16 =	sshrl.u32 s16, $0x3;
	[tilespmem:s4+$0xD400] =	vst v0  }
0x18f: {  	s28 =	simm.s32 $0xD400;
	s31 =	sadd.s32 s14, s16;
	[tilespmem:s4+$0xD410] =	vst v1  }
0x190: {  	[hbm4b:s31+s9] =	stream.linear.scatter [tilespmem:s28], [sflag:$0x4], $0x800, $0x38;
	[tilespmem:$0x1BC20] =	vst v63  }
0x191: {  	s4 =	simm.s32 $0x3  }
0x192: {  	_ =	swait.ge [sflag:s4], $0x800  }
0x193: {  	[sflag:s4] =	ssyncset.done $0x0  }
0x194: {  	s30 =	simm.s32 $0x4;
	[sflag:s4] =	ssyncadd.s32 $0xFFFFF800  }
0x195: {  	_ =	swait.ge [sflag:s30], $0x800  }
0x196: {  	[sflag:s30] =	ssyncset.done $0x0  }
0x197: {  	[sflag:s30] =	ssyncadd.s32 $0xFFFFF800  }
0x198: {  	s31 =	simm.s32 $0xCA00;
	s4 =	simm.s32 $0x0;
	[bflag:$0x0] =	sbarrier.arrive $0xFFFF  }
.LBB2_10:
0x199: {  	[smem:$0x7E6] =	sst s4  }
0x19a: {  	s28 =	rddreg [dreg:$0x1c];
	s5 =	simm.s32 $0xC800;
	s8 =	simm.s32 $0x0  }
0x19b: {  	[tilespmem:s5], [sflag:$0xD] =	stream.linear.gather [hbm4b:s28+s8], $0x80, $0x38;
	[tilespmem:$0x1BC20] =	vst v63  }
0x19c: {  	s30 =	rddreg [dreg:$0x1b]  }
0x19d: {  	[tilespmem:s31], [sflag:$0xD] =	stream.linear.gather [hbm4b:s30+s8], $0x80, $0x38;
	[tilespmem:$0x1BC20] =	vst v63  }
0x19e: {  	_ =	swait.ge [sflag:s19], $0x80  }
0x19f: {  	[sflag:s19] =	ssyncset.done $0x0  }
0x1a0: {  	[sflag:s19] =	ssyncadd.s32 $0xFFFFFF80  }
0x1a1: {  	_ =	swait.ge [sflag:s19], $0x80  }
0x1a2: {  	[sflag:s19] =	ssyncset.done $0x0  }
0x1a3: {  	s16 =	rddreg [dreg:$0x1e];
	[sflag:s19] =	ssyncadd.s32 $0xFFFFFF80  }
0x1a4: {  	[tilespmem:s22], [sflag:$0x9] =	stream.linear.gather [hbm4b:s16+s8], $0x800, $0x38;
	[tilespmem:$0x1BC20] =	vst v63  }
0x1a5: {  	s24 =	simm.s32 $0xFC00;
	s28 =	sld [smem:$0x7FB]  }
0x1a6: {  	[tilespmem:s24], [sflag:$0x1] =	stream.indirect.gather [hbm4b:s13+s26], $0x40, s5, s26, $0xb8;
	[tilespmem:$0x1BC20] =	vst v63  }
0x1a7: {  	s30 =	simm.s32 $0xC880;
	s31 =	sld [smem:$0x7FC]  }
0x1a8: {  	[tilespmem:s30], [sflag:$0xE] =	stream.linear.gather [hbm4b:s28+s8], $0x80, $0x38;
	[tilespmem:$0x1BC20] =	vst v63  }
0x1a9: {  	_ = 	snop  }
0x1aa: {  	[tilespmem:s20], [sflag:$0xE] =	stream.linear.gather [hbm4b:s31+s8], $0x80, $0x38;
	[tilespmem:$0x1BC20] =	vst v63  }
0x1ab: {  	s8 =	simm.s32 $0x0  }
.LBB2_11:
0x1ac: {  	s5 =	sshll.u32 s8, $0x2  }
0x1ad: {  	p0 =	seq.s32 s8, $0x0;
	s31 =	sor.u32 $0x2, s5  }
0x1ae: {  	s4 =	simm.s32 @!p0 $0x7;
	s16 =	sshll.u32 s31, $0x7  }
0x1af: {  	s28 =	simm.s32 $0xC900;
	_ =	swait.ge @!p0 [sflag:s4], $0x2000;
	s24 =	sadd.s32 s15, s16  }
0x1b0: {  	[sflag:s4] =	ssyncset.done @!p0 $0x0;
	s16 =	sadd.s32 s10, s16;
	s24 =	sshrl.u32 s24, $0x3  }
0x1b1: {  	[sflag:s4] =	ssyncadd.s32 @!p0 $0xFFFFE000;
	s4 =	sadd.s32 s0, s24;
	s24 =	simm.s32 $0x0  }
0x1b2: {  	[tilespmem:s28], [sflag:$0xF] =	stream.linear.gather [hbm4b:s4+s24], $0x80, $0x38;
	[tilespmem:$0x1BC20] =	vst v63  }
0x1b3: {  	s4 =	sshrl.u32 s16, $0x3  }
0x1b4: {  	s28 =	simm.s32 $0xCB00;
	s4 =	sadd.s32 s1, s4  }
0x1b5: {  	[tilespmem:s28], [sflag:$0xF] =	stream.linear.gather [hbm4b:s4+s24], $0x80, $0x38;
	[tilespmem:$0x1BC20] =	vst v63  }
0x1b6: {  	_ =	swait.ge [sflag:s25], $0x80  }
0x1b7: {  	[sflag:s25] =	ssyncset.done $0x0  }
0x1b8: {  	[sflag:s25] =	ssyncadd.s32 $0xFFFFFF80  }
0x1b9: {  	_ =	swait.ge [sflag:s25], $0x80  }
0x1ba: {  	s28 =	sld [smem:$0x7FD];
	_ =	sdelay $0x1  }
0x1bb: {  	s16 =	sshll.u32 s8, $0xD  }
0x1bc: {  	s4 =	sadd.s32 s16, s28  }
0x1bd: {  	[sflag:s25] =	ssyncset.done $0x0;
	s4 =	sshrl.u32 s4, $0x3  }
0x1be: {  	[sflag:s25] =	ssyncadd.s32 $0xFFFFFF80;
	s28 =	simm.s32 $0xD400;
	s4 =	sadd.s32 s14, s4  }
0x1bf: {  	[tilespmem:s28], [sflag:$0xA] =	stream.linear.gather [hbm4b:s4+s24], $0x800, $0x38;
	[tilespmem:$0x1BC20] =	vst v63  }
0x1c0: {  	s24 =	simm.s32 $0xC880;
	s28 =	simm.s32 $0x11C00  }
0x1c1: {  	[tilespmem:s28], [sflag:$0x2] =	stream.indirect.gather [hbm4b:s13+s26], $0x40, s24, s26, $0xb8;
	[tilespmem:$0x1BC20] =	vst v63  }
0x1c2: {  	_ =	swait.ge [sflag:s18], $0x2000  }
0x1c3: {  	[sflag:s18] =	ssyncset.done $0x0  }
0x1c4: {  	[sflag:s18] =	ssyncadd.s32 $0xFFFFE000  }
0x1c5: {  	_ =	swait.ge [sflag:s17], $0x800  }
0x1c6: {  	[sflag:s17] =	ssyncset.done $0x0  }
0x1c7: {  	s30 =	simm.s32 $0xFC80;
	[sflag:s17] =	ssyncadd.s32 $0xFFFFF800  }
0x1c8: {  	s4 =	simm.s32 $0x0;
	v0 =	vld [tilespmem:s30+$0xFFFFFFB0]  }
0x1c9: {  	v1 =	vld [tilespmem:s4+$0xCC00]  }
0x1ca: {  	v2 =	vld [tilespmem:s30+$0xFFFFFF80]  }
0x1cb: {  	v3 =	vld [tilespmem:s30+$0xFFFFFF90]  }
0x1cc: {  	v4 =	vld [tilespmem:s30+$0xFFFFFFA0];
	_ =	sdelay $0x1  }
0x1cd: {  	v0 =	vmul.f32 v0, v1  }
0x1ce: {  	v2 =	vmul.f32 v2, v1  }
0x1cf: {  	v3 =	vmul.f32 v3, v1;
	[tilespmem:s30+$0xFFFFFFB0] =	vst v0  }
0x1d0: {  	v0 =	vmul.f32 v4, v1;
	[tilespmem:s30+$0xFFFFFF80] =	vst v2  }
0x1d1: {  	[tilespmem:s30+$0xFFFFFF90] =	vst v3  }
0x1d2: {  	[tilespmem:s30+$0xFFFFFFA0] =	vst v0;
	v0 =	vld [tilespmem:s30+$0xFFFFFFC0]  }
0x1d3: {  	v2 =	vld [tilespmem:s4+$0xCC10]  }
0x1d4: {  	v1 =	vld [tilespmem:s30+$0xFFFFFFD0]  }
0x1d5: {  	v3 =	vld [tilespmem:s30+$0xFFFFFFF0]  }
0x1d6: {  	v62 =	vld [tilespmem:s30+$0xFFFFFFE0];
	_ =	sdelay $0x1  }
0x1d7: {  	v0 =	vmul.f32 v0, v2  }
0x1d8: {  	v1 =	vmul.f32 v1, v2  }
0x1d9: {  	v3 =	vmul.f32 v3, v2;
	[tilespmem:s30+$0xFFFFFFC0] =	vst v0  }
0x1da: {  	[tilespmem:s30+$0xFFFFFFD0] =	vst v1;
	v0 =	vmul.f32 v62, v2  }
0x1db: {  	[tilespmem:s30+$0xFFFFFFF0] =	vst v3  }
0x1dc: {  	v1 =	vld [tilespmem:s30+$0x0];
	[tilespmem:s30+$0xFFFFFFE0] =	vst v0  }
0x1dd: {  	v0 =	vld [tilespmem:s4+$0xCC20]  }
0x1de: {  	v2 =	vld [tilespmem:s30+$0x30]  }
0x1df: {  	v63 =	vld [tilespmem:s30+$0x20]  }
0x1e0: {  	v3 =	vld [tilespmem:s30+$0x10];
	_ =	sdelay $0x1  }
0x1e1: {  	v1 =	vmul.f32 v1, v0  }
0x1e2: {  	v5 =	vmul.f32 v2, v0  }
0x1e3: {  	[tilespmem:s30+$0x0] =	vst v1  }
0x1e4: {  	s22 =	simm.s32 $0xCA00;
	s16 =	simm.s32 $0xFC80;
	s24 =	simm.s32 $0x100;
	v2 =	vmul.f32 v3, v0;
	v1 =	vmul.f32 v63, v0;
	[tilespmem:s30+$0x30] =	vst v5;
	v0 =	vld [tilespmem:s30+$0x70]  }
.LBB2_12:
0x1e5: {  	p1 =	sne.s32 s24, $0x1F00  }
0x1e6: {  	[tilespmem:s30+$0x10] =	vst v2;
	v2 =	vld [tilespmem:s30+$0x40];
	s16 =	sadd.s32 $0x100, s16;
	s28 =	smov.u32 s24;
	s24 =	sadd.s32 $0x100, s24  }
0x1e7: {  	[tilespmem:s30+$0x20] =	vst v1;
	v1 =	vld [tilespmem:s30+$0x50]  }
0x1e8: {  	v3 =	vld [tilespmem:s4+$0xCC30]  }
0x1e9: {  	v4 =	vld [tilespmem:s30+$0x60];
	_ =	sdelay $0x3  }
0x1ea: {  	v2 =	vmul.f32 v2, v3;
	v1 =	vmul.f32 v1, v3  }
0x1eb: {  	v0 =	vmul.f32 v0, v3;
	v4 =	vmul.f32 v4, v3  }
0x1ec: {  	[tilespmem:s30+$0x40] =	vst v2  }
0x1ed: {  	v2 =	vld [tilespmem:s16+$0xFFFFFFA0];
	[tilespmem:s30+$0x70] =	vst v0  }
0x1ee: {  	v0 =	vld [tilespmem:s16+$0xFFFFFFB0];
	[tilespmem:s30+$0x50] =	vst v1  }
0x1ef: {  	s4 =	sshra.s32 s28, $0x2;
	v1 =	vld [tilespmem:s16+$0xFFFFFF80];
	[tilespmem:s30+$0x60] =	vst v4;
	s30 =	smov.u32 s16  }
0x1f0: {  	v3 =	vld [tilespmem:s4+$0xCC00]  }
0x1f1: {  	v4 =	vld [tilespmem:s16+$0xFFFFFF90];
	_ =	sdelay $0x3  }
0x1f2: {  	v1 =	vmul.f32 v1, v3;
	v0 =	vmul.f32 v0, v3  }
0x1f3: {  	v2 =	vmul.f32 v2, v3;
	v4 =	vmul.f32 v4, v3  }
0x1f4: {  	[tilespmem:s16+$0xFFFFFFB0] =	vst v0  }
0x1f5: {  	[tilespmem:s16+$0xFFFFFF80] =	vst v1;
	v0 =	vld [tilespmem:s16+$0xFFFFFFF0]  }
0x1f6: {  	[tilespmem:s16+$0xFFFFFF90] =	vst v4;
	v1 =	vld [tilespmem:s16+$0xFFFFFFD0]  }
0x1f7: {  	[tilespmem:s16+$0xFFFFFFA0] =	vst v2;
	v2 =	vld [tilespmem:s16+$0xFFFFFFC0]  }
0x1f8: {  	v3 =	vld [tilespmem:s4+$0xCC10]  }
0x1f9: {  	v4 =	vld [tilespmem:s16+$0xFFFFFFE0];
	_ =	sdelay $0x3  }
0x1fa: {  	v2 =	vmul.f32 v2, v3;
	v1 =	vmul.f32 v1, v3  }
0x1fb: {  	v0 =	vmul.f32 v0, v3;
	v4 =	vmul.f32 v4, v3  }
0x1fc: {  	[tilespmem:s16+$0xFFFFFFC0] =	vst v2  }
0x1fd: {  	[tilespmem:s16+$0xFFFFFFD0] =	vst v1;
	v3 =	vld [tilespmem:s16+$0x30]  }
0x1fe: {  	[tilespmem:s16+$0xFFFFFFF0] =	vst v0;
	v0 =	vld [tilespmem:s16+$0x0]  }
0x1ff: {  	[tilespmem:s16+$0xFFFFFFE0] =	vst v4;
	v1 =	vld [tilespmem:s16+$0x10]  }
0x200: {  	v4 =	vld [tilespmem:s4+$0xCC20]  }
0x201: {  	v5 =	vld [tilespmem:s16+$0x20];
	_ =	sdelay $0x2  }
.Ltmp4:
0x202: {  	(pc) =	sbr.rel @p1 .LBB2_12-.Ltmp4, $4  }
0x203: {  	v0 =	vmul.f32 v0, v4;
	v2 =	vmul.f32 v1, v4  }
0x204: {  	v3 =	vmul.f32 v3, v4;
	v1 =	vmul.f32 v5, v4  }
0x205: {  	[tilespmem:s16+$0x0] =	vst v0  }
0x206: {  	[tilespmem:s16+$0x30] =	vst v3;
	v0 =	vld [tilespmem:s16+$0x70]  }
0x207: {  	[tilespmem:s30+$0x10] =	vst v2  }
0x208: {  	v2 =	vld [tilespmem:s30+$0x40];
	[tilespmem:s30+$0x20] =	vst v1  }
0x209: {  	v1 =	vld [tilespmem:s4+$0xCC30];
	_ =	sdelay $0x1  }
0x20a: {  	v3 =	vld [tilespmem:s30+$0x50]  }
0x20b: {  	v4 =	vld [tilespmem:s30+$0x60];
	_ =	sdelay $0x1  }
0x20c: {  	v2 =	vmul.f32 v2, v1  }
0x20d: {  	v0 =	vmul.f32 v0, v1  }
0x20e: {  	v3 =	vmul.f32 v3, v1;
	[tilespmem:s30+$0x40] =	vst v2  }
0x20f: {  	v1 =	vmul.f32 v4, v1;
	[tilespmem:s30+$0x70] =	vst v0  }
0x210: {  	[tilespmem:s30+$0x50] =	vst v3  }
0x211: {  	s16 =	simm.s32 $0xFC00;
	[tilespmem:s30+$0x60] =	vst v1;
	s30 =	sor.u32 $0x3, s5  }
0x212: {  	[spmem:s6] =	stream.indirect.scatter.add.f32 [tilespmem:s16], [sflag:$0x5], $0x40, s22, s26, $0xb8;
	[tilespmem:$0x1BC20] =	vst v63  }
0x213: {  	s4 =	simm.s32 @!p0 $0x8;
	s16 =	sshll.u32 s30, $0x7  }
0x214: {  	_ =	swait.ge @!p0 [sflag:s4], $0x2000;
	s24 =	sadd.s32 s15, s16  }
0x215: {  	s28 =	simm.s32 $0xC980;
	[sflag:s4] =	ssyncset.done @!p0 $0x0;
	s24 =	sshrl.u32 s24, $0x3  }
0x216: {  	[sflag:s4] =	ssyncadd.s32 @!p0 $0xFFFFE000;
	s22 =	sadd.s32 s0, s24;
	s24 =	simm.s32 $0x0  }
0x217: {  	[tilespmem:s28], [sflag:$0x10] =	stream.linear.gather [hbm4b:s22+s24], $0x80, $0x38;
	[tilespmem:$0x1BC20] =	vst v63  }
0x218: {  	s22 =	sadd.s32 s10, s16  }
0x219: {  	s4 =	sshrl.u32 s22, $0x3  }
0x21a: {  	s28 =	simm.s32 $0xCB80;
	s4 =	sadd.s32 s1, s4  }
0x21b: {  	[tilespmem:s28], [sflag:$0x10] =	stream.linear.gather [hbm4b:s4+s24], $0x80, $0x38;
	[tilespmem:$0x1BC20] =	vst v63  }
0x21c: {  	_ =	swait.ge [sflag:s12], $0x80  }
0x21d: {  	[sflag:s12] =	ssyncset.done $0x0  }
0x21e: {  	s16 =	sshll.u32 s31, $0xB;
	[sflag:s12] =	ssyncadd.s32 $0xFFFFFF80  }
0x21f: {  	s4 =	sadd.s32 s23, s16;
	_ =	swait.ge [sflag:s12], $0x80  }
0x220: {  	s4 =	sshrl.u32 s4, $0x3;
	[sflag:s12] =	ssyncset.done $0x0  }
0x221: {  	s22 =	simm.s32 $0xDC00;
	s4 =	sadd.s32 s14, s4;
	[sflag:s12] =	ssyncadd.s32 $0xFFFFFF80  }
0x222: {  	[tilespmem:s22], [sflag:$0xB] =	stream.linear.gather [hbm4b:s4+s24], $0x800, $0x38;
	[tilespmem:$0x1BC20] =	vst v63  }
0x223: {  	s28 =	simm.s32 $0x13C00;
	s24 =	simm.s32 $0xC900  }
0x224: {  	[tilespmem:s28], [sflag:$0x3] =	stream.indirect.gather [hbm4b:s13+s26], $0x40, s24, s26, $0xb8;
	[tilespmem:$0x1BC20] =	vst v63  }
0x225: {  	_ =	swait.ge [sflag:s21], $0x2000  }
0x226: {  	[sflag:s21] =	ssyncset.done $0x0  }
0x227: {  	[sflag:s21] =	ssyncadd.s32 $0xFFFFE000  }
0x228: {  	_ =	swait.ge [sflag:s29], $0x800  }
0x229: {  	[sflag:s29] =	ssyncset.done $0x0  }
0x22a: {  	s31 =	simm.s32 $0x11C80;
	[sflag:s29] =	ssyncadd.s32 $0xFFFFF800  }
0x22b: {  	s4 =	simm.s32 $0x0;
	v0 =	vld [tilespmem:s31+$0xFFFFFFB0]  }
0x22c: {  	v1 =	vld [tilespmem:s4+$0xD400]  }
0x22d: {  	v2 =	vld [tilespmem:s31+$0xFFFFFF80]  }
0x22e: {  	v3 =	vld [tilespmem:s31+$0xFFFFFF90]  }
0x22f: {  	v61 =	vld [tilespmem:s31+$0xFFFFFFA0];
	_ =	sdelay $0x1  }
0x230: {  	v0 =	vmul.f32 v0, v1  }
0x231: {  	v2 =	vmul.f32 v2, v1  }
0x232: {  	v3 =	vmul.f32 v3, v1;
	[tilespmem:s31+$0xFFFFFFB0] =	vst v0  }
0x233: {  	v0 =	vmul.f32 v61, v1;
	[tilespmem:s31+$0xFFFFFF80] =	vst v2  }
0x234: {  	[tilespmem:s31+$0xFFFFFF90] =	vst v3  }
0x235: {  	[tilespmem:s31+$0xFFFFFFA0] =	vst v0;
	v0 =	vld [tilespmem:s31+$0xFFFFFFC0]  }
0x236: {  	v2 =	vld [tilespmem:s4+$0xD410]  }
0x237: {  	v1 =	vld [tilespmem:s31+$0xFFFFFFD0]  }
0x238: {  	v3 =	vld [tilespmem:s31+$0xFFFFFFF0]  }
0x239: {  	v62 =	vld [tilespmem:s31+$0xFFFFFFE0];
	_ =	sdelay $0x1  }
0x23a: {  	v0 =	vmul.f32 v0, v2  }
0x23b: {  	v1 =	vmul.f32 v1, v2  }
0x23c: {  	v3 =	vmul.f32 v3, v2;
	[tilespmem:s31+$0xFFFFFFC0] =	vst v0  }
0x23d: {  	[tilespmem:s31+$0xFFFFFFD0] =	vst v1;
	v0 =	vmul.f32 v62, v2  }
0x23e: {  	[tilespmem:s31+$0xFFFFFFF0] =	vst v3  }
0x23f: {  	v1 =	vld [tilespmem:s31+$0x0];
	[tilespmem:s31+$0xFFFFFFE0] =	vst v0  }
0x240: {  	v0 =	vld [tilespmem:s4+$0xD420]  }
0x241: {  	v2 =	vld [tilespmem:s31+$0x30]  }
0x242: {  	v63 =	vld [tilespmem:s31+$0x20]  }
0x243: {  	v3 =	vld [tilespmem:s31+$0x10];
	_ =	sdelay $0x1  }
0x244: {  	v1 =	vmul.f32 v1, v0  }
0x245: {  	v5 =	vmul.f32 v2, v0  }
0x246: {  	[tilespmem:s31+$0x0] =	vst v1  }
0x247: {  	s16 =	simm.s32 $0x11C80;
	s24 =	simm.s32 $0x100;
	v2 =	vmul.f32 v3, v0;
	v1 =	vmul.f32 v63, v0;
	[tilespmem:s31+$0x30] =	vst v5;
	v0 =	vld [tilespmem:s31+$0x70]  }
.LBB2_14:
0x248: {  	p0 =	sne.s32 s24, $0x1F00  }
0x249: {  	[tilespmem:s31+$0x10] =	vst v2;
	v2 =	vld [tilespmem:s31+$0x40];
	s16 =	sadd.s32 $0x100, s16;
	s28 =	smov.u32 s24;
	s24 =	sadd.s32 $0x100, s24  }
0x24a: {  	[tilespmem:s31+$0x20] =	vst v1;
	v1 =	vld [tilespmem:s31+$0x50]  }
0x24b: {  	v3 =	vld [tilespmem:s4+$0xD430]  }
0x24c: {  	v4 =	vld [tilespmem:s31+$0x60];
	_ =	sdelay $0x3  }
0x24d: {  	v2 =	vmul.f32 v2, v3;
	v1 =	vmul.f32 v1, v3  }
0x24e: {  	v0 =	vmul.f32 v0, v3;
	v4 =	vmul.f32 v4, v3  }
0x24f: {  	[tilespmem:s31+$0x40] =	vst v2  }
0x250: {  	v2 =	vld [tilespmem:s16+$0xFFFFFFA0];
	[tilespmem:s31+$0x70] =	vst v0  }
0x251: {  	v0 =	vld [tilespmem:s16+$0xFFFFFFB0];
	[tilespmem:s31+$0x50] =	vst v1  }
0x252: {  	s4 =	sshra.s32 s28, $0x2;
	v1 =	vld [tilespmem:s16+$0xFFFFFF80];
	[tilespmem:s31+$0x60] =	vst v4;
	s31 =	smov.u32 s16  }
0x253: {  	v3 =	vld [tilespmem:s4+$0xD400]  }
0x254: {  	v4 =	vld [tilespmem:s16+$0xFFFFFF90];
	_ =	sdelay $0x3  }
0x255: {  	v1 =	vmul.f32 v1, v3;
	v0 =	vmul.f32 v0, v3  }
0x256: {  	v2 =	vmul.f32 v2, v3;
	v4 =	vmul.f32 v4, v3  }
0x257: {  	[tilespmem:s16+$0xFFFFFFB0] =	vst v0  }
0x258: {  	[tilespmem:s16+$0xFFFFFF80] =	vst v1;
	v0 =	vld [tilespmem:s16+$0xFFFFFFF0]  }
0x259: {  	[tilespmem:s16+$0xFFFFFF90] =	vst v4;
	v1 =	vld [tilespmem:s16+$0xFFFFFFD0]  }
0x25a: {  	[tilespmem:s16+$0xFFFFFFA0] =	vst v2;
	v2 =	vld [tilespmem:s16+$0xFFFFFFC0]  }
0x25b: {  	v3 =	vld [tilespmem:s4+$0xD410]  }
0x25c: {  	v4 =	vld [tilespmem:s16+$0xFFFFFFE0];
	_ =	sdelay $0x3  }
0x25d: {  	v2 =	vmul.f32 v2, v3;
	v1 =	vmul.f32 v1, v3  }
0x25e: {  	v0 =	vmul.f32 v0, v3;
	v4 =	vmul.f32 v4, v3  }
0x25f: {  	[tilespmem:s16+$0xFFFFFFC0] =	vst v2  }
0x260: {  	[tilespmem:s16+$0xFFFFFFD0] =	vst v1;
	v3 =	vld [tilespmem:s16+$0x30]  }
0x261: {  	[tilespmem:s16+$0xFFFFFFF0] =	vst v0;
	v0 =	vld [tilespmem:s16+$0x0]  }
0x262: {  	[tilespmem:s16+$0xFFFFFFE0] =	vst v4;
	v1 =	vld [tilespmem:s16+$0x10]  }
0x263: {  	v4 =	vld [tilespmem:s4+$0xD420]  }
0x264: {  	v5 =	vld [tilespmem:s16+$0x20];
	_ =	sdelay $0x2  }
.Ltmp5:
0x265: {  	(pc) =	sbr.rel @p0 .LBB2_14-.Ltmp5, $4  }
0x266: {  	v0 =	vmul.f32 v0, v4;
	v2 =	vmul.f32 v1, v4  }
0x267: {  	v3 =	vmul.f32 v3, v4;
	v1 =	vmul.f32 v5, v4  }
0x268: {  	[tilespmem:s16+$0x0] =	vst v0  }
0x269: {  	[tilespmem:s16+$0x30] =	vst v3;
	v0 =	vld [tilespmem:s16+$0x70]  }
0x26a: {  	[tilespmem:s31+$0x10] =	vst v2  }
0x26b: {  	v2 =	vld [tilespmem:s31+$0x40];
	[tilespmem:s31+$0x20] =	vst v1  }
0x26c: {  	v1 =	vld [tilespmem:s4+$0xD430];
	_ =	sdelay $0x1  }
0x26d: {  	v3 =	vld [tilespmem:s31+$0x50]  }
0x26e: {  	v4 =	vld [tilespmem:s31+$0x60];
	_ =	sdelay $0x1  }
0x26f: {  	v2 =	vmul.f32 v2, v1  }
0x270: {  	v0 =	vmul.f32 v0, v1  }
0x271: {  	v3 =	vmul.f32 v3, v1;
	[tilespmem:s31+$0x40] =	vst v2  }
0x272: {  	v1 =	vmul.f32 v4, v1;
	[tilespmem:s31+$0x70] =	vst v0  }
0x273: {  	p0 =	seq.s32 s8, $0x27;
	[tilespmem:s31+$0x50] =	vst v3  }
0x274: {  	s24 =	simm.s32 $0x11C00;
	s5 =	sadd.s32 $0x4, s5;
	s4 =	simm.s32 @!p0 $0x5;
	[tilespmem:s31+$0x60] =	vst v1  }
0x275: {  	[spmem:s6] =	stream.indirect.scatter.add.f32 [tilespmem:s24], [sflag:$0x6], $0x40, s20, s26, $0xb8;
	[tilespmem:$0x1BC20] =	vst v63  }
0x276: {  	s16 =	sshll.u32 @!p0 s5, $0x7;
	_ =	swait.ge @!p0 [sflag:s4], $0x2000  }
0x277: {  	s24 =	sadd.s32 @!p0 s15, s16;
	[sflag:s4] =	ssyncset.done @!p0 $0x0  }
0x278: {  	[sflag:s4] =	ssyncadd.s32 @!p0 $0xFFFFE000;
	s4 =	sshrl.u32 @!p0 s24, $0x3  }
0x279: {  	s28 =	simm.s32 @!p0 $0xC800;
	s24 =	simm.s32 @!p0 $0x0;
	s4 =	sadd.s32 @!p0 s0, s4  }
0x27a: {  	[tilespmem:s28], [sflag:$0xD] =	stream.linear.gather @!p0 [hbm4b:s4+s24], $0x80, $0x38;
	[tilespmem:$0x1BC20] =	vst v63  }
0x27b: {  	s4 =	sadd.s32 @!p0 s10, s16  }
0x27c: {  	s4 =	sshrl.u32 @!p0 s4, $0x3  }
0x27d: {  	s16 =	simm.s32 @!p0 $0xCA00;
	s4 =	sadd.s32 @!p0 s1, s4  }
0x27e: {  	[tilespmem:s16], [sflag:$0xD] =	stream.linear.gather @!p0 [hbm4b:s4+s24], $0x80, $0x38;
	[tilespmem:$0x1BC20] =	vst v63  }
0x27f: {  	_ =	swait.ge [sflag:s2], $0x80  }
0x280: {  	[sflag:s2] =	ssyncset.done $0x0  }
0x281: {  	s28 =	sshll.u32 s30, $0xB;
	[sflag:s2] =	ssyncadd.s32 $0xFFFFFF80  }
0x282: {  	s4 =	sadd.s32 s23, s28;
	_ =	swait.ge [sflag:s2], $0x80  }
0x283: {  	s22 =	simm.s32 $0xE400;
	s4 =	sshrl.u32 s4, $0x3;
	[sflag:s2] =	ssyncset.done $0x0  }
0x284: {  	s31 =	simm.s32 $0x0;
	s4 =	sadd.s32 s14, s4;
	[sflag:s2] =	ssyncadd.s32 $0xFFFFFF80  }
0x285: {  	[tilespmem:s22], [sflag:$0xC] =	stream.linear.gather [hbm4b:s4+s31], $0x800, $0x38;
	[tilespmem:$0x1BC20] =	vst v63  }
0x286: {  	s24 =	simm.s32 $0xC980;
	s28 =	simm.s32 $0x15C00;
	s31 =	simm.s32 $0x3  }
0x287: {  	[tilespmem:s28], [sflag:$0x4] =	stream.indirect.gather [hbm4b:s13+s26], $0x40, s24, s26, $0xb8;
	[tilespmem:$0x1BC20] =	vst v63  }
0x288: {  	_ =	swait.ge [sflag:s31], $0x2000  }
0x289: {  	[sflag:s31] =	ssyncset.done $0x0  }
0x28a: {  	[sflag:s31] =	ssyncadd.s32 $0xFFFFE000  }
0x28b: {  	_ =	swait.ge [sflag:s11], $0x800  }
0x28c: {  	[sflag:s11] =	ssyncset.done $0x0  }
0x28d: {  	s30 =	simm.s32 $0x13C80;
	[sflag:s11] =	ssyncadd.s32 $0xFFFFF800  }
0x28e: {  	s4 =	simm.s32 $0x0;
	v0 =	vld [tilespmem:s30+$0xFFFFFFB0]  }
0x28f: {  	v1 =	vld [tilespmem:s4+$0xDC00]  }
0x290: {  	v2 =	vld [tilespmem:s30+$0xFFFFFF80]  }
0x291: {  	v3 =	vld [tilespmem:s30+$0xFFFFFF90]  }
0x292: {  	v61 =	vld [tilespmem:s30+$0xFFFFFFA0];
	_ =	sdelay $0x1  }
0x293: {  	v0 =	vmul.f32 v0, v1  }
0x294: {  	v2 =	vmul.f32 v2, v1  }
0x295: {  	v3 =	vmul.f32 v3, v1;
	[tilespmem:s30+$0xFFFFFFB0] =	vst v0  }
0x296: {  	v0 =	vmul.f32 v61, v1;
	[tilespmem:s30+$0xFFFFFF80] =	vst v2  }
0x297: {  	[tilespmem:s30+$0xFFFFFF90] =	vst v3  }
0x298: {  	[tilespmem:s30+$0xFFFFFFA0] =	vst v0;
	v0 =	vld [tilespmem:s30+$0xFFFFFFC0]  }
0x299: {  	v2 =	vld [tilespmem:s4+$0xDC10]  }
0x29a: {  	v1 =	vld [tilespmem:s30+$0xFFFFFFD0]  }
0x29b: {  	v3 =	vld [tilespmem:s30+$0xFFFFFFF0]  }
0x29c: {  	v62 =	vld [tilespmem:s30+$0xFFFFFFE0];
	_ =	sdelay $0x1  }
0x29d: {  	v0 =	vmul.f32 v0, v2  }
0x29e: {  	v1 =	vmul.f32 v1, v2  }
0x29f: {  	v3 =	vmul.f32 v3, v2;
	[tilespmem:s30+$0xFFFFFFC0] =	vst v0  }
0x2a0: {  	[tilespmem:s30+$0xFFFFFFD0] =	vst v1;
	v0 =	vmul.f32 v62, v2  }
0x2a1: {  	[tilespmem:s30+$0xFFFFFFF0] =	vst v3  }
0x2a2: {  	v1 =	vld [tilespmem:s30+$0x0];
	[tilespmem:s30+$0xFFFFFFE0] =	vst v0  }
0x2a3: {  	v0 =	vld [tilespmem:s4+$0xDC20]  }
0x2a4: {  	v2 =	vld [tilespmem:s30+$0x30]  }
0x2a5: {  	v63 =	vld [tilespmem:s30+$0x20]  }
0x2a6: {  	v3 =	vld [tilespmem:s30+$0x10];
	_ =	sdelay $0x1  }
0x2a7: {  	v1 =	vmul.f32 v1, v0  }
0x2a8: {  	v5 =	vmul.f32 v2, v0  }
0x2a9: {  	[tilespmem:s30+$0x0] =	vst v1  }
0x2aa: {  	s16 =	simm.s32 $0x13C80;
	s22 =	simm.s32 $0xCC00;
	s24 =	simm.s32 $0x100;
	v2 =	vmul.f32 v3, v0;
	v1 =	vmul.f32 v63, v0;
	[tilespmem:s30+$0x30] =	vst v5;
	v0 =	vld [tilespmem:s30+$0x70]  }
.LBB2_16:
0x2ab: {  	p1 =	sne.s32 s24, $0x1F00  }
0x2ac: {  	[tilespmem:s30+$0x10] =	vst v2;
	v2 =	vld [tilespmem:s30+$0x40];
	s16 =	sadd.s32 $0x100, s16;
	s28 =	smov.u32 s24;
	s24 =	sadd.s32 $0x100, s24  }
0x2ad: {  	[tilespmem:s30+$0x20] =	vst v1;
	v1 =	vld [tilespmem:s30+$0x50]  }
0x2ae: {  	v3 =	vld [tilespmem:s4+$0xDC30]  }
0x2af: {  	v4 =	vld [tilespmem:s30+$0x60];
	_ =	sdelay $0x3  }
0x2b0: {  	v2 =	vmul.f32 v2, v3;
	v1 =	vmul.f32 v1, v3  }
0x2b1: {  	v0 =	vmul.f32 v0, v3;
	v4 =	vmul.f32 v4, v3  }
0x2b2: {  	[tilespmem:s30+$0x40] =	vst v2  }
0x2b3: {  	v2 =	vld [tilespmem:s16+$0xFFFFFFA0];
	[tilespmem:s30+$0x70] =	vst v0  }
0x2b4: {  	v0 =	vld [tilespmem:s16+$0xFFFFFFB0];
	[tilespmem:s30+$0x50] =	vst v1  }
0x2b5: {  	s4 =	sshra.s32 s28, $0x2;
	v1 =	vld [tilespmem:s16+$0xFFFFFF80];
	[tilespmem:s30+$0x60] =	vst v4;
	s30 =	smov.u32 s16  }
0x2b6: {  	v3 =	vld [tilespmem:s4+$0xDC00]  }
0x2b7: {  	v4 =	vld [tilespmem:s16+$0xFFFFFF90];
	_ =	sdelay $0x3  }
0x2b8: {  	v1 =	vmul.f32 v1, v3;
	v0 =	vmul.f32 v0, v3  }
0x2b9: {  	v2 =	vmul.f32 v2, v3;
	v4 =	vmul.f32 v4, v3  }
0x2ba: {  	[tilespmem:s16+$0xFFFFFFB0] =	vst v0  }
0x2bb: {  	[tilespmem:s16+$0xFFFFFF80] =	vst v1;
	v0 =	vld [tilespmem:s16+$0xFFFFFFF0]  }
0x2bc: {  	[tilespmem:s16+$0xFFFFFF90] =	vst v4;
	v1 =	vld [tilespmem:s16+$0xFFFFFFD0]  }
0x2bd: {  	[tilespmem:s16+$0xFFFFFFA0] =	vst v2;
	v2 =	vld [tilespmem:s16+$0xFFFFFFC0]  }
0x2be: {  	v3 =	vld [tilespmem:s4+$0xDC10]  }
0x2bf: {  	v4 =	vld [tilespmem:s16+$0xFFFFFFE0];
	_ =	sdelay $0x3  }
0x2c0: {  	v2 =	vmul.f32 v2, v3;
	v1 =	vmul.f32 v1, v3  }
0x2c1: {  	v0 =	vmul.f32 v0, v3;
	v4 =	vmul.f32 v4, v3  }
0x2c2: {  	[tilespmem:s16+$0xFFFFFFC0] =	vst v2  }
0x2c3: {  	[tilespmem:s16+$0xFFFFFFD0] =	vst v1;
	v3 =	vld [tilespmem:s16+$0x30]  }
0x2c4: {  	[tilespmem:s16+$0xFFFFFFF0] =	vst v0;
	v0 =	vld [tilespmem:s16+$0x0]  }
0x2c5: {  	[tilespmem:s16+$0xFFFFFFE0] =	vst v4;
	v1 =	vld [tilespmem:s16+$0x10]  }
0x2c6: {  	v4 =	vld [tilespmem:s4+$0xDC20]  }
0x2c7: {  	v5 =	vld [tilespmem:s16+$0x20];
	_ =	sdelay $0x2  }
.Ltmp6:
0x2c8: {  	(pc) =	sbr.rel @p1 .LBB2_16-.Ltmp6, $4  }
0x2c9: {  	v0 =	vmul.f32 v0, v4;
	v2 =	vmul.f32 v1, v4  }
0x2ca: {  	v3 =	vmul.f32 v3, v4;
	v1 =	vmul.f32 v5, v4  }
0x2cb: {  	[tilespmem:s16+$0x0] =	vst v0  }
0x2cc: {  	[tilespmem:s16+$0x30] =	vst v3;
	v0 =	vld [tilespmem:s16+$0x70]  }
0x2cd: {  	[tilespmem:s30+$0x10] =	vst v2  }
0x2ce: {  	v2 =	vld [tilespmem:s30+$0x40];
	[tilespmem:s30+$0x20] =	vst v1  }
0x2cf: {  	v1 =	vld [tilespmem:s4+$0xDC30];
	_ =	sdelay $0x1  }
0x2d0: {  	v3 =	vld [tilespmem:s30+$0x50]  }
0x2d1: {  	v4 =	vld [tilespmem:s30+$0x60];
	_ =	sdelay $0x1  }
0x2d2: {  	v2 =	vmul.f32 v2, v1  }
0x2d3: {  	v0 =	vmul.f32 v0, v1  }
0x2d4: {  	v3 =	vmul.f32 v3, v1;
	[tilespmem:s30+$0x40] =	vst v2  }
0x2d5: {  	v1 =	vmul.f32 v4, v1;
	[tilespmem:s30+$0x70] =	vst v0  }
0x2d6: {  	[tilespmem:s30+$0x50] =	vst v3  }
0x2d7: {  	s28 =	simm.s32 $0xCB00;
	s16 =	simm.s32 $0x13C00;
	[tilespmem:s30+$0x60] =	vst v1  }
0x2d8: {  	[spmem:s6] =	stream.indirect.scatter.add.f32 [tilespmem:s16], [sflag:$0x7], $0x40, s28, s26, $0xb8;
	[tilespmem:$0x1BC20] =	vst v63  }
0x2d9: {  	s4 =	simm.s32 @!p0 $0x6;
	s16 =	sshll.u32 @!p0 s8, $0x9  }
0x2da: {  	_ =	swait.ge @!p0 [sflag:s4], $0x2000;
	s16 =	sadd.s32 @!p0 $0x280, s16  }
0x2db: {  	[sflag:s4] =	ssyncset.done @!p0 $0x0;
	s24 =	sadd.s32 @!p0 s15, s16  }
0x2dc: {  	[sflag:s4] =	ssyncadd.s32 @!p0 $0xFFFFE000;
	s4 =	sshrl.u32 @!p0 s24, $0x3  }
0x2dd: {  	s28 =	simm.s32 @!p0 $0xC880;
	s24 =	simm.s32 @!p0 $0x0;
	s4 =	sadd.s32 @!p0 s0, s4  }
0x2de: {  	[tilespmem:s28], [sflag:$0xE] =	stream.linear.gather @!p0 [hbm4b:s4+s24], $0x80, $0x38;
	[tilespmem:$0x1BC20] =	vst v63  }
0x2df: {  	s4 =	sadd.s32 @!p0 s10, s16  }
0x2e0: {  	s4 =	sshrl.u32 @!p0 s4, $0x3  }
0x2e1: {  	s16 =	simm.s32 @!p0 $0xCA80;
	s4 =	sadd.s32 @!p0 s1, s4  }
0x2e2: {  	[tilespmem:s16], [sflag:$0xE] =	stream.linear.gather @!p0 [hbm4b:s4+s24], $0x80, $0x38;
	[tilespmem:$0x1BC20] =	vst v63  }
0x2e3: {  	s4 =	simm.s32 @!p0 $0xD  }
0x2e4: {  	_ =	swait.ge @!p0 [sflag:s4], $0x80  }
0x2e5: {  	[sflag:s4] =	ssyncset.done @!p0 $0x0  }
0x2e6: {  	s5 =	sshll.u32 @!p0 s5, $0xB;
	[sflag:s4] =	ssyncadd.s32 @!p0 $0xFFFFFF80  }
0x2e7: {  	s5 =	sadd.s32 @!p0 s23, s5;
	_ =	swait.ge @!p0 [sflag:s4], $0x80  }
0x2e8: {  	s5 =	sshrl.u32 @!p0 s5, $0x3;
	s30 =	simm.s32 $0x4;
	[sflag:s4] =	ssyncset.done @!p0 $0x0  }
0x2e9: {  	[sflag:s4] =	ssyncadd.s32 @!p0 $0xFFFFFF80;
	s4 =	sadd.s32 @!p0 s14, s5;
	s5 =	simm.s32 @!p0 $0xCC00  }
0x2ea: {  	[tilespmem:s5], [sflag:$0x9] =	stream.linear.gather @!p0 [hbm4b:s4+s24], $0x800, $0x38;
	[tilespmem:$0x1BC20] =	vst v63  }
0x2eb: {  	s16 =	simm.s32 @!p0 $0xFC00;
	s4 =	simm.s32 @!p0 $0x80;
	s5 =	simm.s32 @!p0 $0xC800  }
0x2ec: {  	[tilespmem:s16], [sflag:$0x1] =	stream.indirect.gather @!p0 [hbm4b:s13+s4], $0x40, s5, s4, $0xb8;
	[tilespmem:$0x1BC20] =	vst v63  }
0x2ed: {  	_ =	swait.ge [sflag:s30], $0x2000  }
0x2ee: {  	[sflag:s30] =	ssyncset.done $0x0  }
0x2ef: {  	[sflag:s30] =	ssyncadd.s32 $0xFFFFE000  }
0x2f0: {  	_ =	swait.ge [sflag:s7], $0x800  }
0x2f1: {  	[sflag:s7] =	ssyncset.done $0x0  }
0x2f2: {  	s5 =	simm.s32 $0x15C80;
	[sflag:s7] =	ssyncadd.s32 $0xFFFFF800  }
0x2f3: {  	s4 =	simm.s32 $0x0;
	v0 =	vld [tilespmem:s5+$0xFFFFFFB0]  }
0x2f4: {  	v1 =	vld [tilespmem:s4+$0xE400]  }
0x2f5: {  	v2 =	vld [tilespmem:s5+$0xFFFFFF80]  }
0x2f6: {  	v3 =	vld [tilespmem:s5+$0xFFFFFF90]  }
0x2f7: {  	v61 =	vld [tilespmem:s5+$0xFFFFFFA0];
	_ =	sdelay $0x1  }
0x2f8: {  	v0 =	vmul.f32 v0, v1  }
0x2f9: {  	v2 =	vmul.f32 v2, v1  }
0x2fa: {  	v3 =	vmul.f32 v3, v1;
	[tilespmem:s5+$0xFFFFFFB0] =	vst v0  }
0x2fb: {  	v0 =	vmul.f32 v61, v1;
	[tilespmem:s5+$0xFFFFFF80] =	vst v2  }
0x2fc: {  	[tilespmem:s5+$0xFFFFFF90] =	vst v3  }
0x2fd: {  	[tilespmem:s5+$0xFFFFFFA0] =	vst v0;
	v0 =	vld [tilespmem:s5+$0xFFFFFFC0]  }
0x2fe: {  	v2 =	vld [tilespmem:s4+$0xE410]  }
0x2ff: {  	v1 =	vld [tilespmem:s5+$0xFFFFFFD0]  }
0x300: {  	v3 =	vld [tilespmem:s5+$0xFFFFFFF0]  }
0x301: {  	v62 =	vld [tilespmem:s5+$0xFFFFFFE0];
	_ =	sdelay $0x1  }
0x302: {  	v0 =	vmul.f32 v0, v2  }
0x303: {  	v1 =	vmul.f32 v1, v2  }
0x304: {  	v3 =	vmul.f32 v3, v2;
	[tilespmem:s5+$0xFFFFFFC0] =	vst v0  }
0x305: {  	[tilespmem:s5+$0xFFFFFFD0] =	vst v1;
	v0 =	vmul.f32 v62, v2  }
0x306: {  	[tilespmem:s5+$0xFFFFFFF0] =	vst v3  }
0x307: {  	v1 =	vld [tilespmem:s5+$0x0];
	[tilespmem:s5+$0xFFFFFFE0] =	vst v0  }
0x308: {  	v0 =	vld [tilespmem:s4+$0xE420]  }
0x309: {  	v2 =	vld [tilespmem:s5+$0x30]  }
0x30a: {  	v63 =	vld [tilespmem:s5+$0x20]  }
0x30b: {  	v3 =	vld [tilespmem:s5+$0x10];
	_ =	sdelay $0x1  }
0x30c: {  	v1 =	vmul.f32 v1, v0  }
0x30d: {  	v5 =	vmul.f32 v2, v0  }
0x30e: {  	[tilespmem:s5+$0x0] =	vst v1  }
0x30f: {  	s31 =	simm.s32 $0xCA00;
	s24 =	simm.s32 $0x100;
	s16 =	simm.s32 $0x15C80;
	v2 =	vmul.f32 v3, v0;
	v1 =	vmul.f32 v63, v0;
	[tilespmem:s5+$0x30] =	vst v5;
	v0 =	vld [tilespmem:s5+$0x70]  }
.LBB2_18:
0x310: {  	p0 =	sne.s32 s24, $0x1F00  }
0x311: {  	[tilespmem:s5+$0x10] =	vst v2;
	v2 =	vld [tilespmem:s5+$0x40];
	s16 =	sadd.s32 $0x100, s16;
	s28 =	smov.u32 s24;
	s24 =	sadd.s32 $0x100, s24  }
0x312: {  	[tilespmem:s5+$0x20] =	vst v1;
	v1 =	vld [tilespmem:s5+$0x50]  }
0x313: {  	v3 =	vld [tilespmem:s4+$0xE430]  }
0x314: {  	v4 =	vld [tilespmem:s5+$0x60];
	_ =	sdelay $0x3  }
0x315: {  	v2 =	vmul.f32 v2, v3;
	v1 =	vmul.f32 v1, v3  }
0x316: {  	v0 =	vmul.f32 v0, v3;
	v4 =	vmul.f32 v4, v3  }
0x317: {  	[tilespmem:s5+$0x40] =	vst v2  }
0x318: {  	v2 =	vld [tilespmem:s16+$0xFFFFFFA0];
	[tilespmem:s5+$0x70] =	vst v0  }
0x319: {  	v0 =	vld [tilespmem:s16+$0xFFFFFFB0];
	[tilespmem:s5+$0x50] =	vst v1  }
0x31a: {  	s4 =	sshra.s32 s28, $0x2;
	v1 =	vld [tilespmem:s16+$0xFFFFFF80];
	[tilespmem:s5+$0x60] =	vst v4;
	s5 =	smov.u32 s16  }
0x31b: {  	v3 =	vld [tilespmem:s4+$0xE400]  }
0x31c: {  	v4 =	vld [tilespmem:s16+$0xFFFFFF90];
	_ =	sdelay $0x3  }
0x31d: {  	v1 =	vmul.f32 v1, v3;
	v0 =	vmul.f32 v0, v3  }
0x31e: {  	v2 =	vmul.f32 v2, v3;
	v4 =	vmul.f32 v4, v3  }
0x31f: {  	[tilespmem:s16+$0xFFFFFFB0] =	vst v0  }
0x320: {  	[tilespmem:s16+$0xFFFFFF80] =	vst v1;
	v0 =	vld [tilespmem:s16+$0xFFFFFFF0]  }
0x321: {  	[tilespmem:s16+$0xFFFFFF90] =	vst v4;
	v1 =	vld [tilespmem:s16+$0xFFFFFFD0]  }
0x322: {  	[tilespmem:s16+$0xFFFFFFA0] =	vst v2;
	v2 =	vld [tilespmem:s16+$0xFFFFFFC0]  }
0x323: {  	v3 =	vld [tilespmem:s4+$0xE410]  }
0x324: {  	v4 =	vld [tilespmem:s16+$0xFFFFFFE0];
	_ =	sdelay $0x3  }
0x325: {  	v2 =	vmul.f32 v2, v3;
	v1 =	vmul.f32 v1, v3  }
0x326: {  	v0 =	vmul.f32 v0, v3;
	v4 =	vmul.f32 v4, v3  }
0x327: {  	[tilespmem:s16+$0xFFFFFFC0] =	vst v2  }
0x328: {  	[tilespmem:s16+$0xFFFFFFD0] =	vst v1;
	v3 =	vld [tilespmem:s16+$0x30]  }
0x329: {  	[tilespmem:s16+$0xFFFFFFF0] =	vst v0;
	v0 =	vld [tilespmem:s16+$0x0]  }
0x32a: {  	[tilespmem:s16+$0xFFFFFFE0] =	vst v4;
	v1 =	vld [tilespmem:s16+$0x10]  }
0x32b: {  	v4 =	vld [tilespmem:s4+$0xE420]  }
0x32c: {  	v5 =	vld [tilespmem:s16+$0x20];
	_ =	sdelay $0x2  }
.Ltmp7:
0x32d: {  	(pc) =	sbr.rel @p0 .LBB2_18-.Ltmp7, $4  }
0x32e: {  	v0 =	vmul.f32 v0, v4;
	v2 =	vmul.f32 v1, v4  }
0x32f: {  	v3 =	vmul.f32 v3, v4;
	v1 =	vmul.f32 v5, v4  }
0x330: {  	[tilespmem:s16+$0x0] =	vst v0  }
0x331: {  	[tilespmem:s16+$0x30] =	vst v3;
	v0 =	vld [tilespmem:s16+$0x70]  }
0x332: {  	[tilespmem:s5+$0x10] =	vst v2  }
0x333: {  	v63 =	vld [tilespmem:s5+$0x40];
	[tilespmem:s5+$0x20] =	vst v1  }
0x334: {  	v1 =	vld [tilespmem:s4+$0xE430];
	_ =	sdelay $0x1  }
0x335: {  	v3 =	vld [tilespmem:s5+$0x50]  }
0x336: {  	v4 =	vld [tilespmem:s5+$0x60];
	_ =	sdelay $0x1  }
0x337: {  	s8 =	sadd.s32 $0x1, s8;
	v2 =	vmul.f32 v63, v1  }
0x338: {  	p0 =	sne.s32 s8, $0x28;
	v0 =	vmul.f32 v0, v1  }
.Ltmp8:
0x339: {  	v3 =	vmul.f32 v3, v1;
	[tilespmem:s5+$0x40] =	vst v2;
	(pc) =	sbr.rel @p0 .LBB2_11-.Ltmp8, $4  }
0x33a: {  	v1 =	vmul.f32 v4, v1;
	[tilespmem:s5+$0x70] =	vst v0  }
0x33b: {  	[tilespmem:s5+$0x50] =	vst v3  }
0x33c: {  	s28 =	simm.s32 $0xCB80;
	s30 =	simm.s32 $0x15C00;
	[tilespmem:s5+$0x60] =	vst v1  }
0x33d: {  	[spmem:s6] =	stream.indirect.scatter.add.f32 [tilespmem:s30], [sflag:$0x8], $0x40, s28, s26, $0xb8;
	[tilespmem:$0x1BC20] =	vst v63  }
0x33e: {  	s4 =	simm.s32 $0x5  }
0x33f: {  	_ =	swait.ge [sflag:s4], $0x2000  }
0x340: {  	[sflag:s4] =	ssyncset.done $0x0  }
0x341: {  	[sflag:s4] =	ssyncadd.s32 $0xFFFFE000  }
0x342: {  	_ =	swait.ge [sflag:s3], $0x2000  }
0x343: {  	[sflag:s3] =	ssyncset.done $0x0  }
0x344: {  	s24 =	simm.s32 $0x7;
	[sflag:s3] =	ssyncadd.s32 $0xFFFFE000  }
0x345: {  	_ =	swait.ge [sflag:s24], $0x2000  }
0x346: {  	[sflag:s24] =	ssyncset.done $0x0  }
0x347: {  	s5 =	simm.s32 $0x8;
	[sflag:s24] =	ssyncadd.s32 $0xFFFFE000  }
0x348: {  	_ =	swait.ge [sflag:s5], $0x2000  }
0x349: {  	[sflag:s5] =	ssyncset.done $0x0  }
0x34a: {  	[sflag:s5] =	ssyncadd.s32 $0xFFFFE000  }
0x34b: {  	s8 =	simm.s32 $0x0;
	[bflag:$0x0] =	sbarrier.arrive $0xFFFF  }
0x34c: {  	s30 =	simm.s32 $0x17C00;
	s24 =	simm.s32 $0x11;
	s5 =	rddreg [dreg:$0xe]  }
0x34d: {  	[tilespmem:s30], [sflag:$0x11] =	stream.linear.gather [hbm4b:s5+s8], $0x2000, $0x38;
	[tilespmem:$0x1BC20] =	vst v63  }
0x34e: {  	_ =	swait.ge [sflag:s24], $0x2000  }
0x34f: {  	[sflag:s24] =	ssyncset.done $0x0  }
0x350: {  	s28 =	simm.s32 $0x19C00;
	s16 =	rddreg [dreg:$0xc];
	[sflag:s24] =	ssyncadd.s32 $0xFFFFE000  }
0x351: {  	[tilespmem:s28], [sflag:$0x11] =	stream.linear.gather [spmem:s16], $0x2000, $0x38;
	[tilespmem:$0x1BC20] =	vst v63  }
0x352: {  	_ =	swait.ge [sflag:s24], $0x2000  }
0x353: {  	[sflag:s24] =	ssyncset.done $0x0  }
0x354: {  	s4 =	simm.s32 $0x0;
	[sflag:s24] =	ssyncadd.s32 $0xFFFFE000  }
0x355: {  	v0 =	vld [tilespmem:s4+$0x19C20]  }
0x356: {  	v1 =	vld [tilespmem:s4+$0x19C10]  }
0x357: {  	v3 =	vld [tilespmem:s4+$0x19C40]  }
0x358: {  	v4 =	vld [tilespmem:s4+$0x19C30]  }
0x359: {  	v2 =	vld [tilespmem:s4+$0x19C70]  }
0x35a: {  	v7 =	vld [tilespmem:s4+$0x17C70]  }
0x35b: {  	v6 =	vld [tilespmem:s4+$0x17C40]  }
0x35c: {  	v11 =	vld [tilespmem:s4+$0x17C30]  }
0x35d: {  	v12 =	vld [tilespmem:s4+$0x17C10]  }
0x35e: {  	v14 =	vld [tilespmem:s4+$0x17C20]  }
0x35f: {  	v5 =	vld [tilespmem:$0x1BC10]  }
0x360: {  	v8 =	vld [tilespmem:s4+$0x17C00]  }
0x361: {  	v10 =	vld [tilespmem:s4+$0x17C50]  }
0x362: {  	v13 =	vld [tilespmem:s4+$0x17C60]  }
0x363: {  	v9 =	vld [tilespmem:s4+$0x19C50]  }
0x364: {  	s5 =	simm.s32 $0x200;
	v14 =	vmul.f32 v14, v5;
	v15 =	vmul.f32 v11, v5;
	v11 =	vld [tilespmem:s4+$0x19C60]  }
.LBB2_21:
0x365: {  	s8 =	sshra.s32 s5, $0x2;
	p0 =	sne.s32 s5, $0x7E00;
	s5 =	sadd.s32 $0x200, s5;
	v16 =	vld [tilespmem:s4+$0x19C00];
	v12 =	vmul.f32 v12, v5;
	v7 =	vmul.f32 v7, v5  }
0x366: {  	v14 =	vadd.f32 v0, v14;
	v0 =	vld [tilespmem:s8+$0x19C20];
	v4 =	vadd.f32 v4, v15;
	v10 =	vmul.f32 v10, v5  }
0x367: {  	v6 =	vmul.f32 v6, v5;
	v12 =	vadd.f32 v1, v12;
	v1 =	vld [tilespmem:s8+$0x19C10];
	v13 =	vmul.f32 v13, v5  }
0x368: {  	v7 =	vadd.f32 v2, v7;
	v15 =	vld [tilespmem:s8+$0x19C40];
	[tilespmem:s4+$0x17C30] =	vst v4;
	v9 =	vadd.f32 v9, v10  }
0x369: {  	v5 =	vmul.f32 v8, v5;
	v3 =	vadd.f32 v3, v6;
	v4 =	vld [tilespmem:s8+$0x19C30];
	[tilespmem:s4+$0x17C10] =	vst v12;
	v8 =	vadd.f32 v11, v13  }
0x36a: {  	v2 =	vld [tilespmem:s8+$0x19C70];
	[tilespmem:s4+$0x17C70] =	vst v7  }
0x36b: {  	v5 =	vadd.f32 v16, v5;
	v7 =	vld [tilespmem:s8+$0x17C70];
	[tilespmem:s4+$0x17C40] =	vst v3  }
0x36c: {  	v6 =	vld [tilespmem:s8+$0x17C40];
	[tilespmem:s4+$0x17C60] =	vst v8  }
0x36d: {  	v11 =	vld [tilespmem:s8+$0x17C30];
	[tilespmem:s4+$0x17C00] =	vst v5;
	v3 =	vmov v15  }
0x36e: {  	v12 =	vld [tilespmem:s8+$0x17C10];
	[tilespmem:s4+$0x17C20] =	vst v14  }
0x36f: {  	v14 =	vld [tilespmem:s8+$0x17C20];
	[tilespmem:s4+$0x17C50] =	vst v9;
	s4 =	smov.u32 s8  }
0x370: {  	v5 =	vld [tilespmem:$0x1BC10]  }
.Ltmp9:
0x371: {  	v8 =	vld [tilespmem:s4+$0x17C00];
	(pc) =	sbr.rel @p0 .LBB2_21-.Ltmp9, $4  }
0x372: {  	v10 =	vld [tilespmem:s4+$0x17C50]  }
0x373: {  	v13 =	vld [tilespmem:s4+$0x17C60]  }
0x374: {  	v9 =	vld [tilespmem:s4+$0x19C50]  }
0x375: {  	v14 =	vmul.f32 v14, v5;
	v15 =	vmul.f32 v11, v5;
	v11 =	vld [tilespmem:s4+$0x19C60]  }
0x376: {  	_ = 	snop  }
0x377: {  	v12 =	vmul.f32 v12, v5;
	v4 =	vadd.f32 v4, v15  }
0x378: {  	v16 =	vld [tilespmem:s4+$0x19C00];
	v7 =	vmul.f32 v7, v5;
	v0 =	vadd.f32 v0, v14  }
0x379: {  	v6 =	vmul.f32 v6, v5;
	v1 =	vadd.f32 v1, v12;
	[tilespmem:s4+$0x17C30] =	vst v4  }
0x37a: {  	v12 =	vmul.f32 v13, v5;
	v2 =	vadd.f32 v2, v7;
	[tilespmem:s4+$0x17C20] =	vst v0  }
0x37b: {  	v4 =	vmul.f32 v8, v5;
	[tilespmem:s4+$0x17C10] =	vst v1;
	v1 =	vadd.f32 v3, v6  }
0x37c: {  	v3 =	vadd.f32 v11, v12;
	[tilespmem:s4+$0x17C70] =	vst v2;
	v2 =	vmul.f32 v10, v5  }
0x37d: {  	v4 =	vadd.f32 v16, v4;
	[tilespmem:s4+$0x17C40] =	vst v1  }
0x37e: {  	[tilespmem:s4+$0x17C60] =	vst v3;
	v1 =	vadd.f32 v9, v2  }
0x37f: {  	[tilespmem:s4+$0x17C00] =	vst v4  }
0x380: {  	s5 =	rddreg [dreg:$0xe];
	[tilespmem:s4+$0x17C50] =	vst v1;
	s4 =	simm.s32 $0x0  }
0x381: {  	[hbm4b:s5+s4] =	stream.linear.scatter [tilespmem:s30], [sflag:$0x11], $0x2000, $0x38;
	[tilespmem:$0x1BC20] =	vst v63  }
0x382: {  	_ =	swait.ge [sflag:s24], $0x2000  }
0x383: {  	s5 =	sld [smem:$0x7ED]  }
0x384: {  	s8 =	sld [smem:$0x7E8]  }
0x385: {  	[sflag:s24] =	ssyncset.done $0x0  }
0x386: {  	s16 =	rddreg [dreg:$0xa];
	[sflag:s24] =	ssyncadd.s32 $0xFFFFE000  }
0x387: {  	[spmem:s8], [sflag:s5] =	dma.local [hbm:s16], $0x400  }
0x388: {  	_ =	swait.ge [sflag:s24], $0x400  }
0x389: {  	[sflag:s24] =	ssyncset.done $0x0  }
0x38a: {  	s8 =	rddreg [dreg:$0x11];
	[sflag:s24] =	ssyncadd.s32 $0xFFFFFC00  }
0x38b: {  	[tilespmem:s30], [sflag:$0x11] =	stream.linear.gather [hbm4b:s8+s4], $0x2000, $0x38;
	[tilespmem:$0x1BC20] =	vst v63  }
0x38c: {  	_ =	swait.ge [sflag:s24], $0x2000  }
0x38d: {  	[sflag:s24] =	ssyncset.done $0x0  }
0x38e: {  	s8 =	rddreg [dreg:$0xf];
	[sflag:s24] =	ssyncadd.s32 $0xFFFFE000  }
0x38f: {  	[tilespmem:s28], [sflag:$0x11] =	stream.linear.gather [spmem:s8], $0x2000, $0x38;
	[tilespmem:$0x1BC20] =	vst v63  }
0x390: {  	_ =	swait.ge [sflag:s24], $0x2000  }
0x391: {  	[sflag:s24] =	ssyncset.done $0x0  }
0x392: {  	s4 =	simm.s32 $0x0;
	[sflag:s24] =	ssyncadd.s32 $0xFFFFE000  }
0x393: {  	v0 =	vld [tilespmem:s4+$0x19C20]  }
0x394: {  	v1 =	vld [tilespmem:s4+$0x19C10]  }
0x395: {  	v3 =	vld [tilespmem:s4+$0x19C40]  }
0x396: {  	v4 =	vld [tilespmem:s4+$0x19C30]  }
0x397: {  	v2 =	vld [tilespmem:s4+$0x19C70]  }
0x398: {  	v7 =	vld [tilespmem:s4+$0x17C70]  }
0x399: {  	v6 =	vld [tilespmem:s4+$0x17C40]  }
0x39a: {  	v11 =	vld [tilespmem:s4+$0x17C30]  }
0x39b: {  	v12 =	vld [tilespmem:s4+$0x17C10]  }
0x39c: {  	v14 =	vld [tilespmem:s4+$0x17C20]  }
0x39d: {  	v5 =	vld [tilespmem:$0x1BC10]  }
0x39e: {  	v8 =	vld [tilespmem:s4+$0x17C00]  }
0x39f: {  	v10 =	vld [tilespmem:s4+$0x17C50]  }
0x3a0: {  	v13 =	vld [tilespmem:s4+$0x17C60]  }
0x3a1: {  	v9 =	vld [tilespmem:s4+$0x19C50]  }
0x3a2: {  	s5 =	simm.s32 $0x200;
	v14 =	vmul.f32 v14, v5;
	v15 =	vmul.f32 v11, v5;
	v11 =	vld [tilespmem:s4+$0x19C60]  }
.LBB2_23:
0x3a3: {  	s8 =	sshra.s32 s5, $0x2;
	p0 =	sne.s32 s5, $0x7E00;
	s5 =	sadd.s32 $0x200, s5;
	v16 =	vld [tilespmem:s4+$0x19C00];
	v12 =	vmul.f32 v12, v5;
	v7 =	vmul.f32 v7, v5  }
0x3a4: {  	v14 =	vadd.f32 v0, v14;
	v0 =	vld [tilespmem:s8+$0x19C20];
	v4 =	vadd.f32 v4, v15;
	v10 =	vmul.f32 v10, v5  }
0x3a5: {  	v6 =	vmul.f32 v6, v5;
	v12 =	vadd.f32 v1, v12;
	v1 =	vld [tilespmem:s8+$0x19C10];
	v13 =	vmul.f32 v13, v5  }
0x3a6: {  	v7 =	vadd.f32 v2, v7;
	v15 =	vld [tilespmem:s8+$0x19C40];
	[tilespmem:s4+$0x17C30] =	vst v4;
	v9 =	vadd.f32 v9, v10  }
0x3a7: {  	v5 =	vmul.f32 v8, v5;
	v3 =	vadd.f32 v3, v6;
	v4 =	vld [tilespmem:s8+$0x19C30];
	[tilespmem:s4+$0x17C10] =	vst v12;
	v8 =	vadd.f32 v11, v13  }
0x3a8: {  	v2 =	vld [tilespmem:s8+$0x19C70];
	[tilespmem:s4+$0x17C70] =	vst v7  }
0x3a9: {  	v5 =	vadd.f32 v16, v5;
	v7 =	vld [tilespmem:s8+$0x17C70];
	[tilespmem:s4+$0x17C40] =	vst v3  }
0x3aa: {  	v6 =	vld [tilespmem:s8+$0x17C40];
	[tilespmem:s4+$0x17C60] =	vst v8  }
0x3ab: {  	v11 =	vld [tilespmem:s8+$0x17C30];
	[tilespmem:s4+$0x17C00] =	vst v5;
	v3 =	vmov v15  }
0x3ac: {  	v12 =	vld [tilespmem:s8+$0x17C10];
	[tilespmem:s4+$0x17C20] =	vst v14  }
0x3ad: {  	v14 =	vld [tilespmem:s8+$0x17C20];
	[tilespmem:s4+$0x17C50] =	vst v9;
	s4 =	smov.u32 s8  }
0x3ae: {  	v5 =	vld [tilespmem:$0x1BC10]  }
.Ltmp10:
0x3af: {  	v8 =	vld [tilespmem:s4+$0x17C00];
	(pc) =	sbr.rel @p0 .LBB2_23-.Ltmp10, $4  }
0x3b0: {  	v10 =	vld [tilespmem:s4+$0x17C50]  }
0x3b1: {  	v13 =	vld [tilespmem:s4+$0x17C60]  }
0x3b2: {  	v9 =	vld [tilespmem:s4+$0x19C50]  }
0x3b3: {  	v14 =	vmul.f32 v14, v5;
	v15 =	vmul.f32 v11, v5;
	v11 =	vld [tilespmem:s4+$0x19C60]  }
0x3b4: {  	_ = 	snop  }
0x3b5: {  	v12 =	vmul.f32 v12, v5;
	v4 =	vadd.f32 v4, v15  }
0x3b6: {  	v16 =	vld [tilespmem:s4+$0x19C00];
	v7 =	vmul.f32 v7, v5;
	v0 =	vadd.f32 v0, v14  }
0x3b7: {  	v6 =	vmul.f32 v6, v5;
	v1 =	vadd.f32 v1, v12;
	[tilespmem:s4+$0x17C30] =	vst v4  }
0x3b8: {  	v12 =	vmul.f32 v13, v5;
	v2 =	vadd.f32 v2, v7;
	[tilespmem:s4+$0x17C20] =	vst v0  }
0x3b9: {  	v4 =	vmul.f32 v8, v5;
	[tilespmem:s4+$0x17C10] =	vst v1;
	v1 =	vadd.f32 v3, v6  }
0x3ba: {  	v3 =	vadd.f32 v11, v12;
	[tilespmem:s4+$0x17C70] =	vst v2;
	v2 =	vmul.f32 v10, v5  }
0x3bb: {  	v4 =	vadd.f32 v16, v4;
	[tilespmem:s4+$0x17C40] =	vst v1  }
0x3bc: {  	[tilespmem:s4+$0x17C60] =	vst v3;
	v1 =	vadd.f32 v9, v2  }
0x3bd: {  	[tilespmem:s4+$0x17C00] =	vst v4  }
0x3be: {  	s5 =	rddreg [dreg:$0x11];
	[tilespmem:s4+$0x17C50] =	vst v1;
	s4 =	simm.s32 $0x0  }
0x3bf: {  	[hbm4b:s5+s4] =	stream.linear.scatter [tilespmem:s30], [sflag:$0x11], $0x2000, $0x38;
	[tilespmem:$0x1BC20] =	vst v63  }
0x3c0: {  	_ =	swait.ge [sflag:s24], $0x2000  }
0x3c1: {  	s5 =	sld [smem:$0x7ED]  }
0x3c2: {  	s8 =	sld [smem:$0x7E9]  }
0x3c3: {  	[sflag:s24] =	ssyncset.done $0x0  }
0x3c4: {  	[sflag:s24] =	ssyncadd.s32 $0xFFFFE000  }
0x3c5: {  	[spmem:s8], [sflag:s5] =	dma.local [hbm:s16], $0x400  }
0x3c6: {  	_ =	swait.ge [sflag:s24], $0x400  }
0x3c7: {  	[sflag:s24] =	ssyncset.done $0x0  }
0x3c8: {  	s8 =	rddreg [dreg:$0x14];
	[sflag:s24] =	ssyncadd.s32 $0xFFFFFC00  }
0x3c9: {  	[tilespmem:s30], [sflag:$0x11] =	stream.linear.gather [hbm4b:s8+s4], $0x2000, $0x38;
	[tilespmem:$0x1BC20] =	vst v63  }
0x3ca: {  	_ =	swait.ge [sflag:s24], $0x2000  }
0x3cb: {  	[sflag:s24] =	ssyncset.done $0x0  }
0x3cc: {  	s28 =	simm.s32 $0x19C00;
	s8 =	rddreg [dreg:$0x12];
	[sflag:s24] =	ssyncadd.s32 $0xFFFFE000  }
0x3cd: {  	[tilespmem:s28], [sflag:$0x11] =	stream.linear.gather [spmem:s8], $0x2000, $0x38;
	[tilespmem:$0x1BC20] =	vst v63  }
0x3ce: {  	_ =	swait.ge [sflag:s24], $0x2000  }
0x3cf: {  	[sflag:s24] =	ssyncset.done $0x0  }
0x3d0: {  	s4 =	simm.s32 $0x0;
	[sflag:s24] =	ssyncadd.s32 $0xFFFFE000  }
0x3d1: {  	v0 =	vld [tilespmem:s4+$0x19C20]  }
0x3d2: {  	v1 =	vld [tilespmem:s4+$0x19C10]  }
0x3d3: {  	v3 =	vld [tilespmem:s4+$0x19C40]  }
0x3d4: {  	v4 =	vld [tilespmem:s4+$0x19C30]  }
0x3d5: {  	v2 =	vld [tilespmem:s4+$0x19C70]  }
0x3d6: {  	v7 =	vld [tilespmem:s4+$0x17C70]  }
0x3d7: {  	v6 =	vld [tilespmem:s4+$0x17C40]  }
0x3d8: {  	v11 =	vld [tilespmem:s4+$0x17C30]  }
0x3d9: {  	v12 =	vld [tilespmem:s4+$0x17C10]  }
0x3da: {  	v14 =	vld [tilespmem:s4+$0x17C20]  }
0x3db: {  	v5 =	vld [tilespmem:$0x1BC10]  }
0x3dc: {  	v8 =	vld [tilespmem:s4+$0x17C00]  }
0x3dd: {  	v10 =	vld [tilespmem:s4+$0x17C50]  }
0x3de: {  	v13 =	vld [tilespmem:s4+$0x17C60]  }
0x3df: {  	v9 =	vld [tilespmem:s4+$0x19C50]  }
0x3e0: {  	s5 =	simm.s32 $0x200;
	v14 =	vmul.f32 v14, v5;
	v15 =	vmul.f32 v11, v5;
	v11 =	vld [tilespmem:s4+$0x19C60]  }
.LBB2_25:
0x3e1: {  	s8 =	sshra.s32 s5, $0x2;
	p0 =	sne.s32 s5, $0x7E00;
	s5 =	sadd.s32 $0x200, s5;
	v16 =	vld [tilespmem:s4+$0x19C00];
	v12 =	vmul.f32 v12, v5;
	v7 =	vmul.f32 v7, v5  }
0x3e2: {  	v14 =	vadd.f32 v0, v14;
	v0 =	vld [tilespmem:s8+$0x19C20];
	v4 =	vadd.f32 v4, v15;
	v10 =	vmul.f32 v10, v5  }
0x3e3: {  	v6 =	vmul.f32 v6, v5;
	v12 =	vadd.f32 v1, v12;
	v1 =	vld [tilespmem:s8+$0x19C10];
	v13 =	vmul.f32 v13, v5  }
0x3e4: {  	v7 =	vadd.f32 v2, v7;
	v15 =	vld [tilespmem:s8+$0x19C40];
	[tilespmem:s4+$0x17C30] =	vst v4;
	v9 =	vadd.f32 v9, v10  }
0x3e5: {  	v5 =	vmul.f32 v8, v5;
	v3 =	vadd.f32 v3, v6;
	v4 =	vld [tilespmem:s8+$0x19C30];
	[tilespmem:s4+$0x17C10] =	vst v12;
	v8 =	vadd.f32 v11, v13  }
0x3e6: {  	v2 =	vld [tilespmem:s8+$0x19C70];
	[tilespmem:s4+$0x17C70] =	vst v7  }
0x3e7: {  	v5 =	vadd.f32 v16, v5;
	v7 =	vld [tilespmem:s8+$0x17C70];
	[tilespmem:s4+$0x17C40] =	vst v3  }
0x3e8: {  	v6 =	vld [tilespmem:s8+$0x17C40];
	[tilespmem:s4+$0x17C60] =	vst v8  }
0x3e9: {  	v11 =	vld [tilespmem:s8+$0x17C30];
	[tilespmem:s4+$0x17C00] =	vst v5;
	v3 =	vmov v15  }
0x3ea: {  	v12 =	vld [tilespmem:s8+$0x17C10];
	[tilespmem:s4+$0x17C20] =	vst v14  }
0x3eb: {  	v14 =	vld [tilespmem:s8+$0x17C20];
	[tilespmem:s4+$0x17C50] =	vst v9;
	s4 =	smov.u32 s8  }
0x3ec: {  	v5 =	vld [tilespmem:$0x1BC10]  }
.Ltmp11:
0x3ed: {  	v8 =	vld [tilespmem:s4+$0x17C00];
	(pc) =	sbr.rel @p0 .LBB2_25-.Ltmp11, $4  }
0x3ee: {  	v10 =	vld [tilespmem:s4+$0x17C50]  }
0x3ef: {  	v13 =	vld [tilespmem:s4+$0x17C60]  }
0x3f0: {  	v9 =	vld [tilespmem:s4+$0x19C50]  }
0x3f1: {  	v14 =	vmul.f32 v14, v5;
	v15 =	vmul.f32 v11, v5;
	v11 =	vld [tilespmem:s4+$0x19C60]  }
0x3f2: {  	_ = 	snop  }
0x3f3: {  	v12 =	vmul.f32 v12, v5;
	v4 =	vadd.f32 v4, v15  }
0x3f4: {  	v16 =	vld [tilespmem:s4+$0x19C00];
	v7 =	vmul.f32 v7, v5;
	v0 =	vadd.f32 v0, v14  }
0x3f5: {  	v6 =	vmul.f32 v6, v5;
	v1 =	vadd.f32 v1, v12;
	[tilespmem:s4+$0x17C30] =	vst v4  }
0x3f6: {  	v12 =	vmul.f32 v13, v5;
	v2 =	vadd.f32 v2, v7;
	[tilespmem:s4+$0x17C20] =	vst v0  }
0x3f7: {  	v4 =	vmul.f32 v8, v5;
	[tilespmem:s4+$0x17C10] =	vst v1;
	v1 =	vadd.f32 v3, v6  }
0x3f8: {  	v3 =	vadd.f32 v11, v12;
	[tilespmem:s4+$0x17C70] =	vst v2;
	v2 =	vmul.f32 v10, v5  }
0x3f9: {  	v4 =	vadd.f32 v16, v4;
	[tilespmem:s4+$0x17C40] =	vst v1  }
0x3fa: {  	[tilespmem:s4+$0x17C60] =	vst v3;
	v1 =	vadd.f32 v9, v2  }
0x3fb: {  	[tilespmem:s4+$0x17C00] =	vst v4  }
0x3fc: {  	s5 =	rddreg [dreg:$0x14];
	[tilespmem:s4+$0x17C50] =	vst v1;
	s4 =	simm.s32 $0x0  }
0x3fd: {  	[hbm4b:s5+s4] =	stream.linear.scatter [tilespmem:s30], [sflag:$0x11], $0x2000, $0x38;
	[tilespmem:$0x1BC20] =	vst v63  }
0x3fe: {  	_ =	swait.ge [sflag:s24], $0x2000  }
0x3ff: {  	s5 =	sld [smem:$0x7ED]  }
0x400: {  	s8 =	sld [smem:$0x7EA]  }
0x401: {  	[sflag:s24] =	ssyncset.done $0x0  }
0x402: {  	[sflag:s24] =	ssyncadd.s32 $0xFFFFE000  }
0x403: {  	[spmem:s8], [sflag:s5] =	dma.local [hbm:s16], $0x400  }
0x404: {  	_ =	swait.ge [sflag:s24], $0x400  }
0x405: {  	[sflag:s24] =	ssyncset.done $0x0  }
0x406: {  	s8 =	rddreg [dreg:$0x17];
	[sflag:s24] =	ssyncadd.s32 $0xFFFFFC00  }
0x407: {  	[tilespmem:s30], [sflag:$0x11] =	stream.linear.gather [hbm4b:s8+s4], $0x2000, $0x38;
	[tilespmem:$0x1BC20] =	vst v63  }
0x408: {  	_ =	swait.ge [sflag:s24], $0x2000  }
0x409: {  	[sflag:s24] =	ssyncset.done $0x0  }
0x40a: {  	s8 =	rddreg [dreg:$0x15];
	[sflag:s24] =	ssyncadd.s32 $0xFFFFE000  }
0x40b: {  	[tilespmem:s28], [sflag:$0x11] =	stream.linear.gather [spmem:s8], $0x2000, $0x38;
	[tilespmem:$0x1BC20] =	vst v63  }
0x40c: {  	_ =	swait.ge [sflag:s24], $0x2000  }
0x40d: {  	[sflag:s24] =	ssyncset.done $0x0  }
0x40e: {  	s4 =	simm.s32 $0x0;
	[sflag:s24] =	ssyncadd.s32 $0xFFFFE000  }
0x40f: {  	v0 =	vld [tilespmem:s4+$0x19C20]  }
0x410: {  	v1 =	vld [tilespmem:s4+$0x19C10]  }
0x411: {  	v3 =	vld [tilespmem:s4+$0x19C40]  }
0x412: {  	v4 =	vld [tilespmem:s4+$0x19C30]  }
0x413: {  	v2 =	vld [tilespmem:s4+$0x19C70]  }
0x414: {  	v7 =	vld [tilespmem:s4+$0x17C70]  }
0x415: {  	v6 =	vld [tilespmem:s4+$0x17C40]  }
0x416: {  	v11 =	vld [tilespmem:s4+$0x17C30]  }
0x417: {  	v12 =	vld [tilespmem:s4+$0x17C10]  }
0x418: {  	v14 =	vld [tilespmem:s4+$0x17C20]  }
0x419: {  	v5 =	vld [tilespmem:$0x1BC10]  }
0x41a: {  	v8 =	vld [tilespmem:s4+$0x17C00]  }
0x41b: {  	v10 =	vld [tilespmem:s4+$0x17C50]  }
0x41c: {  	v13 =	vld [tilespmem:s4+$0x17C60]  }
0x41d: {  	v9 =	vld [tilespmem:s4+$0x19C50]  }
0x41e: {  	s5 =	simm.s32 $0x200;
	v14 =	vmul.f32 v14, v5;
	v15 =	vmul.f32 v11, v5;
	v11 =	vld [tilespmem:s4+$0x19C60]  }
.LBB2_27:
0x41f: {  	s8 =	sshra.s32 s5, $0x2;
	p0 =	sne.s32 s5, $0x7E00;
	s5 =	sadd.s32 $0x200, s5;
	v16 =	vld [tilespmem:s4+$0x19C00];
	v12 =	vmul.f32 v12, v5;
	v7 =	vmul.f32 v7, v5  }
0x420: {  	v14 =	vadd.f32 v0, v14;
	v0 =	vld [tilespmem:s8+$0x19C20];
	v4 =	vadd.f32 v4, v15;
	v10 =	vmul.f32 v10, v5  }
0x421: {  	v6 =	vmul.f32 v6, v5;
	v12 =	vadd.f32 v1, v12;
	v1 =	vld [tilespmem:s8+$0x19C10];
	v13 =	vmul.f32 v13, v5  }
0x422: {  	v7 =	vadd.f32 v2, v7;
	v15 =	vld [tilespmem:s8+$0x19C40];
	[tilespmem:s4+$0x17C30] =	vst v4;
	v9 =	vadd.f32 v9, v10  }
0x423: {  	v5 =	vmul.f32 v8, v5;
	v3 =	vadd.f32 v3, v6;
	v4 =	vld [tilespmem:s8+$0x19C30];
	[tilespmem:s4+$0x17C10] =	vst v12;
	v8 =	vadd.f32 v11, v13  }
0x424: {  	v2 =	vld [tilespmem:s8+$0x19C70];
	[tilespmem:s4+$0x17C70] =	vst v7  }
0x425: {  	v5 =	vadd.f32 v16, v5;
	v7 =	vld [tilespmem:s8+$0x17C70];
	[tilespmem:s4+$0x17C40] =	vst v3  }
0x426: {  	v6 =	vld [tilespmem:s8+$0x17C40];
	[tilespmem:s4+$0x17C60] =	vst v8  }
0x427: {  	v11 =	vld [tilespmem:s8+$0x17C30];
	[tilespmem:s4+$0x17C00] =	vst v5;
	v3 =	vmov v15  }
0x428: {  	v12 =	vld [tilespmem:s8+$0x17C10];
	[tilespmem:s4+$0x17C20] =	vst v14  }
0x429: {  	v14 =	vld [tilespmem:s8+$0x17C20];
	[tilespmem:s4+$0x17C50] =	vst v9;
	s4 =	smov.u32 s8  }
0x42a: {  	v5 =	vld [tilespmem:$0x1BC10]  }
.Ltmp12:
0x42b: {  	v8 =	vld [tilespmem:s4+$0x17C00];
	(pc) =	sbr.rel @p0 .LBB2_27-.Ltmp12, $4  }
0x42c: {  	v10 =	vld [tilespmem:s4+$0x17C50]  }
0x42d: {  	v13 =	vld [tilespmem:s4+$0x17C60]  }
0x42e: {  	v9 =	vld [tilespmem:s4+$0x19C50]  }
0x42f: {  	v14 =	vmul.f32 v14, v5;
	v15 =	vmul.f32 v11, v5;
	v11 =	vld [tilespmem:s4+$0x19C60]  }
0x430: {  	_ = 	snop  }
0x431: {  	v12 =	vmul.f32 v12, v5;
	v4 =	vadd.f32 v4, v15  }
0x432: {  	v16 =	vld [tilespmem:s4+$0x19C00];
	v7 =	vmul.f32 v7, v5;
	v0 =	vadd.f32 v0, v14  }
0x433: {  	v6 =	vmul.f32 v6, v5;
	v1 =	vadd.f32 v1, v12;
	[tilespmem:s4+$0x17C30] =	vst v4  }
0x434: {  	v12 =	vmul.f32 v13, v5;
	v2 =	vadd.f32 v2, v7;
	[tilespmem:s4+$0x17C20] =	vst v0  }
0x435: {  	v4 =	vmul.f32 v8, v5;
	[tilespmem:s4+$0x17C10] =	vst v1;
	v1 =	vadd.f32 v3, v6  }
0x436: {  	v3 =	vadd.f32 v11, v12;
	[tilespmem:s4+$0x17C70] =	vst v2;
	v2 =	vmul.f32 v10, v5  }
0x437: {  	v4 =	vadd.f32 v16, v4;
	[tilespmem:s4+$0x17C40] =	vst v1  }
0x438: {  	[tilespmem:s4+$0x17C60] =	vst v3;
	v1 =	vadd.f32 v9, v2  }
0x439: {  	[tilespmem:s4+$0x17C00] =	vst v4  }
0x43a: {  	s5 =	rddreg [dreg:$0x17];
	[tilespmem:s4+$0x17C50] =	vst v1;
	s4 =	simm.s32 $0x0  }
0x43b: {  	[hbm4b:s5+s4] =	stream.linear.scatter [tilespmem:s30], [sflag:$0x11], $0x2000, $0x38;
	[tilespmem:$0x1BC20] =	vst v63  }
0x43c: {  	_ =	swait.ge [sflag:s24], $0x2000  }
0x43d: {  	s5 =	sld [smem:$0x7ED]  }
0x43e: {  	s8 =	sld [smem:$0x7EB]  }
0x43f: {  	[sflag:s24] =	ssyncset.done $0x0  }
0x440: {  	[sflag:s24] =	ssyncadd.s32 $0xFFFFE000  }
0x441: {  	[spmem:s8], [sflag:s5] =	dma.local [hbm:s16], $0x400  }
0x442: {  	_ =	swait.ge [sflag:s24], $0x400  }
0x443: {  	[sflag:s24] =	ssyncset.done $0x0  }
0x444: {  	s8 =	rddreg [dreg:$0x1a];
	[sflag:s24] =	ssyncadd.s32 $0xFFFFFC00  }
0x445: {  	[tilespmem:s30], [sflag:$0x11] =	stream.linear.gather [hbm4b:s8+s4], $0x2000, $0x38;
	[tilespmem:$0x1BC20] =	vst v63  }
0x446: {  	_ =	swait.ge [sflag:s24], $0x2000  }
0x447: {  	[sflag:s24] =	ssyncset.done $0x0  }
0x448: {  	s8 =	rddreg [dreg:$0x18];
	[sflag:s24] =	ssyncadd.s32 $0xFFFFE000  }
0x449: {  	[tilespmem:s28], [sflag:$0x11] =	stream.linear.gather [spmem:s8], $0x2000, $0x38;
	[tilespmem:$0x1BC20] =	vst v63  }
0x44a: {  	_ =	swait.ge [sflag:s24], $0x2000  }
0x44b: {  	[sflag:s24] =	ssyncset.done $0x0  }
0x44c: {  	s4 =	simm.s32 $0x0;
	[sflag:s24] =	ssyncadd.s32 $0xFFFFE000  }
0x44d: {  	v0 =	vld [tilespmem:s4+$0x19C20]  }
0x44e: {  	v1 =	vld [tilespmem:s4+$0x19C10]  }
0x44f: {  	v3 =	vld [tilespmem:s4+$0x19C40]  }
0x450: {  	v4 =	vld [tilespmem:s4+$0x19C30]  }
0x451: {  	v2 =	vld [tilespmem:s4+$0x19C70]  }
0x452: {  	v7 =	vld [tilespmem:s4+$0x17C70]  }
0x453: {  	v6 =	vld [tilespmem:s4+$0x17C40]  }
0x454: {  	v11 =	vld [tilespmem:s4+$0x17C30]  }
0x455: {  	v12 =	vld [tilespmem:s4+$0x17C10]  }
0x456: {  	v14 =	vld [tilespmem:s4+$0x17C20]  }
0x457: {  	v5 =	vld [tilespmem:$0x1BC10]  }
0x458: {  	v8 =	vld [tilespmem:s4+$0x17C00]  }
0x459: {  	v10 =	vld [tilespmem:s4+$0x17C50]  }
0x45a: {  	v13 =	vld [tilespmem:s4+$0x17C60]  }
0x45b: {  	v9 =	vld [tilespmem:s4+$0x19C50]  }
0x45c: {  	s5 =	simm.s32 $0x200;
	v14 =	vmul.f32 v14, v5;
	v15 =	vmul.f32 v11, v5;
	v11 =	vld [tilespmem:s4+$0x19C60]  }
.LBB2_29:
0x45d: {  	s8 =	sshra.s32 s5, $0x2;
	p0 =	sne.s32 s5, $0x7E00;
	s5 =	sadd.s32 $0x200, s5;
	v16 =	vld [tilespmem:s4+$0x19C00];
	v12 =	vmul.f32 v12, v5;
	v7 =	vmul.f32 v7, v5  }
0x45e: {  	v14 =	vadd.f32 v0, v14;
	v0 =	vld [tilespmem:s8+$0x19C20];
	v4 =	vadd.f32 v4, v15;
	v10 =	vmul.f32 v10, v5  }
0x45f: {  	v6 =	vmul.f32 v6, v5;
	v12 =	vadd.f32 v1, v12;
	v1 =	vld [tilespmem:s8+$0x19C10];
	v13 =	vmul.f32 v13, v5  }
0x460: {  	v7 =	vadd.f32 v2, v7;
	v15 =	vld [tilespmem:s8+$0x19C40];
	[tilespmem:s4+$0x17C30] =	vst v4;
	v9 =	vadd.f32 v9, v10  }
0x461: {  	v5 =	vmul.f32 v8, v5;
	v3 =	vadd.f32 v3, v6;
	v4 =	vld [tilespmem:s8+$0x19C30];
	[tilespmem:s4+$0x17C10] =	vst v12;
	v8 =	vadd.f32 v11, v13  }
0x462: {  	v2 =	vld [tilespmem:s8+$0x19C70];
	[tilespmem:s4+$0x17C70] =	vst v7  }
0x463: {  	v5 =	vadd.f32 v16, v5;
	v7 =	vld [tilespmem:s8+$0x17C70];
	[tilespmem:s4+$0x17C40] =	vst v3  }
0x464: {  	v6 =	vld [tilespmem:s8+$0x17C40];
	[tilespmem:s4+$0x17C60] =	vst v8  }
0x465: {  	v11 =	vld [tilespmem:s8+$0x17C30];
	[tilespmem:s4+$0x17C00] =	vst v5;
	v3 =	vmov v15  }
0x466: {  	v12 =	vld [tilespmem:s8+$0x17C10];
	[tilespmem:s4+$0x17C20] =	vst v14  }
0x467: {  	v14 =	vld [tilespmem:s8+$0x17C20];
	[tilespmem:s4+$0x17C50] =	vst v9;
	s4 =	smov.u32 s8  }
0x468: {  	v5 =	vld [tilespmem:$0x1BC10]  }
.Ltmp13:
0x469: {  	v8 =	vld [tilespmem:s4+$0x17C00];
	(pc) =	sbr.rel @p0 .LBB2_29-.Ltmp13, $4  }
0x46a: {  	v10 =	vld [tilespmem:s4+$0x17C50]  }
0x46b: {  	v13 =	vld [tilespmem:s4+$0x17C60]  }
0x46c: {  	v9 =	vld [tilespmem:s4+$0x19C50]  }
0x46d: {  	v14 =	vmul.f32 v14, v5;
	v15 =	vmul.f32 v11, v5;
	v11 =	vld [tilespmem:s4+$0x19C60]  }
0x46e: {  	_ = 	snop  }
0x46f: {  	v12 =	vmul.f32 v12, v5;
	v4 =	vadd.f32 v4, v15  }
0x470: {  	v7 =	vmul.f32 v7, v5;
	v0 =	vadd.f32 v0, v14  }
0x471: {  	v16 =	vld [tilespmem:s4+$0x19C00];
	v6 =	vmul.f32 v6, v5;
	v1 =	vadd.f32 v1, v12;
	[tilespmem:s4+$0x17C30] =	vst v4  }
0x472: {  	v62 =	vmul.f32 v10, v5;
	v2 =	vadd.f32 v2, v7;
	[tilespmem:s4+$0x17C20] =	vst v0  }
0x473: {  	v58 =	vmul.f32 v13, v5;
	v60 =	vadd.f32 v3, v6;
	[tilespmem:s4+$0x17C10] =	vst v1  }
0x474: {  	v59 =	vmul.f32 v8, v5;
	v63 =	vadd.f32 v9, v62;
	[tilespmem:s4+$0x17C70] =	vst v2  }
0x475: {  	v61 =	vadd.f32 v11, v58;
	[tilespmem:s4+$0x17C40] =	vst v60  }
0x476: {  	v4 =	vadd.f32 v16, v59;
	[tilespmem:s4+$0x17C50] =	vst v63  }
0x477: {  	[tilespmem:s4+$0x17C60] =	vst v61  }
0x478: {  	s8 =	rddreg [dreg:$0x1a];
	[tilespmem:s4+$0x17C00] =	vst v4  }
0x479: {  	[hbm4b:s8+s9] =	stream.linear.scatter [tilespmem:s30], [sflag:$0x11], $0x2000, $0x38;
	[tilespmem:$0x1BC20] =	vst v63  }
0x47a: {  	_ =	swait.ge [sflag:s24], $0x2000  }
0x47b: {  	s28 =	sld [smem:$0x7ED]  }
0x47c: {  	s5 =	sld [smem:$0x7EC]  }
0x47d: {  	[sflag:s24] =	ssyncset.done $0x0  }
0x47e: {  	[sflag:s24] =	ssyncadd.s32 $0xFFFFE000  }
0x47f: {  	[spmem:s5], [sflag:s28] =	dma.local [hbm:s16], $0x400  }
0x480: {  	_ =	swait.ge [sflag:s24], $0x400  }
0x481: {  	s30 =	sld [smem:$0x7E6];
	_ =	sdelay $0x2  }
0x482: {  	s4 =	sadd.s32 $0x1, s30  }
0x483: {  	p0 =	sne.s32 s4, $0x8  }
.Ltmp14:
0x484: {  	_ = 	snop;
	(pc) =	sbr.rel @p0 .LBB2_10-.Ltmp14, $3  }
0x485: {  	[sflag:s24] =	ssyncset.done $0x0  }
0x486: {  	[sflag:s24] =	ssyncadd.s32 $0xFFFFFC00  }
0x487: {  	[bflag:$0x0] =	sbarrier.arrive $0xFFFF;
	_ =	sdelay $0x1  }
0x488: {  	s5 =	sld [smem:$0x7E7];
	_ =	sdelay $0x2  }
0x489: {  	s4 =	rddreg [dreg:$0x1f];
	s5 =	sadd.s32 $0x1, s5  }
0x48a: {  	p0 =	sne.s32 s5, s4  }
.Ltmp15:
0x48b: {  	_ = 	snop;
	(pc) =	sbr.rel @p0 .LBB2_1-.Ltmp15, $3  }
0x48c: {  	_ =	sdelay $0x1  }
0x48d: {  	s24 =	rddreg [dreg:$0x8]  }
0x48e: {  	s30 =	rddreg [dreg:$0xa]  }
0x48f: {  	_ =	sfence.sel $0x180000  }
0x490: {  	[bflag:$0x0] =	sbarrier.arrive $0xFFFF  }
0x491: {  	_ =	strace $0x90000047  }
0x492: {  	s0 =	stileid.u32;
	[bflag:$0x2] =	sbarrier.arrive $0xFFFF  }
0x493: {  	p0 =	sne.s32 s0, $0x0;
	s0 =	rddreg [dreg:$0x9]  }
0x494: {  	s0 =	sadd.s32 @!p0 $0x100000, s0  }
0x495: {  	[sflag:s0] =	ssyncadd.tile.s32 @!p0 $0x1;
	_ =	shalt  }
.Lfunc_end2:
_tile_overlayer_lowered:
.L_overlay_start_2:
0x496: {  	(tag) =	ssettag $0x2  }
0x497: {  	s0 =	rddreg [dreg:$0x0];
	s2 =	stileid.u32  }
0x498: {  	s1 =	rddreg [dreg:$0x1];
	p0 =	sne.s32 s2, $0x0  }
0x499: {  	s3 =	rddreg [dreg:$0x2];
	[bflag:$0x3] =	sbarrier.arrive $0xFFFF;
	s2 =	simm.s32 @!p0 $0x1C11  }
0x49a: {  	[timem:s3], [sflag:s2] =	dma.local @!p0 [hbm:s0], s1  }
0x49b: {  	s0 =	simm.s32 @!p0 $0x11  }
0x49c: {  	_ =	swait.ge @!p0 [sflag:s0], s1  }
0x49d: {  	s1 =	ssub.s32 @!p0 $0x0, s1;
	[sflag:s0] =	ssyncset.done @!p0 $0x0  }
0x49e: {  	[sflag:s0] =	ssyncadd.s32 @!p0 s1  }
0x49f: {  	[bflag:$0x3] =	sbarrier.arrive $0xFFFF  }
0x4a0: {  	_ =	shalt  }

</sc_bundles>
